<compile_context>
chip_gen: v7x
topology: tpu7x:2x2x1
jax: 0.10.2.dev20260603
libtpu: 0.0.44.dev20260713+nightly
codegen_flags: <defaults>
</compile_context>

<pallas_src>
import functools

import jax
import jax.numpy as jnp
from jax import lax
from jax.experimental import pallas as pl
from jax.experimental.pallas import tpu as pltpu
from jax.experimental.pallas import tpu_sc as plsc

NEG_SLOPE = 0.2
NC = 2
NS = 16
NT = NC * NS
CH = 64
LANES = 16


def _round_up(v, m):
    return (v + m - 1) // m * m


def _vgather16(v, idx):
    dnums = lax.GatherDimensionNumbers(
        offset_dims=(), collapsed_slice_dims=(0,), start_index_map=(0,))
    return lax.gather(v, idx[:, None], dnums, (1,),
                      mode=lax.GatherScatterMode.PROMISE_IN_BOUNDS)


def _vbcast(v, lane):
    return _vgather16(v, jnp.full((LANES,), lane, jnp.int32))


def _tc_prep1(xp, W1, asrc_m, adst_m, Np):
    R = 512
    f32 = jnp.float32

    def body(x_ref, w_ref, as_ref, ad_ref, tab_ref, adst_ref):
        h = jnp.dot(x_ref[...], w_ref[...], preferred_element_type=f32)
        asrc = jnp.dot(h, as_ref[...], preferred_element_type=f32)
        adst = jnp.dot(h, ad_ref[...], preferred_element_type=f32)
        tab_ref[...] = jnp.concatenate([h, asrc, adst], axis=1)
        adst_ref[...] = jnp.concatenate(
            [adst, jnp.zeros((R, 8), f32)], axis=1)

    grid = ((Np + R - 1) // R,)
    return pl.pallas_call(
        body,
        grid=grid,
        in_specs=[
            pl.BlockSpec((R, 128), lambda i: (i, 0)),
            pl.BlockSpec((128, 128), lambda i: (0, 0)),
            pl.BlockSpec((128, 8), lambda i: (0, 0)),
            pl.BlockSpec((128, 8), lambda i: (0, 0)),
        ],
        out_specs=[
            pl.BlockSpec((R, 144), lambda i: (i, 0)),
            pl.BlockSpec((R, 16), lambda i: (i, 0)),
        ],
        out_shape=[
            jax.ShapeDtypeStruct((Np, 144), f32),
            jax.ShapeDtypeStruct((Np, 16), f32),
        ],
    )(xp, W1, asrc_m, adst_m)


def _sc_layer1(Np, Epad):
    per_tile = Epad // NT
    n_chunks = per_tile // CH
    rows_per_tile = Np // NS
    stripe_chunks = [(j * CH, CH) for j in range(rows_per_tile // CH)]
    if rows_per_tile % CH:
        stripe_chunks.append((rows_per_tile // CH * CH, rows_per_tile % CH))
    f32 = jnp.float32
    mesh = plsc.VectorSubcoreMesh(
        core_axis_name="c", subcore_axis_name="s", num_cores=NC,
        num_subcores=NS)

    assert n_chunks % 2 == 0

    @functools.partial(
        pl.kernel,
        out_type=jax.ShapeDtypeStruct((NC, Np, 144), f32),
        mesh=mesh,
        compiler_params=pltpu.CompilerParams(use_tc_tiling_on_sc=False, needs_layout_passes=False),
        scratch_types=[
            [pltpu.VMEM((2 * CH,), jnp.int32)] * 2,
            [pltpu.VMEM((CH,), jnp.int32)] * 2,
            [pltpu.VMEM((CH,), jnp.int32)] * 2,
            [pltpu.VMEM((CH,), jnp.int32)] * 2,
            [pltpu.VMEM((CH, 144), f32)] * 2,
            [pltpu.VMEM((CH, 16), f32)] * 2,
            [pltpu.VMEM((CH, 144), f32)] * 2,
            pltpu.VMEM_SHARED((Np, 144), f32),
            [pltpu.SemaphoreType.DMA] * 2,
            [pltpu.SemaphoreType.DMA] * 2,
            [pltpu.SemaphoreType.DMA] * 2,
            [pltpu.SemaphoreType.DMA] * 2,
        ],
    )
    def sc1(ei_hbm, tab_hbm, adst_hbm, out_hbm,
            eidx, srcv, dstv, dsts, rows, adv, msg, acc,
            isem, gsr, gsa, ssem):
        cid = lax.axis_index("c")
        sid = lax.axis_index("s")
        wid = sid * NC + cid
        cbase = wid * n_chunks

        def start_idx(k, b, sync):
            if sync:
                pltpu.sync_copy(ei_hbm.at[cbase + k], eidx[b])
            else:
                pltpu.async_copy(ei_hbm.at[cbase + k], eidx[b], isem[b])

        def wait_idx(b):
            pltpu.make_async_copy(
                ei_hbm.at[0], eidx[b], isem[b]).wait()

        def unpack_idx(b):
            for j in range(CH // LANES):
                srcv[b][pl.ds(j * LANES, LANES)] = (
                    eidx[b][pl.ds(j * LANES, LANES)])
                dstv[b][pl.ds(j * LANES, LANES)] = (
                    eidx[b][pl.ds(CH + j * LANES, LANES)])

        def start_gather(b):
            pltpu.async_copy(tab_hbm.at[srcv[b]], rows[b], gsr[b])
            pltpu.async_copy(adst_hbm.at[dstv[b]], adv[b], gsa[b])

        def wait_gather(b):
            pltpu.make_async_copy(
                tab_hbm.at[srcv[b]], rows[b], gsr[b]).wait()
            pltpu.make_async_copy(
                adst_hbm.at[dstv[b]], adv[b], gsa[b]).wait()

        def wait_scatter(b):
            pltpu.make_async_copy(
                msg[b], acc.at[dsts[b]], ssem[b]).wait()

        start_idx(0, 0, True)
        unpack_idx(0)
        start_gather(0)
        start_idx(1, 1, False)

        zero16 = jnp.zeros((LANES,), f32)

        def zrow(i, carry):
            for j in range(144 // LANES):
                msg[0][i, pl.ds(j * LANES, LANES)] = zero16
            return carry

        lax.fori_loop(0, CH, zrow, 0)
        for off, ln in stripe_chunks:
            pltpu.sync_copy(
                msg[0].at[pl.ds(0, ln)],
                acc.at[pl.ds(sid * rows_per_tile + off, ln)])
        plsc.subcore_barrier()

        def pair(p, carry):
            for b in (0, 1):
                ob = 1 - b
                k = 2 * p + b

                @pl.when(k + 1 < n_chunks)
                def _():
                    wait_idx(ob)
                    unpack_idx(ob)
                    start_gather(ob)

                wait_gather(b)

                @pl.when(k >= 2)
                def _():
                    wait_scatter(b)

                for j in range(CH // LANES):
                    dsts[b][pl.ds(j * LANES, LANES)] = (
                        dstv[b][pl.ds(j * LANES, LANES)])

                @pl.when(k + 2 < n_chunks)
                def _():
                    start_idx(k + 2, b, False)

                rb, ab, mb = rows[b], adv[b], msg[b]

                def _edge(q, ecarry):
                    for u in range(2):
                        c = 2 * q + u
                        e16 = rb[c, pl.ds(128, LANES)] + ab[c, :]
                        e16 = jnp.where(e16 > 0.0, e16, NEG_SLOPE * e16)
                        w16 = jnp.exp(e16)
                        mb[c, pl.ds(128, LANES)] = w16
                        for h in range(8):
                            wb = _vbcast(w16, h)
                            mb[c, pl.ds(h * LANES, LANES)] = (
                                wb * rb[c, pl.ds(h * LANES, LANES)])
                    return ecarry

                lax.fori_loop(0, CH // 2, _edge, 0)

                pltpu.async_copy(mb, acc.at[dsts[b]], ssem[b], add=True)
            return carry

        lax.fori_loop(0, n_chunks // 2, pair, 0)
        wait_scatter(0)
        wait_scatter(1)
        plsc.subcore_barrier()
        for off, ln in stripe_chunks:
            sl = pl.ds(sid * rows_per_tile + off, ln)
            pltpu.sync_copy(acc.at[sl], out_hbm.at[cid, sl])

    return sc1


def _tc_mid(acc1, b1, W2, asv2, adv2, e8, Np):
    R = 512
    f32 = jnp.float32

    def body(acc_ref, b1_ref, w2_ref, as_ref, ad_ref, e8_ref,
             tab_ref, adst_ref):
        a = acc_ref[0] + acc_ref[1]
        num = a[:, :128]
        den8 = a[:, 128:136]
        den = jnp.dot(den8, e8_ref[...], preferred_element_type=f32)
        pre = num / den + b1_ref[...]
        out1 = jnp.where(pre > 0.0, pre, jnp.exp(pre) - 1.0)
        h2 = jnp.dot(out1, w2_ref[...], preferred_element_type=f32)
        asrc2 = jnp.sum(h2 * as_ref[...], axis=1, keepdims=True)
        adst2 = jnp.sum(h2 * ad_ref[...], axis=1, keepdims=True)
        pad = jnp.zeros((R, 14), f32)
        tab_ref[...] = jnp.concatenate([h2, asrc2, adst2, pad], axis=1)
        adst_ref[...] = jnp.concatenate(
            [adst2, jnp.zeros((R, 7), f32)], axis=1)

    grid = ((Np + R - 1) // R,)
    return pl.pallas_call(
        body,
        grid=grid,
        in_specs=[
            pl.BlockSpec((2, R, 144), lambda i: (0, i, 0)),
            pl.BlockSpec((1, 128), lambda i: (0, 0)),
            pl.BlockSpec((128, 16), lambda i: (0, 0)),
            pl.BlockSpec((1, 16), lambda i: (0, 0)),
            pl.BlockSpec((1, 16), lambda i: (0, 0)),
            pl.BlockSpec((8, 128), lambda i: (0, 0)),
        ],
        out_specs=[
            pl.BlockSpec((R, 32), lambda i: (i, 0)),
            pl.BlockSpec((R, 8), lambda i: (i, 0)),
        ],
        out_shape=[
            jax.ShapeDtypeStruct((Np, 32), f32),
            jax.ShapeDtypeStruct((Np, 8), f32),
        ],
    )(acc1, b1, W2, asv2, adv2, e8)


def _sc_layer2(Np, Epad):
    per_tile = Epad // NT
    n_chunks = per_tile // CH
    rows_per_tile = Np // NS
    stripe_chunks = [(j * CH, CH) for j in range(rows_per_tile // CH)]
    if rows_per_tile % CH:
        stripe_chunks.append((rows_per_tile // CH * CH, rows_per_tile % CH))
    f32 = jnp.float32
    mesh = plsc.VectorSubcoreMesh(
        core_axis_name="c", subcore_axis_name="s", num_cores=NC,
        num_subcores=NS)

    assert n_chunks % 2 == 0

    @functools.partial(
        pl.kernel,
        out_type=jax.ShapeDtypeStruct((NC, Np, 32), f32),
        mesh=mesh,
        compiler_params=pltpu.CompilerParams(use_tc_tiling_on_sc=False, needs_layout_passes=False),
        scratch_types=[
            [pltpu.VMEM((2 * CH,), jnp.int32)] * 2,
            [pltpu.VMEM((CH,), jnp.int32)] * 2,
            [pltpu.VMEM((CH,), jnp.int32)] * 2,
            [pltpu.VMEM((CH,), jnp.int32)] * 2,
            [pltpu.VMEM((CH, 32), f32)] * 2,
            [pltpu.VMEM((CH, 8), f32)] * 2,
            [pltpu.VMEM((CH, 32), f32)] * 2,
            pltpu.VMEM_SHARED((Np, 32), f32),
            [pltpu.SemaphoreType.DMA] * 2,
            [pltpu.SemaphoreType.DMA] * 2,
            [pltpu.SemaphoreType.DMA] * 2,
            [pltpu.SemaphoreType.DMA] * 2,
        ],
    )
    def sc2(ei_hbm, tab_hbm, adst_hbm, out_hbm,
            eidx, srcv, dstv, dsts, rows, adv, msg, acc,
            isem, gsr, gsa, ssem):
        cid = lax.axis_index("c")
        sid = lax.axis_index("s")
        wid = sid * NC + cid
        cbase = wid * n_chunks

        def start_idx(k, b, sync):
            if sync:
                pltpu.sync_copy(ei_hbm.at[cbase + k], eidx[b])
            else:
                pltpu.async_copy(ei_hbm.at[cbase + k], eidx[b], isem[b])

        def wait_idx(b):
            pltpu.make_async_copy(
                ei_hbm.at[0], eidx[b], isem[b]).wait()

        def unpack_idx(b):
            for j in range(CH // LANES):
                srcv[b][pl.ds(j * LANES, LANES)] = (
                    eidx[b][pl.ds(j * LANES, LANES)])
                dstv[b][pl.ds(j * LANES, LANES)] = (
                    eidx[b][pl.ds(CH + j * LANES, LANES)])

        def start_gather(b):
            pltpu.async_copy(tab_hbm.at[srcv[b]], rows[b], gsr[b])
            pltpu.async_copy(adst_hbm.at[dstv[b]], adv[b], gsa[b])

        def wait_gather(b):
            pltpu.make_async_copy(
                tab_hbm.at[srcv[b]], rows[b], gsr[b]).wait()
            pltpu.make_async_copy(
                adst_hbm.at[dstv[b]], adv[b], gsa[b]).wait()

        def wait_scatter(b):
            pltpu.make_async_copy(
                msg[b], acc.at[dsts[b]], ssem[b]).wait()

        start_idx(0, 0, True)
        unpack_idx(0)
        start_gather(0)
        start_idx(1, 1, False)

        zero16 = jnp.zeros((LANES,), f32)

        def zrow(i, carry):
            msg[0][i, pl.ds(0, LANES)] = zero16
            msg[0][i, pl.ds(LANES, LANES)] = zero16
            return carry

        lax.fori_loop(0, CH, zrow, 0)
        for off, ln in stripe_chunks:
            pltpu.sync_copy(
                msg[0].at[pl.ds(0, ln)],
                acc.at[pl.ds(sid * rows_per_tile + off, ln)])
        plsc.subcore_barrier()

        iota16 = lax.iota(jnp.int32, LANES)
        col_as = jnp.full((LANES,), 16, jnp.int32)
        col_ad = jnp.zeros((LANES,), jnp.int32)

        def pair(p, carry):
            for b in (0, 1):
                ob = 1 - b
                k = 2 * p + b

                @pl.when(k + 1 < n_chunks)
                def _():
                    wait_idx(ob)
                    unpack_idx(ob)
                    start_gather(ob)

                wait_gather(b)

                @pl.when(k >= 2)
                def _():
                    wait_scatter(b)

                for j in range(CH // LANES):
                    dsts[b][pl.ds(j * LANES, LANES)] = (
                        dstv[b][pl.ds(j * LANES, LANES)])

                @pl.when(k + 2 < n_chunks)
                def _():
                    start_idx(k + 2, b, False)

                rb, ab, mb = rows[b], adv[b], msg[b]
                onehot0 = jnp.where(iota16 == 0, 1.0, 0.0).astype(f32)

                def group(g, gcarry):
                    c_idx = g * LANES + iota16
                    asrc16 = plsc.load_gather(rb, [c_idx, col_as])
                    adst16 = plsc.load_gather(ab, [c_idx, col_ad])
                    e16 = asrc16 + adst16
                    e16 = jnp.where(e16 > 0.0, e16, NEG_SLOPE * e16)
                    w16 = jnp.exp(e16)
                    for l in range(LANES):
                        c = g * LANES + l
                        wb = _vbcast(w16, l)
                        mb[c, pl.ds(0, LANES)] = wb * rb[c, pl.ds(0, LANES)]
                        mb[c, pl.ds(LANES, LANES)] = wb * onehot0
                    return gcarry

                lax.fori_loop(0, CH // LANES, group, 0)
                pltpu.async_copy(mb, acc.at[dsts[b]], ssem[b], add=True)
            return carry

        lax.fori_loop(0, n_chunks // 2, pair, 0)
        wait_scatter(0)
        wait_scatter(1)
        plsc.subcore_barrier()
        for off, ln in stripe_chunks:
            sl = pl.ds(sid * rows_per_tile + off, ln)
            pltpu.sync_copy(acc.at[sl], out_hbm.at[cid, sl])

    return sc2


def _tc_final(acc2, b2, Np):
    R = 512
    f32 = jnp.float32

    def body(acc_ref, b2_ref, out_ref):
        a = acc_ref[0] + acc_ref[1]
        num = a[:, :16]
        den = a[:, 16:17]
        out_ref[...] = num / den + b2_ref[...]

    grid = ((Np + R - 1) // R,)
    return pl.pallas_call(
        body,
        grid=grid,
        in_specs=[
            pl.BlockSpec((2, R, 32), lambda i: (0, i, 0)),
            pl.BlockSpec((1, 16), lambda i: (0, 0)),
        ],
        out_specs=pl.BlockSpec((R, 16), lambda i: (i, 0)),
        out_shape=jax.ShapeDtypeStruct((Np, 16), f32),
    )(acc2, b2)


def kernel(x, edge_index, W1, a_src1, a_dst1, b1, W2, a_src2, a_dst2, b2):
    N, DIN = x.shape
    E = edge_index.shape[1]
    H1, F1 = a_src1.shape
    f32 = jnp.float32

    Np = _round_up(N + 1, NS)
    Etot = E + N
    Epad = _round_up(Etot, NT * CH * 2)

    loop = jnp.arange(N, dtype=edge_index.dtype)
    padv = jnp.full((Epad - Etot,), Np - 1, edge_index.dtype)
    src = jnp.concatenate([edge_index[0], loop, padv])
    dst = jnp.concatenate([edge_index[1], loop, padv])
    ei = jnp.concatenate(
        [src.reshape(Epad // CH, CH), dst.reshape(Epad // CH, CH)], axis=1)

    xp = jnp.zeros((Np, DIN), f32).at[:N].set(x)
    eye8 = jnp.eye(H1, dtype=f32)
    asrc_m = (eye8[:, None, :] * a_src1[:, :, None]).reshape(H1 * F1, H1)
    adst_m = (eye8[:, None, :] * a_dst1[:, :, None]).reshape(H1 * F1, H1)
    e8 = jnp.kron(jnp.eye(H1, dtype=f32), jnp.ones((1, F1), f32))

    tab1, adst1 = _tc_prep1(xp, W1, asrc_m, adst_m, Np)
    acc1 = _sc_layer1(Np, Epad)(ei, tab1, adst1)

    tab2, adst2 = _tc_mid(acc1, b1.reshape(1, -1), W2,
                          a_src2.reshape(1, -1), a_dst2.reshape(1, -1),
                          e8, Np)

    acc2 = _sc_layer2(Np, Epad)(ei, tab2, adst2)

    out = _tc_final(acc2, b2.reshape(1, -1), Np)
    return out[:N]

# --- scband reference (transcript-rebuilt; emitter-appended) ---
"""Pipeline reference for scband-gatmodel-65515431133471 (READ-ONLY COPY).

The authoritative reference and input builder live on the scoring server;
editing this copy changes nothing except your own understanding.
"""

import jax, jax.numpy as jnp
import numpy as np

N = 10000
E = 320000
DIN = 128
H1, F1 = 8, 16
H2, F2 = 1, 16
NUM_CLASSES = H2 * F2
NEG_SLOPE = 0.2


def setup_inputs(seed: int = 0) -> dict:
    key = jax.random.key(seed)
    ks = jax.random.split(key, 12)
    x = jax.random.normal(ks[0], (N, DIN), dtype=jnp.float32)
    edge_index = jax.random.randint(ks[1], (2, E), 0, N, dtype=jnp.int32)
    W1 = jax.random.normal(ks[2], (DIN, H1 * F1), dtype=jnp.float32) * 0.05
    a_src1 = jax.random.normal(ks[3], (H1, F1), dtype=jnp.float32) * 0.05
    a_dst1 = jax.random.normal(ks[4], (H1, F1), dtype=jnp.float32) * 0.05
    b1 = jnp.zeros((H1 * F1,), dtype=jnp.float32)
    W2 = jax.random.normal(ks[5], (H1 * F1, H2 * F2), dtype=jnp.float32) * 0.05
    a_src2 = jax.random.normal(ks[6], (H2, F2), dtype=jnp.float32) * 0.05
    a_dst2 = jax.random.normal(ks[7], (H2, F2), dtype=jnp.float32) * 0.05
    b2 = jnp.zeros((H2 * F2,), dtype=jnp.float32)
    return {"x": x, "edge_index": edge_index, "W1": W1, "a_src1": a_src1,
            "a_dst1": a_dst1, "b1": b1, "W2": W2, "a_src2": a_src2,
            "a_dst2": a_dst2, "b2": b2}


def gat_conv(x, edge_index, W, a_src, a_dst, b, H, F):
    n = x.shape[0]
    # PyG GATConv default: add self-loops
    loop = jnp.arange(n, dtype=edge_index.dtype)
    ei = jnp.concatenate([edge_index, jnp.stack([loop, loop])], axis=1)
    src, dst = ei[0], ei[1]
    h = (x @ W).reshape(n, H, F)
    asrc = jnp.sum(h * a_src[None, :, :], axis=-1)  # [N, H]
    adst = jnp.sum(h * a_dst[None, :, :], axis=-1)  # [N, H]
    e = asrc[src] + adst[dst]                       # [E+N, H]
    e = jnp.where(e > 0, e, NEG_SLOPE * e)          # LeakyReLU(0.2)
    emax = jax.lax.stop_gradient(jax.ops.segment_max(e, dst, num_segments=n))
    ee = jnp.exp(e - emax[dst])
    denom = jax.ops.segment_sum(ee, dst, num_segments=n)
    alpha = ee / (denom[dst] + 1e-16)               # softmax over incoming edges
    # dropout p=0.6 on alpha is identity in eval mode
    msg = h[src] * alpha[:, :, None]                # [E+N, H, F]
    out = jax.ops.segment_sum(msg, dst, num_segments=n)
    return out.reshape(n, H * F) + b


def reference(x, edge_index, W1, a_src1, a_dst1, b1, W2, a_src2, a_dst2, b2):
    h = gat_conv(x, edge_index, W1, a_src1, a_dst1, b1, H1, F1)
    h = jax.nn.elu(h)
    # feature dropout p=0.6 is identity in eval mode
    out = gat_conv(h, edge_index, W2, a_src2, a_dst2, b2, H2, F2)
    return out

if __name__ == "__main__":
    import jax
    _d = setup_inputs()
    print(jax.jit(kernel)(*tuple(_d.values())))

</pallas_src>

<mosaic_0001>
#map = affine_map<(d0, d1) -> (0, 0)>
#map1 = affine_map<(d0, d1) -> (0, 0, 0)>
module attributes {stable_mosaic.version = 14 : i64} {
  func.func @sc1(%arg0: i32, %arg1: i32, %arg2: memref<5184x128xi32, #tpu.memory_space<hbm>>, %arg3: memref<10016x144xf32, #tpu.memory_space<hbm>>, %arg4: memref<10016x16xf32, #tpu.memory_space<hbm>>, %arg5: memref<2x10016x144xf32, #tpu.memory_space<hbm>>, %arg6: memref<128xi32, #tpu.memory_space<vmem>>, %arg7: memref<128xi32, #tpu.memory_space<vmem>>, %arg8: memref<64xi32, #tpu.memory_space<vmem>>, %arg9: memref<64xi32, #tpu.memory_space<vmem>>, %arg10: memref<64xi32, #tpu.memory_space<vmem>>, %arg11: memref<64xi32, #tpu.memory_space<vmem>>, %arg12: memref<64xi32, #tpu.memory_space<vmem>>, %arg13: memref<64xi32, #tpu.memory_space<vmem>>, %arg14: memref<64x144xf32, #tpu.memory_space<vmem>>, %arg15: memref<64x144xf32, #tpu.memory_space<vmem>>, %arg16: memref<64x16xf32, #tpu.memory_space<vmem>>, %arg17: memref<64x16xf32, #tpu.memory_space<vmem>>, %arg18: memref<64x144xf32, #tpu.memory_space<vmem>>, %arg19: memref<64x144xf32, #tpu.memory_space<vmem>>, %arg20: memref<10016x144xf32, #tpu.memory_space<vmem_shared>>, %arg21: memref<!tpu.dma_semaphore, #tpu.memory_space<semaphore_mem>>, %arg22: memref<!tpu.dma_semaphore, #tpu.memory_space<semaphore_mem>>, %arg23: memref<!tpu.dma_semaphore, #tpu.memory_space<semaphore_mem>>, %arg24: memref<!tpu.dma_semaphore, #tpu.memory_space<semaphore_mem>>, %arg25: memref<!tpu.dma_semaphore, #tpu.memory_space<semaphore_mem>>, %arg26: memref<!tpu.dma_semaphore, #tpu.memory_space<semaphore_mem>>, %arg27: memref<!tpu.dma_semaphore, #tpu.memory_space<semaphore_mem>>, %arg28: memref<!tpu.dma_semaphore, #tpu.memory_space<semaphore_mem>>) attributes {dimension_semantics = [#tpu.dimension_semantics<core_parallel>, #tpu.dimension_semantics<subcore_parallel>], iteration_bounds = array<i64: 2, 16>, scalar_prefetch = 0 : i64, scratch_operands = 23 : i64, tpu.core_type = #tpu.core_type<sc_vector_subcore>, window_params = [{transform_indices = #map}, {transform_indices = #map}, {transform_indices = #map}, {transform_indices = #map1}]} {
    %mul3A = arith.constant 2 : i32
    %mul3A_0 = arith.muli %arg1, %mul3A : i32
    %add3A = arith.addi %mul3A_0, %arg0 : i32
    %mul3A_1 = arith.constant 162 : i32
    %mul3A_2 = arith.muli %add3A, %mul3A_1 : i32
    %add3A_3 = arith.constant 0 : i32
    %add3A_4 = arith.addi %mul3A_2, %add3A_3 : i32
    "tpu.region"() ({
      %run_scoped3A = tpu.sem_alloc : memref<!tpu.dma_semaphore, #tpu.memory_space<semaphore_mem>>
      %dma_start3A_146 = arith.constant 0 : i32
      %dma_start3A_147 = tpu.memref_slice %arg2[%add3A_4, %dma_start3A_146] : memref<5184x128xi32, #tpu.memory_space<hbm>> -> memref<1x128xi32, #tpu.memory_space<hbm>>
      %dma_start3A_148 = tpu.memref_squeeze %dma_start3A_147 : memref<1x128xi32, #tpu.memory_space<hbm>> -> memref<128xi32, #tpu.memory_space<hbm>>
      %dma_start3A_149 = arith.constant 0 : i32
      %dma_start3A_150 = tpu.memref_slice %arg2[%add3A_4, %dma_start3A_149] : memref<5184x128xi32, #tpu.memory_space<hbm>> -> memref<1x128xi32, #tpu.memory_space<hbm>>
      %dma_start3A_151 = tpu.memref_squeeze %dma_start3A_150 : memref<1x128xi32, #tpu.memory_space<hbm>> -> memref<128xi32, #tpu.memory_space<hbm>>
      tpu.enqueue_dma source(%dma_start3A_151 : memref<128xi32, #tpu.memory_space<hbm>>) target(%arg6 : memref<128xi32, #tpu.memory_space<vmem>>) target_semaphore(%run_scoped3A : memref<!tpu.dma_semaphore, #tpu.memory_space<semaphore_mem>>)
      %dma_wait3A_152 = arith.constant 0 : i32
      %dma_wait3A_153 = tpu.memref_slice %arg2[%add3A_4, %dma_wait3A_152] : memref<5184x128xi32, #tpu.memory_space<hbm>> -> memref<1x128xi32, #tpu.memory_space<hbm>>
      %dma_wait3A_154 = tpu.memref_squeeze %dma_wait3A_153 : memref<1x128xi32, #tpu.memory_space<hbm>> -> memref<128xi32, #tpu.memory_space<hbm>>
      %dma_wait3A_155 = arith.constant 0 : i32
      %dma_wait3A_156 = tpu.memref_slice %arg2[%add3A_4, %dma_wait3A_155] : memref<5184x128xi32, #tpu.memory_space<hbm>> -> memref<1x128xi32, #tpu.memory_space<hbm>>
      %dma_wait3A_157 = tpu.memref_squeeze %dma_wait3A_156 : memref<1x128xi32, #tpu.memory_space<hbm>> -> memref<128xi32, #tpu.memory_space<hbm>>
      tpu.wait_dma2 semaphore(%run_scoped3A : memref<!tpu.dma_semaphore, #tpu.memory_space<semaphore_mem>>) src(%dma_wait3A_157 : memref<128xi32, #tpu.memory_space<hbm>>) dst(%arg6 : memref<128xi32, #tpu.memory_space<vmem>>)
      tpu.yield
    }) : () -> ()
    %get3A = arith.constant 0 : index
    %get3A_5 = tpu.vector_load %arg6[%get3A] {strides = array<i32>} : memref<128xi32, #tpu.memory_space<vmem>>, vector<16xi32>,
    %swap3A = arith.constant 0 : index
    %swap3A_6 = tpu.vector_load %arg8[%swap3A] {strides = array<i32>} : memref<64xi32, #tpu.memory_space<vmem>>, vector<16xi32>,
    tpu.vector_store %arg8[%swap3A], %get3A_5 {strides = array<i32>} : memref<64xi32, #tpu.memory_space<vmem>>, vector<16xi32>,
    %get3A_7 = arith.constant 64 : index
    %get3A_8 = tpu.vector_load %arg6[%get3A_7] {strides = array<i32>} : memref<128xi32, #tpu.memory_space<vmem>>, vector<16xi32>,
    %swap3A_9 = arith.constant 0 : index
    %swap3A_10 = tpu.vector_load %arg10[%swap3A_9] {strides = array<i32>} : memref<64xi32, #tpu.memory_space<vmem>>, vector<16xi32>,
    tpu.vector_store %arg10[%swap3A_9], %get3A_8 {strides = array<i32>} : memref<64xi32, #tpu.memory_space<vmem>>, vector<16xi32>,
    %get3A_11 = arith.constant 16 : index
    %get3A_12 = tpu.vector_load %arg6[%get3A_11] {strides = array<i32>} : memref<128xi32, #tpu.memory_space<vmem>>, vector<16xi32>,
    %swap3A_13 = arith.constant 16 : index
    %swap3A_14 = tpu.vector_load %arg8[%swap3A_13] {strides = array<i32>} : memref<64xi32, #tpu.memory_space<vmem>>, vector<16xi32>,
    tpu.vector_store %arg8[%swap3A_13], %get3A_12 {strides = array<i32>} : memref<64xi32, #tpu.memory_space<vmem>>, vector<16xi32>,
    %get3A_15 = arith.constant 80 : index
    %get3A_16 = tpu.vector_load %arg6[%get3A_15] {strides = array<i32>} : memref<128xi32, #tpu.memory_space<vmem>>, vector<16xi32>,
    %swap3A_17 = arith.constant 16 : index
    %swap3A_18 = tpu.vector_load %arg10[%swap3A_17] {strides = array<i32>} : memref<64xi32, #tpu.memory_space<vmem>>, vector<16xi32>,
    tpu.vector_store %arg10[%swap3A_17], %get3A_16 {strides = array<i32>} : memref<64xi32, #tpu.memory_space<vmem>>, vector<16xi32>,
    %get3A_19 = arith.constant 32 : index
    %get3A_20 = tpu.vector_load %arg6[%get3A_19] {strides = array<i32>} : memref<128xi32, #tpu.memory_space<vmem>>, vector<16xi32>,
    %swap3A_21 = arith.constant 32 : index
    %swap3A_22 = tpu.vector_load %arg8[%swap3A_21] {strides = array<i32>} : memref<64xi32, #tpu.memory_space<vmem>>, vector<16xi32>,
    tpu.vector_store %arg8[%swap3A_21], %get3A_20 {strides = array<i32>} : memref<64xi32, #tpu.memory_space<vmem>>, vector<16xi32>,
    %get3A_23 = arith.constant 96 : index
    %get3A_24 = tpu.vector_load %arg6[%get3A_23] {strides = array<i32>} : memref<128xi32, #tpu.memory_space<vmem>>, vector<16xi32>,
    %swap3A_25 = arith.constant 32 : index
    %swap3A_26 = tpu.vector_load %arg10[%swap3A_25] {strides = array<i32>} : memref<64xi32, #tpu.memory_space<vmem>>, vector<16xi32>,
    tpu.vector_store %arg10[%swap3A_25], %get3A_24 {strides = array<i32>} : memref<64xi32, #tpu.memory_space<vmem>>, vector<16xi32>,
    %get3A_27 = arith.constant 48 : index
    %get3A_28 = tpu.vector_load %arg6[%get3A_27] {strides = array<i32>} : memref<128xi32, #tpu.memory_space<vmem>>, vector<16xi32>,
    %swap3A_29 = arith.constant 48 : index
    %swap3A_30 = tpu.vector_load %arg8[%swap3A_29] {strides = array<i32>} : memref<64xi32, #tpu.memory_space<vmem>>, vector<16xi32>,
    tpu.vector_store %arg8[%swap3A_29], %get3A_28 {strides = array<i32>} : memref<64xi32, #tpu.memory_space<vmem>>, vector<16xi32>,
    %get3A_31 = arith.constant 112 : index
    %get3A_32 = tpu.vector_load %arg6[%get3A_31] {strides = array<i32>} : memref<128xi32, #tpu.memory_space<vmem>>, vector<16xi32>,
    %swap3A_33 = arith.constant 48 : index
    %swap3A_34 = tpu.vector_load %arg10[%swap3A_33] {strides = array<i32>} : memref<64xi32, #tpu.memory_space<vmem>>, vector<16xi32>,
    tpu.vector_store %arg10[%swap3A_33], %get3A_32 {strides = array<i32>} : memref<64xi32, #tpu.memory_space<vmem>>, vector<16xi32>,
    %dma_start3A = arith.constant 0 : i32
    %dma_start3A_35 = arith.constant 0 : i32
    %dma_start3A_36 = tpu.memref_slice %arg3[%dma_start3A, %dma_start3A_35] : memref<10016x144xf32, #tpu.memory_space<hbm>> -> memref<10016x144xf32, #tpu.memory_space<hbm>>
    tpu.enqueue_indirect_dma source(%dma_start3A_36 : memref<10016x144xf32, #tpu.memory_space<hbm>>) target(%arg14 : memref<64x144xf32, #tpu.memory_space<vmem>>) offsets(%arg8 : memref<64xi32, #tpu.memory_space<vmem>>) semaphore(%arg23 : memref<!tpu.dma_semaphore, #tpu.memory_space<semaphore_mem>>)
    %dma_start3A_37 = arith.constant 0 : i32
    %dma_start3A_38 = arith.constant 0 : i32
    %dma_start3A_39 = tpu.memref_slice %arg4[%dma_start3A_37, %dma_start3A_38] : memref<10016x16xf32, #tpu.memory_space<hbm>> -> memref<10016x16xf32, #tpu.memory_space<hbm>>
    tpu.enqueue_indirect_dma source(%dma_start3A_39 : memref<10016x16xf32, #tpu.memory_space<hbm>>) target(%arg16 : memref<64x16xf32, #tpu.memory_space<vmem>>) offsets(%arg10 : memref<64xi32, #tpu.memory_space<vmem>>) semaphore(%arg25 : memref<!tpu.dma_semaphore, #tpu.memory_space<semaphore_mem>>)
    %add3A_40 = arith.constant 1 : i32
    %add3A_41 = arith.addi %mul3A_2, %add3A_40 : i32
    %dma_start3A_42 = arith.constant 0 : i32
    %dma_start3A_43 = tpu.memref_slice %arg2[%add3A_41, %dma_start3A_42] : memref<5184x128xi32, #tpu.memory_space<hbm>> -> memref<1x128xi32, #tpu.memory_space<hbm>>
    %dma_start3A_44 = tpu.memref_squeeze %dma_start3A_43 : memref<1x128xi32, #tpu.memory_space<hbm>> -> memref<128xi32, #tpu.memory_space<hbm>>
    %dma_start3A_45 = arith.constant 0 : i32
    %dma_start3A_46 = tpu.memref_slice %arg2[%add3A_41, %dma_start3A_45] : memref<5184x128xi32, #tpu.memory_space<hbm>> -> memref<1x128xi32, #tpu.memory_space<hbm>>
    %dma_start3A_47 = tpu.memref_squeeze %dma_start3A_46 : memref<1x128xi32, #tpu.memory_space<hbm>> -> memref<128xi32, #tpu.memory_space<hbm>>
    tpu.enqueue_dma source(%dma_start3A_47 : memref<128xi32, #tpu.memory_space<hbm>>) target(%arg7 : memref<128xi32, #tpu.memory_space<vmem>>) target_semaphore(%arg22 : memref<!tpu.dma_semaphore, #tpu.memory_space<semaphore_mem>>)
    %broadcast_in_dim3A = arith.constant 0.000000e+00 : f32
    %broadcast_in_dim3A_48 = vector.broadcast %broadcast_in_dim3A : f32 to vector<16xf32>
    %scan3A = arith.constant 0 : i32
    %scan3A_49 = arith.constant 0 : i32
    %scan3A_50 = arith.constant 64 : i32
    %scan3A_51 = arith.addi %scan3A_49, %scan3A_50 : i32
    %scan3A_52 = arith.constant 1 : i32
    scf.for %scan3A_146 = %scan3A_49 to %scan3A_51 step %scan3A_52  : i32 {
      %swap3A_147 = arith.index_cast %scan3A_146 : i32 to index
      %swap3A_148 = arith.constant 0 : index
      %swap3A_149 = tpu.vector_load %arg18[%swap3A_147, %swap3A_148] {strides = array<i32>} : memref<64x144xf32, #tpu.memory_space<vmem>>, vector<16xf32>,
      tpu.vector_store %arg18[%swap3A_147, %swap3A_148], %broadcast_in_dim3A_48 {strides = array<i32>} : memref<64x144xf32, #tpu.memory_space<vmem>>, vector<16xf32>,
      %swap3A_150 = arith.index_cast %scan3A_146 : i32 to index
      %swap3A_151 = arith.constant 16 : index
      %swap3A_152 = tpu.vector_load %arg18[%swap3A_150, %swap3A_151] {strides = array<i32>} : memref<64x144xf32, #tpu.memory_space<vmem>>, vector<16xf32>,
      tpu.vector_store %arg18[%swap3A_150, %swap3A_151], %broadcast_in_dim3A_48 {strides = array<i32>} : memref<64x144xf32, #tpu.memory_space<vmem>>, vector<16xf32>,
      %swap3A_153 = arith.index_cast %scan3A_146 : i32 to index
      %swap3A_154 = arith.constant 32 : index
      %swap3A_155 = tpu.vector_load %arg18[%swap3A_153, %swap3A_154] {strides = array<i32>} : memref<64x144xf32, #tpu.memory_space<vmem>>, vector<16xf32>,
      tpu.vector_store %arg18[%swap3A_153, %swap3A_154], %broadcast_in_dim3A_48 {strides = array<i32>} : memref<64x144xf32, #tpu.memory_space<vmem>>, vector<16xf32>,
      %swap3A_156 = arith.index_cast %scan3A_146 : i32 to index
      %swap3A_157 = arith.constant 48 : index
      %swap3A_158 = tpu.vector_load %arg18[%swap3A_156, %swap3A_157] {strides = array<i32>} : memref<64x144xf32, #tpu.memory_space<vmem>>, vector<16xf32>,
      tpu.vector_store %arg18[%swap3A_156, %swap3A_157], %broadcast_in_dim3A_48 {strides = array<i32>} : memref<64x144xf32, #tpu.memory_space<vmem>>, vector<16xf32>,
      %swap3A_159 = arith.index_cast %scan3A_146 : i32 to index
      %swap3A_160 = arith.constant 64 : index
      %swap3A_161 = tpu.vector_load %arg18[%swap3A_159, %swap3A_160] {strides = array<i32>} : memref<64x144xf32, #tpu.memory_space<vmem>>, vector<16xf32>,
      tpu.vector_store %arg18[%swap3A_159, %swap3A_160], %broadcast_in_dim3A_48 {strides = array<i32>} : memref<64x144xf32, #tpu.memory_space<vmem>>, vector<16xf32>,
      %swap3A_162 = arith.index_cast %scan3A_146 : i32 to index
      %swap3A_163 = arith.constant 80 : index
      %swap3A_164 = tpu.vector_load %arg18[%swap3A_162, %swap3A_163] {strides = array<i32>} : memref<64x144xf32, #tpu.memory_space<vmem>>, vector<16xf32>,
      tpu.vector_store %arg18[%swap3A_162, %swap3A_163], %broadcast_in_dim3A_48 {strides = array<i32>} : memref<64x144xf32, #tpu.memory_space<vmem>>, vector<16xf32>,
      %swap3A_165 = arith.index_cast %scan3A_146 : i32 to index
      %swap3A_166 = arith.constant 96 : index
      %swap3A_167 = tpu.vector_load %arg18[%swap3A_165, %swap3A_166] {strides = array<i32>} : memref<64x144xf32, #tpu.memory_space<vmem>>, vector<16xf32>,
      tpu.vector_store %arg18[%swap3A_165, %swap3A_166], %broadcast_in_dim3A_48 {strides = array<i32>} : memref<64x144xf32, #tpu.memory_space<vmem>>, vector<16xf32>,
      %swap3A_168 = arith.index_cast %scan3A_146 : i32 to index
      %swap3A_169 = arith.constant 112 : index
      %swap3A_170 = tpu.vector_load %arg18[%swap3A_168, %swap3A_169] {strides = array<i32>} : memref<64x144xf32, #tpu.memory_space<vmem>>, vector<16xf32>,
      tpu.vector_store %arg18[%swap3A_168, %swap3A_169], %broadcast_in_dim3A_48 {strides = array<i32>} : memref<64x144xf32, #tpu.memory_space<vmem>>, vector<16xf32>,
      %swap3A_171 = arith.index_cast %scan3A_146 : i32 to index
      %swap3A_172 = arith.constant 128 : index
      %swap3A_173 = tpu.vector_load %arg18[%swap3A_171, %swap3A_172] {strides = array<i32>} : memref<64x144xf32, #tpu.memory_space<vmem>>, vector<16xf32>,
      tpu.vector_store %arg18[%swap3A_171, %swap3A_172], %broadcast_in_dim3A_48 {strides = array<i32>} : memref<64x144xf32, #tpu.memory_space<vmem>>, vector<16xf32>,
    }
    %scan3A_53 = arith.constant 64 : i32
    %mul3A_54 = arith.constant 626 : i32
    %mul3A_55 = arith.muli %arg1, %mul3A_54 : i32
    %add3A_56 = arith.constant 0 : i32
    %add3A_57 = arith.addi %mul3A_55, %add3A_56 : i32
    "tpu.region"() ({
      %run_scoped3A = tpu.sem_alloc : memref<!tpu.dma_semaphore, #tpu.memory_space<semaphore_mem>>
      %dma_start3A_146 = arith.constant 0 : i32
      %dma_start3A_147 = arith.constant 0 : i32
      %dma_start3A_148 = tpu.memref_slice %arg18[%dma_start3A_146, %dma_start3A_147] : memref<64x144xf32, #tpu.memory_space<vmem>> -> memref<64x144xf32, #tpu.memory_space<vmem>>
      %dma_start3A_149 = arith.constant 0 : i32
      %dma_start3A_150 = tpu.memref_slice %arg20[%add3A_57, %dma_start3A_149] : memref<10016x144xf32, #tpu.memory_space<vmem_shared>> -> memref<64x144xf32, #tpu.memory_space<vmem_shared>>
      %dma_start3A_151 = arith.constant 0 : i32
      %dma_start3A_152 = tpu.memref_slice %arg20[%add3A_57, %dma_start3A_151] : memref<10016x144xf32, #tpu.memory_space<vmem_shared>> -> memref<64x144xf32, #tpu.memory_space<vmem_shared>>
      %dma_start3A_153 = arith.constant 0 : i32
      %dma_start3A_154 = arith.constant 0 : i32
      %dma_start3A_155 = tpu.memref_slice %arg18[%dma_start3A_153, %dma_start3A_154] : memref<64x144xf32, #tpu.memory_space<vmem>> -> memref<64x144xf32, #tpu.memory_space<vmem>>
      tpu.enqueue_dma source(%dma_start3A_155 : memref<64x144xf32, #tpu.memory_space<vmem>>) target(%dma_start3A_152 : memref<64x144xf32, #tpu.memory_space<vmem_shared>>) target_semaphore(%run_scoped3A : memref<!tpu.dma_semaphore, #tpu.memory_space<semaphore_mem>>)
      %dma_wait3A_156 = arith.constant 0 : i32
      %dma_wait3A_157 = arith.constant 0 : i32
      %dma_wait3A_158 = tpu.memref_slice %arg18[%dma_wait3A_156, %dma_wait3A_157] : memref<64x144xf32, #tpu.memory_space<vmem>> -> memref<64x144xf32, #tpu.memory_space<vmem>>
      %dma_wait3A_159 = arith.constant 0 : i32
      %dma_wait3A_160 = tpu.memref_slice %arg20[%add3A_57, %dma_wait3A_159] : memref<10016x144xf32, #tpu.memory_space<vmem_shared>> -> memref<64x144xf32, #tpu.memory_space<vmem_shared>>
      %dma_wait3A_161 = arith.constant 0 : i32
      %dma_wait3A_162 = tpu.memref_slice %arg20[%add3A_57, %dma_wait3A_161] : memref<10016x144xf32, #tpu.memory_space<vmem_shared>> -> memref<64x144xf32, #tpu.memory_space<vmem_shared>>
      %dma_wait3A_163 = arith.constant 0 : i32
      %dma_wait3A_164 = arith.constant 0 : i32
      %dma_wait3A_165 = tpu.memref_slice %arg18[%dma_wait3A_163, %dma_wait3A_164] : memref<64x144xf32, #tpu.memory_space<vmem>> -> memref<64x144xf32, #tpu.memory_space<vmem>>
      tpu.wait_dma2 semaphore(%run_scoped3A : memref<!tpu.dma_semaphore, #tpu.memory_space<semaphore_mem>>) src(%dma_wait3A_165 : memref<64x144xf32, #tpu.memory_space<vmem>>) dst(%dma_wait3A_162 : memref<64x144xf32, #tpu.memory_space<vmem_shared>>)
      tpu.yield
    }) : () -> ()
    %mul3A_58 = arith.constant 626 : i32
    %mul3A_59 = arith.muli %arg1, %mul3A_58 : i32
    %add3A_60 = arith.constant 64 : i32
    %add3A_61 = arith.addi %mul3A_59, %add3A_60 : i32
    "tpu.region"() ({
      %run_scoped3A = tpu.sem_alloc : memref<!tpu.dma_semaphore, #tpu.memory_space<semaphore_mem>>
      %dma_start3A_146 = arith.constant 0 : i32
      %dma_start3A_147 = arith.constant 0 : i32
      %dma_start3A_148 = tpu.memref_slice %arg18[%dma_start3A_146, %dma_start3A_147] : memref<64x144xf32, #tpu.memory_space<vmem>> -> memref<64x144xf32, #tpu.memory_space<vmem>>
      %dma_start3A_149 = arith.constant 0 : i32
      %dma_start3A_150 = tpu.memref_slice %arg20[%add3A_61, %dma_start3A_149] : memref<10016x144xf32, #tpu.memory_space<vmem_shared>> -> memref<64x144xf32, #tpu.memory_space<vmem_shared>>
      %dma_start3A_151 = arith.constant 0 : i32
      %dma_start3A_152 = tpu.memref_slice %arg20[%add3A_61, %dma_start3A_151] : memref<10016x144xf32, #tpu.memory_space<vmem_shared>> -> memref<64x144xf32, #tpu.memory_space<vmem_shared>>
      %dma_start3A_153 = arith.constant 0 : i32
      %dma_start3A_154 = arith.constant 0 : i32
      %dma_start3A_155 = tpu.memref_slice %arg18[%dma_start3A_153, %dma_start3A_154] : memref<64x144xf32, #tpu.memory_space<vmem>> -> memref<64x144xf32, #tpu.memory_space<vmem>>
      tpu.enqueue_dma source(%dma_start3A_155 : memref<64x144xf32, #tpu.memory_space<vmem>>) target(%dma_start3A_152 : memref<64x144xf32, #tpu.memory_space<vmem_shared>>) target_semaphore(%run_scoped3A : memref<!tpu.dma_semaphore, #tpu.memory_space<semaphore_mem>>)
      %dma_wait3A_156 = arith.constant 0 : i32
      %dma_wait3A_157 = arith.constant 0 : i32
      %dma_wait3A_158 = tpu.memref_slice %arg18[%dma_wait3A_156, %dma_wait3A_157] : memref<64x144xf32, #tpu.memory_space<vmem>> -> memref<64x144xf32, #tpu.memory_space<vmem>>
      %dma_wait3A_159 = arith.constant 0 : i32
      %dma_wait3A_160 = tpu.memref_slice %arg20[%add3A_61, %dma_wait3A_159] : memref<10016x144xf32, #tpu.memory_space<vmem_shared>> -> memref<64x144xf32, #tpu.memory_space<vmem_shared>>
      %dma_wait3A_161 = arith.constant 0 : i32
      %dma_wait3A_162 = tpu.memref_slice %arg20[%add3A_61, %dma_wait3A_161] : memref<10016x144xf32, #tpu.memory_space<vmem_shared>> -> memref<64x144xf32, #tpu.memory_space<vmem_shared>>
      %dma_wait3A_163 = arith.constant 0 : i32
      %dma_wait3A_164 = arith.constant 0 : i32
      %dma_wait3A_165 = tpu.memref_slice %arg18[%dma_wait3A_163, %dma_wait3A_164] : memref<64x144xf32, #tpu.memory_space<vmem>> -> memref<64x144xf32, #tpu.memory_space<vmem>>
      tpu.wait_dma2 semaphore(%run_scoped3A : memref<!tpu.dma_semaphore, #tpu.memory_space<semaphore_mem>>) src(%dma_wait3A_165 : memref<64x144xf32, #tpu.memory_space<vmem>>) dst(%dma_wait3A_162 : memref<64x144xf32, #tpu.memory_space<vmem_shared>>)
      tpu.yield
    }) : () -> ()
    %mul3A_62 = arith.constant 626 : i32
    %mul3A_63 = arith.muli %arg1, %mul3A_62 : i32
    %add3A_64 = arith.constant 128 : i32
    %add3A_65 = arith.addi %mul3A_63, %add3A_64 : i32
    "tpu.region"() ({
      %run_scoped3A = tpu.sem_alloc : memref<!tpu.dma_semaphore, #tpu.memory_space<semaphore_mem>>
      %dma_start3A_146 = arith.constant 0 : i32
      %dma_start3A_147 = arith.constant 0 : i32
      %dma_start3A_148 = tpu.memref_slice %arg18[%dma_start3A_146, %dma_start3A_147] : memref<64x144xf32, #tpu.memory_space<vmem>> -> memref<64x144xf32, #tpu.memory_space<vmem>>
      %dma_start3A_149 = arith.constant 0 : i32
      %dma_start3A_150 = tpu.memref_slice %arg20[%add3A_65, %dma_start3A_149] : memref<10016x144xf32, #tpu.memory_space<vmem_shared>> -> memref<64x144xf32, #tpu.memory_space<vmem_shared>>
      %dma_start3A_151 = arith.constant 0 : i32
      %dma_start3A_152 = tpu.memref_slice %arg20[%add3A_65, %dma_start3A_151] : memref<10016x144xf32, #tpu.memory_space<vmem_shared>> -> memref<64x144xf32, #tpu.memory_space<vmem_shared>>
      %dma_start3A_153 = arith.constant 0 : i32
      %dma_start3A_154 = arith.constant 0 : i32
      %dma_start3A_155 = tpu.memref_slice %arg18[%dma_start3A_153, %dma_start3A_154] : memref<64x144xf32, #tpu.memory_space<vmem>> -> memref<64x144xf32, #tpu.memory_space<vmem>>
      tpu.enqueue_dma source(%dma_start3A_155 : memref<64x144xf32, #tpu.memory_space<vmem>>) target(%dma_start3A_152 : memref<64x144xf32, #tpu.memory_space<vmem_shared>>) target_semaphore(%run_scoped3A : memref<!tpu.dma_semaphore, #tpu.memory_space<semaphore_mem>>)
      %dma_wait3A_156 = arith.constant 0 : i32
      %dma_wait3A_157 = arith.constant 0 : i32
      %dma_wait3A_158 = tpu.memref_slice %arg18[%dma_wait3A_156, %dma_wait3A_157] : memref<64x144xf32, #tpu.memory_space<vmem>> -> memref<64x144xf32, #tpu.memory_space<vmem>>
      %dma_wait3A_159 = arith.constant 0 : i32
      %dma_wait3A_160 = tpu.memref_slice %arg20[%add3A_65, %dma_wait3A_159] : memref<10016x144xf32, #tpu.memory_space<vmem_shared>> -> memref<64x144xf32, #tpu.memory_space<vmem_shared>>
      %dma_wait3A_161 = arith.constant 0 : i32
      %dma_wait3A_162 = tpu.memref_slice %arg20[%add3A_65, %dma_wait3A_161] : memref<10016x144xf32, #tpu.memory_space<vmem_shared>> -> memref<64x144xf32, #tpu.memory_space<vmem_shared>>
      %dma_wait3A_163 = arith.constant 0 : i32
      %dma_wait3A_164 = arith.constant 0 : i32
      %dma_wait3A_165 = tpu.memref_slice %arg18[%dma_wait3A_163, %dma_wait3A_164] : memref<64x144xf32, #tpu.memory_space<vmem>> -> memref<64x144xf32, #tpu.memory_space<vmem>>
      tpu.wait_dma2 semaphore(%run_scoped3A : memref<!tpu.dma_semaphore, #tpu.memory_space<semaphore_mem>>) src(%dma_wait3A_165 : memref<64x144xf32, #tpu.memory_space<vmem>>) dst(%dma_wait3A_162 : memref<64x144xf32, #tpu.memory_space<vmem_shared>>)
      tpu.yield
    }) : () -> ()
    %mul3A_66 = arith.constant 626 : i32
    %mul3A_67 = arith.muli %arg1, %mul3A_66 : i32
    %add3A_68 = arith.constant 192 : i32
    %add3A_69 = arith.addi %mul3A_67, %add3A_68 : i32
    "tpu.region"() ({
      %run_scoped3A = tpu.sem_alloc : memref<!tpu.dma_semaphore, #tpu.memory_space<semaphore_mem>>
      %dma_start3A_146 = arith.constant 0 : i32
      %dma_start3A_147 = arith.constant 0 : i32
      %dma_start3A_148 = tpu.memref_slice %arg18[%dma_start3A_146, %dma_start3A_147] : memref<64x144xf32, #tpu.memory_space<vmem>> -> memref<64x144xf32, #tpu.memory_space<vmem>>
      %dma_start3A_149 = arith.constant 0 : i32
      %dma_start3A_150 = tpu.memref_slice %arg20[%add3A_69, %dma_start3A_149] : memref<10016x144xf32, #tpu.memory_space<vmem_shared>> -> memref<64x144xf32, #tpu.memory_space<vmem_shared>>
      %dma_start3A_151 = arith.constant 0 : i32
      %dma_start3A_152 = tpu.memref_slice %arg20[%add3A_69, %dma_start3A_151] : memref<10016x144xf32, #tpu.memory_space<vmem_shared>> -> memref<64x144xf32, #tpu.memory_space<vmem_shared>>
      %dma_start3A_153 = arith.constant 0 : i32
      %dma_start3A_154 = arith.constant 0 : i32
      %dma_start3A_155 = tpu.memref_slice %arg18[%dma_start3A_153, %dma_start3A_154] : memref<64x144xf32, #tpu.memory_space<vmem>> -> memref<64x144xf32, #tpu.memory_space<vmem>>
      tpu.enqueue_dma source(%dma_start3A_155 : memref<64x144xf32, #tpu.memory_space<vmem>>) target(%dma_start3A_152 : memref<64x144xf32, #tpu.memory_space<vmem_shared>>) target_semaphore(%run_scoped3A : memref<!tpu.dma_semaphore, #tpu.memory_space<semaphore_mem>>)
      %dma_wait3A_156 = arith.constant 0 : i32
      %dma_wait3A_157 = arith.constant 0 : i32
      %dma_wait3A_158 = tpu.memref_slice %arg18[%dma_wait3A_156, %dma_wait3A_157] : memref<64x144xf32, #tpu.memory_space<vmem>> -> memref<64x144xf32, #tpu.memory_space<vmem>>
      %dma_wait3A_159 = arith.constant 0 : i32
      %dma_wait3A_160 = tpu.memref_slice %arg20[%add3A_69, %dma_wait3A_159] : memref<10016x144xf32, #tpu.memory_space<vmem_shared>> -> memref<64x144xf32, #tpu.memory_space<vmem_shared>>
      %dma_wait3A_161 = arith.constant 0 : i32
      %dma_wait3A_162 = tpu.memref_slice %arg20[%add3A_69, %dma_wait3A_161] : memref<10016x144xf32, #tpu.memory_space<vmem_shared>> -> memref<64x144xf32, #tpu.memory_space<vmem_shared>>
      %dma_wait3A_163 = arith.constant 0 : i32
      %dma_wait3A_164 = arith.constant 0 : i32
      %dma_wait3A_165 = tpu.memref_slice %arg18[%dma_wait3A_163, %dma_wait3A_164] : memref<64x144xf32, #tpu.memory_space<vmem>> -> memref<64x144xf32, #tpu.memory_space<vmem>>
      tpu.wait_dma2 semaphore(%run_scoped3A : memref<!tpu.dma_semaphore, #tpu.memory_space<semaphore_mem>>) src(%dma_wait3A_165 : memref<64x144xf32, #tpu.memory_space<vmem>>) dst(%dma_wait3A_162 : memref<64x144xf32, #tpu.memory_space<vmem_shared>>)
      tpu.yield
    }) : () -> ()
    %mul3A_70 = arith.constant 626 : i32
    %mul3A_71 = arith.muli %arg1, %mul3A_70 : i32
    %add3A_72 = arith.constant 256 : i32
    %add3A_73 = arith.addi %mul3A_71, %add3A_72 : i32
    "tpu.region"() ({
      %run_scoped3A = tpu.sem_alloc : memref<!tpu.dma_semaphore, #tpu.memory_space<semaphore_mem>>
      %dma_start3A_146 = arith.constant 0 : i32
      %dma_start3A_147 = arith.constant 0 : i32
      %dma_start3A_148 = tpu.memref_slice %arg18[%dma_start3A_146, %dma_start3A_147] : memref<64x144xf32, #tpu.memory_space<vmem>> -> memref<64x144xf32, #tpu.memory_space<vmem>>
      %dma_start3A_149 = arith.constant 0 : i32
      %dma_start3A_150 = tpu.memref_slice %arg20[%add3A_73, %dma_start3A_149] : memref<10016x144xf32, #tpu.memory_space<vmem_shared>> -> memref<64x144xf32, #tpu.memory_space<vmem_shared>>
      %dma_start3A_151 = arith.constant 0 : i32
      %dma_start3A_152 = tpu.memref_slice %arg20[%add3A_73, %dma_start3A_151] : memref<10016x144xf32, #tpu.memory_space<vmem_shared>> -> memref<64x144xf32, #tpu.memory_space<vmem_shared>>
      %dma_start3A_153 = arith.constant 0 : i32
      %dma_start3A_154 = arith.constant 0 : i32
      %dma_start3A_155 = tpu.memref_slice %arg18[%dma_start3A_153, %dma_start3A_154] : memref<64x144xf32, #tpu.memory_space<vmem>> -> memref<64x144xf32, #tpu.memory_space<vmem>>
      tpu.enqueue_dma source(%dma_start3A_155 : memref<64x144xf32, #tpu.memory_space<vmem>>) target(%dma_start3A_152 : memref<64x144xf32, #tpu.memory_space<vmem_shared>>) target_semaphore(%run_scoped3A : memref<!tpu.dma_semaphore, #tpu.memory_space<semaphore_mem>>)
      %dma_wait3A_156 = arith.constant 0 : i32
      %dma_wait3A_157 = arith.constant 0 : i32
      %dma_wait3A_158 = tpu.memref_slice %arg18[%dma_wait3A_156, %dma_wait3A_157] : memref<64x144xf32, #tpu.memory_space<vmem>> -> memref<64x144xf32, #tpu.memory_space<vmem>>
      %dma_wait3A_159 = arith.constant 0 : i32
      %dma_wait3A_160 = tpu.memref_slice %arg20[%add3A_73, %dma_wait3A_159] : memref<10016x144xf32, #tpu.memory_space<vmem_shared>> -> memref<64x144xf32, #tpu.memory_space<vmem_shared>>
      %dma_wait3A_161 = arith.constant 0 : i32
      %dma_wait3A_162 = tpu.memref_slice %arg20[%add3A_73, %dma_wait3A_161] : memref<10016x144xf32, #tpu.memory_space<vmem_shared>> -> memref<64x144xf32, #tpu.memory_space<vmem_shared>>
      %dma_wait3A_163 = arith.constant 0 : i32
      %dma_wait3A_164 = arith.constant 0 : i32
      %dma_wait3A_165 = tpu.memref_slice %arg18[%dma_wait3A_163, %dma_wait3A_164] : memref<64x144xf32, #tpu.memory_space<vmem>> -> memref<64x144xf32, #tpu.memory_space<vmem>>
      tpu.wait_dma2 semaphore(%run_scoped3A : memref<!tpu.dma_semaphore, #tpu.memory_space<semaphore_mem>>) src(%dma_wait3A_165 : memref<64x144xf32, #tpu.memory_space<vmem>>) dst(%dma_wait3A_162 : memref<64x144xf32, #tpu.memory_space<vmem_shared>>)
      tpu.yield
    }) : () -> ()
    %mul3A_74 = arith.constant 626 : i32
    %mul3A_75 = arith.muli %arg1, %mul3A_74 : i32
    %add3A_76 = arith.constant 320 : i32
    %add3A_77 = arith.addi %mul3A_75, %add3A_76 : i32
    "tpu.region"() ({
      %run_scoped3A = tpu.sem_alloc : memref<!tpu.dma_semaphore, #tpu.memory_space<semaphore_mem>>
      %dma_start3A_146 = arith.constant 0 : i32
      %dma_start3A_147 = arith.constant 0 : i32
      %dma_start3A_148 = tpu.memref_slice %arg18[%dma_start3A_146, %dma_start3A_147] : memref<64x144xf32, #tpu.memory_space<vmem>> -> memref<64x144xf32, #tpu.memory_space<vmem>>
      %dma_start3A_149 = arith.constant 0 : i32
      %dma_start3A_150 = tpu.memref_slice %arg20[%add3A_77, %dma_start3A_149] : memref<10016x144xf32, #tpu.memory_space<vmem_shared>> -> memref<64x144xf32, #tpu.memory_space<vmem_shared>>
      %dma_start3A_151 = arith.constant 0 : i32
      %dma_start3A_152 = tpu.memref_slice %arg20[%add3A_77, %dma_start3A_151] : memref<10016x144xf32, #tpu.memory_space<vmem_shared>> -> memref<64x144xf32, #tpu.memory_space<vmem_shared>>
      %dma_start3A_153 = arith.constant 0 : i32
      %dma_start3A_154 = arith.constant 0 : i32
      %dma_start3A_155 = tpu.memref_slice %arg18[%dma_start3A_153, %dma_start3A_154] : memref<64x144xf32, #tpu.memory_space<vmem>> -> memref<64x144xf32, #tpu.memory_space<vmem>>
      tpu.enqueue_dma source(%dma_start3A_155 : memref<64x144xf32, #tpu.memory_space<vmem>>) target(%dma_start3A_152 : memref<64x144xf32, #tpu.memory_space<vmem_shared>>) target_semaphore(%run_scoped3A : memref<!tpu.dma_semaphore, #tpu.memory_space<semaphore_mem>>)
      %dma_wait3A_156 = arith.constant 0 : i32
      %dma_wait3A_157 = arith.constant 0 : i32
      %dma_wait3A_158 = tpu.memref_slice %arg18[%dma_wait3A_156, %dma_wait3A_157] : memref<64x144xf32, #tpu.memory_space<vmem>> -> memref<64x144xf32, #tpu.memory_space<vmem>>
      %dma_wait3A_159 = arith.constant 0 : i32
      %dma_wait3A_160 = tpu.memref_slice %arg20[%add3A_77, %dma_wait3A_159] : memref<10016x144xf32, #tpu.memory_space<vmem_shared>> -> memref<64x144xf32, #tpu.memory_space<vmem_shared>>
      %dma_wait3A_161 = arith.constant 0 : i32
      %dma_wait3A_162 = tpu.memref_slice %arg20[%add3A_77, %dma_wait3A_161] : memref<10016x144xf32, #tpu.memory_space<vmem_shared>> -> memref<64x144xf32, #tpu.memory_space<vmem_shared>>
      %dma_wait3A_163 = arith.constant 0 : i32
      %dma_wait3A_164 = arith.constant 0 : i32
      %dma_wait3A_165 = tpu.memref_slice %arg18[%dma_wait3A_163, %dma_wait3A_164] : memref<64x144xf32, #tpu.memory_space<vmem>> -> memref<64x144xf32, #tpu.memory_space<vmem>>
      tpu.wait_dma2 semaphore(%run_scoped3A : memref<!tpu.dma_semaphore, #tpu.memory_space<semaphore_mem>>) src(%dma_wait3A_165 : memref<64x144xf32, #tpu.memory_space<vmem>>) dst(%dma_wait3A_162 : memref<64x144xf32, #tpu.memory_space<vmem_shared>>)
      tpu.yield
    }) : () -> ()
    %mul3A_78 = arith.constant 626 : i32
    %mul3A_79 = arith.muli %arg1, %mul3A_78 : i32
    %add3A_80 = arith.constant 384 : i32
    %add3A_81 = arith.addi %mul3A_79, %add3A_80 : i32
    "tpu.region"() ({
      %run_scoped3A = tpu.sem_alloc : memref<!tpu.dma_semaphore, #tpu.memory_space<semaphore_mem>>
      %dma_start3A_146 = arith.constant 0 : i32
      %dma_start3A_147 = arith.constant 0 : i32
      %dma_start3A_148 = tpu.memref_slice %arg18[%dma_start3A_146, %dma_start3A_147] : memref<64x144xf32, #tpu.memory_space<vmem>> -> memref<64x144xf32, #tpu.memory_space<vmem>>
      %dma_start3A_149 = arith.constant 0 : i32
      %dma_start3A_150 = tpu.memref_slice %arg20[%add3A_81, %dma_start3A_149] : memref<10016x144xf32, #tpu.memory_space<vmem_shared>> -> memref<64x144xf32, #tpu.memory_space<vmem_shared>>
      %dma_start3A_151 = arith.constant 0 : i32
      %dma_start3A_152 = tpu.memref_slice %arg20[%add3A_81, %dma_start3A_151] : memref<10016x144xf32, #tpu.memory_space<vmem_shared>> -> memref<64x144xf32, #tpu.memory_space<vmem_shared>>
      %dma_start3A_153 = arith.constant 0 : i32
      %dma_start3A_154 = arith.constant 0 : i32
      %dma_start3A_155 = tpu.memref_slice %arg18[%dma_start3A_153, %dma_start3A_154] : memref<64x144xf32, #tpu.memory_space<vmem>> -> memref<64x144xf32, #tpu.memory_space<vmem>>
      tpu.enqueue_dma source(%dma_start3A_155 : memref<64x144xf32, #tpu.memory_space<vmem>>) target(%dma_start3A_152 : memref<64x144xf32, #tpu.memory_space<vmem_shared>>) target_semaphore(%run_scoped3A : memref<!tpu.dma_semaphore, #tpu.memory_space<semaphore_mem>>)
      %dma_wait3A_156 = arith.constant 0 : i32
      %dma_wait3A_157 = arith.constant 0 : i32
      %dma_wait3A_158 = tpu.memref_slice %arg18[%dma_wait3A_156, %dma_wait3A_157] : memref<64x144xf32, #tpu.memory_space<vmem>> -> memref<64x144xf32, #tpu.memory_space<vmem>>
      %dma_wait3A_159 = arith.constant 0 : i32
      %dma_wait3A_160 = tpu.memref_slice %arg20[%add3A_81, %dma_wait3A_159] : memref<10016x144xf32, #tpu.memory_space<vmem_shared>> -> memref<64x144xf32, #tpu.memory_space<vmem_shared>>
      %dma_wait3A_161 = arith.constant 0 : i32
      %dma_wait3A_162 = tpu.memref_slice %arg20[%add3A_81, %dma_wait3A_161] : memref<10016x144xf32, #tpu.memory_space<vmem_shared>> -> memref<64x144xf32, #tpu.memory_space<vmem_shared>>
      %dma_wait3A_163 = arith.constant 0 : i32
      %dma_wait3A_164 = arith.constant 0 : i32
      %dma_wait3A_165 = tpu.memref_slice %arg18[%dma_wait3A_163, %dma_wait3A_164] : memref<64x144xf32, #tpu.memory_space<vmem>> -> memref<64x144xf32, #tpu.memory_space<vmem>>
      tpu.wait_dma2 semaphore(%run_scoped3A : memref<!tpu.dma_semaphore, #tpu.memory_space<semaphore_mem>>) src(%dma_wait3A_165 : memref<64x144xf32, #tpu.memory_space<vmem>>) dst(%dma_wait3A_162 : memref<64x144xf32, #tpu.memory_space<vmem_shared>>)
      tpu.yield
    }) : () -> ()
    %mul3A_82 = arith.constant 626 : i32
    %mul3A_83 = arith.muli %arg1, %mul3A_82 : i32
    %add3A_84 = arith.constant 448 : i32
    %add3A_85 = arith.addi %mul3A_83, %add3A_84 : i32
    "tpu.region"() ({
      %run_scoped3A = tpu.sem_alloc : memref<!tpu.dma_semaphore, #tpu.memory_space<semaphore_mem>>
      %dma_start3A_146 = arith.constant 0 : i32
      %dma_start3A_147 = arith.constant 0 : i32
      %dma_start3A_148 = tpu.memref_slice %arg18[%dma_start3A_146, %dma_start3A_147] : memref<64x144xf32, #tpu.memory_space<vmem>> -> memref<64x144xf32, #tpu.memory_space<vmem>>
      %dma_start3A_149 = arith.constant 0 : i32
      %dma_start3A_150 = tpu.memref_slice %arg20[%add3A_85, %dma_start3A_149] : memref<10016x144xf32, #tpu.memory_space<vmem_shared>> -> memref<64x144xf32, #tpu.memory_space<vmem_shared>>
      %dma_start3A_151 = arith.constant 0 : i32
      %dma_start3A_152 = tpu.memref_slice %arg20[%add3A_85, %dma_start3A_151] : memref<10016x144xf32, #tpu.memory_space<vmem_shared>> -> memref<64x144xf32, #tpu.memory_space<vmem_shared>>
      %dma_start3A_153 = arith.constant 0 : i32
      %dma_start3A_154 = arith.constant 0 : i32
      %dma_start3A_155 = tpu.memref_slice %arg18[%dma_start3A_153, %dma_start3A_154] : memref<64x144xf32, #tpu.memory_space<vmem>> -> memref<64x144xf32, #tpu.memory_space<vmem>>
      tpu.enqueue_dma source(%dma_start3A_155 : memref<64x144xf32, #tpu.memory_space<vmem>>) target(%dma_start3A_152 : memref<64x144xf32, #tpu.memory_space<vmem_shared>>) target_semaphore(%run_scoped3A : memref<!tpu.dma_semaphore, #tpu.memory_space<semaphore_mem>>)
      %dma_wait3A_156 = arith.constant 0 : i32
      %dma_wait3A_157 = arith.constant 0 : i32
      %dma_wait3A_158 = tpu.memref_slice %arg18[%dma_wait3A_156, %dma_wait3A_157] : memref<64x144xf32, #tpu.memory_space<vmem>> -> memref<64x144xf32, #tpu.memory_space<vmem>>
      %dma_wait3A_159 = arith.constant 0 : i32
      %dma_wait3A_160 = tpu.memref_slice %arg20[%add3A_85, %dma_wait3A_159] : memref<10016x144xf32, #tpu.memory_space<vmem_shared>> -> memref<64x144xf32, #tpu.memory_space<vmem_shared>>
      %dma_wait3A_161 = arith.constant 0 : i32
      %dma_wait3A_162 = tpu.memref_slice %arg20[%add3A_85, %dma_wait3A_161] : memref<10016x144xf32, #tpu.memory_space<vmem_shared>> -> memref<64x144xf32, #tpu.memory_space<vmem_shared>>
      %dma_wait3A_163 = arith.constant 0 : i32
      %dma_wait3A_164 = arith.constant 0 : i32
      %dma_wait3A_165 = tpu.memref_slice %arg18[%dma_wait3A_163, %dma_wait3A_164] : memref<64x144xf32, #tpu.memory_space<vmem>> -> memref<64x144xf32, #tpu.memory_space<vmem>>
      tpu.wait_dma2 semaphore(%run_scoped3A : memref<!tpu.dma_semaphore, #tpu.memory_space<semaphore_mem>>) src(%dma_wait3A_165 : memref<64x144xf32, #tpu.memory_space<vmem>>) dst(%dma_wait3A_162 : memref<64x144xf32, #tpu.memory_space<vmem_shared>>)
      tpu.yield
    }) : () -> ()
    %mul3A_86 = arith.constant 626 : i32
    %mul3A_87 = arith.muli %arg1, %mul3A_86 : i32
    %add3A_88 = arith.constant 512 : i32
    %add3A_89 = arith.addi %mul3A_87, %add3A_88 : i32
    "tpu.region"() ({
      %run_scoped3A = tpu.sem_alloc : memref<!tpu.dma_semaphore, #tpu.memory_space<semaphore_mem>>
      %dma_start3A_146 = arith.constant 0 : i32
      %dma_start3A_147 = arith.constant 0 : i32
      %dma_start3A_148 = tpu.memref_slice %arg18[%dma_start3A_146, %dma_start3A_147] : memref<64x144xf32, #tpu.memory_space<vmem>> -> memref<64x144xf32, #tpu.memory_space<vmem>>
      %dma_start3A_149 = arith.constant 0 : i32
      %dma_start3A_150 = tpu.memref_slice %arg20[%add3A_89, %dma_start3A_149] : memref<10016x144xf32, #tpu.memory_space<vmem_shared>> -> memref<64x144xf32, #tpu.memory_space<vmem_shared>>
      %dma_start3A_151 = arith.constant 0 : i32
      %dma_start3A_152 = tpu.memref_slice %arg20[%add3A_89, %dma_start3A_151] : memref<10016x144xf32, #tpu.memory_space<vmem_shared>> -> memref<64x144xf32, #tpu.memory_space<vmem_shared>>
      %dma_start3A_153 = arith.constant 0 : i32
      %dma_start3A_154 = arith.constant 0 : i32
      %dma_start3A_155 = tpu.memref_slice %arg18[%dma_start3A_153, %dma_start3A_154] : memref<64x144xf32, #tpu.memory_space<vmem>> -> memref<64x144xf32, #tpu.memory_space<vmem>>
      tpu.enqueue_dma source(%dma_start3A_155 : memref<64x144xf32, #tpu.memory_space<vmem>>) target(%dma_start3A_152 : memref<64x144xf32, #tpu.memory_space<vmem_shared>>) target_semaphore(%run_scoped3A : memref<!tpu.dma_semaphore, #tpu.memory_space<semaphore_mem>>)
      %dma_wait3A_156 = arith.constant 0 : i32
      %dma_wait3A_157 = arith.constant 0 : i32
      %dma_wait3A_158 = tpu.memref_slice %arg18[%dma_wait3A_156, %dma_wait3A_157] : memref<64x144xf32, #tpu.memory_space<vmem>> -> memref<64x144xf32, #tpu.memory_space<vmem>>
      %dma_wait3A_159 = arith.constant 0 : i32
      %dma_wait3A_160 = tpu.memref_slice %arg20[%add3A_89, %dma_wait3A_159] : memref<10016x144xf32, #tpu.memory_space<vmem_shared>> -> memref<64x144xf32, #tpu.memory_space<vmem_shared>>
      %dma_wait3A_161 = arith.constant 0 : i32
      %dma_wait3A_162 = tpu.memref_slice %arg20[%add3A_89, %dma_wait3A_161] : memref<10016x144xf32, #tpu.memory_space<vmem_shared>> -> memref<64x144xf32, #tpu.memory_space<vmem_shared>>
      %dma_wait3A_163 = arith.constant 0 : i32
      %dma_wait3A_164 = arith.constant 0 : i32
      %dma_wait3A_165 = tpu.memref_slice %arg18[%dma_wait3A_163, %dma_wait3A_164] : memref<64x144xf32, #tpu.memory_space<vmem>> -> memref<64x144xf32, #tpu.memory_space<vmem>>
      tpu.wait_dma2 semaphore(%run_scoped3A : memref<!tpu.dma_semaphore, #tpu.memory_space<semaphore_mem>>) src(%dma_wait3A_165 : memref<64x144xf32, #tpu.memory_space<vmem>>) dst(%dma_wait3A_162 : memref<64x144xf32, #tpu.memory_space<vmem_shared>>)
      tpu.yield
    }) : () -> ()
    %mul3A_90 = arith.constant 626 : i32
    %mul3A_91 = arith.muli %arg1, %mul3A_90 : i32
    %add3A_92 = arith.constant 576 : i32
    %add3A_93 = arith.addi %mul3A_91, %add3A_92 : i32
    "tpu.region"() ({
      %run_scoped3A = tpu.sem_alloc : memref<!tpu.dma_semaphore, #tpu.memory_space<semaphore_mem>>
      %dma_start3A_146 = arith.constant 0 : i32
      %dma_start3A_147 = arith.constant 0 : i32
      %dma_start3A_148 = tpu.memref_slice %arg18[%dma_start3A_146, %dma_start3A_147] : memref<64x144xf32, #tpu.memory_space<vmem>> -> memref<50x144xf32, #tpu.memory_space<vmem>>
      %dma_start3A_149 = arith.constant 0 : i32
      %dma_start3A_150 = tpu.memref_slice %arg20[%add3A_93, %dma_start3A_149] : memref<10016x144xf32, #tpu.memory_space<vmem_shared>> -> memref<50x144xf32, #tpu.memory_space<vmem_shared>>
      %dma_start3A_151 = arith.constant 0 : i32
      %dma_start3A_152 = tpu.memref_slice %arg20[%add3A_93, %dma_start3A_151] : memref<10016x144xf32, #tpu.memory_space<vmem_shared>> -> memref<50x144xf32, #tpu.memory_space<vmem_shared>>
      %dma_start3A_153 = arith.constant 0 : i32
      %dma_start3A_154 = arith.constant 0 : i32
      %dma_start3A_155 = tpu.memref_slice %arg18[%dma_start3A_153, %dma_start3A_154] : memref<64x144xf32, #tpu.memory_space<vmem>> -> memref<50x144xf32, #tpu.memory_space<vmem>>
      tpu.enqueue_dma source(%dma_start3A_155 : memref<50x144xf32, #tpu.memory_space<vmem>>) target(%dma_start3A_152 : memref<50x144xf32, #tpu.memory_space<vmem_shared>>) target_semaphore(%run_scoped3A : memref<!tpu.dma_semaphore, #tpu.memory_space<semaphore_mem>>)
      %dma_wait3A_156 = arith.constant 0 : i32
      %dma_wait3A_157 = arith.constant 0 : i32
      %dma_wait3A_158 = tpu.memref_slice %arg18[%dma_wait3A_156, %dma_wait3A_157] : memref<64x144xf32, #tpu.memory_space<vmem>> -> memref<50x144xf32, #tpu.memory_space<vmem>>
      %dma_wait3A_159 = arith.constant 0 : i32
      %dma_wait3A_160 = tpu.memref_slice %arg20[%add3A_93, %dma_wait3A_159] : memref<10016x144xf32, #tpu.memory_space<vmem_shared>> -> memref<50x144xf32, #tpu.memory_space<vmem_shared>>
      %dma_wait3A_161 = arith.constant 0 : i32
      %dma_wait3A_162 = tpu.memref_slice %arg20[%add3A_93, %dma_wait3A_161] : memref<10016x144xf32, #tpu.memory_space<vmem_shared>> -> memref<50x144xf32, #tpu.memory_space<vmem_shared>>
      %dma_wait3A_163 = arith.constant 0 : i32
      %dma_wait3A_164 = arith.constant 0 : i32
      %dma_wait3A_165 = tpu.memref_slice %arg18[%dma_wait3A_163, %dma_wait3A_164] : memref<64x144xf32, #tpu.memory_space<vmem>> -> memref<50x144xf32, #tpu.memory_space<vmem>>
      tpu.wait_dma2 semaphore(%run_scoped3A : memref<!tpu.dma_semaphore, #tpu.memory_space<semaphore_mem>>) src(%dma_wait3A_165 : memref<50x144xf32, #tpu.memory_space<vmem>>) dst(%dma_wait3A_162 : memref<50x144xf32, #tpu.memory_space<vmem_shared>>)
      tpu.yield
    }) : () -> ()
    %barrier3A = arith.constant 0 : index
    tpu.barrier barrier_id(%barrier3A)
    %scan3A_94 = arith.constant 0 : i32
    %scan3A_95 = arith.constant 0 : i32
    %scan3A_96 = arith.constant 81 : i32
    %scan3A_97 = arith.addi %scan3A_95, %scan3A_96 : i32
    %scan3A_98 = arith.constant 1 : i32
    scf.for %scan3A_146 = %scan3A_95 to %scan3A_97 step %scan3A_98  : i32 {
      %mul3A_147 = arith.constant 2 : i32
      %mul3A_148 = arith.muli %mul3A_147, %scan3A_146 : i32
      %add3A_149 = arith.constant 0 : i32
      %add3A_150 = arith.addi %mul3A_148, %add3A_149 : i32
      %add3A_151 = arith.constant 1 : i32
      %add3A_152 = arith.addi %add3A_150, %add3A_151 : i32
      %lt3A = arith.constant 162 : i32
      %lt3A_153 = arith.cmpi slt, %add3A_152, %lt3A : i32
      %convert_element_type3A = arith.extui %lt3A_153 : i1 to i32
      %cond3A = arith.constant 0 : i32
      %cond3A_154 = arith.cmpi ne, %convert_element_type3A, %cond3A : i32
      scf.if %cond3A_154 {
        %dma_wait3A_251 = arith.constant 0 : i32
        %dma_wait3A_252 = arith.constant 0 : i32
        %dma_wait3A_253 = tpu.memref_slice %arg2[%dma_wait3A_251, %dma_wait3A_252] : memref<5184x128xi32, #tpu.memory_space<hbm>> -> memref<1x128xi32, #tpu.memory_space<hbm>>
        %dma_wait3A_254 = tpu.memref_squeeze %dma_wait3A_253 : memref<1x128xi32, #tpu.memory_space<hbm>> -> memref<128xi32, #tpu.memory_space<hbm>>
        %dma_wait3A_255 = arith.constant 0 : i32
        %dma_wait3A_256 = tpu.memref_slice %arg2[%dma_wait3A_251, %dma_wait3A_255] : memref<5184x128xi32, #tpu.memory_space<hbm>> -> memref<1x128xi32, #tpu.memory_space<hbm>>
        %dma_wait3A_257 = tpu.memref_squeeze %dma_wait3A_256 : memref<1x128xi32, #tpu.memory_space<hbm>> -> memref<128xi32, #tpu.memory_space<hbm>>
        tpu.wait_dma2 semaphore(%arg22 : memref<!tpu.dma_semaphore, #tpu.memory_space<semaphore_mem>>) src(%dma_wait3A_257 : memref<128xi32, #tpu.memory_space<hbm>>) dst(%arg7 : memref<128xi32, #tpu.memory_space<vmem>>)
        %get3A_258 = arith.constant 0 : index
        %get3A_259 = tpu.vector_load %arg7[%get3A_258] {strides = array<i32>} : memref<128xi32, #tpu.memory_space<vmem>>, vector<16xi32>,
        %swap3A_260 = arith.constant 0 : index
        %swap3A_261 = tpu.vector_load %arg9[%swap3A_260] {strides = array<i32>} : memref<64xi32, #tpu.memory_space<vmem>>, vector<16xi32>,
        tpu.vector_store %arg9[%swap3A_260], %get3A_259 {strides = array<i32>} : memref<64xi32, #tpu.memory_space<vmem>>, vector<16xi32>,
        %get3A_262 = arith.constant 64 : index
        %get3A_263 = tpu.vector_load %arg7[%get3A_262] {strides = array<i32>} : memref<128xi32, #tpu.memory_space<vmem>>, vector<16xi32>,
        %swap3A_264 = arith.constant 0 : index
        %swap3A_265 = tpu.vector_load %arg11[%swap3A_264] {strides = array<i32>} : memref<64xi32, #tpu.memory_space<vmem>>, vector<16xi32>,
        tpu.vector_store %arg11[%swap3A_264], %get3A_263 {strides = array<i32>} : memref<64xi32, #tpu.memory_space<vmem>>, vector<16xi32>,
        %get3A_266 = arith.constant 16 : index
        %get3A_267 = tpu.vector_load %arg7[%get3A_266] {strides = array<i32>} : memref<128xi32, #tpu.memory_space<vmem>>, vector<16xi32>,
        %swap3A_268 = arith.constant 16 : index
        %swap3A_269 = tpu.vector_load %arg9[%swap3A_268] {strides = array<i32>} : memref<64xi32, #tpu.memory_space<vmem>>, vector<16xi32>,
        tpu.vector_store %arg9[%swap3A_268], %get3A_267 {strides = array<i32>} : memref<64xi32, #tpu.memory_space<vmem>>, vector<16xi32>,
        %get3A_270 = arith.constant 80 : index
        %get3A_271 = tpu.vector_load %arg7[%get3A_270] {strides = array<i32>} : memref<128xi32, #tpu.memory_space<vmem>>, vector<16xi32>,
        %swap3A_272 = arith.constant 16 : index
        %swap3A_273 = tpu.vector_load %arg11[%swap3A_272] {strides = array<i32>} : memref<64xi32, #tpu.memory_space<vmem>>, vector<16xi32>,
        tpu.vector_store %arg11[%swap3A_272], %get3A_271 {strides = array<i32>} : memref<64xi32, #tpu.memory_space<vmem>>, vector<16xi32>,
        %get3A_274 = arith.constant 32 : index
        %get3A_275 = tpu.vector_load %arg7[%get3A_274] {strides = array<i32>} : memref<128xi32, #tpu.memory_space<vmem>>, vector<16xi32>,
        %swap3A_276 = arith.constant 32 : index
        %swap3A_277 = tpu.vector_load %arg9[%swap3A_276] {strides = array<i32>} : memref<64xi32, #tpu.memory_space<vmem>>, vector<16xi32>,
        tpu.vector_store %arg9[%swap3A_276], %get3A_275 {strides = array<i32>} : memref<64xi32, #tpu.memory_space<vmem>>, vector<16xi32>,
        %get3A_278 = arith.constant 96 : index
        %get3A_279 = tpu.vector_load %arg7[%get3A_278] {strides = array<i32>} : memref<128xi32, #tpu.memory_space<vmem>>, vector<16xi32>,
        %swap3A_280 = arith.constant 32 : index
        %swap3A_281 = tpu.vector_load %arg11[%swap3A_280] {strides = array<i32>} : memref<64xi32, #tpu.memory_space<vmem>>, vector<16xi32>,
        tpu.vector_store %arg11[%swap3A_280], %get3A_279 {strides = array<i32>} : memref<64xi32, #tpu.memory_space<vmem>>, vector<16xi32>,
        %get3A_282 = arith.constant 48 : index
        %get3A_283 = tpu.vector_load %arg7[%get3A_282] {strides = array<i32>} : memref<128xi32, #tpu.memory_space<vmem>>, vector<16xi32>,
        %swap3A_284 = arith.constant 48 : index
        %swap3A_285 = tpu.vector_load %arg9[%swap3A_284] {strides = array<i32>} : memref<64xi32, #tpu.memory_space<vmem>>, vector<16xi32>,
        tpu.vector_store %arg9[%swap3A_284], %get3A_283 {strides = array<i32>} : memref<64xi32, #tpu.memory_space<vmem>>, vector<16xi32>,
        %get3A_286 = arith.constant 112 : index
        %get3A_287 = tpu.vector_load %arg7[%get3A_286] {strides = array<i32>} : memref<128xi32, #tpu.memory_space<vmem>>, vector<16xi32>,
        %swap3A_288 = arith.constant 48 : index
        %swap3A_289 = tpu.vector_load %arg11[%swap3A_288] {strides = array<i32>} : memref<64xi32, #tpu.memory_space<vmem>>, vector<16xi32>,
        tpu.vector_store %arg11[%swap3A_288], %get3A_287 {strides = array<i32>} : memref<64xi32, #tpu.memory_space<vmem>>, vector<16xi32>,
        %dma_start3A_290 = arith.constant 0 : i32
        %dma_start3A_291 = arith.constant 0 : i32
        %dma_start3A_292 = tpu.memref_slice %arg3[%dma_start3A_290, %dma_start3A_291] : memref<10016x144xf32, #tpu.memory_space<hbm>> -> memref<10016x144xf32, #tpu.memory_space<hbm>>
        tpu.enqueue_indirect_dma source(%dma_start3A_292 : memref<10016x144xf32, #tpu.memory_space<hbm>>) target(%arg15 : memref<64x144xf32, #tpu.memory_space<vmem>>) offsets(%arg9 : memref<64xi32, #tpu.memory_space<vmem>>) semaphore(%arg24 : memref<!tpu.dma_semaphore, #tpu.memory_space<semaphore_mem>>)
        %dma_start3A_293 = arith.constant 0 : i32
        %dma_start3A_294 = arith.constant 0 : i32
        %dma_start3A_295 = tpu.memref_slice %arg4[%dma_start3A_293, %dma_start3A_294] : memref<10016x16xf32, #tpu.memory_space<hbm>> -> memref<10016x16xf32, #tpu.memory_space<hbm>>
        tpu.enqueue_indirect_dma source(%dma_start3A_295 : memref<10016x16xf32, #tpu.memory_space<hbm>>) target(%arg17 : memref<64x16xf32, #tpu.memory_space<vmem>>) offsets(%arg11 : memref<64xi32, #tpu.memory_space<vmem>>) semaphore(%arg26 : memref<!tpu.dma_semaphore, #tpu.memory_space<semaphore_mem>>)
      } else {
      }
      %dma_wait3A_155 = arith.constant 0 : i32
      %dma_wait3A_156 = arith.constant 0 : i32
      %dma_wait3A_157 = tpu.memref_slice %arg3[%dma_wait3A_155, %dma_wait3A_156] : memref<10016x144xf32, #tpu.memory_space<hbm>> -> memref<10016x144xf32, #tpu.memory_space<hbm>>
      tpu.wait_indirect_dma semaphore(%arg23 : memref<!tpu.dma_semaphore, #tpu.memory_space<semaphore_mem>>) src(%dma_wait3A_157 : memref<10016x144xf32, #tpu.memory_space<hbm>>) dst(%arg14 : memref<64x144xf32, #tpu.memory_space<vmem>>)
      %dma_wait3A_158 = arith.constant 0 : i32
      %dma_wait3A_159 = arith.constant 0 : i32
      %dma_wait3A_160 = tpu.memref_slice %arg4[%dma_wait3A_158, %dma_wait3A_159] : memref<10016x16xf32, #tpu.memory_space<hbm>> -> memref<10016x16xf32, #tpu.memory_space<hbm>>
      tpu.wait_indirect_dma semaphore(%arg25 : memref<!tpu.dma_semaphore, #tpu.memory_space<semaphore_mem>>) src(%dma_wait3A_160 : memref<10016x16xf32, #tpu.memory_space<hbm>>) dst(%arg16 : memref<64x16xf32, #tpu.memory_space<vmem>>)
      %ge3A = arith.constant 2 : i32
      %ge3A_161 = arith.cmpi sge, %add3A_150, %ge3A : i32
      %convert_element_type3A_162 = arith.extui %ge3A_161 : i1 to i32
      %cond3A_163 = arith.constant 0 : i32
      %cond3A_164 = arith.cmpi ne, %convert_element_type3A_162, %cond3A_163 : i32
      scf.if %cond3A_164 {
        %dma_wait3A_251 = arith.constant 0 : i32
        %dma_wait3A_252 = arith.constant 0 : i32
        %dma_wait3A_253 = tpu.memref_slice %arg20[%dma_wait3A_251, %dma_wait3A_252] : memref<10016x144xf32, #tpu.memory_space<vmem_shared>> -> memref<10016x144xf32, #tpu.memory_space<vmem_shared>>
        tpu.wait_indirect_dma semaphore(%arg27 : memref<!tpu.dma_semaphore, #tpu.memory_space<semaphore_mem>>) src(%arg18 : memref<64x144xf32, #tpu.memory_space<vmem>>) dst(%dma_wait3A_253 : memref<10016x144xf32, #tpu.memory_space<vmem_shared>>)
      } else {
      }
      %get3A_165 = arith.constant 0 : index
      %get3A_166 = tpu.vector_load %arg10[%get3A_165] {strides = array<i32>} : memref<64xi32, #tpu.memory_space<vmem>>, vector<16xi32>,
      %swap3A_167 = arith.constant 0 : index
      %swap3A_168 = tpu.vector_load %arg12[%swap3A_167] {strides = array<i32>} : memref<64xi32, #tpu.memory_space<vmem>>, vector<16xi32>,
      tpu.vector_store %arg12[%swap3A_167], %get3A_166 {strides = array<i32>} : memref<64xi32, #tpu.memory_space<vmem>>, vector<16xi32>,
      %get3A_169 = arith.constant 16 : index
      %get3A_170 = tpu.vector_load %arg10[%get3A_169] {strides = array<i32>} : memref<64xi32, #tpu.memory_space<vmem>>, vector<16xi32>,
      %swap3A_171 = arith.constant 16 : index
      %swap3A_172 = tpu.vector_load %arg12[%swap3A_171] {strides = array<i32>} : memref<64xi32, #tpu.memory_space<vmem>>, vector<16xi32>,
      tpu.vector_store %arg12[%swap3A_171], %get3A_170 {strides = array<i32>} : memref<64xi32, #tpu.memory_space<vmem>>, vector<16xi32>,
      %get3A_173 = arith.constant 32 : index
      %get3A_174 = tpu.vector_load %arg10[%get3A_173] {strides = array<i32>} : memref<64xi32, #tpu.memory_space<vmem>>, vector<16xi32>,
      %swap3A_175 = arith.constant 32 : index
      %swap3A_176 = tpu.vector_load %arg12[%swap3A_175] {strides = array<i32>} : memref<64xi32, #tpu.memory_space<vmem>>, vector<16xi32>,
      tpu.vector_store %arg12[%swap3A_175], %get3A_174 {strides = array<i32>} : memref<64xi32, #tpu.memory_space<vmem>>, vector<16xi32>,
      %get3A_177 = arith.constant 48 : index
      %get3A_178 = tpu.vector_load %arg10[%get3A_177] {strides = array<i32>} : memref<64xi32, #tpu.memory_space<vmem>>, vector<16xi32>,
      %swap3A_179 = arith.constant 48 : index
      %swap3A_180 = tpu.vector_load %arg12[%swap3A_179] {strides = array<i32>} : memref<64xi32, #tpu.memory_space<vmem>>, vector<16xi32>,
      tpu.vector_store %arg12[%swap3A_179], %get3A_178 {strides = array<i32>} : memref<64xi32, #tpu.memory_space<vmem>>, vector<16xi32>,
      %add3A_181 = arith.constant 2 : i32
      %add3A_182 = arith.addi %add3A_150, %add3A_181 : i32
      %lt3A_183 = arith.constant 162 : i32
      %lt3A_184 = arith.cmpi slt, %add3A_182, %lt3A_183 : i32
      %convert_element_type3A_185 = arith.extui %lt3A_184 : i1 to i32
      %cond3A_186 = arith.constant 0 : i32
      %cond3A_187 = arith.cmpi ne, %convert_element_type3A_185, %cond3A_186 : i32
      scf.if %cond3A_187 {
        %add3A_251 = arith.constant 2 : i32
        %add3A_252 = arith.addi %add3A_150, %add3A_251 : i32
        %add3A_253 = arith.addi %mul3A_2, %add3A_252 : i32
        %dma_start3A_254 = arith.constant 0 : i32
        %dma_start3A_255 = tpu.memref_slice %arg2[%add3A_253, %dma_start3A_254] : memref<5184x128xi32, #tpu.memory_space<hbm>> -> memref<1x128xi32, #tpu.memory_space<hbm>>
        %dma_start3A_256 = tpu.memref_squeeze %dma_start3A_255 : memref<1x128xi32, #tpu.memory_space<hbm>> -> memref<128xi32, #tpu.memory_space<hbm>>
        %dma_start3A_257 = arith.constant 0 : i32
        %dma_start3A_258 = tpu.memref_slice %arg2[%add3A_253, %dma_start3A_257] : memref<5184x128xi32, #tpu.memory_space<hbm>> -> memref<1x128xi32, #tpu.memory_space<hbm>>
        %dma_start3A_259 = tpu.memref_squeeze %dma_start3A_258 : memref<1x128xi32, #tpu.memory_space<hbm>> -> memref<128xi32, #tpu.memory_space<hbm>>
        tpu.enqueue_dma source(%dma_start3A_259 : memref<128xi32, #tpu.memory_space<hbm>>) target(%arg6 : memref<128xi32, #tpu.memory_space<vmem>>) target_semaphore(%arg21 : memref<!tpu.dma_semaphore, #tpu.memory_space<semaphore_mem>>)
      } else {
      }
      %scan3A_188 = arith.constant 0 : i32
      %scan3A_189 = arith.constant 0 : i32
      %scan3A_190 = arith.constant 32 : i32
      %scan3A_191 = arith.addi %scan3A_189, %scan3A_190 : i32
      %scan3A_192 = arith.constant 1 : i32
      scf.for %scan3A_251 = %scan3A_189 to %scan3A_191 step %scan3A_192  : i32 {
        %mul3A_252 = arith.constant 2 : i32
        %mul3A_253 = arith.muli %mul3A_252, %scan3A_251 : i32
        %add3A_254 = arith.constant 0 : i32
        %add3A_255 = arith.addi %mul3A_253, %add3A_254 : i32
        %get3A_256 = arith.index_cast %add3A_255 : i32 to index
        %get3A_257 = arith.constant 128 : index
        %get3A_258 = tpu.vector_load %arg14[%get3A_256, %get3A_257] {strides = array<i32>} : memref<64x144xf32, #tpu.memory_space<vmem>>, vector<16xf32>,
        %get3A_259 = arith.index_cast %add3A_255 : i32 to index
        %get3A_260 = arith.constant 0 : index
        %get3A_261 = tpu.vector_load %arg16[%get3A_259, %get3A_260] {strides = array<i32>} : memref<64x16xf32, #tpu.memory_space<vmem>>, vector<16xf32>,
        %add3A_262 = arith.addf %get3A_258, %get3A_261 : vector<16xf32>
        %gt3A = arith.constant 0.000000e+00 : f32
        %gt3A_263 = vector.broadcast %gt3A : f32 to vector<16xf32>
        %gt3A_264 = arith.cmpf ogt, %add3A_262, %gt3A_263 : vector<16xf32>
        %mul3A_265 = arith.constant 2.000000e-01 : f32
        %mul3A_266 = vector.broadcast %mul3A_265 : f32 to vector<16xf32>
        %mul3A_267 = arith.mulf %mul3A_266, %add3A_262 : vector<16xf32>
        %select_n3A = arith.select %gt3A_264, %add3A_262, %mul3A_267 : vector<16xi1>, vector<16xf32>
        %exp3A = math.exp %select_n3A : vector<16xf32>
        %swap3A_268 = arith.index_cast %add3A_255 : i32 to index
        %swap3A_269 = arith.constant 128 : index
        %swap3A_270 = tpu.vector_load %arg18[%swap3A_268, %swap3A_269] {strides = array<i32>} : memref<64x144xf32, #tpu.memory_space<vmem>>, vector<16xf32>,
        tpu.vector_store %arg18[%swap3A_268, %swap3A_269], %exp3A {strides = array<i32>} : memref<64x144xf32, #tpu.memory_space<vmem>>, vector<16xf32>,
        %broadcast_in_dim3A_271 = arith.constant 0 : i32
        %broadcast_in_dim3A_272 = vector.broadcast %broadcast_in_dim3A_271 : i32 to vector<16xi32>
        %broadcast_in_dim3A_273 = vector.shape_cast %broadcast_in_dim3A_272 : vector<16xi32> to vector<16x1xi32>
        %gather3A = vector.shape_cast %broadcast_in_dim3A_273 : vector<16x1xi32> to vector<16xi32>
        %gather3A_274 = tpu.dynamic_gather %exp3A[%gather3A] in [0] : vector<16xf32>, vector<16xi32> -> vector<16xf32>
        %get3A_275 = arith.index_cast %add3A_255 : i32 to index
        %get3A_276 = arith.constant 0 : index
        %get3A_277 = tpu.vector_load %arg14[%get3A_275, %get3A_276] {strides = array<i32>} : memref<64x144xf32, #tpu.memory_space<vmem>>, vector<16xf32>,
        %mul3A_278 = arith.mulf %gather3A_274, %get3A_277 : vector<16xf32>
        %swap3A_279 = arith.index_cast %add3A_255 : i32 to index
        %swap3A_280 = arith.constant 0 : index
        %swap3A_281 = tpu.vector_load %arg18[%swap3A_279, %swap3A_280] {strides = array<i32>} : memref<64x144xf32, #tpu.memory_space<vmem>>, vector<16xf32>,
        tpu.vector_store %arg18[%swap3A_279, %swap3A_280], %mul3A_278 {strides = array<i32>} : memref<64x144xf32, #tpu.memory_space<vmem>>, vector<16xf32>,
        %broadcast_in_dim3A_282 = arith.constant 1 : i32
        %broadcast_in_dim3A_283 = vector.broadcast %broadcast_in_dim3A_282 : i32 to vector<16xi32>
        %broadcast_in_dim3A_284 = vector.shape_cast %broadcast_in_dim3A_283 : vector<16xi32> to vector<16x1xi32>
        %gather3A_285 = vector.shape_cast %broadcast_in_dim3A_284 : vector<16x1xi32> to vector<16xi32>
        %gather3A_286 = tpu.dynamic_gather %exp3A[%gather3A_285] in [0] : vector<16xf32>, vector<16xi32> -> vector<16xf32>
        %get3A_287 = arith.index_cast %add3A_255 : i32 to index
        %get3A_288 = arith.constant 16 : index
        %get3A_289 = tpu.vector_load %arg14[%get3A_287, %get3A_288] {strides = array<i32>} : memref<64x144xf32, #tpu.memory_space<vmem>>, vector<16xf32>,
        %mul3A_290 = arith.mulf %gather3A_286, %get3A_289 : vector<16xf32>
        %swap3A_291 = arith.index_cast %add3A_255 : i32 to index
        %swap3A_292 = arith.constant 16 : index
        %swap3A_293 = tpu.vector_load %arg18[%swap3A_291, %swap3A_292] {strides = array<i32>} : memref<64x144xf32, #tpu.memory_space<vmem>>, vector<16xf32>,
        tpu.vector_store %arg18[%swap3A_291, %swap3A_292], %mul3A_290 {strides = array<i32>} : memref<64x144xf32, #tpu.memory_space<vmem>>, vector<16xf32>,
        %broadcast_in_dim3A_294 = arith.constant 2 : i32
        %broadcast_in_dim3A_295 = vector.broadcast %broadcast_in_dim3A_294 : i32 to vector<16xi32>
        %broadcast_in_dim3A_296 = vector.shape_cast %broadcast_in_dim3A_295 : vector<16xi32> to vector<16x1xi32>
        %gather3A_297 = vector.shape_cast %broadcast_in_dim3A_296 : vector<16x1xi32> to vector<16xi32>
        %gather3A_298 = tpu.dynamic_gather %exp3A[%gather3A_297] in [0] : vector<16xf32>, vector<16xi32> -> vector<16xf32>
        %get3A_299 = arith.index_cast %add3A_255 : i32 to index
        %get3A_300 = arith.constant 32 : index
        %get3A_301 = tpu.vector_load %arg14[%get3A_299, %get3A_300] {strides = array<i32>} : memref<64x144xf32, #tpu.memory_space<vmem>>, vector<16xf32>,
        %mul3A_302 = arith.mulf %gather3A_298, %get3A_301 : vector<16xf32>
        %swap3A_303 = arith.index_cast %add3A_255 : i32 to index
        %swap3A_304 = arith.constant 32 : index
        %swap3A_305 = tpu.vector_load %arg18[%swap3A_303, %swap3A_304] {strides = array<i32>} : memref<64x144xf32, #tpu.memory_space<vmem>>, vector<16xf32>,
        tpu.vector_store %arg18[%swap3A_303, %swap3A_304], %mul3A_302 {strides = array<i32>} : memref<64x144xf32, #tpu.memory_space<vmem>>, vector<16xf32>,
        %broadcast_in_dim3A_306 = arith.constant 3 : i32
        %broadcast_in_dim3A_307 = vector.broadcast %broadcast_in_dim3A_306 : i32 to vector<16xi32>
        %broadcast_in_dim3A_308 = vector.shape_cast %broadcast_in_dim3A_307 : vector<16xi32> to vector<16x1xi32>
        %gather3A_309 = vector.shape_cast %broadcast_in_dim3A_308 : vector<16x1xi32> to vector<16xi32>
        %gather3A_310 = tpu.dynamic_gather %exp3A[%gather3A_309] in [0] : vector<16xf32>, vector<16xi32> -> vector<16xf32>
        %get3A_311 = arith.index_cast %add3A_255 : i32 to index
        %get3A_312 = arith.constant 48 : index
        %get3A_313 = tpu.vector_load %arg14[%get3A_311, %get3A_312] {strides = array<i32>} : memref<64x144xf32, #tpu.memory_space<vmem>>, vector<16xf32>,
        %mul3A_314 = arith.mulf %gather3A_310, %get3A_313 : vector<16xf32>
        %swap3A_315 = arith.index_cast %add3A_255 : i32 to index
        %swap3A_316 = arith.constant 48 : index
        %swap3A_317 = tpu.vector_load %arg18[%swap3A_315, %swap3A_316] {strides = array<i32>} : memref<64x144xf32, #tpu.memory_space<vmem>>, vector<16xf32>,
        tpu.vector_store %arg18[%swap3A_315, %swap3A_316], %mul3A_314 {strides = array<i32>} : memref<64x144xf32, #tpu.memory_space<vmem>>, vector<16xf32>,
        %broadcast_in_dim3A_318 = arith.constant 4 : i32
        %broadcast_in_dim3A_319 = vector.broadcast %broadcast_in_dim3A_318 : i32 to vector<16xi32>
        %broadcast_in_dim3A_320 = vector.shape_cast %broadcast_in_dim3A_319 : vector<16xi32> to vector<16x1xi32>
        %gather3A_321 = vector.shape_cast %broadcast_in_dim3A_320 : vector<16x1xi32> to vector<16xi32>
        %gather3A_322 = tpu.dynamic_gather %exp3A[%gather3A_321] in [0] : vector<16xf32>, vector<16xi32> -> vector<16xf32>
        %get3A_323 = arith.index_cast %add3A_255 : i32 to index
        %get3A_324 = arith.constant 64 : index
        %get3A_325 = tpu.vector_load %arg14[%get3A_323, %get3A_324] {strides = array<i32>} : memref<64x144xf32, #tpu.memory_space<vmem>>, vector<16xf32>,
        %mul3A_326 = arith.mulf %gather3A_322, %get3A_325 : vector<16xf32>
        %swap3A_327 = arith.index_cast %add3A_255 : i32 to index
        %swap3A_328 = arith.constant 64 : index
        %swap3A_329 = tpu.vector_load %arg18[%swap3A_327, %swap3A_328] {strides = array<i32>} : memref<64x144xf32, #tpu.memory_space<vmem>>, vector<16xf32>,
        tpu.vector_store %arg18[%swap3A_327, %swap3A_328], %mul3A_326 {strides = array<i32>} : memref<64x144xf32, #tpu.memory_space<vmem>>, vector<16xf32>,
        %broadcast_in_dim3A_330 = arith.constant 5 : i32
        %broadcast_in_dim3A_331 = vector.broadcast %broadcast_in_dim3A_330 : i32 to vector<16xi32>
        %broadcast_in_dim3A_332 = vector.shape_cast %broadcast_in_dim3A_331 : vector<16xi32> to vector<16x1xi32>
        %gather3A_333 = vector.shape_cast %broadcast_in_dim3A_332 : vector<16x1xi32> to vector<16xi32>
        %gather3A_334 = tpu.dynamic_gather %exp3A[%gather3A_333] in [0] : vector<16xf32>, vector<16xi32> -> vector<16xf32>
        %get3A_335 = arith.index_cast %add3A_255 : i32 to index
        %get3A_336 = arith.constant 80 : index
        %get3A_337 = tpu.vector_load %arg14[%get3A_335, %get3A_336] {strides = array<i32>} : memref<64x144xf32, #tpu.memory_space<vmem>>, vector<16xf32>,
        %mul3A_338 = arith.mulf %gather3A_334, %get3A_337 : vector<16xf32>
        %swap3A_339 = arith.index_cast %add3A_255 : i32 to index
        %swap3A_340 = arith.constant 80 : index
        %swap3A_341 = tpu.vector_load %arg18[%swap3A_339, %swap3A_340] {strides = array<i32>} : memref<64x144xf32, #tpu.memory_space<vmem>>, vector<16xf32>,
        tpu.vector_store %arg18[%swap3A_339, %swap3A_340], %mul3A_338 {strides = array<i32>} : memref<64x144xf32, #tpu.memory_space<vmem>>, vector<16xf32>,
        %broadcast_in_dim3A_342 = arith.constant 6 : i32
        %broadcast_in_dim3A_343 = vector.broadcast %broadcast_in_dim3A_342 : i32 to vector<16xi32>
        %broadcast_in_dim3A_344 = vector.shape_cast %broadcast_in_dim3A_343 : vector<16xi32> to vector<16x1xi32>
        %gather3A_345 = vector.shape_cast %broadcast_in_dim3A_344 : vector<16x1xi32> to vector<16xi32>
        %gather3A_346 = tpu.dynamic_gather %exp3A[%gather3A_345] in [0] : vector<16xf32>, vector<16xi32> -> vector<16xf32>
        %get3A_347 = arith.index_cast %add3A_255 : i32 to index
        %get3A_348 = arith.constant 96 : index
        %get3A_349 = tpu.vector_load %arg14[%get3A_347, %get3A_348] {strides = array<i32>} : memref<64x144xf32, #tpu.memory_space<vmem>>, vector<16xf32>,
        %mul3A_350 = arith.mulf %gather3A_346, %get3A_349 : vector<16xf32>
        %swap3A_351 = arith.index_cast %add3A_255 : i32 to index
        %swap3A_352 = arith.constant 96 : index
        %swap3A_353 = tpu.vector_load %arg18[%swap3A_351, %swap3A_352] {strides = array<i32>} : memref<64x144xf32, #tpu.memory_space<vmem>>, vector<16xf32>,
        tpu.vector_store %arg18[%swap3A_351, %swap3A_352], %mul3A_350 {strides = array<i32>} : memref<64x144xf32, #tpu.memory_space<vmem>>, vector<16xf32>,
        %broadcast_in_dim3A_354 = arith.constant 7 : i32
        %broadcast_in_dim3A_355 = vector.broadcast %broadcast_in_dim3A_354 : i32 to vector<16xi32>
        %broadcast_in_dim3A_356 = vector.shape_cast %broadcast_in_dim3A_355 : vector<16xi32> to vector<16x1xi32>
        %gather3A_357 = vector.shape_cast %broadcast_in_dim3A_356 : vector<16x1xi32> to vector<16xi32>
        %gather3A_358 = tpu.dynamic_gather %exp3A[%gather3A_357] in [0] : vector<16xf32>, vector<16xi32> -> vector<16xf32>
        %get3A_359 = arith.index_cast %add3A_255 : i32 to index
        %get3A_360 = arith.constant 112 : index
        %get3A_361 = tpu.vector_load %arg14[%get3A_359, %get3A_360] {strides = array<i32>} : memref<64x144xf32, #tpu.memory_space<vmem>>, vector<16xf32>,
        %mul3A_362 = arith.mulf %gather3A_358, %get3A_361 : vector<16xf32>
        %swap3A_363 = arith.index_cast %add3A_255 : i32 to index
        %swap3A_364 = arith.constant 112 : index
        %swap3A_365 = tpu.vector_load %arg18[%swap3A_363, %swap3A_364] {strides = array<i32>} : memref<64x144xf32, #tpu.memory_space<vmem>>, vector<16xf32>,
        tpu.vector_store %arg18[%swap3A_363, %swap3A_364], %mul3A_362 {strides = array<i32>} : memref<64x144xf32, #tpu.memory_space<vmem>>, vector<16xf32>,
        %mul3A_366 = arith.constant 2 : i32
        %mul3A_367 = arith.muli %mul3A_366, %scan3A_251 : i32
        %add3A_368 = arith.constant 1 : i32
        %add3A_369 = arith.addi %mul3A_367, %add3A_368 : i32
        %get3A_370 = arith.index_cast %add3A_369 : i32 to index
        %get3A_371 = arith.constant 128 : index
        %get3A_372 = tpu.vector_load %arg14[%get3A_370, %get3A_371] {strides = array<i32>} : memref<64x144xf32, #tpu.memory_space<vmem>>, vector<16xf32>,
        %get3A_373 = arith.index_cast %add3A_369 : i32 to index
        %get3A_374 = arith.constant 0 : index
        %get3A_375 = tpu.vector_load %arg16[%get3A_373, %get3A_374] {strides = array<i32>} : memref<64x16xf32, #tpu.memory_space<vmem>>, vector<16xf32>,
        %add3A_376 = arith.addf %get3A_372, %get3A_375 : vector<16xf32>
        %gt3A_377 = arith.constant 0.000000e+00 : f32
        %gt3A_378 = vector.broadcast %gt3A_377 : f32 to vector<16xf32>
        %gt3A_379 = arith.cmpf ogt, %add3A_376, %gt3A_378 : vector<16xf32>
        %mul3A_380 = arith.constant 2.000000e-01 : f32
        %mul3A_381 = vector.broadcast %mul3A_380 : f32 to vector<16xf32>
        %mul3A_382 = arith.mulf %mul3A_381, %add3A_376 : vector<16xf32>
        %select_n3A_383 = arith.select %gt3A_379, %add3A_376, %mul3A_382 : vector<16xi1>, vector<16xf32>
        %exp3A_384 = math.exp %select_n3A_383 : vector<16xf32>
        %swap3A_385 = arith.index_cast %add3A_369 : i32 to index
        %swap3A_386 = arith.constant 128 : index
        %swap3A_387 = tpu.vector_load %arg18[%swap3A_385, %swap3A_386] {strides = array<i32>} : memref<64x144xf32, #tpu.memory_space<vmem>>, vector<16xf32>,
        tpu.vector_store %arg18[%swap3A_385, %swap3A_386], %exp3A_384 {strides = array<i32>} : memref<64x144xf32, #tpu.memory_space<vmem>>, vector<16xf32>,
        %broadcast_in_dim3A_388 = arith.constant 0 : i32
        %broadcast_in_dim3A_389 = vector.broadcast %broadcast_in_dim3A_388 : i32 to vector<16xi32>
        %broadcast_in_dim3A_390 = vector.shape_cast %broadcast_in_dim3A_389 : vector<16xi32> to vector<16x1xi32>
        %gather3A_391 = vector.shape_cast %broadcast_in_dim3A_390 : vector<16x1xi32> to vector<16xi32>
        %gather3A_392 = tpu.dynamic_gather %exp3A_384[%gather3A_391] in [0] : vector<16xf32>, vector<16xi32> -> vector<16xf32>
        %get3A_393 = arith.index_cast %add3A_369 : i32 to index
        %get3A_394 = arith.constant 0 : index
        %get3A_395 = tpu.vector_load %arg14[%get3A_393, %get3A_394] {strides = array<i32>} : memref<64x144xf32, #tpu.memory_space<vmem>>, vector<16xf32>,
        %mul3A_396 = arith.mulf %gather3A_392, %get3A_395 : vector<16xf32>
        %swap3A_397 = arith.index_cast %add3A_369 : i32 to index
        %swap3A_398 = arith.constant 0 : index
        %swap3A_399 = tpu.vector_load %arg18[%swap3A_397, %swap3A_398] {strides = array<i32>} : memref<64x144xf32, #tpu.memory_space<vmem>>, vector<16xf32>,
        tpu.vector_store %arg18[%swap3A_397, %swap3A_398], %mul3A_396 {strides = array<i32>} : memref<64x144xf32, #tpu.memory_space<vmem>>, vector<16xf32>,
        %broadcast_in_dim3A_400 = arith.constant 1 : i32
        %broadcast_in_dim3A_401 = vector.broadcast %broadcast_in_dim3A_400 : i32 to vector<16xi32>
        %broadcast_in_dim3A_402 = vector.shape_cast %broadcast_in_dim3A_401 : vector<16xi32> to vector<16x1xi32>
        %gather3A_403 = vector.shape_cast %broadcast_in_dim3A_402 : vector<16x1xi32> to vector<16xi32>
        %gather3A_404 = tpu.dynamic_gather %exp3A_384[%gather3A_403] in [0] : vector<16xf32>, vector<16xi32> -> vector<16xf32>
        %get3A_405 = arith.index_cast %add3A_369 : i32 to index
        %get3A_406 = arith.constant 16 : index
        %get3A_407 = tpu.vector_load %arg14[%get3A_405, %get3A_406] {strides = array<i32>} : memref<64x144xf32, #tpu.memory_space<vmem>>, vector<16xf32>,
        %mul3A_408 = arith.mulf %gather3A_404, %get3A_407 : vector<16xf32>
        %swap3A_409 = arith.index_cast %add3A_369 : i32 to index
        %swap3A_410 = arith.constant 16 : index
        %swap3A_411 = tpu.vector_load %arg18[%swap3A_409, %swap3A_410] {strides = array<i32>} : memref<64x144xf32, #tpu.memory_space<vmem>>, vector<16xf32>,
        tpu.vector_store %arg18[%swap3A_409, %swap3A_410], %mul3A_408 {strides = array<i32>} : memref<64x144xf32, #tpu.memory_space<vmem>>, vector<16xf32>,
        %broadcast_in_dim3A_412 = arith.constant 2 : i32
        %broadcast_in_dim3A_413 = vector.broadcast %broadcast_in_dim3A_412 : i32 to vector<16xi32>
        %broadcast_in_dim3A_414 = vector.shape_cast %broadcast_in_dim3A_413 : vector<16xi32> to vector<16x1xi32>
        %gather3A_415 = vector.shape_cast %broadcast_in_dim3A_414 : vector<16x1xi32> to vector<16xi32>
        %gather3A_416 = tpu.dynamic_gather %exp3A_384[%gather3A_415] in [0] : vector<16xf32>, vector<16xi32> -> vector<16xf32>
        %get3A_417 = arith.index_cast %add3A_369 : i32 to index
        %get3A_418 = arith.constant 32 : index
        %get3A_419 = tpu.vector_load %arg14[%get3A_417, %get3A_418] {strides = array<i32>} : memref<64x144xf32, #tpu.memory_space<vmem>>, vector<16xf32>,
        %mul3A_420 = arith.mulf %gather3A_416, %get3A_419 : vector<16xf32>
        %swap3A_421 = arith.index_cast %add3A_369 : i32 to index
        %swap3A_422 = arith.constant 32 : index
        %swap3A_423 = tpu.vector_load %arg18[%swap3A_421, %swap3A_422] {strides = array<i32>} : memref<64x144xf32, #tpu.memory_space<vmem>>, vector<16xf32>,
        tpu.vector_store %arg18[%swap3A_421, %swap3A_422], %mul3A_420 {strides = array<i32>} : memref<64x144xf32, #tpu.memory_space<vmem>>, vector<16xf32>,
        %broadcast_in_dim3A_424 = arith.constant 3 : i32
        %broadcast_in_dim3A_425 = vector.broadcast %broadcast_in_dim3A_424 : i32 to vector<16xi32>
        %broadcast_in_dim3A_426 = vector.shape_cast %broadcast_in_dim3A_425 : vector<16xi32> to vector<16x1xi32>
        %gather3A_427 = vector.shape_cast %broadcast_in_dim3A_426 : vector<16x1xi32> to vector<16xi32>
        %gather3A_428 = tpu.dynamic_gather %exp3A_384[%gather3A_427] in [0] : vector<16xf32>, vector<16xi32> -> vector<16xf32>
        %get3A_429 = arith.index_cast %add3A_369 : i32 to index
        %get3A_430 = arith.constant 48 : index
        %get3A_431 = tpu.vector_load %arg14[%get3A_429, %get3A_430] {strides = array<i32>} : memref<64x144xf32, #tpu.memory_space<vmem>>, vector<16xf32>,
        %mul3A_432 = arith.mulf %gather3A_428, %get3A_431 : vector<16xf32>
        %swap3A_433 = arith.index_cast %add3A_369 : i32 to index
        %swap3A_434 = arith.constant 48 : index
        %swap3A_435 = tpu.vector_load %arg18[%swap3A_433, %swap3A_434] {strides = array<i32>} : memref<64x144xf32, #tpu.memory_space<vmem>>, vector<16xf32>,
        tpu.vector_store %arg18[%swap3A_433, %swap3A_434], %mul3A_432 {strides = array<i32>} : memref<64x144xf32, #tpu.memory_space<vmem>>, vector<16xf32>,
        %broadcast_in_dim3A_436 = arith.constant 4 : i32
        %broadcast_in_dim3A_437 = vector.broadcast %broadcast_in_dim3A_436 : i32 to vector<16xi32>
        %broadcast_in_dim3A_438 = vector.shape_cast %broadcast_in_dim3A_437 : vector<16xi32> to vector<16x1xi32>
        %gather3A_439 = vector.shape_cast %broadcast_in_dim3A_438 : vector<16x1xi32> to vector<16xi32>
        %gather3A_440 = tpu.dynamic_gather %exp3A_384[%gather3A_439] in [0] : vector<16xf32>, vector<16xi32> -> vector<16xf32>
        %get3A_441 = arith.index_cast %add3A_369 : i32 to index
        %get3A_442 = arith.constant 64 : index
        %get3A_443 = tpu.vector_load %arg14[%get3A_441, %get3A_442] {strides = array<i32>} : memref<64x144xf32, #tpu.memory_space<vmem>>, vector<16xf32>,
        %mul3A_444 = arith.mulf %gather3A_440, %get3A_443 : vector<16xf32>
        %swap3A_445 = arith.index_cast %add3A_369 : i32 to index
        %swap3A_446 = arith.constant 64 : index
        %swap3A_447 = tpu.vector_load %arg18[%swap3A_445, %swap3A_446] {strides = array<i32>} : memref<64x144xf32, #tpu.memory_space<vmem>>, vector<16xf32>,
        tpu.vector_store %arg18[%swap3A_445, %swap3A_446], %mul3A_444 {strides = array<i32>} : memref<64x144xf32, #tpu.memory_space<vmem>>, vector<16xf32>,
        %broadcast_in_dim3A_448 = arith.constant 5 : i32
        %broadcast_in_dim3A_449 = vector.broadcast %broadcast_in_dim3A_448 : i32 to vector<16xi32>
        %broadcast_in_dim3A_450 = vector.shape_cast %broadcast_in_dim3A_449 : vector<16xi32> to vector<16x1xi32>
        %gather3A_451 = vector.shape_cast %broadcast_in_dim3A_450 : vector<16x1xi32> to vector<16xi32>
        %gather3A_452 = tpu.dynamic_gather %exp3A_384[%gather3A_451] in [0] : vector<16xf32>, vector<16xi32> -> vector<16xf32>
        %get3A_453 = arith.index_cast %add3A_369 : i32 to index
        %get3A_454 = arith.constant 80 : index
        %get3A_455 = tpu.vector_load %arg14[%get3A_453, %get3A_454] {strides = array<i32>} : memref<64x144xf32, #tpu.memory_space<vmem>>, vector<16xf32>,
        %mul3A_456 = arith.mulf %gather3A_452, %get3A_455 : vector<16xf32>
        %swap3A_457 = arith.index_cast %add3A_369 : i32 to index
        %swap3A_458 = arith.constant 80 : index
        %swap3A_459 = tpu.vector_load %arg18[%swap3A_457, %swap3A_458] {strides = array<i32>} : memref<64x144xf32, #tpu.memory_space<vmem>>, vector<16xf32>,
        tpu.vector_store %arg18[%swap3A_457, %swap3A_458], %mul3A_456 {strides = array<i32>} : memref<64x144xf32, #tpu.memory_space<vmem>>, vector<16xf32>,
        %broadcast_in_dim3A_460 = arith.constant 6 : i32
        %broadcast_in_dim3A_461 = vector.broadcast %broadcast_in_dim3A_460 : i32 to vector<16xi32>
        %broadcast_in_dim3A_462 = vector.shape_cast %broadcast_in_dim3A_461 : vector<16xi32> to vector<16x1xi32>
        %gather3A_463 = vector.shape_cast %broadcast_in_dim3A_462 : vector<16x1xi32> to vector<16xi32>
        %gather3A_464 = tpu.dynamic_gather %exp3A_384[%gather3A_463] in [0] : vector<16xf32>, vector<16xi32> -> vector<16xf32>
        %get3A_465 = arith.index_cast %add3A_369 : i32 to index
        %get3A_466 = arith.constant 96 : index
        %get3A_467 = tpu.vector_load %arg14[%get3A_465, %get3A_466] {strides = array<i32>} : memref<64x144xf32, #tpu.memory_space<vmem>>, vector<16xf32>,
        %mul3A_468 = arith.mulf %gather3A_464, %get3A_467 : vector<16xf32>
        %swap3A_469 = arith.index_cast %add3A_369 : i32 to index
        %swap3A_470 = arith.constant 96 : index
        %swap3A_471 = tpu.vector_load %arg18[%swap3A_469, %swap3A_470] {strides = array<i32>} : memref<64x144xf32, #tpu.memory_space<vmem>>, vector<16xf32>,
        tpu.vector_store %arg18[%swap3A_469, %swap3A_470], %mul3A_468 {strides = array<i32>} : memref<64x144xf32, #tpu.memory_space<vmem>>, vector<16xf32>,
        %broadcast_in_dim3A_472 = arith.constant 7 : i32
        %broadcast_in_dim3A_473 = vector.broadcast %broadcast_in_dim3A_472 : i32 to vector<16xi32>
        %broadcast_in_dim3A_474 = vector.shape_cast %broadcast_in_dim3A_473 : vector<16xi32> to vector<16x1xi32>
        %gather3A_475 = vector.shape_cast %broadcast_in_dim3A_474 : vector<16x1xi32> to vector<16xi32>
        %gather3A_476 = tpu.dynamic_gather %exp3A_384[%gather3A_475] in [0] : vector<16xf32>, vector<16xi32> -> vector<16xf32>
        %get3A_477 = arith.index_cast %add3A_369 : i32 to index
        %get3A_478 = arith.constant 112 : index
        %get3A_479 = tpu.vector_load %arg14[%get3A_477, %get3A_478] {strides = array<i32>} : memref<64x144xf32, #tpu.memory_space<vmem>>, vector<16xf32>,
        %mul3A_480 = arith.mulf %gather3A_476, %get3A_479 : vector<16xf32>
        %swap3A_481 = arith.index_cast %add3A_369 : i32 to index
        %swap3A_482 = arith.constant 112 : index
        %swap3A_483 = tpu.vector_load %arg18[%swap3A_481, %swap3A_482] {strides = array<i32>} : memref<64x144xf32, #tpu.memory_space<vmem>>, vector<16xf32>,
        tpu.vector_store %arg18[%swap3A_481, %swap3A_482], %mul3A_480 {strides = array<i32>} : memref<64x144xf32, #tpu.memory_space<vmem>>, vector<16xf32>,
      }
      %scan3A_193 = arith.constant 32 : i32
      %dma_start3A_194 = arith.constant 0 : i32
      %dma_start3A_195 = arith.constant 0 : i32
      %dma_start3A_196 = tpu.memref_slice %arg20[%dma_start3A_194, %dma_start3A_195] : memref<10016x144xf32, #tpu.memory_space<vmem_shared>> -> memref<10016x144xf32, #tpu.memory_space<vmem_shared>>
      tpu.enqueue_indirect_dma source(%arg18 : memref<64x144xf32, #tpu.memory_space<vmem>>) target(%dma_start3A_196 : memref<10016x144xf32, #tpu.memory_space<vmem_shared>>) offsets(%arg12 : memref<64xi32, #tpu.memory_space<vmem>>) semaphore(%arg27 : memref<!tpu.dma_semaphore, #tpu.memory_space<semaphore_mem>>) {add = true}
      %mul3A_197 = arith.constant 2 : i32
      %mul3A_198 = arith.muli %mul3A_197, %scan3A_146 : i32
      %add3A_199 = arith.constant 1 : i32
      %add3A_200 = arith.addi %mul3A_198, %add3A_199 : i32
      %add3A_201 = arith.constant 1 : i32
      %add3A_202 = arith.addi %add3A_200, %add3A_201 : i32
      %lt3A_203 = arith.constant 162 : i32
      %lt3A_204 = arith.cmpi slt, %add3A_202, %lt3A_203 : i32
      %convert_element_type3A_205 = arith.extui %lt3A_204 : i1 to i32
      %cond3A_206 = arith.constant 0 : i32
      %cond3A_207 = arith.cmpi ne, %convert_element_type3A_205, %cond3A_206 : i32
      scf.if %cond3A_207 {
        %dma_wait3A_251 = arith.constant 0 : i32
        %dma_wait3A_252 = arith.constant 0 : i32
        %dma_wait3A_253 = tpu.memref_slice %arg2[%dma_wait3A_251, %dma_wait3A_252] : memref<5184x128xi32, #tpu.memory_space<hbm>> -> memref<1x128xi32, #tpu.memory_space<hbm>>
        %dma_wait3A_254 = tpu.memref_squeeze %dma_wait3A_253 : memref<1x128xi32, #tpu.memory_space<hbm>> -> memref<128xi32, #tpu.memory_space<hbm>>
        %dma_wait3A_255 = arith.constant 0 : i32
        %dma_wait3A_256 = tpu.memref_slice %arg2[%dma_wait3A_251, %dma_wait3A_255] : memref<5184x128xi32, #tpu.memory_space<hbm>> -> memref<1x128xi32, #tpu.memory_space<hbm>>
        %dma_wait3A_257 = tpu.memref_squeeze %dma_wait3A_256 : memref<1x128xi32, #tpu.memory_space<hbm>> -> memref<128xi32, #tpu.memory_space<hbm>>
        tpu.wait_dma2 semaphore(%arg21 : memref<!tpu.dma_semaphore, #tpu.memory_space<semaphore_mem>>) src(%dma_wait3A_257 : memref<128xi32, #tpu.memory_space<hbm>>) dst(%arg6 : memref<128xi32, #tpu.memory_space<vmem>>)
        %get3A_258 = arith.constant 0 : index
        %get3A_259 = tpu.vector_load %arg6[%get3A_258] {strides = array<i32>} : memref<128xi32, #tpu.memory_space<vmem>>, vector<16xi32>,
        %swap3A_260 = arith.constant 0 : index
        %swap3A_261 = tpu.vector_load %arg8[%swap3A_260] {strides = array<i32>} : memref<64xi32, #tpu.memory_space<vmem>>, vector<16xi32>,
        tpu.vector_store %arg8[%swap3A_260], %get3A_259 {strides = array<i32>} : memref<64xi32, #tpu.memory_space<vmem>>, vector<16xi32>,
        %get3A_262 = arith.constant 64 : index
        %get3A_263 = tpu.vector_load %arg6[%get3A_262] {strides = array<i32>} : memref<128xi32, #tpu.memory_space<vmem>>, vector<16xi32>,
        %swap3A_264 = arith.constant 0 : index
        %swap3A_265 = tpu.vector_load %arg10[%swap3A_264] {strides = array<i32>} : memref<64xi32, #tpu.memory_space<vmem>>, vector<16xi32>,
        tpu.vector_store %arg10[%swap3A_264], %get3A_263 {strides = array<i32>} : memref<64xi32, #tpu.memory_space<vmem>>, vector<16xi32>,
        %get3A_266 = arith.constant 16 : index
        %get3A_267 = tpu.vector_load %arg6[%get3A_266] {strides = array<i32>} : memref<128xi32, #tpu.memory_space<vmem>>, vector<16xi32>,
        %swap3A_268 = arith.constant 16 : index
        %swap3A_269 = tpu.vector_load %arg8[%swap3A_268] {strides = array<i32>} : memref<64xi32, #tpu.memory_space<vmem>>, vector<16xi32>,
        tpu.vector_store %arg8[%swap3A_268], %get3A_267 {strides = array<i32>} : memref<64xi32, #tpu.memory_space<vmem>>, vector<16xi32>,
        %get3A_270 = arith.constant 80 : index
        %get3A_271 = tpu.vector_load %arg6[%get3A_270] {strides = array<i32>} : memref<128xi32, #tpu.memory_space<vmem>>, vector<16xi32>,
        %swap3A_272 = arith.constant 16 : index
        %swap3A_273 = tpu.vector_load %arg10[%swap3A_272] {strides = array<i32>} : memref<64xi32, #tpu.memory_space<vmem>>, vector<16xi32>,
        tpu.vector_store %arg10[%swap3A_272], %get3A_271 {strides = array<i32>} : memref<64xi32, #tpu.memory_space<vmem>>, vector<16xi32>,
        %get3A_274 = arith.constant 32 : index
        %get3A_275 = tpu.vector_load %arg6[%get3A_274] {strides = array<i32>} : memref<128xi32, #tpu.memory_space<vmem>>, vector<16xi32>,
        %swap3A_276 = arith.constant 32 : index
        %swap3A_277 = tpu.vector_load %arg8[%swap3A_276] {strides = array<i32>} : memref<64xi32, #tpu.memory_space<vmem>>, vector<16xi32>,
        tpu.vector_store %arg8[%swap3A_276], %get3A_275 {strides = array<i32>} : memref<64xi32, #tpu.memory_space<vmem>>, vector<16xi32>,
        %get3A_278 = arith.constant 96 : index
        %get3A_279 = tpu.vector_load %arg6[%get3A_278] {strides = array<i32>} : memref<128xi32, #tpu.memory_space<vmem>>, vector<16xi32>,
        %swap3A_280 = arith.constant 32 : index
        %swap3A_281 = tpu.vector_load %arg10[%swap3A_280] {strides = array<i32>} : memref<64xi32, #tpu.memory_space<vmem>>, vector<16xi32>,
        tpu.vector_store %arg10[%swap3A_280], %get3A_279 {strides = array<i32>} : memref<64xi32, #tpu.memory_space<vmem>>, vector<16xi32>,
        %get3A_282 = arith.constant 48 : index
        %get3A_283 = tpu.vector_load %arg6[%get3A_282] {strides = array<i32>} : memref<128xi32, #tpu.memory_space<vmem>>, vector<16xi32>,
        %swap3A_284 = arith.constant 48 : index
        %swap3A_285 = tpu.vector_load %arg8[%swap3A_284] {strides = array<i32>} : memref<64xi32, #tpu.memory_space<vmem>>, vector<16xi32>,
        tpu.vector_store %arg8[%swap3A_284], %get3A_283 {strides = array<i32>} : memref<64xi32, #tpu.memory_space<vmem>>, vector<16xi32>,
        %get3A_286 = arith.constant 112 : index
        %get3A_287 = tpu.vector_load %arg6[%get3A_286] {strides = array<i32>} : memref<128xi32, #tpu.memory_space<vmem>>, vector<16xi32>,
        %swap3A_288 = arith.constant 48 : index
        %swap3A_289 = tpu.vector_load %arg10[%swap3A_288] {strides = array<i32>} : memref<64xi32, #tpu.memory_space<vmem>>, vector<16xi32>,
        tpu.vector_store %arg10[%swap3A_288], %get3A_287 {strides = array<i32>} : memref<64xi32, #tpu.memory_space<vmem>>, vector<16xi32>,
        %dma_start3A_290 = arith.constant 0 : i32
        %dma_start3A_291 = arith.constant 0 : i32
        %dma_start3A_292 = tpu.memref_slice %arg3[%dma_start3A_290, %dma_start3A_291] : memref<10016x144xf32, #tpu.memory_space<hbm>> -> memref<10016x144xf32, #tpu.memory_space<hbm>>
        tpu.enqueue_indirect_dma source(%dma_start3A_292 : memref<10016x144xf32, #tpu.memory_space<hbm>>) target(%arg14 : memref<64x144xf32, #tpu.memory_space<vmem>>) offsets(%arg8 : memref<64xi32, #tpu.memory_space<vmem>>) semaphore(%arg23 : memref<!tpu.dma_semaphore, #tpu.memory_space<semaphore_mem>>)
        %dma_start3A_293 = arith.constant 0 : i32
        %dma_start3A_294 = arith.constant 0 : i32
        %dma_start3A_295 = tpu.memref_slice %arg4[%dma_start3A_293, %dma_start3A_294] : memref<10016x16xf32, #tpu.memory_space<hbm>> -> memref<10016x16xf32, #tpu.memory_space<hbm>>
        tpu.enqueue_indirect_dma source(%dma_start3A_295 : memref<10016x16xf32, #tpu.memory_space<hbm>>) target(%arg16 : memref<64x16xf32, #tpu.memory_space<vmem>>) offsets(%arg10 : memref<64xi32, #tpu.memory_space<vmem>>) semaphore(%arg25 : memref<!tpu.dma_semaphore, #tpu.memory_space<semaphore_mem>>)
      } else {
      }
      %dma_wait3A_208 = arith.constant 0 : i32
      %dma_wait3A_209 = arith.constant 0 : i32
      %dma_wait3A_210 = tpu.memref_slice %arg3[%dma_wait3A_208, %dma_wait3A_209] : memref<10016x144xf32, #tpu.memory_space<hbm>> -> memref<10016x144xf32, #tpu.memory_space<hbm>>
      tpu.wait_indirect_dma semaphore(%arg24 : memref<!tpu.dma_semaphore, #tpu.memory_space<semaphore_mem>>) src(%dma_wait3A_210 : memref<10016x144xf32, #tpu.memory_space<hbm>>) dst(%arg15 : memref<64x144xf32, #tpu.memory_space<vmem>>)
      %dma_wait3A_211 = arith.constant 0 : i32
      %dma_wait3A_212 = arith.constant 0 : i32
      %dma_wait3A_213 = tpu.memref_slice %arg4[%dma_wait3A_211, %dma_wait3A_212] : memref<10016x16xf32, #tpu.memory_space<hbm>> -> memref<10016x16xf32, #tpu.memory_space<hbm>>
      tpu.wait_indirect_dma semaphore(%arg26 : memref<!tpu.dma_semaphore, #tpu.memory_space<semaphore_mem>>) src(%dma_wait3A_213 : memref<10016x16xf32, #tpu.memory_space<hbm>>) dst(%arg17 : memref<64x16xf32, #tpu.memory_space<vmem>>)
      %ge3A_214 = arith.constant 2 : i32
      %ge3A_215 = arith.cmpi sge, %add3A_200, %ge3A_214 : i32
      %convert_element_type3A_216 = arith.extui %ge3A_215 : i1 to i32
      %cond3A_217 = arith.constant 0 : i32
      %cond3A_218 = arith.cmpi ne, %convert_element_type3A_216, %cond3A_217 : i32
      scf.if %cond3A_218 {
        %dma_wait3A_251 = arith.constant 0 : i32
        %dma_wait3A_252 = arith.constant 0 : i32
        %dma_wait3A_253 = tpu.memref_slice %arg20[%dma_wait3A_251, %dma_wait3A_252] : memref<10016x144xf32, #tpu.memory_space<vmem_shared>> -> memref<10016x144xf32, #tpu.memory_space<vmem_shared>>
        tpu.wait_indirect_dma semaphore(%arg28 : memref<!tpu.dma_semaphore, #tpu.memory_space<semaphore_mem>>) src(%arg19 : memref<64x144xf32, #tpu.memory_space<vmem>>) dst(%dma_wait3A_253 : memref<10016x144xf32, #tpu.memory_space<vmem_shared>>)
      } else {
      }
      %get3A_219 = arith.constant 0 : index
      %get3A_220 = tpu.vector_load %arg11[%get3A_219] {strides = array<i32>} : memref<64xi32, #tpu.memory_space<vmem>>, vector<16xi32>,
      %swap3A_221 = arith.constant 0 : index
      %swap3A_222 = tpu.vector_load %arg13[%swap3A_221] {strides = array<i32>} : memref<64xi32, #tpu.memory_space<vmem>>, vector<16xi32>,
      tpu.vector_store %arg13[%swap3A_221], %get3A_220 {strides = array<i32>} : memref<64xi32, #tpu.memory_space<vmem>>, vector<16xi32>,
      %get3A_223 = arith.constant 16 : index
      %get3A_224 = tpu.vector_load %arg11[%get3A_223] {strides = array<i32>} : memref<64xi32, #tpu.memory_space<vmem>>, vector<16xi32>,
      %swap3A_225 = arith.constant 16 : index
      %swap3A_226 = tpu.vector_load %arg13[%swap3A_225] {strides = array<i32>} : memref<64xi32, #tpu.memory_space<vmem>>, vector<16xi32>,
      tpu.vector_store %arg13[%swap3A_225], %get3A_224 {strides = array<i32>} : memref<64xi32, #tpu.memory_space<vmem>>, vector<16xi32>,
      %get3A_227 = arith.constant 32 : index
      %get3A_228 = tpu.vector_load %arg11[%get3A_227] {strides = array<i32>} : memref<64xi32, #tpu.memory_space<vmem>>, vector<16xi32>,
      %swap3A_229 = arith.constant 32 : index
      %swap3A_230 = tpu.vector_load %arg13[%swap3A_229] {strides = array<i32>} : memref<64xi32, #tpu.memory_space<vmem>>, vector<16xi32>,
      tpu.vector_store %arg13[%swap3A_229], %get3A_228 {strides = array<i32>} : memref<64xi32, #tpu.memory_space<vmem>>, vector<16xi32>,
      %get3A_231 = arith.constant 48 : index
      %get3A_232 = tpu.vector_load %arg11[%get3A_231] {strides = array<i32>} : memref<64xi32, #tpu.memory_space<vmem>>, vector<16xi32>,
      %swap3A_233 = arith.constant 48 : index
      %swap3A_234 = tpu.vector_load %arg13[%swap3A_233] {strides = array<i32>} : memref<64xi32, #tpu.memory_space<vmem>>, vector<16xi32>,
      tpu.vector_store %arg13[%swap3A_233], %get3A_232 {strides = array<i32>} : memref<64xi32, #tpu.memory_space<vmem>>, vector<16xi32>,
      %add3A_235 = arith.constant 2 : i32
      %add3A_236 = arith.addi %add3A_200, %add3A_235 : i32
      %lt3A_237 = arith.constant 162 : i32
      %lt3A_238 = arith.cmpi slt, %add3A_236, %lt3A_237 : i32
      %convert_element_type3A_239 = arith.extui %lt3A_238 : i1 to i32
      %cond3A_240 = arith.constant 0 : i32
      %cond3A_241 = arith.cmpi ne, %convert_element_type3A_239, %cond3A_240 : i32
      scf.if %cond3A_241 {
        %add3A_251 = arith.constant 2 : i32
        %add3A_252 = arith.addi %add3A_200, %add3A_251 : i32
        %add3A_253 = arith.addi %mul3A_2, %add3A_252 : i32
        %dma_start3A_254 = arith.constant 0 : i32
        %dma_start3A_255 = tpu.memref_slice %arg2[%add3A_253, %dma_start3A_254] : memref<5184x128xi32, #tpu.memory_space<hbm>> -> memref<1x128xi32, #tpu.memory_space<hbm>>
        %dma_start3A_256 = tpu.memref_squeeze %dma_start3A_255 : memref<1x128xi32, #tpu.memory_space<hbm>> -> memref<128xi32, #tpu.memory_space<hbm>>
        %dma_start3A_257 = arith.constant 0 : i32
        %dma_start3A_258 = tpu.memref_slice %arg2[%add3A_253, %dma_start3A_257] : memref<5184x128xi32, #tpu.memory_space<hbm>> -> memref<1x128xi32, #tpu.memory_space<hbm>>
        %dma_start3A_259 = tpu.memref_squeeze %dma_start3A_258 : memref<1x128xi32, #tpu.memory_space<hbm>> -> memref<128xi32, #tpu.memory_space<hbm>>
        tpu.enqueue_dma source(%dma_start3A_259 : memref<128xi32, #tpu.memory_space<hbm>>) target(%arg7 : memref<128xi32, #tpu.memory_space<vmem>>) target_semaphore(%arg22 : memref<!tpu.dma_semaphore, #tpu.memory_space<semaphore_mem>>)
      } else {
      }
      %scan3A_242 = arith.constant 0 : i32
      %scan3A_243 = arith.constant 0 : i32
      %scan3A_244 = arith.constant 32 : i32
      %scan3A_245 = arith.addi %scan3A_243, %scan3A_244 : i32
      %scan3A_246 = arith.constant 1 : i32
      scf.for %scan3A_251 = %scan3A_243 to %scan3A_245 step %scan3A_246  : i32 {
        %mul3A_252 = arith.constant 2 : i32
        %mul3A_253 = arith.muli %mul3A_252, %scan3A_251 : i32
        %add3A_254 = arith.constant 0 : i32
        %add3A_255 = arith.addi %mul3A_253, %add3A_254 : i32
        %get3A_256 = arith.index_cast %add3A_255 : i32 to index
        %get3A_257 = arith.constant 128 : index
        %get3A_258 = tpu.vector_load %arg15[%get3A_256, %get3A_257] {strides = array<i32>} : memref<64x144xf32, #tpu.memory_space<vmem>>, vector<16xf32>,
        %get3A_259 = arith.index_cast %add3A_255 : i32 to index
        %get3A_260 = arith.constant 0 : index
        %get3A_261 = tpu.vector_load %arg17[%get3A_259, %get3A_260] {strides = array<i32>} : memref<64x16xf32, #tpu.memory_space<vmem>>, vector<16xf32>,
        %add3A_262 = arith.addf %get3A_258, %get3A_261 : vector<16xf32>
        %gt3A = arith.constant 0.000000e+00 : f32
        %gt3A_263 = vector.broadcast %gt3A : f32 to vector<16xf32>
        %gt3A_264 = arith.cmpf ogt, %add3A_262, %gt3A_263 : vector<16xf32>
        %mul3A_265 = arith.constant 2.000000e-01 : f32
        %mul3A_266 = vector.broadcast %mul3A_265 : f32 to vector<16xf32>
        %mul3A_267 = arith.mulf %mul3A_266, %add3A_262 : vector<16xf32>
        %select_n3A = arith.select %gt3A_264, %add3A_262, %mul3A_267 : vector<16xi1>, vector<16xf32>
        %exp3A = math.exp %select_n3A : vector<16xf32>
        %swap3A_268 = arith.index_cast %add3A_255 : i32 to index
        %swap3A_269 = arith.constant 128 : index
        %swap3A_270 = tpu.vector_load %arg19[%swap3A_268, %swap3A_269] {strides = array<i32>} : memref<64x144xf32, #tpu.memory_space<vmem>>, vector<16xf32>,
        tpu.vector_store %arg19[%swap3A_268, %swap3A_269], %exp3A {strides = array<i32>} : memref<64x144xf32, #tpu.memory_space<vmem>>, vector<16xf32>,
        %broadcast_in_dim3A_271 = arith.constant 0 : i32
        %broadcast_in_dim3A_272 = vector.broadcast %broadcast_in_dim3A_271 : i32 to vector<16xi32>
        %broadcast_in_dim3A_273 = vector.shape_cast %broadcast_in_dim3A_272 : vector<16xi32> to vector<16x1xi32>
        %gather3A = vector.shape_cast %broadcast_in_dim3A_273 : vector<16x1xi32> to vector<16xi32>
        %gather3A_274 = tpu.dynamic_gather %exp3A[%gather3A] in [0] : vector<16xf32>, vector<16xi32> -> vector<16xf32>
        %get3A_275 = arith.index_cast %add3A_255 : i32 to index
        %get3A_276 = arith.constant 0 : index
        %get3A_277 = tpu.vector_load %arg15[%get3A_275, %get3A_276] {strides = array<i32>} : memref<64x144xf32, #tpu.memory_space<vmem>>, vector<16xf32>,
        %mul3A_278 = arith.mulf %gather3A_274, %get3A_277 : vector<16xf32>
        %swap3A_279 = arith.index_cast %add3A_255 : i32 to index
        %swap3A_280 = arith.constant 0 : index
        %swap3A_281 = tpu.vector_load %arg19[%swap3A_279, %swap3A_280] {strides = array<i32>} : memref<64x144xf32, #tpu.memory_space<vmem>>, vector<16xf32>,
        tpu.vector_store %arg19[%swap3A_279, %swap3A_280], %mul3A_278 {strides = array<i32>} : memref<64x144xf32, #tpu.memory_space<vmem>>, vector<16xf32>,
        %broadcast_in_dim3A_282 = arith.constant 1 : i32
        %broadcast_in_dim3A_283 = vector.broadcast %broadcast_in_dim3A_282 : i32 to vector<16xi32>
        %broadcast_in_dim3A_284 = vector.shape_cast %broadcast_in_dim3A_283 : vector<16xi32> to vector<16x1xi32>
        %gather3A_285 = vector.shape_cast %broadcast_in_dim3A_284 : vector<16x1xi32> to vector<16xi32>
        %gather3A_286 = tpu.dynamic_gather %exp3A[%gather3A_285] in [0] : vector<16xf32>, vector<16xi32> -> vector<16xf32>
        %get3A_287 = arith.index_cast %add3A_255 : i32 to index
        %get3A_288 = arith.constant 16 : index
        %get3A_289 = tpu.vector_load %arg15[%get3A_287, %get3A_288] {strides = array<i32>} : memref<64x144xf32, #tpu.memory_space<vmem>>, vector<16xf32>,
        %mul3A_290 = arith.mulf %gather3A_286, %get3A_289 : vector<16xf32>
        %swap3A_291 = arith.index_cast %add3A_255 : i32 to index
        %swap3A_292 = arith.constant 16 : index
        %swap3A_293 = tpu.vector_load %arg19[%swap3A_291, %swap3A_292] {strides = array<i32>} : memref<64x144xf32, #tpu.memory_space<vmem>>, vector<16xf32>,
        tpu.vector_store %arg19[%swap3A_291, %swap3A_292], %mul3A_290 {strides = array<i32>} : memref<64x144xf32, #tpu.memory_space<vmem>>, vector<16xf32>,
        %broadcast_in_dim3A_294 = arith.constant 2 : i32
        %broadcast_in_dim3A_295 = vector.broadcast %broadcast_in_dim3A_294 : i32 to vector<16xi32>
        %broadcast_in_dim3A_296 = vector.shape_cast %broadcast_in_dim3A_295 : vector<16xi32> to vector<16x1xi32>
        %gather3A_297 = vector.shape_cast %broadcast_in_dim3A_296 : vector<16x1xi32> to vector<16xi32>
        %gather3A_298 = tpu.dynamic_gather %exp3A[%gather3A_297] in [0] : vector<16xf32>, vector<16xi32> -> vector<16xf32>
        %get3A_299 = arith.index_cast %add3A_255 : i32 to index
        %get3A_300 = arith.constant 32 : index
        %get3A_301 = tpu.vector_load %arg15[%get3A_299, %get3A_300] {strides = array<i32>} : memref<64x144xf32, #tpu.memory_space<vmem>>, vector<16xf32>,
        %mul3A_302 = arith.mulf %gather3A_298, %get3A_301 : vector<16xf32>
        %swap3A_303 = arith.index_cast %add3A_255 : i32 to index
        %swap3A_304 = arith.constant 32 : index
        %swap3A_305 = tpu.vector_load %arg19[%swap3A_303, %swap3A_304] {strides = array<i32>} : memref<64x144xf32, #tpu.memory_space<vmem>>, vector<16xf32>,
        tpu.vector_store %arg19[%swap3A_303, %swap3A_304], %mul3A_302 {strides = array<i32>} : memref<64x144xf32, #tpu.memory_space<vmem>>, vector<16xf32>,
        %broadcast_in_dim3A_306 = arith.constant 3 : i32
        %broadcast_in_dim3A_307 = vector.broadcast %broadcast_in_dim3A_306 : i32 to vector<16xi32>
        %broadcast_in_dim3A_308 = vector.shape_cast %broadcast_in_dim3A_307 : vector<16xi32> to vector<16x1xi32>
        %gather3A_309 = vector.shape_cast %broadcast_in_dim3A_308 : vector<16x1xi32> to vector<16xi32>
        %gather3A_310 = tpu.dynamic_gather %exp3A[%gather3A_309] in [0] : vector<16xf32>, vector<16xi32> -> vector<16xf32>
        %get3A_311 = arith.index_cast %add3A_255 : i32 to index
        %get3A_312 = arith.constant 48 : index
        %get3A_313 = tpu.vector_load %arg15[%get3A_311, %get3A_312] {strides = array<i32>} : memref<64x144xf32, #tpu.memory_space<vmem>>, vector<16xf32>,
        %mul3A_314 = arith.mulf %gather3A_310, %get3A_313 : vector<16xf32>
        %swap3A_315 = arith.index_cast %add3A_255 : i32 to index
        %swap3A_316 = arith.constant 48 : index
        %swap3A_317 = tpu.vector_load %arg19[%swap3A_315, %swap3A_316] {strides = array<i32>} : memref<64x144xf32, #tpu.memory_space<vmem>>, vector<16xf32>,
        tpu.vector_store %arg19[%swap3A_315, %swap3A_316], %mul3A_314 {strides = array<i32>} : memref<64x144xf32, #tpu.memory_space<vmem>>, vector<16xf32>,
        %broadcast_in_dim3A_318 = arith.constant 4 : i32
        %broadcast_in_dim3A_319 = vector.broadcast %broadcast_in_dim3A_318 : i32 to vector<16xi32>
        %broadcast_in_dim3A_320 = vector.shape_cast %broadcast_in_dim3A_319 : vector<16xi32> to vector<16x1xi32>
        %gather3A_321 = vector.shape_cast %broadcast_in_dim3A_320 : vector<16x1xi32> to vector<16xi32>
        %gather3A_322 = tpu.dynamic_gather %exp3A[%gather3A_321] in [0] : vector<16xf32>, vector<16xi32> -> vector<16xf32>
        %get3A_323 = arith.index_cast %add3A_255 : i32 to index
        %get3A_324 = arith.constant 64 : index
        %get3A_325 = tpu.vector_load %arg15[%get3A_323, %get3A_324] {strides = array<i32>} : memref<64x144xf32, #tpu.memory_space<vmem>>, vector<16xf32>,
        %mul3A_326 = arith.mulf %gather3A_322, %get3A_325 : vector<16xf32>
        %swap3A_327 = arith.index_cast %add3A_255 : i32 to index
        %swap3A_328 = arith.constant 64 : index
        %swap3A_329 = tpu.vector_load %arg19[%swap3A_327, %swap3A_328] {strides = array<i32>} : memref<64x144xf32, #tpu.memory_space<vmem>>, vector<16xf32>,
        tpu.vector_store %arg19[%swap3A_327, %swap3A_328], %mul3A_326 {strides = array<i32>} : memref<64x144xf32, #tpu.memory_space<vmem>>, vector<16xf32>,
        %broadcast_in_dim3A_330 = arith.constant 5 : i32
        %broadcast_in_dim3A_331 = vector.broadcast %broadcast_in_dim3A_330 : i32 to vector<16xi32>
        %broadcast_in_dim3A_332 = vector.shape_cast %broadcast_in_dim3A_331 : vector<16xi32> to vector<16x1xi32>
        %gather3A_333 = vector.shape_cast %broadcast_in_dim3A_332 : vector<16x1xi32> to vector<16xi32>
        %gather3A_334 = tpu.dynamic_gather %exp3A[%gather3A_333] in [0] : vector<16xf32>, vector<16xi32> -> vector<16xf32>
        %get3A_335 = arith.index_cast %add3A_255 : i32 to index
        %get3A_336 = arith.constant 80 : index
        %get3A_337 = tpu.vector_load %arg15[%get3A_335, %get3A_336] {strides = array<i32>} : memref<64x144xf32, #tpu.memory_space<vmem>>, vector<16xf32>,
        %mul3A_338 = arith.mulf %gather3A_334, %get3A_337 : vector<16xf32>
        %swap3A_339 = arith.index_cast %add3A_255 : i32 to index
        %swap3A_340 = arith.constant 80 : index
        %swap3A_341 = tpu.vector_load %arg19[%swap3A_339, %swap3A_340] {strides = array<i32>} : memref<64x144xf32, #tpu.memory_space<vmem>>, vector<16xf32>,
        tpu.vector_store %arg19[%swap3A_339, %swap3A_340], %mul3A_338 {strides = array<i32>} : memref<64x144xf32, #tpu.memory_space<vmem>>, vector<16xf32>,
        %broadcast_in_dim3A_342 = arith.constant 6 : i32
        %broadcast_in_dim3A_343 = vector.broadcast %broadcast_in_dim3A_342 : i32 to vector<16xi32>
        %broadcast_in_dim3A_344 = vector.shape_cast %broadcast_in_dim3A_343 : vector<16xi32> to vector<16x1xi32>
        %gather3A_345 = vector.shape_cast %broadcast_in_dim3A_344 : vector<16x1xi32> to vector<16xi32>
        %gather3A_346 = tpu.dynamic_gather %exp3A[%gather3A_345] in [0] : vector<16xf32>, vector<16xi32> -> vector<16xf32>
        %get3A_347 = arith.index_cast %add3A_255 : i32 to index
        %get3A_348 = arith.constant 96 : index
        %get3A_349 = tpu.vector_load %arg15[%get3A_347, %get3A_348] {strides = array<i32>} : memref<64x144xf32, #tpu.memory_space<vmem>>, vector<16xf32>,
        %mul3A_350 = arith.mulf %gather3A_346, %get3A_349 : vector<16xf32>
        %swap3A_351 = arith.index_cast %add3A_255 : i32 to index
        %swap3A_352 = arith.constant 96 : index
        %swap3A_353 = tpu.vector_load %arg19[%swap3A_351, %swap3A_352] {strides = array<i32>} : memref<64x144xf32, #tpu.memory_space<vmem>>, vector<16xf32>,
        tpu.vector_store %arg19[%swap3A_351, %swap3A_352], %mul3A_350 {strides = array<i32>} : memref<64x144xf32, #tpu.memory_space<vmem>>, vector<16xf32>,
        %broadcast_in_dim3A_354 = arith.constant 7 : i32
        %broadcast_in_dim3A_355 = vector.broadcast %broadcast_in_dim3A_354 : i32 to vector<16xi32>
        %broadcast_in_dim3A_356 = vector.shape_cast %broadcast_in_dim3A_355 : vector<16xi32> to vector<16x1xi32>
        %gather3A_357 = vector.shape_cast %broadcast_in_dim3A_356 : vector<16x1xi32> to vector<16xi32>
        %gather3A_358 = tpu.dynamic_gather %exp3A[%gather3A_357] in [0] : vector<16xf32>, vector<16xi32> -> vector<16xf32>
        %get3A_359 = arith.index_cast %add3A_255 : i32 to index
        %get3A_360 = arith.constant 112 : index
        %get3A_361 = tpu.vector_load %arg15[%get3A_359, %get3A_360] {strides = array<i32>} : memref<64x144xf32, #tpu.memory_space<vmem>>, vector<16xf32>,
        %mul3A_362 = arith.mulf %gather3A_358, %get3A_361 : vector<16xf32>
        %swap3A_363 = arith.index_cast %add3A_255 : i32 to index
        %swap3A_364 = arith.constant 112 : index
        %swap3A_365 = tpu.vector_load %arg19[%swap3A_363, %swap3A_364] {strides = array<i32>} : memref<64x144xf32, #tpu.memory_space<vmem>>, vector<16xf32>,
        tpu.vector_store %arg19[%swap3A_363, %swap3A_364], %mul3A_362 {strides = array<i32>} : memref<64x144xf32, #tpu.memory_space<vmem>>, vector<16xf32>,
        %mul3A_366 = arith.constant 2 : i32
        %mul3A_367 = arith.muli %mul3A_366, %scan3A_251 : i32
        %add3A_368 = arith.constant 1 : i32
        %add3A_369 = arith.addi %mul3A_367, %add3A_368 : i32
        %get3A_370 = arith.index_cast %add3A_369 : i32 to index
        %get3A_371 = arith.constant 128 : index
        %get3A_372 = tpu.vector_load %arg15[%get3A_370, %get3A_371] {strides = array<i32>} : memref<64x144xf32, #tpu.memory_space<vmem>>, vector<16xf32>,
        %get3A_373 = arith.index_cast %add3A_369 : i32 to index
        %get3A_374 = arith.constant 0 : index
        %get3A_375 = tpu.vector_load %arg17[%get3A_373, %get3A_374] {strides = array<i32>} : memref<64x16xf32, #tpu.memory_space<vmem>>, vector<16xf32>,
        %add3A_376 = arith.addf %get3A_372, %get3A_375 : vector<16xf32>
        %gt3A_377 = arith.constant 0.000000e+00 : f32
        %gt3A_378 = vector.broadcast %gt3A_377 : f32 to vector<16xf32>
        %gt3A_379 = arith.cmpf ogt, %add3A_376, %gt3A_378 : vector<16xf32>
        %mul3A_380 = arith.constant 2.000000e-01 : f32
        %mul3A_381 = vector.broadcast %mul3A_380 : f32 to vector<16xf32>
        %mul3A_382 = arith.mulf %mul3A_381, %add3A_376 : vector<16xf32>
        %select_n3A_383 = arith.select %gt3A_379, %add3A_376, %mul3A_382 : vector<16xi1>, vector<16xf32>
        %exp3A_384 = math.exp %select_n3A_383 : vector<16xf32>
        %swap3A_385 = arith.index_cast %add3A_369 : i32 to index
        %swap3A_386 = arith.constant 128 : index
        %swap3A_387 = tpu.vector_load %arg19[%swap3A_385, %swap3A_386] {strides = array<i32>} : memref<64x144xf32, #tpu.memory_space<vmem>>, vector<16xf32>,
        tpu.vector_store %arg19[%swap3A_385, %swap3A_386], %exp3A_384 {strides = array<i32>} : memref<64x144xf32, #tpu.memory_space<vmem>>, vector<16xf32>,
        %broadcast_in_dim3A_388 = arith.constant 0 : i32
        %broadcast_in_dim3A_389 = vector.broadcast %broadcast_in_dim3A_388 : i32 to vector<16xi32>
        %broadcast_in_dim3A_390 = vector.shape_cast %broadcast_in_dim3A_389 : vector<16xi32> to vector<16x1xi32>
        %gather3A_391 = vector.shape_cast %broadcast_in_dim3A_390 : vector<16x1xi32> to vector<16xi32>
        %gather3A_392 = tpu.dynamic_gather %exp3A_384[%gather3A_391] in [0] : vector<16xf32>, vector<16xi32> -> vector<16xf32>
        %get3A_393 = arith.index_cast %add3A_369 : i32 to index
        %get3A_394 = arith.constant 0 : index
        %get3A_395 = tpu.vector_load %arg15[%get3A_393, %get3A_394] {strides = array<i32>} : memref<64x144xf32, #tpu.memory_space<vmem>>, vector<16xf32>,
        %mul3A_396 = arith.mulf %gather3A_392, %get3A_395 : vector<16xf32>
        %swap3A_397 = arith.index_cast %add3A_369 : i32 to index
        %swap3A_398 = arith.constant 0 : index
        %swap3A_399 = tpu.vector_load %arg19[%swap3A_397, %swap3A_398] {strides = array<i32>} : memref<64x144xf32, #tpu.memory_space<vmem>>, vector<16xf32>,
        tpu.vector_store %arg19[%swap3A_397, %swap3A_398], %mul3A_396 {strides = array<i32>} : memref<64x144xf32, #tpu.memory_space<vmem>>, vector<16xf32>,
        %broadcast_in_dim3A_400 = arith.constant 1 : i32
        %broadcast_in_dim3A_401 = vector.broadcast %broadcast_in_dim3A_400 : i32 to vector<16xi32>
        %broadcast_in_dim3A_402 = vector.shape_cast %broadcast_in_dim3A_401 : vector<16xi32> to vector<16x1xi32>
        %gather3A_403 = vector.shape_cast %broadcast_in_dim3A_402 : vector<16x1xi32> to vector<16xi32>
        %gather3A_404 = tpu.dynamic_gather %exp3A_384[%gather3A_403] in [0] : vector<16xf32>, vector<16xi32> -> vector<16xf32>
        %get3A_405 = arith.index_cast %add3A_369 : i32 to index
        %get3A_406 = arith.constant 16 : index
        %get3A_407 = tpu.vector_load %arg15[%get3A_405, %get3A_406] {strides = array<i32>} : memref<64x144xf32, #tpu.memory_space<vmem>>, vector<16xf32>,
        %mul3A_408 = arith.mulf %gather3A_404, %get3A_407 : vector<16xf32>
        %swap3A_409 = arith.index_cast %add3A_369 : i32 to index
        %swap3A_410 = arith.constant 16 : index
        %swap3A_411 = tpu.vector_load %arg19[%swap3A_409, %swap3A_410] {strides = array<i32>} : memref<64x144xf32, #tpu.memory_space<vmem>>, vector<16xf32>,
        tpu.vector_store %arg19[%swap3A_409, %swap3A_410], %mul3A_408 {strides = array<i32>} : memref<64x144xf32, #tpu.memory_space<vmem>>, vector<16xf32>,
        %broadcast_in_dim3A_412 = arith.constant 2 : i32
        %broadcast_in_dim3A_413 = vector.broadcast %broadcast_in_dim3A_412 : i32 to vector<16xi32>
        %broadcast_in_dim3A_414 = vector.shape_cast %broadcast_in_dim3A_413 : vector<16xi32> to vector<16x1xi32>
        %gather3A_415 = vector.shape_cast %broadcast_in_dim3A_414 : vector<16x1xi32> to vector<16xi32>
        %gather3A_416 = tpu.dynamic_gather %exp3A_384[%gather3A_415] in [0] : vector<16xf32>, vector<16xi32> -> vector<16xf32>
        %get3A_417 = arith.index_cast %add3A_369 : i32 to index
        %get3A_418 = arith.constant 32 : index
        %get3A_419 = tpu.vector_load %arg15[%get3A_417, %get3A_418] {strides = array<i32>} : memref<64x144xf32, #tpu.memory_space<vmem>>, vector<16xf32>,
        %mul3A_420 = arith.mulf %gather3A_416, %get3A_419 : vector<16xf32>
        %swap3A_421 = arith.index_cast %add3A_369 : i32 to index
        %swap3A_422 = arith.constant 32 : index
        %swap3A_423 = tpu.vector_load %arg19[%swap3A_421, %swap3A_422] {strides = array<i32>} : memref<64x144xf32, #tpu.memory_space<vmem>>, vector<16xf32>,
        tpu.vector_store %arg19[%swap3A_421, %swap3A_422], %mul3A_420 {strides = array<i32>} : memref<64x144xf32, #tpu.memory_space<vmem>>, vector<16xf32>,
        %broadcast_in_dim3A_424 = arith.constant 3 : i32
        %broadcast_in_dim3A_425 = vector.broadcast %broadcast_in_dim3A_424 : i32 to vector<16xi32>
        %broadcast_in_dim3A_426 = vector.shape_cast %broadcast_in_dim3A_425 : vector<16xi32> to vector<16x1xi32>
        %gather3A_427 = vector.shape_cast %broadcast_in_dim3A_426 : vector<16x1xi32> to vector<16xi32>
        %gather3A_428 = tpu.dynamic_gather %exp3A_384[%gather3A_427] in [0] : vector<16xf32>, vector<16xi32> -> vector<16xf32>
        %get3A_429 = arith.index_cast %add3A_369 : i32 to index
        %get3A_430 = arith.constant 48 : index
        %get3A_431 = tpu.vector_load %arg15[%get3A_429, %get3A_430] {strides = array<i32>} : memref<64x144xf32, #tpu.memory_space<vmem>>, vector<16xf32>,
        %mul3A_432 = arith.mulf %gather3A_428, %get3A_431 : vector<16xf32>
        %swap3A_433 = arith.index_cast %add3A_369 : i32 to index
        %swap3A_434 = arith.constant 48 : index
        %swap3A_435 = tpu.vector_load %arg19[%swap3A_433, %swap3A_434] {strides = array<i32>} : memref<64x144xf32, #tpu.memory_space<vmem>>, vector<16xf32>,
        tpu.vector_store %arg19[%swap3A_433, %swap3A_434], %mul3A_432 {strides = array<i32>} : memref<64x144xf32, #tpu.memory_space<vmem>>, vector<16xf32>,
        %broadcast_in_dim3A_436 = arith.constant 4 : i32
        %broadcast_in_dim3A_437 = vector.broadcast %broadcast_in_dim3A_436 : i32 to vector<16xi32>
        %broadcast_in_dim3A_438 = vector.shape_cast %broadcast_in_dim3A_437 : vector<16xi32> to vector<16x1xi32>
        %gather3A_439 = vector.shape_cast %broadcast_in_dim3A_438 : vector<16x1xi32> to vector<16xi32>
        %gather3A_440 = tpu.dynamic_gather %exp3A_384[%gather3A_439] in [0] : vector<16xf32>, vector<16xi32> -> vector<16xf32>
        %get3A_441 = arith.index_cast %add3A_369 : i32 to index
        %get3A_442 = arith.constant 64 : index
        %get3A_443 = tpu.vector_load %arg15[%get3A_441, %get3A_442] {strides = array<i32>} : memref<64x144xf32, #tpu.memory_space<vmem>>, vector<16xf32>,
        %mul3A_444 = arith.mulf %gather3A_440, %get3A_443 : vector<16xf32>
        %swap3A_445 = arith.index_cast %add3A_369 : i32 to index
        %swap3A_446 = arith.constant 64 : index
        %swap3A_447 = tpu.vector_load %arg19[%swap3A_445, %swap3A_446] {strides = array<i32>} : memref<64x144xf32, #tpu.memory_space<vmem>>, vector<16xf32>,
        tpu.vector_store %arg19[%swap3A_445, %swap3A_446], %mul3A_444 {strides = array<i32>} : memref<64x144xf32, #tpu.memory_space<vmem>>, vector<16xf32>,
        %broadcast_in_dim3A_448 = arith.constant 5 : i32
        %broadcast_in_dim3A_449 = vector.broadcast %broadcast_in_dim3A_448 : i32 to vector<16xi32>
        %broadcast_in_dim3A_450 = vector.shape_cast %broadcast_in_dim3A_449 : vector<16xi32> to vector<16x1xi32>
        %gather3A_451 = vector.shape_cast %broadcast_in_dim3A_450 : vector<16x1xi32> to vector<16xi32>
        %gather3A_452 = tpu.dynamic_gather %exp3A_384[%gather3A_451] in [0] : vector<16xf32>, vector<16xi32> -> vector<16xf32>
        %get3A_453 = arith.index_cast %add3A_369 : i32 to index
        %get3A_454 = arith.constant 80 : index
        %get3A_455 = tpu.vector_load %arg15[%get3A_453, %get3A_454] {strides = array<i32>} : memref<64x144xf32, #tpu.memory_space<vmem>>, vector<16xf32>,
        %mul3A_456 = arith.mulf %gather3A_452, %get3A_455 : vector<16xf32>
        %swap3A_457 = arith.index_cast %add3A_369 : i32 to index
        %swap3A_458 = arith.constant 80 : index
        %swap3A_459 = tpu.vector_load %arg19[%swap3A_457, %swap3A_458] {strides = array<i32>} : memref<64x144xf32, #tpu.memory_space<vmem>>, vector<16xf32>,
        tpu.vector_store %arg19[%swap3A_457, %swap3A_458], %mul3A_456 {strides = array<i32>} : memref<64x144xf32, #tpu.memory_space<vmem>>, vector<16xf32>,
        %broadcast_in_dim3A_460 = arith.constant 6 : i32
        %broadcast_in_dim3A_461 = vector.broadcast %broadcast_in_dim3A_460 : i32 to vector<16xi32>
        %broadcast_in_dim3A_462 = vector.shape_cast %broadcast_in_dim3A_461 : vector<16xi32> to vector<16x1xi32>
        %gather3A_463 = vector.shape_cast %broadcast_in_dim3A_462 : vector<16x1xi32> to vector<16xi32>
        %gather3A_464 = tpu.dynamic_gather %exp3A_384[%gather3A_463] in [0] : vector<16xf32>, vector<16xi32> -> vector<16xf32>
        %get3A_465 = arith.index_cast %add3A_369 : i32 to index
        %get3A_466 = arith.constant 96 : index
        %get3A_467 = tpu.vector_load %arg15[%get3A_465, %get3A_466] {strides = array<i32>} : memref<64x144xf32, #tpu.memory_space<vmem>>, vector<16xf32>,
        %mul3A_468 = arith.mulf %gather3A_464, %get3A_467 : vector<16xf32>
        %swap3A_469 = arith.index_cast %add3A_369 : i32 to index
        %swap3A_470 = arith.constant 96 : index
        %swap3A_471 = tpu.vector_load %arg19[%swap3A_469, %swap3A_470] {strides = array<i32>} : memref<64x144xf32, #tpu.memory_space<vmem>>, vector<16xf32>,
        tpu.vector_store %arg19[%swap3A_469, %swap3A_470], %mul3A_468 {strides = array<i32>} : memref<64x144xf32, #tpu.memory_space<vmem>>, vector<16xf32>,
        %broadcast_in_dim3A_472 = arith.constant 7 : i32
        %broadcast_in_dim3A_473 = vector.broadcast %broadcast_in_dim3A_472 : i32 to vector<16xi32>
        %broadcast_in_dim3A_474 = vector.shape_cast %broadcast_in_dim3A_473 : vector<16xi32> to vector<16x1xi32>
        %gather3A_475 = vector.shape_cast %broadcast_in_dim3A_474 : vector<16x1xi32> to vector<16xi32>
        %gather3A_476 = tpu.dynamic_gather %exp3A_384[%gather3A_475] in [0] : vector<16xf32>, vector<16xi32> -> vector<16xf32>
        %get3A_477 = arith.index_cast %add3A_369 : i32 to index
        %get3A_478 = arith.constant 112 : index
        %get3A_479 = tpu.vector_load %arg15[%get3A_477, %get3A_478] {strides = array<i32>} : memref<64x144xf32, #tpu.memory_space<vmem>>, vector<16xf32>,
        %mul3A_480 = arith.mulf %gather3A_476, %get3A_479 : vector<16xf32>
        %swap3A_481 = arith.index_cast %add3A_369 : i32 to index
        %swap3A_482 = arith.constant 112 : index
        %swap3A_483 = tpu.vector_load %arg19[%swap3A_481, %swap3A_482] {strides = array<i32>} : memref<64x144xf32, #tpu.memory_space<vmem>>, vector<16xf32>,
        tpu.vector_store %arg19[%swap3A_481, %swap3A_482], %mul3A_480 {strides = array<i32>} : memref<64x144xf32, #tpu.memory_space<vmem>>, vector<16xf32>,
      }
      %scan3A_247 = arith.constant 32 : i32
      %dma_start3A_248 = arith.constant 0 : i32
      %dma_start3A_249 = arith.constant 0 : i32
      %dma_start3A_250 = tpu.memref_slice %arg20[%dma_start3A_248, %dma_start3A_249] : memref<10016x144xf32, #tpu.memory_space<vmem_shared>> -> memref<10016x144xf32, #tpu.memory_space<vmem_shared>>
      tpu.enqueue_indirect_dma source(%arg19 : memref<64x144xf32, #tpu.memory_space<vmem>>) target(%dma_start3A_250 : memref<10016x144xf32, #tpu.memory_space<vmem_shared>>) offsets(%arg13 : memref<64xi32, #tpu.memory_space<vmem>>) semaphore(%arg28 : memref<!tpu.dma_semaphore, #tpu.memory_space<semaphore_mem>>) {add = true}
    }
    %scan3A_99 = arith.constant 81 : i32
    %dma_wait3A = arith.constant 0 : i32
    %dma_wait3A_100 = arith.constant 0 : i32
    %dma_wait3A_101 = tpu.memref_slice %arg20[%dma_wait3A, %dma_wait3A_100] : memref<10016x144xf32, #tpu.memory_space<vmem_shared>> -> memref<10016x144xf32, #tpu.memory_space<vmem_shared>>
    tpu.wait_indirect_dma semaphore(%arg27 : memref<!tpu.dma_semaphore, #tpu.memory_space<semaphore_mem>>) src(%arg18 : memref<64x144xf32, #tpu.memory_space<vmem>>) dst(%dma_wait3A_101 : memref<10016x144xf32, #tpu.memory_space<vmem_shared>>)
    %dma_wait3A_102 = arith.constant 0 : i32
    %dma_wait3A_103 = arith.constant 0 : i32
    %dma_wait3A_104 = tpu.memref_slice %arg20[%dma_wait3A_102, %dma_wait3A_103] : memref<10016x144xf32, #tpu.memory_space<vmem_shared>> -> memref<10016x144xf32, #tpu.memory_space<vmem_shared>>
    tpu.wait_indirect_dma semaphore(%arg28 : memref<!tpu.dma_semaphore, #tpu.memory_space<semaphore_mem>>) src(%arg19 : memref<64x144xf32, #tpu.memory_space<vmem>>) dst(%dma_wait3A_104 : memref<10016x144xf32, #tpu.memory_space<vmem_shared>>)
    %barrier3A_105 = arith.constant 0 : index
    tpu.barrier barrier_id(%barrier3A_105)
    %mul3A_106 = arith.constant 626 : i32
    %mul3A_107 = arith.muli %arg1, %mul3A_106 : i32
    %add3A_108 = arith.constant 0 : i32
    %add3A_109 = arith.addi %mul3A_107, %add3A_108 : i32
    "tpu.region"() ({
      %run_scoped3A = tpu.sem_alloc : memref<!tpu.dma_semaphore, #tpu.memory_space<semaphore_mem>>
      %dma_start3A_146 = arith.constant 0 : i32
      %dma_start3A_147 = tpu.memref_slice %arg5[%arg0, %add3A_109, %dma_start3A_146] : memref<2x10016x144xf32, #tpu.memory_space<hbm>> -> memref<1x64x144xf32, #tpu.memory_space<hbm>>
      %dma_start3A_148 = tpu.memref_squeeze %dma_start3A_147 : memref<1x64x144xf32, #tpu.memory_space<hbm>> -> memref<64x144xf32, #tpu.memory_space<hbm>>
      %dma_start3A_149 = arith.constant 0 : i32
      %dma_start3A_150 = tpu.memref_slice %arg20[%add3A_109, %dma_start3A_149] : memref<10016x144xf32, #tpu.memory_space<vmem_shared>> -> memref<64x144xf32, #tpu.memory_space<vmem_shared>>
      tpu.enqueue_dma source(%dma_start3A_150 : memref<64x144xf32, #tpu.memory_space<vmem_shared>>) target(%dma_start3A_148 : memref<64x144xf32, #tpu.memory_space<hbm>>) target_semaphore(%run_scoped3A : memref<!tpu.dma_semaphore, #tpu.memory_space<semaphore_mem>>)
      %dma_wait3A_151 = arith.constant 0 : i32
      %dma_wait3A_152 = tpu.memref_slice %arg5[%arg0, %add3A_109, %dma_wait3A_151] : memref<2x10016x144xf32, #tpu.memory_space<hbm>> -> memref<1x64x144xf32, #tpu.memory_space<hbm>>
      %dma_wait3A_153 = tpu.memref_squeeze %dma_wait3A_152 : memref<1x64x144xf32, #tpu.memory_space<hbm>> -> memref<64x144xf32, #tpu.memory_space<hbm>>
      %dma_wait3A_154 = arith.constant 0 : i32
      %dma_wait3A_155 = tpu.memref_slice %arg20[%add3A_109, %dma_wait3A_154] : memref<10016x144xf32, #tpu.memory_space<vmem_shared>> -> memref<64x144xf32, #tpu.memory_space<vmem_shared>>
      tpu.wait_dma2 semaphore(%run_scoped3A : memref<!tpu.dma_semaphore, #tpu.memory_space<semaphore_mem>>) src(%dma_wait3A_155 : memref<64x144xf32, #tpu.memory_space<vmem_shared>>) dst(%dma_wait3A_153 : memref<64x144xf32, #tpu.memory_space<hbm>>)
      tpu.yield
    }) : () -> ()
    %mul3A_110 = arith.constant 626 : i32
    %mul3A_111 = arith.muli %arg1, %mul3A_110 : i32
    %add3A_112 = arith.constant 64 : i32
    %add3A_113 = arith.addi %mul3A_111, %add3A_112 : i32
    "tpu.region"() ({
      %run_scoped3A = tpu.sem_alloc : memref<!tpu.dma_semaphore, #tpu.memory_space<semaphore_mem>>
      %dma_start3A_146 = arith.constant 0 : i32
      %dma_start3A_147 = tpu.memref_slice %arg5[%arg0, %add3A_113, %dma_start3A_146] : memref<2x10016x144xf32, #tpu.memory_space<hbm>> -> memref<1x64x144xf32, #tpu.memory_space<hbm>>
      %dma_start3A_148 = tpu.memref_squeeze %dma_start3A_147 : memref<1x64x144xf32, #tpu.memory_space<hbm>> -> memref<64x144xf32, #tpu.memory_space<hbm>>
      %dma_start3A_149 = arith.constant 0 : i32
      %dma_start3A_150 = tpu.memref_slice %arg20[%add3A_113, %dma_start3A_149] : memref<10016x144xf32, #tpu.memory_space<vmem_shared>> -> memref<64x144xf32, #tpu.memory_space<vmem_shared>>
      tpu.enqueue_dma source(%dma_start3A_150 : memref<64x144xf32, #tpu.memory_space<vmem_shared>>) target(%dma_start3A_148 : memref<64x144xf32, #tpu.memory_space<hbm>>) target_semaphore(%run_scoped3A : memref<!tpu.dma_semaphore, #tpu.memory_space<semaphore_mem>>)
      %dma_wait3A_151 = arith.constant 0 : i32
      %dma_wait3A_152 = tpu.memref_slice %arg5[%arg0, %add3A_113, %dma_wait3A_151] : memref<2x10016x144xf32, #tpu.memory_space<hbm>> -> memref<1x64x144xf32, #tpu.memory_space<hbm>>
      %dma_wait3A_153 = tpu.memref_squeeze %dma_wait3A_152 : memref<1x64x144xf32, #tpu.memory_space<hbm>> -> memref<64x144xf32, #tpu.memory_space<hbm>>
      %dma_wait3A_154 = arith.constant 0 : i32
      %dma_wait3A_155 = tpu.memref_slice %arg20[%add3A_113, %dma_wait3A_154] : memref<10016x144xf32, #tpu.memory_space<vmem_shared>> -> memref<64x144xf32, #tpu.memory_space<vmem_shared>>
      tpu.wait_dma2 semaphore(%run_scoped3A : memref<!tpu.dma_semaphore, #tpu.memory_space<semaphore_mem>>) src(%dma_wait3A_155 : memref<64x144xf32, #tpu.memory_space<vmem_shared>>) dst(%dma_wait3A_153 : memref<64x144xf32, #tpu.memory_space<hbm>>)
      tpu.yield
    }) : () -> ()
    %mul3A_114 = arith.constant 626 : i32
    %mul3A_115 = arith.muli %arg1, %mul3A_114 : i32
    %add3A_116 = arith.constant 128 : i32
    %add3A_117 = arith.addi %mul3A_115, %add3A_116 : i32
    "tpu.region"() ({
      %run_scoped3A = tpu.sem_alloc : memref<!tpu.dma_semaphore, #tpu.memory_space<semaphore_mem>>
      %dma_start3A_146 = arith.constant 0 : i32
      %dma_start3A_147 = tpu.memref_slice %arg5[%arg0, %add3A_117, %dma_start3A_146] : memref<2x10016x144xf32, #tpu.memory_space<hbm>> -> memref<1x64x144xf32, #tpu.memory_space<hbm>>
      %dma_start3A_148 = tpu.memref_squeeze %dma_start3A_147 : memref<1x64x144xf32, #tpu.memory_space<hbm>> -> memref<64x144xf32, #tpu.memory_space<hbm>>
      %dma_start3A_149 = arith.constant 0 : i32
      %dma_start3A_150 = tpu.memref_slice %arg20[%add3A_117, %dma_start3A_149] : memref<10016x144xf32, #tpu.memory_space<vmem_shared>> -> memref<64x144xf32, #tpu.memory_space<vmem_shared>>
      tpu.enqueue_dma source(%dma_start3A_150 : memref<64x144xf32, #tpu.memory_space<vmem_shared>>) target(%dma_start3A_148 : memref<64x144xf32, #tpu.memory_space<hbm>>) target_semaphore(%run_scoped3A : memref<!tpu.dma_semaphore, #tpu.memory_space<semaphore_mem>>)
      %dma_wait3A_151 = arith.constant 0 : i32
      %dma_wait3A_152 = tpu.memref_slice %arg5[%arg0, %add3A_117, %dma_wait3A_151] : memref<2x10016x144xf32, #tpu.memory_space<hbm>> -> memref<1x64x144xf32, #tpu.memory_space<hbm>>
      %dma_wait3A_153 = tpu.memref_squeeze %dma_wait3A_152 : memref<1x64x144xf32, #tpu.memory_space<hbm>> -> memref<64x144xf32, #tpu.memory_space<hbm>>
      %dma_wait3A_154 = arith.constant 0 : i32
      %dma_wait3A_155 = tpu.memref_slice %arg20[%add3A_117, %dma_wait3A_154] : memref<10016x144xf32, #tpu.memory_space<vmem_shared>> -> memref<64x144xf32, #tpu.memory_space<vmem_shared>>
      tpu.wait_dma2 semaphore(%run_scoped3A : memref<!tpu.dma_semaphore, #tpu.memory_space<semaphore_mem>>) src(%dma_wait3A_155 : memref<64x144xf32, #tpu.memory_space<vmem_shared>>) dst(%dma_wait3A_153 : memref<64x144xf32, #tpu.memory_space<hbm>>)
      tpu.yield
    }) : () -> ()
    %mul3A_118 = arith.constant 626 : i32
    %mul3A_119 = arith.muli %arg1, %mul3A_118 : i32
    %add3A_120 = arith.constant 192 : i32
    %add3A_121 = arith.addi %mul3A_119, %add3A_120 : i32
    "tpu.region"() ({
      %run_scoped3A = tpu.sem_alloc : memref<!tpu.dma_semaphore, #tpu.memory_space<semaphore_mem>>
      %dma_start3A_146 = arith.constant 0 : i32
      %dma_start3A_147 = tpu.memref_slice %arg5[%arg0, %add3A_121, %dma_start3A_146] : memref<2x10016x144xf32, #tpu.memory_space<hbm>> -> memref<1x64x144xf32, #tpu.memory_space<hbm>>
      %dma_start3A_148 = tpu.memref_squeeze %dma_start3A_147 : memref<1x64x144xf32, #tpu.memory_space<hbm>> -> memref<64x144xf32, #tpu.memory_space<hbm>>
      %dma_start3A_149 = arith.constant 0 : i32
      %dma_start3A_150 = tpu.memref_slice %arg20[%add3A_121, %dma_start3A_149] : memref<10016x144xf32, #tpu.memory_space<vmem_shared>> -> memref<64x144xf32, #tpu.memory_space<vmem_shared>>
      tpu.enqueue_dma source(%dma_start3A_150 : memref<64x144xf32, #tpu.memory_space<vmem_shared>>) target(%dma_start3A_148 : memref<64x144xf32, #tpu.memory_space<hbm>>) target_semaphore(%run_scoped3A : memref<!tpu.dma_semaphore, #tpu.memory_space<semaphore_mem>>)
      %dma_wait3A_151 = arith.constant 0 : i32
      %dma_wait3A_152 = tpu.memref_slice %arg5[%arg0, %add3A_121, %dma_wait3A_151] : memref<2x10016x144xf32, #tpu.memory_space<hbm>> -> memref<1x64x144xf32, #tpu.memory_space<hbm>>
      %dma_wait3A_153 = tpu.memref_squeeze %dma_wait3A_152 : memref<1x64x144xf32, #tpu.memory_space<hbm>> -> memref<64x144xf32, #tpu.memory_space<hbm>>
      %dma_wait3A_154 = arith.constant 0 : i32
      %dma_wait3A_155 = tpu.memref_slice %arg20[%add3A_121, %dma_wait3A_154] : memref<10016x144xf32, #tpu.memory_space<vmem_shared>> -> memref<64x144xf32, #tpu.memory_space<vmem_shared>>
      tpu.wait_dma2 semaphore(%run_scoped3A : memref<!tpu.dma_semaphore, #tpu.memory_space<semaphore_mem>>) src(%dma_wait3A_155 : memref<64x144xf32, #tpu.memory_space<vmem_shared>>) dst(%dma_wait3A_153 : memref<64x144xf32, #tpu.memory_space<hbm>>)
      tpu.yield
    }) : () -> ()
    %mul3A_122 = arith.constant 626 : i32
    %mul3A_123 = arith.muli %arg1, %mul3A_122 : i32
    %add3A_124 = arith.constant 256 : i32
    %add3A_125 = arith.addi %mul3A_123, %add3A_124 : i32
    "tpu.region"() ({
      %run_scoped3A = tpu.sem_alloc : memref<!tpu.dma_semaphore, #tpu.memory_space<semaphore_mem>>
      %dma_start3A_146 = arith.constant 0 : i32
      %dma_start3A_147 = tpu.memref_slice %arg5[%arg0, %add3A_125, %dma_start3A_146] : memref<2x10016x144xf32, #tpu.memory_space<hbm>> -> memref<1x64x144xf32, #tpu.memory_space<hbm>>
      %dma_start3A_148 = tpu.memref_squeeze %dma_start3A_147 : memref<1x64x144xf32, #tpu.memory_space<hbm>> -> memref<64x144xf32, #tpu.memory_space<hbm>>
      %dma_start3A_149 = arith.constant 0 : i32
      %dma_start3A_150 = tpu.memref_slice %arg20[%add3A_125, %dma_start3A_149] : memref<10016x144xf32, #tpu.memory_space<vmem_shared>> -> memref<64x144xf32, #tpu.memory_space<vmem_shared>>
      tpu.enqueue_dma source(%dma_start3A_150 : memref<64x144xf32, #tpu.memory_space<vmem_shared>>) target(%dma_start3A_148 : memref<64x144xf32, #tpu.memory_space<hbm>>) target_semaphore(%run_scoped3A : memref<!tpu.dma_semaphore, #tpu.memory_space<semaphore_mem>>)
      %dma_wait3A_151 = arith.constant 0 : i32
      %dma_wait3A_152 = tpu.memref_slice %arg5[%arg0, %add3A_125, %dma_wait3A_151] : memref<2x10016x144xf32, #tpu.memory_space<hbm>> -> memref<1x64x144xf32, #tpu.memory_space<hbm>>
      %dma_wait3A_153 = tpu.memref_squeeze %dma_wait3A_152 : memref<1x64x144xf32, #tpu.memory_space<hbm>> -> memref<64x144xf32, #tpu.memory_space<hbm>>
      %dma_wait3A_154 = arith.constant 0 : i32
      %dma_wait3A_155 = tpu.memref_slice %arg20[%add3A_125, %dma_wait3A_154] : memref<10016x144xf32, #tpu.memory_space<vmem_shared>> -> memref<64x144xf32, #tpu.memory_space<vmem_shared>>
      tpu.wait_dma2 semaphore(%run_scoped3A : memref<!tpu.dma_semaphore, #tpu.memory_space<semaphore_mem>>) src(%dma_wait3A_155 : memref<64x144xf32, #tpu.memory_space<vmem_shared>>) dst(%dma_wait3A_153 : memref<64x144xf32, #tpu.memory_space<hbm>>)
      tpu.yield
    }) : () -> ()
    %mul3A_126 = arith.constant 626 : i32
    %mul3A_127 = arith.muli %arg1, %mul3A_126 : i32
    %add3A_128 = arith.constant 320 : i32
    %add3A_129 = arith.addi %mul3A_127, %add3A_128 : i32
    "tpu.region"() ({
      %run_scoped3A = tpu.sem_alloc : memref<!tpu.dma_semaphore, #tpu.memory_space<semaphore_mem>>
      %dma_start3A_146 = arith.constant 0 : i32
      %dma_start3A_147 = tpu.memref_slice %arg5[%arg0, %add3A_129, %dma_start3A_146] : memref<2x10016x144xf32, #tpu.memory_space<hbm>> -> memref<1x64x144xf32, #tpu.memory_space<hbm>>
      %dma_start3A_148 = tpu.memref_squeeze %dma_start3A_147 : memref<1x64x144xf32, #tpu.memory_space<hbm>> -> memref<64x144xf32, #tpu.memory_space<hbm>>
      %dma_start3A_149 = arith.constant 0 : i32
      %dma_start3A_150 = tpu.memref_slice %arg20[%add3A_129, %dma_start3A_149] : memref<10016x144xf32, #tpu.memory_space<vmem_shared>> -> memref<64x144xf32, #tpu.memory_space<vmem_shared>>
      tpu.enqueue_dma source(%dma_start3A_150 : memref<64x144xf32, #tpu.memory_space<vmem_shared>>) target(%dma_start3A_148 : memref<64x144xf32, #tpu.memory_space<hbm>>) target_semaphore(%run_scoped3A : memref<!tpu.dma_semaphore, #tpu.memory_space<semaphore_mem>>)
      %dma_wait3A_151 = arith.constant 0 : i32
      %dma_wait3A_152 = tpu.memref_slice %arg5[%arg0, %add3A_129, %dma_wait3A_151] : memref<2x10016x144xf32, #tpu.memory_space<hbm>> -> memref<1x64x144xf32, #tpu.memory_space<hbm>>
      %dma_wait3A_153 = tpu.memref_squeeze %dma_wait3A_152 : memref<1x64x144xf32, #tpu.memory_space<hbm>> -> memref<64x144xf32, #tpu.memory_space<hbm>>
      %dma_wait3A_154 = arith.constant 0 : i32
      %dma_wait3A_155 = tpu.memref_slice %arg20[%add3A_129, %dma_wait3A_154] : memref<10016x144xf32, #tpu.memory_space<vmem_shared>> -> memref<64x144xf32, #tpu.memory_space<vmem_shared>>
      tpu.wait_dma2 semaphore(%run_scoped3A : memref<!tpu.dma_semaphore, #tpu.memory_space<semaphore_mem>>) src(%dma_wait3A_155 : memref<64x144xf32, #tpu.memory_space<vmem_shared>>) dst(%dma_wait3A_153 : memref<64x144xf32, #tpu.memory_space<hbm>>)
      tpu.yield
    }) : () -> ()
    %mul3A_130 = arith.constant 626 : i32
    %mul3A_131 = arith.muli %arg1, %mul3A_130 : i32
    %add3A_132 = arith.constant 384 : i32
    %add3A_133 = arith.addi %mul3A_131, %add3A_132 : i32
    "tpu.region"() ({
      %run_scoped3A = tpu.sem_alloc : memref<!tpu.dma_semaphore, #tpu.memory_space<semaphore_mem>>
      %dma_start3A_146 = arith.constant 0 : i32
      %dma_start3A_147 = tpu.memref_slice %arg5[%arg0, %add3A_133, %dma_start3A_146] : memref<2x10016x144xf32, #tpu.memory_space<hbm>> -> memref<1x64x144xf32, #tpu.memory_space<hbm>>
      %dma_start3A_148 = tpu.memref_squeeze %dma_start3A_147 : memref<1x64x144xf32, #tpu.memory_space<hbm>> -> memref<64x144xf32, #tpu.memory_space<hbm>>
      %dma_start3A_149 = arith.constant 0 : i32
      %dma_start3A_150 = tpu.memref_slice %arg20[%add3A_133, %dma_start3A_149] : memref<10016x144xf32, #tpu.memory_space<vmem_shared>> -> memref<64x144xf32, #tpu.memory_space<vmem_shared>>
      tpu.enqueue_dma source(%dma_start3A_150 : memref<64x144xf32, #tpu.memory_space<vmem_shared>>) target(%dma_start3A_148 : memref<64x144xf32, #tpu.memory_space<hbm>>) target_semaphore(%run_scoped3A : memref<!tpu.dma_semaphore, #tpu.memory_space<semaphore_mem>>)
      %dma_wait3A_151 = arith.constant 0 : i32
      %dma_wait3A_152 = tpu.memref_slice %arg5[%arg0, %add3A_133, %dma_wait3A_151] : memref<2x10016x144xf32, #tpu.memory_space<hbm>> -> memref<1x64x144xf32, #tpu.memory_space<hbm>>
      %dma_wait3A_153 = tpu.memref_squeeze %dma_wait3A_152 : memref<1x64x144xf32, #tpu.memory_space<hbm>> -> memref<64x144xf32, #tpu.memory_space<hbm>>
      %dma_wait3A_154 = arith.constant 0 : i32
      %dma_wait3A_155 = tpu.memref_slice %arg20[%add3A_133, %dma_wait3A_154] : memref<10016x144xf32, #tpu.memory_space<vmem_shared>> -> memref<64x144xf32, #tpu.memory_space<vmem_shared>>
      tpu.wait_dma2 semaphore(%run_scoped3A : memref<!tpu.dma_semaphore, #tpu.memory_space<semaphore_mem>>) src(%dma_wait3A_155 : memref<64x144xf32, #tpu.memory_space<vmem_shared>>) dst(%dma_wait3A_153 : memref<64x144xf32, #tpu.memory_space<hbm>>)
      tpu.yield
    }) : () -> ()
    %mul3A_134 = arith.constant 626 : i32
    %mul3A_135 = arith.muli %arg1, %mul3A_134 : i32
    %add3A_136 = arith.constant 448 : i32
    %add3A_137 = arith.addi %mul3A_135, %add3A_136 : i32
    "tpu.region"() ({
      %run_scoped3A = tpu.sem_alloc : memref<!tpu.dma_semaphore, #tpu.memory_space<semaphore_mem>>
      %dma_start3A_146 = arith.constant 0 : i32
      %dma_start3A_147 = tpu.memref_slice %arg5[%arg0, %add3A_137, %dma_start3A_146] : memref<2x10016x144xf32, #tpu.memory_space<hbm>> -> memref<1x64x144xf32, #tpu.memory_space<hbm>>
      %dma_start3A_148 = tpu.memref_squeeze %dma_start3A_147 : memref<1x64x144xf32, #tpu.memory_space<hbm>> -> memref<64x144xf32, #tpu.memory_space<hbm>>
      %dma_start3A_149 = arith.constant 0 : i32
      %dma_start3A_150 = tpu.memref_slice %arg20[%add3A_137, %dma_start3A_149] : memref<10016x144xf32, #tpu.memory_space<vmem_shared>> -> memref<64x144xf32, #tpu.memory_space<vmem_shared>>
      tpu.enqueue_dma source(%dma_start3A_150 : memref<64x144xf32, #tpu.memory_space<vmem_shared>>) target(%dma_start3A_148 : memref<64x144xf32, #tpu.memory_space<hbm>>) target_semaphore(%run_scoped3A : memref<!tpu.dma_semaphore, #tpu.memory_space<semaphore_mem>>)
      %dma_wait3A_151 = arith.constant 0 : i32
      %dma_wait3A_152 = tpu.memref_slice %arg5[%arg0, %add3A_137, %dma_wait3A_151] : memref<2x10016x144xf32, #tpu.memory_space<hbm>> -> memref<1x64x144xf32, #tpu.memory_space<hbm>>
      %dma_wait3A_153 = tpu.memref_squeeze %dma_wait3A_152 : memref<1x64x144xf32, #tpu.memory_space<hbm>> -> memref<64x144xf32, #tpu.memory_space<hbm>>
      %dma_wait3A_154 = arith.constant 0 : i32
      %dma_wait3A_155 = tpu.memref_slice %arg20[%add3A_137, %dma_wait3A_154] : memref<10016x144xf32, #tpu.memory_space<vmem_shared>> -> memref<64x144xf32, #tpu.memory_space<vmem_shared>>
      tpu.wait_dma2 semaphore(%run_scoped3A : memref<!tpu.dma_semaphore, #tpu.memory_space<semaphore_mem>>) src(%dma_wait3A_155 : memref<64x144xf32, #tpu.memory_space<vmem_shared>>) dst(%dma_wait3A_153 : memref<64x144xf32, #tpu.memory_space<hbm>>)
      tpu.yield
    }) : () -> ()
    %mul3A_138 = arith.constant 626 : i32
    %mul3A_139 = arith.muli %arg1, %mul3A_138 : i32
    %add3A_140 = arith.constant 512 : i32
    %add3A_141 = arith.addi %mul3A_139, %add3A_140 : i32
    "tpu.region"() ({
      %run_scoped3A = tpu.sem_alloc : memref<!tpu.dma_semaphore, #tpu.memory_space<semaphore_mem>>
      %dma_start3A_146 = arith.constant 0 : i32
      %dma_start3A_147 = tpu.memref_slice %arg5[%arg0, %add3A_141, %dma_start3A_146] : memref<2x10016x144xf32, #tpu.memory_space<hbm>> -> memref<1x64x144xf32, #tpu.memory_space<hbm>>
      %dma_start3A_148 = tpu.memref_squeeze %dma_start3A_147 : memref<1x64x144xf32, #tpu.memory_space<hbm>> -> memref<64x144xf32, #tpu.memory_space<hbm>>
      %dma_start3A_149 = arith.constant 0 : i32
      %dma_start3A_150 = tpu.memref_slice %arg20[%add3A_141, %dma_start3A_149] : memref<10016x144xf32, #tpu.memory_space<vmem_shared>> -> memref<64x144xf32, #tpu.memory_space<vmem_shared>>
      tpu.enqueue_dma source(%dma_start3A_150 : memref<64x144xf32, #tpu.memory_space<vmem_shared>>) target(%dma_start3A_148 : memref<64x144xf32, #tpu.memory_space<hbm>>) target_semaphore(%run_scoped3A : memref<!tpu.dma_semaphore, #tpu.memory_space<semaphore_mem>>)
      %dma_wait3A_151 = arith.constant 0 : i32
      %dma_wait3A_152 = tpu.memref_slice %arg5[%arg0, %add3A_141, %dma_wait3A_151] : memref<2x10016x144xf32, #tpu.memory_space<hbm>> -> memref<1x64x144xf32, #tpu.memory_space<hbm>>
      %dma_wait3A_153 = tpu.memref_squeeze %dma_wait3A_152 : memref<1x64x144xf32, #tpu.memory_space<hbm>> -> memref<64x144xf32, #tpu.memory_space<hbm>>
      %dma_wait3A_154 = arith.constant 0 : i32
      %dma_wait3A_155 = tpu.memref_slice %arg20[%add3A_141, %dma_wait3A_154] : memref<10016x144xf32, #tpu.memory_space<vmem_shared>> -> memref<64x144xf32, #tpu.memory_space<vmem_shared>>
      tpu.wait_dma2 semaphore(%run_scoped3A : memref<!tpu.dma_semaphore, #tpu.memory_space<semaphore_mem>>) src(%dma_wait3A_155 : memref<64x144xf32, #tpu.memory_space<vmem_shared>>) dst(%dma_wait3A_153 : memref<64x144xf32, #tpu.memory_space<hbm>>)
      tpu.yield
    }) : () -> ()
    %mul3A_142 = arith.constant 626 : i32
    %mul3A_143 = arith.muli %arg1, %mul3A_142 : i32
    %add3A_144 = arith.constant 576 : i32
    %add3A_145 = arith.addi %mul3A_143, %add3A_144 : i32
    "tpu.region"() ({
      %run_scoped3A = tpu.sem_alloc : memref<!tpu.dma_semaphore, #tpu.memory_space<semaphore_mem>>
      %dma_start3A_146 = arith.constant 0 : i32
      %dma_start3A_147 = tpu.memref_slice %arg5[%arg0, %add3A_145, %dma_start3A_146] : memref<2x10016x144xf32, #tpu.memory_space<hbm>> -> memref<1x50x144xf32, #tpu.memory_space<hbm>>
      %dma_start3A_148 = tpu.memref_squeeze %dma_start3A_147 : memref<1x50x144xf32, #tpu.memory_space<hbm>> -> memref<50x144xf32, #tpu.memory_space<hbm>>
      %dma_start3A_149 = arith.constant 0 : i32
      %dma_start3A_150 = tpu.memref_slice %arg20[%add3A_145, %dma_start3A_149] : memref<10016x144xf32, #tpu.memory_space<vmem_shared>> -> memref<50x144xf32, #tpu.memory_space<vmem_shared>>
      tpu.enqueue_dma source(%dma_start3A_150 : memref<50x144xf32, #tpu.memory_space<vmem_shared>>) target(%dma_start3A_148 : memref<50x144xf32, #tpu.memory_space<hbm>>) target_semaphore(%run_scoped3A : memref<!tpu.dma_semaphore, #tpu.memory_space<semaphore_mem>>)
      %dma_wait3A_151 = arith.constant 0 : i32
      %dma_wait3A_152 = tpu.memref_slice %arg5[%arg0, %add3A_145, %dma_wait3A_151] : memref<2x10016x144xf32, #tpu.memory_space<hbm>> -> memref<1x50x144xf32, #tpu.memory_space<hbm>>
      %dma_wait3A_153 = tpu.memref_squeeze %dma_wait3A_152 : memref<1x50x144xf32, #tpu.memory_space<hbm>> -> memref<50x144xf32, #tpu.memory_space<hbm>>
      %dma_wait3A_154 = arith.constant 0 : i32
      %dma_wait3A_155 = tpu.memref_slice %arg20[%add3A_145, %dma_wait3A_154] : memref<10016x144xf32, #tpu.memory_space<vmem_shared>> -> memref<50x144xf32, #tpu.memory_space<vmem_shared>>
      tpu.wait_dma2 semaphore(%run_scoped3A : memref<!tpu.dma_semaphore, #tpu.memory_space<semaphore_mem>>) src(%dma_wait3A_155 : memref<50x144xf32, #tpu.memory_space<vmem_shared>>) dst(%dma_wait3A_153 : memref<50x144xf32, #tpu.memory_space<hbm>>)
      tpu.yield
    }) : () -> ()
    return
  }
}

#map = affine_map<(d0, d1) -> (0, 0)>
#map1 = affine_map<(d0, d1) -> (0, 0, 0)>
module attributes {stable_mosaic.version = 14 : i64} {
  func.func @sc2(%arg0: i32, %arg1: i32, %arg2: memref<5184x128xi32, #tpu.memory_space<hbm>>, %arg3: memref<10016x32xf32, #tpu.memory_space<hbm>>, %arg4: memref<10016x8xf32, #tpu.memory_space<hbm>>, %arg5: memref<2x10016x32xf32, #tpu.memory_space<hbm>>, %arg6: memref<128xi32, #tpu.memory_space<vmem>>, %arg7: memref<128xi32, #tpu.memory_space<vmem>>, %arg8: memref<64xi32, #tpu.memory_space<vmem>>, %arg9: memref<64xi32, #tpu.memory_space<vmem>>, %arg10: memref<64xi32, #tpu.memory_space<vmem>>, %arg11: memref<64xi32, #tpu.memory_space<vmem>>, %arg12: memref<64xi32, #tpu.memory_space<vmem>>, %arg13: memref<64xi32, #tpu.memory_space<vmem>>, %arg14: memref<64x32xf32, #tpu.memory_space<vmem>>, %arg15: memref<64x32xf32, #tpu.memory_space<vmem>>, %arg16: memref<64x8xf32, #tpu.memory_space<vmem>>, %arg17: memref<64x8xf32, #tpu.memory_space<vmem>>, %arg18: memref<64x32xf32, #tpu.memory_space<vmem>>, %arg19: memref<64x32xf32, #tpu.memory_space<vmem>>, %arg20: memref<10016x32xf32, #tpu.memory_space<vmem_shared>>, %arg21: memref<!tpu.dma_semaphore, #tpu.memory_space<semaphore_mem>>, %arg22: memref<!tpu.dma_semaphore, #tpu.memory_space<semaphore_mem>>, %arg23: memref<!tpu.dma_semaphore, #tpu.memory_space<semaphore_mem>>, %arg24: memref<!tpu.dma_semaphore, #tpu.memory_space<semaphore_mem>>, %arg25: memref<!tpu.dma_semaphore, #tpu.memory_space<semaphore_mem>>, %arg26: memref<!tpu.dma_semaphore, #tpu.memory_space<semaphore_mem>>, %arg27: memref<!tpu.dma_semaphore, #tpu.memory_space<semaphore_mem>>, %arg28: memref<!tpu.dma_semaphore, #tpu.memory_space<semaphore_mem>>) attributes {dimension_semantics = [#tpu.dimension_semantics<core_parallel>, #tpu.dimension_semantics<subcore_parallel>], iteration_bounds = array<i64: 2, 16>, scalar_prefetch = 0 : i64, scratch_operands = 23 : i64, tpu.core_type = #tpu.core_type<sc_vector_subcore>, window_params = [{transform_indices = #map}, {transform_indices = #map}, {transform_indices = #map}, {transform_indices = #map1}]} {
    %mul3A = arith.constant 2 : i32
    %mul3A_0 = arith.muli %arg1, %mul3A : i32
    %add3A = arith.addi %mul3A_0, %arg0 : i32
    %mul3A_1 = arith.constant 162 : i32
    %mul3A_2 = arith.muli %add3A, %mul3A_1 : i32
    %add3A_3 = arith.constant 0 : i32
    %add3A_4 = arith.addi %mul3A_2, %add3A_3 : i32
    "tpu.region"() ({
      %run_scoped3A = tpu.sem_alloc : memref<!tpu.dma_semaphore, #tpu.memory_space<semaphore_mem>>
      %dma_start3A_150 = arith.constant 0 : i32
      %dma_start3A_151 = tpu.memref_slice %arg2[%add3A_4, %dma_start3A_150] : memref<5184x128xi32, #tpu.memory_space<hbm>> -> memref<1x128xi32, #tpu.memory_space<hbm>>
      %dma_start3A_152 = tpu.memref_squeeze %dma_start3A_151 : memref<1x128xi32, #tpu.memory_space<hbm>> -> memref<128xi32, #tpu.memory_space<hbm>>
      %dma_start3A_153 = arith.constant 0 : i32
      %dma_start3A_154 = tpu.memref_slice %arg2[%add3A_4, %dma_start3A_153] : memref<5184x128xi32, #tpu.memory_space<hbm>> -> memref<1x128xi32, #tpu.memory_space<hbm>>
      %dma_start3A_155 = tpu.memref_squeeze %dma_start3A_154 : memref<1x128xi32, #tpu.memory_space<hbm>> -> memref<128xi32, #tpu.memory_space<hbm>>
      tpu.enqueue_dma source(%dma_start3A_155 : memref<128xi32, #tpu.memory_space<hbm>>) target(%arg6 : memref<128xi32, #tpu.memory_space<vmem>>) target_semaphore(%run_scoped3A : memref<!tpu.dma_semaphore, #tpu.memory_space<semaphore_mem>>)
      %dma_wait3A_156 = arith.constant 0 : i32
      %dma_wait3A_157 = tpu.memref_slice %arg2[%add3A_4, %dma_wait3A_156] : memref<5184x128xi32, #tpu.memory_space<hbm>> -> memref<1x128xi32, #tpu.memory_space<hbm>>
      %dma_wait3A_158 = tpu.memref_squeeze %dma_wait3A_157 : memref<1x128xi32, #tpu.memory_space<hbm>> -> memref<128xi32, #tpu.memory_space<hbm>>
      %dma_wait3A_159 = arith.constant 0 : i32
      %dma_wait3A_160 = tpu.memref_slice %arg2[%add3A_4, %dma_wait3A_159] : memref<5184x128xi32, #tpu.memory_space<hbm>> -> memref<1x128xi32, #tpu.memory_space<hbm>>
      %dma_wait3A_161 = tpu.memref_squeeze %dma_wait3A_160 : memref<1x128xi32, #tpu.memory_space<hbm>> -> memref<128xi32, #tpu.memory_space<hbm>>
      tpu.wait_dma2 semaphore(%run_scoped3A : memref<!tpu.dma_semaphore, #tpu.memory_space<semaphore_mem>>) src(%dma_wait3A_161 : memref<128xi32, #tpu.memory_space<hbm>>) dst(%arg6 : memref<128xi32, #tpu.memory_space<vmem>>)
      tpu.yield
    }) : () -> ()
    %get3A = arith.constant 0 : index
    %get3A_5 = tpu.vector_load %arg6[%get3A] {strides = array<i32>} : memref<128xi32, #tpu.memory_space<vmem>>, vector<16xi32>,
    %swap3A = arith.constant 0 : index
    %swap3A_6 = tpu.vector_load %arg8[%swap3A] {strides = array<i32>} : memref<64xi32, #tpu.memory_space<vmem>>, vector<16xi32>,
    tpu.vector_store %arg8[%swap3A], %get3A_5 {strides = array<i32>} : memref<64xi32, #tpu.memory_space<vmem>>, vector<16xi32>,
    %get3A_7 = arith.constant 64 : index
    %get3A_8 = tpu.vector_load %arg6[%get3A_7] {strides = array<i32>} : memref<128xi32, #tpu.memory_space<vmem>>, vector<16xi32>,
    %swap3A_9 = arith.constant 0 : index
    %swap3A_10 = tpu.vector_load %arg10[%swap3A_9] {strides = array<i32>} : memref<64xi32, #tpu.memory_space<vmem>>, vector<16xi32>,
    tpu.vector_store %arg10[%swap3A_9], %get3A_8 {strides = array<i32>} : memref<64xi32, #tpu.memory_space<vmem>>, vector<16xi32>,
    %get3A_11 = arith.constant 16 : index
    %get3A_12 = tpu.vector_load %arg6[%get3A_11] {strides = array<i32>} : memref<128xi32, #tpu.memory_space<vmem>>, vector<16xi32>,
    %swap3A_13 = arith.constant 16 : index
    %swap3A_14 = tpu.vector_load %arg8[%swap3A_13] {strides = array<i32>} : memref<64xi32, #tpu.memory_space<vmem>>, vector<16xi32>,
    tpu.vector_store %arg8[%swap3A_13], %get3A_12 {strides = array<i32>} : memref<64xi32, #tpu.memory_space<vmem>>, vector<16xi32>,
    %get3A_15 = arith.constant 80 : index
    %get3A_16 = tpu.vector_load %arg6[%get3A_15] {strides = array<i32>} : memref<128xi32, #tpu.memory_space<vmem>>, vector<16xi32>,
    %swap3A_17 = arith.constant 16 : index
    %swap3A_18 = tpu.vector_load %arg10[%swap3A_17] {strides = array<i32>} : memref<64xi32, #tpu.memory_space<vmem>>, vector<16xi32>,
    tpu.vector_store %arg10[%swap3A_17], %get3A_16 {strides = array<i32>} : memref<64xi32, #tpu.memory_space<vmem>>, vector<16xi32>,
    %get3A_19 = arith.constant 32 : index
    %get3A_20 = tpu.vector_load %arg6[%get3A_19] {strides = array<i32>} : memref<128xi32, #tpu.memory_space<vmem>>, vector<16xi32>,
    %swap3A_21 = arith.constant 32 : index
    %swap3A_22 = tpu.vector_load %arg8[%swap3A_21] {strides = array<i32>} : memref<64xi32, #tpu.memory_space<vmem>>, vector<16xi32>,
    tpu.vector_store %arg8[%swap3A_21], %get3A_20 {strides = array<i32>} : memref<64xi32, #tpu.memory_space<vmem>>, vector<16xi32>,
    %get3A_23 = arith.constant 96 : index
    %get3A_24 = tpu.vector_load %arg6[%get3A_23] {strides = array<i32>} : memref<128xi32, #tpu.memory_space<vmem>>, vector<16xi32>,
    %swap3A_25 = arith.constant 32 : index
    %swap3A_26 = tpu.vector_load %arg10[%swap3A_25] {strides = array<i32>} : memref<64xi32, #tpu.memory_space<vmem>>, vector<16xi32>,
    tpu.vector_store %arg10[%swap3A_25], %get3A_24 {strides = array<i32>} : memref<64xi32, #tpu.memory_space<vmem>>, vector<16xi32>,
    %get3A_27 = arith.constant 48 : index
    %get3A_28 = tpu.vector_load %arg6[%get3A_27] {strides = array<i32>} : memref<128xi32, #tpu.memory_space<vmem>>, vector<16xi32>,
    %swap3A_29 = arith.constant 48 : index
    %swap3A_30 = tpu.vector_load %arg8[%swap3A_29] {strides = array<i32>} : memref<64xi32, #tpu.memory_space<vmem>>, vector<16xi32>,
    tpu.vector_store %arg8[%swap3A_29], %get3A_28 {strides = array<i32>} : memref<64xi32, #tpu.memory_space<vmem>>, vector<16xi32>,
    %get3A_31 = arith.constant 112 : index
    %get3A_32 = tpu.vector_load %arg6[%get3A_31] {strides = array<i32>} : memref<128xi32, #tpu.memory_space<vmem>>, vector<16xi32>,
    %swap3A_33 = arith.constant 48 : index
    %swap3A_34 = tpu.vector_load %arg10[%swap3A_33] {strides = array<i32>} : memref<64xi32, #tpu.memory_space<vmem>>, vector<16xi32>,
    tpu.vector_store %arg10[%swap3A_33], %get3A_32 {strides = array<i32>} : memref<64xi32, #tpu.memory_space<vmem>>, vector<16xi32>,
    %dma_start3A = arith.constant 0 : i32
    %dma_start3A_35 = arith.constant 0 : i32
    %dma_start3A_36 = tpu.memref_slice %arg3[%dma_start3A, %dma_start3A_35] : memref<10016x32xf32, #tpu.memory_space<hbm>> -> memref<10016x32xf32, #tpu.memory_space<hbm>>
    tpu.enqueue_indirect_dma source(%dma_start3A_36 : memref<10016x32xf32, #tpu.memory_space<hbm>>) target(%arg14 : memref<64x32xf32, #tpu.memory_space<vmem>>) offsets(%arg8 : memref<64xi32, #tpu.memory_space<vmem>>) semaphore(%arg23 : memref<!tpu.dma_semaphore, #tpu.memory_space<semaphore_mem>>)
    %dma_start3A_37 = arith.constant 0 : i32
    %dma_start3A_38 = arith.constant 0 : i32
    %dma_start3A_39 = tpu.memref_slice %arg4[%dma_start3A_37, %dma_start3A_38] : memref<10016x8xf32, #tpu.memory_space<hbm>> -> memref<10016x8xf32, #tpu.memory_space<hbm>>
    tpu.enqueue_indirect_dma source(%dma_start3A_39 : memref<10016x8xf32, #tpu.memory_space<hbm>>) target(%arg16 : memref<64x8xf32, #tpu.memory_space<vmem>>) offsets(%arg10 : memref<64xi32, #tpu.memory_space<vmem>>) semaphore(%arg25 : memref<!tpu.dma_semaphore, #tpu.memory_space<semaphore_mem>>)
    %add3A_40 = arith.constant 1 : i32
    %add3A_41 = arith.addi %mul3A_2, %add3A_40 : i32
    %dma_start3A_42 = arith.constant 0 : i32
    %dma_start3A_43 = tpu.memref_slice %arg2[%add3A_41, %dma_start3A_42] : memref<5184x128xi32, #tpu.memory_space<hbm>> -> memref<1x128xi32, #tpu.memory_space<hbm>>
    %dma_start3A_44 = tpu.memref_squeeze %dma_start3A_43 : memref<1x128xi32, #tpu.memory_space<hbm>> -> memref<128xi32, #tpu.memory_space<hbm>>
    %dma_start3A_45 = arith.constant 0 : i32
    %dma_start3A_46 = tpu.memref_slice %arg2[%add3A_41, %dma_start3A_45] : memref<5184x128xi32, #tpu.memory_space<hbm>> -> memref<1x128xi32, #tpu.memory_space<hbm>>
    %dma_start3A_47 = tpu.memref_squeeze %dma_start3A_46 : memref<1x128xi32, #tpu.memory_space<hbm>> -> memref<128xi32, #tpu.memory_space<hbm>>
    tpu.enqueue_dma source(%dma_start3A_47 : memref<128xi32, #tpu.memory_space<hbm>>) target(%arg7 : memref<128xi32, #tpu.memory_space<vmem>>) target_semaphore(%arg22 : memref<!tpu.dma_semaphore, #tpu.memory_space<semaphore_mem>>)
    %broadcast_in_dim3A = arith.constant 0.000000e+00 : f32
    %broadcast_in_dim3A_48 = vector.broadcast %broadcast_in_dim3A : f32 to vector<16xf32>
    %scan3A = arith.constant 0 : i32
    %scan3A_49 = arith.constant 0 : i32
    %scan3A_50 = arith.constant 64 : i32
    %scan3A_51 = arith.addi %scan3A_49, %scan3A_50 : i32
    %scan3A_52 = arith.constant 1 : i32
    scf.for %scan3A_150 = %scan3A_49 to %scan3A_51 step %scan3A_52  : i32 {
      %swap3A_151 = arith.index_cast %scan3A_150 : i32 to index
      %swap3A_152 = arith.constant 0 : index
      %swap3A_153 = tpu.vector_load %arg18[%swap3A_151, %swap3A_152] {strides = array<i32>} : memref<64x32xf32, #tpu.memory_space<vmem>>, vector<16xf32>,
      tpu.vector_store %arg18[%swap3A_151, %swap3A_152], %broadcast_in_dim3A_48 {strides = array<i32>} : memref<64x32xf32, #tpu.memory_space<vmem>>, vector<16xf32>,
      %swap3A_154 = arith.index_cast %scan3A_150 : i32 to index
      %swap3A_155 = arith.constant 16 : index
      %swap3A_156 = tpu.vector_load %arg18[%swap3A_154, %swap3A_155] {strides = array<i32>} : memref<64x32xf32, #tpu.memory_space<vmem>>, vector<16xf32>,
      tpu.vector_store %arg18[%swap3A_154, %swap3A_155], %broadcast_in_dim3A_48 {strides = array<i32>} : memref<64x32xf32, #tpu.memory_space<vmem>>, vector<16xf32>,
    }
    %scan3A_53 = arith.constant 64 : i32
    %mul3A_54 = arith.constant 626 : i32
    %mul3A_55 = arith.muli %arg1, %mul3A_54 : i32
    %add3A_56 = arith.constant 0 : i32
    %add3A_57 = arith.addi %mul3A_55, %add3A_56 : i32
    "tpu.region"() ({
      %run_scoped3A = tpu.sem_alloc : memref<!tpu.dma_semaphore, #tpu.memory_space<semaphore_mem>>
      %dma_start3A_150 = arith.constant 0 : i32
      %dma_start3A_151 = arith.constant 0 : i32
      %dma_start3A_152 = tpu.memref_slice %arg18[%dma_start3A_150, %dma_start3A_151] : memref<64x32xf32, #tpu.memory_space<vmem>> -> memref<64x32xf32, #tpu.memory_space<vmem>>
      %dma_start3A_153 = arith.constant 0 : i32
      %dma_start3A_154 = tpu.memref_slice %arg20[%add3A_57, %dma_start3A_153] : memref<10016x32xf32, #tpu.memory_space<vmem_shared>> -> memref<64x32xf32, #tpu.memory_space<vmem_shared>>
      %dma_start3A_155 = arith.constant 0 : i32
      %dma_start3A_156 = tpu.memref_slice %arg20[%add3A_57, %dma_start3A_155] : memref<10016x32xf32, #tpu.memory_space<vmem_shared>> -> memref<64x32xf32, #tpu.memory_space<vmem_shared>>
      %dma_start3A_157 = arith.constant 0 : i32
      %dma_start3A_158 = arith.constant 0 : i32
      %dma_start3A_159 = tpu.memref_slice %arg18[%dma_start3A_157, %dma_start3A_158] : memref<64x32xf32, #tpu.memory_space<vmem>> -> memref<64x32xf32, #tpu.memory_space<vmem>>
      tpu.enqueue_dma source(%dma_start3A_159 : memref<64x32xf32, #tpu.memory_space<vmem>>) target(%dma_start3A_156 : memref<64x32xf32, #tpu.memory_space<vmem_shared>>) target_semaphore(%run_scoped3A : memref<!tpu.dma_semaphore, #tpu.memory_space<semaphore_mem>>)
      %dma_wait3A_160 = arith.constant 0 : i32
      %dma_wait3A_161 = arith.constant 0 : i32
      %dma_wait3A_162 = tpu.memref_slice %arg18[%dma_wait3A_160, %dma_wait3A_161] : memref<64x32xf32, #tpu.memory_space<vmem>> -> memref<64x32xf32, #tpu.memory_space<vmem>>
      %dma_wait3A_163 = arith.constant 0 : i32
      %dma_wait3A_164 = tpu.memref_slice %arg20[%add3A_57, %dma_wait3A_163] : memref<10016x32xf32, #tpu.memory_space<vmem_shared>> -> memref<64x32xf32, #tpu.memory_space<vmem_shared>>
      %dma_wait3A_165 = arith.constant 0 : i32
      %dma_wait3A_166 = tpu.memref_slice %arg20[%add3A_57, %dma_wait3A_165] : memref<10016x32xf32, #tpu.memory_space<vmem_shared>> -> memref<64x32xf32, #tpu.memory_space<vmem_shared>>
      %dma_wait3A_167 = arith.constant 0 : i32
      %dma_wait3A_168 = arith.constant 0 : i32
      %dma_wait3A_169 = tpu.memref_slice %arg18[%dma_wait3A_167, %dma_wait3A_168] : memref<64x32xf32, #tpu.memory_space<vmem>> -> memref<64x32xf32, #tpu.memory_space<vmem>>
      tpu.wait_dma2 semaphore(%run_scoped3A : memref<!tpu.dma_semaphore, #tpu.memory_space<semaphore_mem>>) src(%dma_wait3A_169 : memref<64x32xf32, #tpu.memory_space<vmem>>) dst(%dma_wait3A_166 : memref<64x32xf32, #tpu.memory_space<vmem_shared>>)
      tpu.yield
    }) : () -> ()
    %mul3A_58 = arith.constant 626 : i32
    %mul3A_59 = arith.muli %arg1, %mul3A_58 : i32
    %add3A_60 = arith.constant 64 : i32
    %add3A_61 = arith.addi %mul3A_59, %add3A_60 : i32
    "tpu.region"() ({
      %run_scoped3A = tpu.sem_alloc : memref<!tpu.dma_semaphore, #tpu.memory_space<semaphore_mem>>
      %dma_start3A_150 = arith.constant 0 : i32
      %dma_start3A_151 = arith.constant 0 : i32
      %dma_start3A_152 = tpu.memref_slice %arg18[%dma_start3A_150, %dma_start3A_151] : memref<64x32xf32, #tpu.memory_space<vmem>> -> memref<64x32xf32, #tpu.memory_space<vmem>>
      %dma_start3A_153 = arith.constant 0 : i32
      %dma_start3A_154 = tpu.memref_slice %arg20[%add3A_61, %dma_start3A_153] : memref<10016x32xf32, #tpu.memory_space<vmem_shared>> -> memref<64x32xf32, #tpu.memory_space<vmem_shared>>
      %dma_start3A_155 = arith.constant 0 : i32
      %dma_start3A_156 = tpu.memref_slice %arg20[%add3A_61, %dma_start3A_155] : memref<10016x32xf32, #tpu.memory_space<vmem_shared>> -> memref<64x32xf32, #tpu.memory_space<vmem_shared>>
      %dma_start3A_157 = arith.constant 0 : i32
      %dma_start3A_158 = arith.constant 0 : i32
      %dma_start3A_159 = tpu.memref_slice %arg18[%dma_start3A_157, %dma_start3A_158] : memref<64x32xf32, #tpu.memory_space<vmem>> -> memref<64x32xf32, #tpu.memory_space<vmem>>
      tpu.enqueue_dma source(%dma_start3A_159 : memref<64x32xf32, #tpu.memory_space<vmem>>) target(%dma_start3A_156 : memref<64x32xf32, #tpu.memory_space<vmem_shared>>) target_semaphore(%run_scoped3A : memref<!tpu.dma_semaphore, #tpu.memory_space<semaphore_mem>>)
      %dma_wait3A_160 = arith.constant 0 : i32
      %dma_wait3A_161 = arith.constant 0 : i32
      %dma_wait3A_162 = tpu.memref_slice %arg18[%dma_wait3A_160, %dma_wait3A_161] : memref<64x32xf32, #tpu.memory_space<vmem>> -> memref<64x32xf32, #tpu.memory_space<vmem>>
      %dma_wait3A_163 = arith.constant 0 : i32
      %dma_wait3A_164 = tpu.memref_slice %arg20[%add3A_61, %dma_wait3A_163] : memref<10016x32xf32, #tpu.memory_space<vmem_shared>> -> memref<64x32xf32, #tpu.memory_space<vmem_shared>>
      %dma_wait3A_165 = arith.constant 0 : i32
      %dma_wait3A_166 = tpu.memref_slice %arg20[%add3A_61, %dma_wait3A_165] : memref<10016x32xf32, #tpu.memory_space<vmem_shared>> -> memref<64x32xf32, #tpu.memory_space<vmem_shared>>
      %dma_wait3A_167 = arith.constant 0 : i32
      %dma_wait3A_168 = arith.constant 0 : i32
      %dma_wait3A_169 = tpu.memref_slice %arg18[%dma_wait3A_167, %dma_wait3A_168] : memref<64x32xf32, #tpu.memory_space<vmem>> -> memref<64x32xf32, #tpu.memory_space<vmem>>
      tpu.wait_dma2 semaphore(%run_scoped3A : memref<!tpu.dma_semaphore, #tpu.memory_space<semaphore_mem>>) src(%dma_wait3A_169 : memref<64x32xf32, #tpu.memory_space<vmem>>) dst(%dma_wait3A_166 : memref<64x32xf32, #tpu.memory_space<vmem_shared>>)
      tpu.yield
    }) : () -> ()
    %mul3A_62 = arith.constant 626 : i32
    %mul3A_63 = arith.muli %arg1, %mul3A_62 : i32
    %add3A_64 = arith.constant 128 : i32
    %add3A_65 = arith.addi %mul3A_63, %add3A_64 : i32
    "tpu.region"() ({
      %run_scoped3A = tpu.sem_alloc : memref<!tpu.dma_semaphore, #tpu.memory_space<semaphore_mem>>
      %dma_start3A_150 = arith.constant 0 : i32
      %dma_start3A_151 = arith.constant 0 : i32
      %dma_start3A_152 = tpu.memref_slice %arg18[%dma_start3A_150, %dma_start3A_151] : memref<64x32xf32, #tpu.memory_space<vmem>> -> memref<64x32xf32, #tpu.memory_space<vmem>>
      %dma_start3A_153 = arith.constant 0 : i32
      %dma_start3A_154 = tpu.memref_slice %arg20[%add3A_65, %dma_start3A_153] : memref<10016x32xf32, #tpu.memory_space<vmem_shared>> -> memref<64x32xf32, #tpu.memory_space<vmem_shared>>
      %dma_start3A_155 = arith.constant 0 : i32
      %dma_start3A_156 = tpu.memref_slice %arg20[%add3A_65, %dma_start3A_155] : memref<10016x32xf32, #tpu.memory_space<vmem_shared>> -> memref<64x32xf32, #tpu.memory_space<vmem_shared>>
      %dma_start3A_157 = arith.constant 0 : i32
      %dma_start3A_158 = arith.constant 0 : i32
      %dma_start3A_159 = tpu.memref_slice %arg18[%dma_start3A_157, %dma_start3A_158] : memref<64x32xf32, #tpu.memory_space<vmem>> -> memref<64x32xf32, #tpu.memory_space<vmem>>
      tpu.enqueue_dma source(%dma_start3A_159 : memref<64x32xf32, #tpu.memory_space<vmem>>) target(%dma_start3A_156 : memref<64x32xf32, #tpu.memory_space<vmem_shared>>) target_semaphore(%run_scoped3A : memref<!tpu.dma_semaphore, #tpu.memory_space<semaphore_mem>>)
      %dma_wait3A_160 = arith.constant 0 : i32
      %dma_wait3A_161 = arith.constant 0 : i32
      %dma_wait3A_162 = tpu.memref_slice %arg18[%dma_wait3A_160, %dma_wait3A_161] : memref<64x32xf32, #tpu.memory_space<vmem>> -> memref<64x32xf32, #tpu.memory_space<vmem>>
      %dma_wait3A_163 = arith.constant 0 : i32
      %dma_wait3A_164 = tpu.memref_slice %arg20[%add3A_65, %dma_wait3A_163] : memref<10016x32xf32, #tpu.memory_space<vmem_shared>> -> memref<64x32xf32, #tpu.memory_space<vmem_shared>>
      %dma_wait3A_165 = arith.constant 0 : i32
      %dma_wait3A_166 = tpu.memref_slice %arg20[%add3A_65, %dma_wait3A_165] : memref<10016x32xf32, #tpu.memory_space<vmem_shared>> -> memref<64x32xf32, #tpu.memory_space<vmem_shared>>
      %dma_wait3A_167 = arith.constant 0 : i32
      %dma_wait3A_168 = arith.constant 0 : i32
      %dma_wait3A_169 = tpu.memref_slice %arg18[%dma_wait3A_167, %dma_wait3A_168] : memref<64x32xf32, #tpu.memory_space<vmem>> -> memref<64x32xf32, #tpu.memory_space<vmem>>
      tpu.wait_dma2 semaphore(%run_scoped3A : memref<!tpu.dma_semaphore, #tpu.memory_space<semaphore_mem>>) src(%dma_wait3A_169 : memref<64x32xf32, #tpu.memory_space<vmem>>) dst(%dma_wait3A_166 : memref<64x32xf32, #tpu.memory_space<vmem_shared>>)
      tpu.yield
    }) : () -> ()
    %mul3A_66 = arith.constant 626 : i32
    %mul3A_67 = arith.muli %arg1, %mul3A_66 : i32
    %add3A_68 = arith.constant 192 : i32
    %add3A_69 = arith.addi %mul3A_67, %add3A_68 : i32
    "tpu.region"() ({
      %run_scoped3A = tpu.sem_alloc : memref<!tpu.dma_semaphore, #tpu.memory_space<semaphore_mem>>
      %dma_start3A_150 = arith.constant 0 : i32
      %dma_start3A_151 = arith.constant 0 : i32
      %dma_start3A_152 = tpu.memref_slice %arg18[%dma_start3A_150, %dma_start3A_151] : memref<64x32xf32, #tpu.memory_space<vmem>> -> memref<64x32xf32, #tpu.memory_space<vmem>>
      %dma_start3A_153 = arith.constant 0 : i32
      %dma_start3A_154 = tpu.memref_slice %arg20[%add3A_69, %dma_start3A_153] : memref<10016x32xf32, #tpu.memory_space<vmem_shared>> -> memref<64x32xf32, #tpu.memory_space<vmem_shared>>
      %dma_start3A_155 = arith.constant 0 : i32
      %dma_start3A_156 = tpu.memref_slice %arg20[%add3A_69, %dma_start3A_155] : memref<10016x32xf32, #tpu.memory_space<vmem_shared>> -> memref<64x32xf32, #tpu.memory_space<vmem_shared>>
      %dma_start3A_157 = arith.constant 0 : i32
      %dma_start3A_158 = arith.constant 0 : i32
      %dma_start3A_159 = tpu.memref_slice %arg18[%dma_start3A_157, %dma_start3A_158] : memref<64x32xf32, #tpu.memory_space<vmem>> -> memref<64x32xf32, #tpu.memory_space<vmem>>
      tpu.enqueue_dma source(%dma_start3A_159 : memref<64x32xf32, #tpu.memory_space<vmem>>) target(%dma_start3A_156 : memref<64x32xf32, #tpu.memory_space<vmem_shared>>) target_semaphore(%run_scoped3A : memref<!tpu.dma_semaphore, #tpu.memory_space<semaphore_mem>>)
      %dma_wait3A_160 = arith.constant 0 : i32
      %dma_wait3A_161 = arith.constant 0 : i32
      %dma_wait3A_162 = tpu.memref_slice %arg18[%dma_wait3A_160, %dma_wait3A_161] : memref<64x32xf32, #tpu.memory_space<vmem>> -> memref<64x32xf32, #tpu.memory_space<vmem>>
      %dma_wait3A_163 = arith.constant 0 : i32
      %dma_wait3A_164 = tpu.memref_slice %arg20[%add3A_69, %dma_wait3A_163] : memref<10016x32xf32, #tpu.memory_space<vmem_shared>> -> memref<64x32xf32, #tpu.memory_space<vmem_shared>>
      %dma_wait3A_165 = arith.constant 0 : i32
      %dma_wait3A_166 = tpu.memref_slice %arg20[%add3A_69, %dma_wait3A_165] : memref<10016x32xf32, #tpu.memory_space<vmem_shared>> -> memref<64x32xf32, #tpu.memory_space<vmem_shared>>
      %dma_wait3A_167 = arith.constant 0 : i32
      %dma_wait3A_168 = arith.constant 0 : i32
      %dma_wait3A_169 = tpu.memref_slice %arg18[%dma_wait3A_167, %dma_wait3A_168] : memref<64x32xf32, #tpu.memory_space<vmem>> -> memref<64x32xf32, #tpu.memory_space<vmem>>
      tpu.wait_dma2 semaphore(%run_scoped3A : memref<!tpu.dma_semaphore, #tpu.memory_space<semaphore_mem>>) src(%dma_wait3A_169 : memref<64x32xf32, #tpu.memory_space<vmem>>) dst(%dma_wait3A_166 : memref<64x32xf32, #tpu.memory_space<vmem_shared>>)
      tpu.yield
    }) : () -> ()
    %mul3A_70 = arith.constant 626 : i32
    %mul3A_71 = arith.muli %arg1, %mul3A_70 : i32
    %add3A_72 = arith.constant 256 : i32
    %add3A_73 = arith.addi %mul3A_71, %add3A_72 : i32
    "tpu.region"() ({
      %run_scoped3A = tpu.sem_alloc : memref<!tpu.dma_semaphore, #tpu.memory_space<semaphore_mem>>
      %dma_start3A_150 = arith.constant 0 : i32
      %dma_start3A_151 = arith.constant 0 : i32
      %dma_start3A_152 = tpu.memref_slice %arg18[%dma_start3A_150, %dma_start3A_151] : memref<64x32xf32, #tpu.memory_space<vmem>> -> memref<64x32xf32, #tpu.memory_space<vmem>>
      %dma_start3A_153 = arith.constant 0 : i32
      %dma_start3A_154 = tpu.memref_slice %arg20[%add3A_73, %dma_start3A_153] : memref<10016x32xf32, #tpu.memory_space<vmem_shared>> -> memref<64x32xf32, #tpu.memory_space<vmem_shared>>
      %dma_start3A_155 = arith.constant 0 : i32
      %dma_start3A_156 = tpu.memref_slice %arg20[%add3A_73, %dma_start3A_155] : memref<10016x32xf32, #tpu.memory_space<vmem_shared>> -> memref<64x32xf32, #tpu.memory_space<vmem_shared>>
      %dma_start3A_157 = arith.constant 0 : i32
      %dma_start3A_158 = arith.constant 0 : i32
      %dma_start3A_159 = tpu.memref_slice %arg18[%dma_start3A_157, %dma_start3A_158] : memref<64x32xf32, #tpu.memory_space<vmem>> -> memref<64x32xf32, #tpu.memory_space<vmem>>
      tpu.enqueue_dma source(%dma_start3A_159 : memref<64x32xf32, #tpu.memory_space<vmem>>) target(%dma_start3A_156 : memref<64x32xf32, #tpu.memory_space<vmem_shared>>) target_semaphore(%run_scoped3A : memref<!tpu.dma_semaphore, #tpu.memory_space<semaphore_mem>>)
      %dma_wait3A_160 = arith.constant 0 : i32
      %dma_wait3A_161 = arith.constant 0 : i32
      %dma_wait3A_162 = tpu.memref_slice %arg18[%dma_wait3A_160, %dma_wait3A_161] : memref<64x32xf32, #tpu.memory_space<vmem>> -> memref<64x32xf32, #tpu.memory_space<vmem>>
      %dma_wait3A_163 = arith.constant 0 : i32
      %dma_wait3A_164 = tpu.memref_slice %arg20[%add3A_73, %dma_wait3A_163] : memref<10016x32xf32, #tpu.memory_space<vmem_shared>> -> memref<64x32xf32, #tpu.memory_space<vmem_shared>>
      %dma_wait3A_165 = arith.constant 0 : i32
      %dma_wait3A_166 = tpu.memref_slice %arg20[%add3A_73, %dma_wait3A_165] : memref<10016x32xf32, #tpu.memory_space<vmem_shared>> -> memref<64x32xf32, #tpu.memory_space<vmem_shared>>
      %dma_wait3A_167 = arith.constant 0 : i32
      %dma_wait3A_168 = arith.constant 0 : i32
      %dma_wait3A_169 = tpu.memref_slice %arg18[%dma_wait3A_167, %dma_wait3A_168] : memref<64x32xf32, #tpu.memory_space<vmem>> -> memref<64x32xf32, #tpu.memory_space<vmem>>
      tpu.wait_dma2 semaphore(%run_scoped3A : memref<!tpu.dma_semaphore, #tpu.memory_space<semaphore_mem>>) src(%dma_wait3A_169 : memref<64x32xf32, #tpu.memory_space<vmem>>) dst(%dma_wait3A_166 : memref<64x32xf32, #tpu.memory_space<vmem_shared>>)
      tpu.yield
    }) : () -> ()
    %mul3A_74 = arith.constant 626 : i32
    %mul3A_75 = arith.muli %arg1, %mul3A_74 : i32
    %add3A_76 = arith.constant 320 : i32
    %add3A_77 = arith.addi %mul3A_75, %add3A_76 : i32
    "tpu.region"() ({
      %run_scoped3A = tpu.sem_alloc : memref<!tpu.dma_semaphore, #tpu.memory_space<semaphore_mem>>
      %dma_start3A_150 = arith.constant 0 : i32
      %dma_start3A_151 = arith.constant 0 : i32
      %dma_start3A_152 = tpu.memref_slice %arg18[%dma_start3A_150, %dma_start3A_151] : memref<64x32xf32, #tpu.memory_space<vmem>> -> memref<64x32xf32, #tpu.memory_space<vmem>>
      %dma_start3A_153 = arith.constant 0 : i32
      %dma_start3A_154 = tpu.memref_slice %arg20[%add3A_77, %dma_start3A_153] : memref<10016x32xf32, #tpu.memory_space<vmem_shared>> -> memref<64x32xf32, #tpu.memory_space<vmem_shared>>
      %dma_start3A_155 = arith.constant 0 : i32
      %dma_start3A_156 = tpu.memref_slice %arg20[%add3A_77, %dma_start3A_155] : memref<10016x32xf32, #tpu.memory_space<vmem_shared>> -> memref<64x32xf32, #tpu.memory_space<vmem_shared>>
      %dma_start3A_157 = arith.constant 0 : i32
      %dma_start3A_158 = arith.constant 0 : i32
      %dma_start3A_159 = tpu.memref_slice %arg18[%dma_start3A_157, %dma_start3A_158] : memref<64x32xf32, #tpu.memory_space<vmem>> -> memref<64x32xf32, #tpu.memory_space<vmem>>
      tpu.enqueue_dma source(%dma_start3A_159 : memref<64x32xf32, #tpu.memory_space<vmem>>) target(%dma_start3A_156 : memref<64x32xf32, #tpu.memory_space<vmem_shared>>) target_semaphore(%run_scoped3A : memref<!tpu.dma_semaphore, #tpu.memory_space<semaphore_mem>>)
      %dma_wait3A_160 = arith.constant 0 : i32
      %dma_wait3A_161 = arith.constant 0 : i32
      %dma_wait3A_162 = tpu.memref_slice %arg18[%dma_wait3A_160, %dma_wait3A_161] : memref<64x32xf32, #tpu.memory_space<vmem>> -> memref<64x32xf32, #tpu.memory_space<vmem>>
      %dma_wait3A_163 = arith.constant 0 : i32
      %dma_wait3A_164 = tpu.memref_slice %arg20[%add3A_77, %dma_wait3A_163] : memref<10016x32xf32, #tpu.memory_space<vmem_shared>> -> memref<64x32xf32, #tpu.memory_space<vmem_shared>>
      %dma_wait3A_165 = arith.constant 0 : i32
      %dma_wait3A_166 = tpu.memref_slice %arg20[%add3A_77, %dma_wait3A_165] : memref<10016x32xf32, #tpu.memory_space<vmem_shared>> -> memref<64x32xf32, #tpu.memory_space<vmem_shared>>
      %dma_wait3A_167 = arith.constant 0 : i32
      %dma_wait3A_168 = arith.constant 0 : i32
      %dma_wait3A_169 = tpu.memref_slice %arg18[%dma_wait3A_167, %dma_wait3A_168] : memref<64x32xf32, #tpu.memory_space<vmem>> -> memref<64x32xf32, #tpu.memory_space<vmem>>
      tpu.wait_dma2 semaphore(%run_scoped3A : memref<!tpu.dma_semaphore, #tpu.memory_space<semaphore_mem>>) src(%dma_wait3A_169 : memref<64x32xf32, #tpu.memory_space<vmem>>) dst(%dma_wait3A_166 : memref<64x32xf32, #tpu.memory_space<vmem_shared>>)
      tpu.yield
    }) : () -> ()
    %mul3A_78 = arith.constant 626 : i32
    %mul3A_79 = arith.muli %arg1, %mul3A_78 : i32
    %add3A_80 = arith.constant 384 : i32
    %add3A_81 = arith.addi %mul3A_79, %add3A_80 : i32
    "tpu.region"() ({
      %run_scoped3A = tpu.sem_alloc : memref<!tpu.dma_semaphore, #tpu.memory_space<semaphore_mem>>
      %dma_start3A_150 = arith.constant 0 : i32
      %dma_start3A_151 = arith.constant 0 : i32
      %dma_start3A_152 = tpu.memref_slice %arg18[%dma_start3A_150, %dma_start3A_151] : memref<64x32xf32, #tpu.memory_space<vmem>> -> memref<64x32xf32, #tpu.memory_space<vmem>>
      %dma_start3A_153 = arith.constant 0 : i32
      %dma_start3A_154 = tpu.memref_slice %arg20[%add3A_81, %dma_start3A_153] : memref<10016x32xf32, #tpu.memory_space<vmem_shared>> -> memref<64x32xf32, #tpu.memory_space<vmem_shared>>
      %dma_start3A_155 = arith.constant 0 : i32
      %dma_start3A_156 = tpu.memref_slice %arg20[%add3A_81, %dma_start3A_155] : memref<10016x32xf32, #tpu.memory_space<vmem_shared>> -> memref<64x32xf32, #tpu.memory_space<vmem_shared>>
      %dma_start3A_157 = arith.constant 0 : i32
      %dma_start3A_158 = arith.constant 0 : i32
      %dma_start3A_159 = tpu.memref_slice %arg18[%dma_start3A_157, %dma_start3A_158] : memref<64x32xf32, #tpu.memory_space<vmem>> -> memref<64x32xf32, #tpu.memory_space<vmem>>
      tpu.enqueue_dma source(%dma_start3A_159 : memref<64x32xf32, #tpu.memory_space<vmem>>) target(%dma_start3A_156 : memref<64x32xf32, #tpu.memory_space<vmem_shared>>) target_semaphore(%run_scoped3A : memref<!tpu.dma_semaphore, #tpu.memory_space<semaphore_mem>>)
      %dma_wait3A_160 = arith.constant 0 : i32
      %dma_wait3A_161 = arith.constant 0 : i32
      %dma_wait3A_162 = tpu.memref_slice %arg18[%dma_wait3A_160, %dma_wait3A_161] : memref<64x32xf32, #tpu.memory_space<vmem>> -> memref<64x32xf32, #tpu.memory_space<vmem>>
      %dma_wait3A_163 = arith.constant 0 : i32
      %dma_wait3A_164 = tpu.memref_slice %arg20[%add3A_81, %dma_wait3A_163] : memref<10016x32xf32, #tpu.memory_space<vmem_shared>> -> memref<64x32xf32, #tpu.memory_space<vmem_shared>>
      %dma_wait3A_165 = arith.constant 0 : i32
      %dma_wait3A_166 = tpu.memref_slice %arg20[%add3A_81, %dma_wait3A_165] : memref<10016x32xf32, #tpu.memory_space<vmem_shared>> -> memref<64x32xf32, #tpu.memory_space<vmem_shared>>
      %dma_wait3A_167 = arith.constant 0 : i32
      %dma_wait3A_168 = arith.constant 0 : i32
      %dma_wait3A_169 = tpu.memref_slice %arg18[%dma_wait3A_167, %dma_wait3A_168] : memref<64x32xf32, #tpu.memory_space<vmem>> -> memref<64x32xf32, #tpu.memory_space<vmem>>
      tpu.wait_dma2 semaphore(%run_scoped3A : memref<!tpu.dma_semaphore, #tpu.memory_space<semaphore_mem>>) src(%dma_wait3A_169 : memref<64x32xf32, #tpu.memory_space<vmem>>) dst(%dma_wait3A_166 : memref<64x32xf32, #tpu.memory_space<vmem_shared>>)
      tpu.yield
    }) : () -> ()
    %mul3A_82 = arith.constant 626 : i32
    %mul3A_83 = arith.muli %arg1, %mul3A_82 : i32
    %add3A_84 = arith.constant 448 : i32
    %add3A_85 = arith.addi %mul3A_83, %add3A_84 : i32
    "tpu.region"() ({
      %run_scoped3A = tpu.sem_alloc : memref<!tpu.dma_semaphore, #tpu.memory_space<semaphore_mem>>
      %dma_start3A_150 = arith.constant 0 : i32
      %dma_start3A_151 = arith.constant 0 : i32
      %dma_start3A_152 = tpu.memref_slice %arg18[%dma_start3A_150, %dma_start3A_151] : memref<64x32xf32, #tpu.memory_space<vmem>> -> memref<64x32xf32, #tpu.memory_space<vmem>>
      %dma_start3A_153 = arith.constant 0 : i32
      %dma_start3A_154 = tpu.memref_slice %arg20[%add3A_85, %dma_start3A_153] : memref<10016x32xf32, #tpu.memory_space<vmem_shared>> -> memref<64x32xf32, #tpu.memory_space<vmem_shared>>
      %dma_start3A_155 = arith.constant 0 : i32
      %dma_start3A_156 = tpu.memref_slice %arg20[%add3A_85, %dma_start3A_155] : memref<10016x32xf32, #tpu.memory_space<vmem_shared>> -> memref<64x32xf32, #tpu.memory_space<vmem_shared>>
      %dma_start3A_157 = arith.constant 0 : i32
      %dma_start3A_158 = arith.constant 0 : i32
      %dma_start3A_159 = tpu.memref_slice %arg18[%dma_start3A_157, %dma_start3A_158] : memref<64x32xf32, #tpu.memory_space<vmem>> -> memref<64x32xf32, #tpu.memory_space<vmem>>
      tpu.enqueue_dma source(%dma_start3A_159 : memref<64x32xf32, #tpu.memory_space<vmem>>) target(%dma_start3A_156 : memref<64x32xf32, #tpu.memory_space<vmem_shared>>) target_semaphore(%run_scoped3A : memref<!tpu.dma_semaphore, #tpu.memory_space<semaphore_mem>>)
      %dma_wait3A_160 = arith.constant 0 : i32
      %dma_wait3A_161 = arith.constant 0 : i32
      %dma_wait3A_162 = tpu.memref_slice %arg18[%dma_wait3A_160, %dma_wait3A_161] : memref<64x32xf32, #tpu.memory_space<vmem>> -> memref<64x32xf32, #tpu.memory_space<vmem>>
      %dma_wait3A_163 = arith.constant 0 : i32
      %dma_wait3A_164 = tpu.memref_slice %arg20[%add3A_85, %dma_wait3A_163] : memref<10016x32xf32, #tpu.memory_space<vmem_shared>> -> memref<64x32xf32, #tpu.memory_space<vmem_shared>>
      %dma_wait3A_165 = arith.constant 0 : i32
      %dma_wait3A_166 = tpu.memref_slice %arg20[%add3A_85, %dma_wait3A_165] : memref<10016x32xf32, #tpu.memory_space<vmem_shared>> -> memref<64x32xf32, #tpu.memory_space<vmem_shared>>
      %dma_wait3A_167 = arith.constant 0 : i32
      %dma_wait3A_168 = arith.constant 0 : i32
      %dma_wait3A_169 = tpu.memref_slice %arg18[%dma_wait3A_167, %dma_wait3A_168] : memref<64x32xf32, #tpu.memory_space<vmem>> -> memref<64x32xf32, #tpu.memory_space<vmem>>
      tpu.wait_dma2 semaphore(%run_scoped3A : memref<!tpu.dma_semaphore, #tpu.memory_space<semaphore_mem>>) src(%dma_wait3A_169 : memref<64x32xf32, #tpu.memory_space<vmem>>) dst(%dma_wait3A_166 : memref<64x32xf32, #tpu.memory_space<vmem_shared>>)
      tpu.yield
    }) : () -> ()
    %mul3A_86 = arith.constant 626 : i32
    %mul3A_87 = arith.muli %arg1, %mul3A_86 : i32
    %add3A_88 = arith.constant 512 : i32
    %add3A_89 = arith.addi %mul3A_87, %add3A_88 : i32
    "tpu.region"() ({
      %run_scoped3A = tpu.sem_alloc : memref<!tpu.dma_semaphore, #tpu.memory_space<semaphore_mem>>
      %dma_start3A_150 = arith.constant 0 : i32
      %dma_start3A_151 = arith.constant 0 : i32
      %dma_start3A_152 = tpu.memref_slice %arg18[%dma_start3A_150, %dma_start3A_151] : memref<64x32xf32, #tpu.memory_space<vmem>> -> memref<64x32xf32, #tpu.memory_space<vmem>>
      %dma_start3A_153 = arith.constant 0 : i32
      %dma_start3A_154 = tpu.memref_slice %arg20[%add3A_89, %dma_start3A_153] : memref<10016x32xf32, #tpu.memory_space<vmem_shared>> -> memref<64x32xf32, #tpu.memory_space<vmem_shared>>
      %dma_start3A_155 = arith.constant 0 : i32
      %dma_start3A_156 = tpu.memref_slice %arg20[%add3A_89, %dma_start3A_155] : memref<10016x32xf32, #tpu.memory_space<vmem_shared>> -> memref<64x32xf32, #tpu.memory_space<vmem_shared>>
      %dma_start3A_157 = arith.constant 0 : i32
      %dma_start3A_158 = arith.constant 0 : i32
      %dma_start3A_159 = tpu.memref_slice %arg18[%dma_start3A_157, %dma_start3A_158] : memref<64x32xf32, #tpu.memory_space<vmem>> -> memref<64x32xf32, #tpu.memory_space<vmem>>
      tpu.enqueue_dma source(%dma_start3A_159 : memref<64x32xf32, #tpu.memory_space<vmem>>) target(%dma_start3A_156 : memref<64x32xf32, #tpu.memory_space<vmem_shared>>) target_semaphore(%run_scoped3A : memref<!tpu.dma_semaphore, #tpu.memory_space<semaphore_mem>>)
      %dma_wait3A_160 = arith.constant 0 : i32
      %dma_wait3A_161 = arith.constant 0 : i32
      %dma_wait3A_162 = tpu.memref_slice %arg18[%dma_wait3A_160, %dma_wait3A_161] : memref<64x32xf32, #tpu.memory_space<vmem>> -> memref<64x32xf32, #tpu.memory_space<vmem>>
      %dma_wait3A_163 = arith.constant 0 : i32
      %dma_wait3A_164 = tpu.memref_slice %arg20[%add3A_89, %dma_wait3A_163] : memref<10016x32xf32, #tpu.memory_space<vmem_shared>> -> memref<64x32xf32, #tpu.memory_space<vmem_shared>>
      %dma_wait3A_165 = arith.constant 0 : i32
      %dma_wait3A_166 = tpu.memref_slice %arg20[%add3A_89, %dma_wait3A_165] : memref<10016x32xf32, #tpu.memory_space<vmem_shared>> -> memref<64x32xf32, #tpu.memory_space<vmem_shared>>
      %dma_wait3A_167 = arith.constant 0 : i32
      %dma_wait3A_168 = arith.constant 0 : i32
      %dma_wait3A_169 = tpu.memref_slice %arg18[%dma_wait3A_167, %dma_wait3A_168] : memref<64x32xf32, #tpu.memory_space<vmem>> -> memref<64x32xf32, #tpu.memory_space<vmem>>
      tpu.wait_dma2 semaphore(%run_scoped3A : memref<!tpu.dma_semaphore, #tpu.memory_space<semaphore_mem>>) src(%dma_wait3A_169 : memref<64x32xf32, #tpu.memory_space<vmem>>) dst(%dma_wait3A_166 : memref<64x32xf32, #tpu.memory_space<vmem_shared>>)
      tpu.yield
    }) : () -> ()
    %mul3A_90 = arith.constant 626 : i32
    %mul3A_91 = arith.muli %arg1, %mul3A_90 : i32
    %add3A_92 = arith.constant 576 : i32
    %add3A_93 = arith.addi %mul3A_91, %add3A_92 : i32
    "tpu.region"() ({
      %run_scoped3A = tpu.sem_alloc : memref<!tpu.dma_semaphore, #tpu.memory_space<semaphore_mem>>
      %dma_start3A_150 = arith.constant 0 : i32
      %dma_start3A_151 = arith.constant 0 : i32
      %dma_start3A_152 = tpu.memref_slice %arg18[%dma_start3A_150, %dma_start3A_151] : memref<64x32xf32, #tpu.memory_space<vmem>> -> memref<50x32xf32, #tpu.memory_space<vmem>>
      %dma_start3A_153 = arith.constant 0 : i32
      %dma_start3A_154 = tpu.memref_slice %arg20[%add3A_93, %dma_start3A_153] : memref<10016x32xf32, #tpu.memory_space<vmem_shared>> -> memref<50x32xf32, #tpu.memory_space<vmem_shared>>
      %dma_start3A_155 = arith.constant 0 : i32
      %dma_start3A_156 = tpu.memref_slice %arg20[%add3A_93, %dma_start3A_155] : memref<10016x32xf32, #tpu.memory_space<vmem_shared>> -> memref<50x32xf32, #tpu.memory_space<vmem_shared>>
      %dma_start3A_157 = arith.constant 0 : i32
      %dma_start3A_158 = arith.constant 0 : i32
      %dma_start3A_159 = tpu.memref_slice %arg18[%dma_start3A_157, %dma_start3A_158] : memref<64x32xf32, #tpu.memory_space<vmem>> -> memref<50x32xf32, #tpu.memory_space<vmem>>
      tpu.enqueue_dma source(%dma_start3A_159 : memref<50x32xf32, #tpu.memory_space<vmem>>) target(%dma_start3A_156 : memref<50x32xf32, #tpu.memory_space<vmem_shared>>) target_semaphore(%run_scoped3A : memref<!tpu.dma_semaphore, #tpu.memory_space<semaphore_mem>>)
      %dma_wait3A_160 = arith.constant 0 : i32
      %dma_wait3A_161 = arith.constant 0 : i32
      %dma_wait3A_162 = tpu.memref_slice %arg18[%dma_wait3A_160, %dma_wait3A_161] : memref<64x32xf32, #tpu.memory_space<vmem>> -> memref<50x32xf32, #tpu.memory_space<vmem>>
      %dma_wait3A_163 = arith.constant 0 : i32
      %dma_wait3A_164 = tpu.memref_slice %arg20[%add3A_93, %dma_wait3A_163] : memref<10016x32xf32, #tpu.memory_space<vmem_shared>> -> memref<50x32xf32, #tpu.memory_space<vmem_shared>>
      %dma_wait3A_165 = arith.constant 0 : i32
      %dma_wait3A_166 = tpu.memref_slice %arg20[%add3A_93, %dma_wait3A_165] : memref<10016x32xf32, #tpu.memory_space<vmem_shared>> -> memref<50x32xf32, #tpu.memory_space<vmem_shared>>
      %dma_wait3A_167 = arith.constant 0 : i32
      %dma_wait3A_168 = arith.constant 0 : i32
      %dma_wait3A_169 = tpu.memref_slice %arg18[%dma_wait3A_167, %dma_wait3A_168] : memref<64x32xf32, #tpu.memory_space<vmem>> -> memref<50x32xf32, #tpu.memory_space<vmem>>
      tpu.wait_dma2 semaphore(%run_scoped3A : memref<!tpu.dma_semaphore, #tpu.memory_space<semaphore_mem>>) src(%dma_wait3A_169 : memref<50x32xf32, #tpu.memory_space<vmem>>) dst(%dma_wait3A_166 : memref<50x32xf32, #tpu.memory_space<vmem_shared>>)
      tpu.yield
    }) : () -> ()
    %barrier3A = arith.constant 0 : index
    tpu.barrier barrier_id(%barrier3A)
    %iota3A = tpu.iota {dimensions = array<i32: 0>} : vector<16xi32>
    %broadcast_in_dim3A_94 = arith.constant 16 : i32
    %broadcast_in_dim3A_95 = vector.broadcast %broadcast_in_dim3A_94 : i32 to vector<16xi32>
    %broadcast_in_dim3A_96 = arith.constant 0 : i32
    %broadcast_in_dim3A_97 = vector.broadcast %broadcast_in_dim3A_96 : i32 to vector<16xi32>
    %scan3A_98 = arith.constant 0 : i32
    %scan3A_99 = arith.constant 0 : i32
    %scan3A_100 = arith.constant 81 : i32
    %scan3A_101 = arith.addi %scan3A_99, %scan3A_100 : i32
    %scan3A_102 = arith.constant 1 : i32
    scf.for %scan3A_150 = %scan3A_99 to %scan3A_101 step %scan3A_102  : i32 {
      %mul3A_151 = arith.constant 2 : i32
      %mul3A_152 = arith.muli %mul3A_151, %scan3A_150 : i32
      %add3A_153 = arith.constant 0 : i32
      %add3A_154 = arith.addi %mul3A_152, %add3A_153 : i32
      %add3A_155 = arith.constant 1 : i32
      %add3A_156 = arith.addi %add3A_154, %add3A_155 : i32
      %lt3A = arith.constant 162 : i32
      %lt3A_157 = arith.cmpi slt, %add3A_156, %lt3A : i32
      %convert_element_type3A = arith.extui %lt3A_157 : i1 to i32
      %cond3A = arith.constant 0 : i32
      %cond3A_158 = arith.cmpi ne, %convert_element_type3A, %cond3A : i32
      scf.if %cond3A_158 {
        %dma_wait3A_268 = arith.constant 0 : i32
        %dma_wait3A_269 = arith.constant 0 : i32
        %dma_wait3A_270 = tpu.memref_slice %arg2[%dma_wait3A_268, %dma_wait3A_269] : memref<5184x128xi32, #tpu.memory_space<hbm>> -> memref<1x128xi32, #tpu.memory_space<hbm>>
        %dma_wait3A_271 = tpu.memref_squeeze %dma_wait3A_270 : memref<1x128xi32, #tpu.memory_space<hbm>> -> memref<128xi32, #tpu.memory_space<hbm>>
        %dma_wait3A_272 = arith.constant 0 : i32
        %dma_wait3A_273 = tpu.memref_slice %arg2[%dma_wait3A_268, %dma_wait3A_272] : memref<5184x128xi32, #tpu.memory_space<hbm>> -> memref<1x128xi32, #tpu.memory_space<hbm>>
        %dma_wait3A_274 = tpu.memref_squeeze %dma_wait3A_273 : memref<1x128xi32, #tpu.memory_space<hbm>> -> memref<128xi32, #tpu.memory_space<hbm>>
        tpu.wait_dma2 semaphore(%arg22 : memref<!tpu.dma_semaphore, #tpu.memory_space<semaphore_mem>>) src(%dma_wait3A_274 : memref<128xi32, #tpu.memory_space<hbm>>) dst(%arg7 : memref<128xi32, #tpu.memory_space<vmem>>)
        %get3A_275 = arith.constant 0 : index
        %get3A_276 = tpu.vector_load %arg7[%get3A_275] {strides = array<i32>} : memref<128xi32, #tpu.memory_space<vmem>>, vector<16xi32>,
        %swap3A_277 = arith.constant 0 : index
        %swap3A_278 = tpu.vector_load %arg9[%swap3A_277] {strides = array<i32>} : memref<64xi32, #tpu.memory_space<vmem>>, vector<16xi32>,
        tpu.vector_store %arg9[%swap3A_277], %get3A_276 {strides = array<i32>} : memref<64xi32, #tpu.memory_space<vmem>>, vector<16xi32>,
        %get3A_279 = arith.constant 64 : index
        %get3A_280 = tpu.vector_load %arg7[%get3A_279] {strides = array<i32>} : memref<128xi32, #tpu.memory_space<vmem>>, vector<16xi32>,
        %swap3A_281 = arith.constant 0 : index
        %swap3A_282 = tpu.vector_load %arg11[%swap3A_281] {strides = array<i32>} : memref<64xi32, #tpu.memory_space<vmem>>, vector<16xi32>,
        tpu.vector_store %arg11[%swap3A_281], %get3A_280 {strides = array<i32>} : memref<64xi32, #tpu.memory_space<vmem>>, vector<16xi32>,
        %get3A_283 = arith.constant 16 : index
        %get3A_284 = tpu.vector_load %arg7[%get3A_283] {strides = array<i32>} : memref<128xi32, #tpu.memory_space<vmem>>, vector<16xi32>,
        %swap3A_285 = arith.constant 16 : index
        %swap3A_286 = tpu.vector_load %arg9[%swap3A_285] {strides = array<i32>} : memref<64xi32, #tpu.memory_space<vmem>>, vector<16xi32>,
        tpu.vector_store %arg9[%swap3A_285], %get3A_284 {strides = array<i32>} : memref<64xi32, #tpu.memory_space<vmem>>, vector<16xi32>,
        %get3A_287 = arith.constant 80 : index
        %get3A_288 = tpu.vector_load %arg7[%get3A_287] {strides = array<i32>} : memref<128xi32, #tpu.memory_space<vmem>>, vector<16xi32>,
        %swap3A_289 = arith.constant 16 : index
        %swap3A_290 = tpu.vector_load %arg11[%swap3A_289] {strides = array<i32>} : memref<64xi32, #tpu.memory_space<vmem>>, vector<16xi32>,
        tpu.vector_store %arg11[%swap3A_289], %get3A_288 {strides = array<i32>} : memref<64xi32, #tpu.memory_space<vmem>>, vector<16xi32>,
        %get3A_291 = arith.constant 32 : index
        %get3A_292 = tpu.vector_load %arg7[%get3A_291] {strides = array<i32>} : memref<128xi32, #tpu.memory_space<vmem>>, vector<16xi32>,
        %swap3A_293 = arith.constant 32 : index
        %swap3A_294 = tpu.vector_load %arg9[%swap3A_293] {strides = array<i32>} : memref<64xi32, #tpu.memory_space<vmem>>, vector<16xi32>,
        tpu.vector_store %arg9[%swap3A_293], %get3A_292 {strides = array<i32>} : memref<64xi32, #tpu.memory_space<vmem>>, vector<16xi32>,
        %get3A_295 = arith.constant 96 : index
        %get3A_296 = tpu.vector_load %arg7[%get3A_295] {strides = array<i32>} : memref<128xi32, #tpu.memory_space<vmem>>, vector<16xi32>,
        %swap3A_297 = arith.constant 32 : index
        %swap3A_298 = tpu.vector_load %arg11[%swap3A_297] {strides = array<i32>} : memref<64xi32, #tpu.memory_space<vmem>>, vector<16xi32>,
        tpu.vector_store %arg11[%swap3A_297], %get3A_296 {strides = array<i32>} : memref<64xi32, #tpu.memory_space<vmem>>, vector<16xi32>,
        %get3A_299 = arith.constant 48 : index
        %get3A_300 = tpu.vector_load %arg7[%get3A_299] {strides = array<i32>} : memref<128xi32, #tpu.memory_space<vmem>>, vector<16xi32>,
        %swap3A_301 = arith.constant 48 : index
        %swap3A_302 = tpu.vector_load %arg9[%swap3A_301] {strides = array<i32>} : memref<64xi32, #tpu.memory_space<vmem>>, vector<16xi32>,
        tpu.vector_store %arg9[%swap3A_301], %get3A_300 {strides = array<i32>} : memref<64xi32, #tpu.memory_space<vmem>>, vector<16xi32>,
        %get3A_303 = arith.constant 112 : index
        %get3A_304 = tpu.vector_load %arg7[%get3A_303] {strides = array<i32>} : memref<128xi32, #tpu.memory_space<vmem>>, vector<16xi32>,
        %swap3A_305 = arith.constant 48 : index
        %swap3A_306 = tpu.vector_load %arg11[%swap3A_305] {strides = array<i32>} : memref<64xi32, #tpu.memory_space<vmem>>, vector<16xi32>,
        tpu.vector_store %arg11[%swap3A_305], %get3A_304 {strides = array<i32>} : memref<64xi32, #tpu.memory_space<vmem>>, vector<16xi32>,
        %dma_start3A_307 = arith.constant 0 : i32
        %dma_start3A_308 = arith.constant 0 : i32
        %dma_start3A_309 = tpu.memref_slice %arg3[%dma_start3A_307, %dma_start3A_308] : memref<10016x32xf32, #tpu.memory_space<hbm>> -> memref<10016x32xf32, #tpu.memory_space<hbm>>
        tpu.enqueue_indirect_dma source(%dma_start3A_309 : memref<10016x32xf32, #tpu.memory_space<hbm>>) target(%arg15 : memref<64x32xf32, #tpu.memory_space<vmem>>) offsets(%arg9 : memref<64xi32, #tpu.memory_space<vmem>>) semaphore(%arg24 : memref<!tpu.dma_semaphore, #tpu.memory_space<semaphore_mem>>)
        %dma_start3A_310 = arith.constant 0 : i32
        %dma_start3A_311 = arith.constant 0 : i32
        %dma_start3A_312 = tpu.memref_slice %arg4[%dma_start3A_310, %dma_start3A_311] : memref<10016x8xf32, #tpu.memory_space<hbm>> -> memref<10016x8xf32, #tpu.memory_space<hbm>>
        tpu.enqueue_indirect_dma source(%dma_start3A_312 : memref<10016x8xf32, #tpu.memory_space<hbm>>) target(%arg17 : memref<64x8xf32, #tpu.memory_space<vmem>>) offsets(%arg11 : memref<64xi32, #tpu.memory_space<vmem>>) semaphore(%arg26 : memref<!tpu.dma_semaphore, #tpu.memory_space<semaphore_mem>>)
      } else {
      }
      %dma_wait3A_159 = arith.constant 0 : i32
      %dma_wait3A_160 = arith.constant 0 : i32
      %dma_wait3A_161 = tpu.memref_slice %arg3[%dma_wait3A_159, %dma_wait3A_160] : memref<10016x32xf32, #tpu.memory_space<hbm>> -> memref<10016x32xf32, #tpu.memory_space<hbm>>
      tpu.wait_indirect_dma semaphore(%arg23 : memref<!tpu.dma_semaphore, #tpu.memory_space<semaphore_mem>>) src(%dma_wait3A_161 : memref<10016x32xf32, #tpu.memory_space<hbm>>) dst(%arg14 : memref<64x32xf32, #tpu.memory_space<vmem>>)
      %dma_wait3A_162 = arith.constant 0 : i32
      %dma_wait3A_163 = arith.constant 0 : i32
      %dma_wait3A_164 = tpu.memref_slice %arg4[%dma_wait3A_162, %dma_wait3A_163] : memref<10016x8xf32, #tpu.memory_space<hbm>> -> memref<10016x8xf32, #tpu.memory_space<hbm>>
      tpu.wait_indirect_dma semaphore(%arg25 : memref<!tpu.dma_semaphore, #tpu.memory_space<semaphore_mem>>) src(%dma_wait3A_164 : memref<10016x8xf32, #tpu.memory_space<hbm>>) dst(%arg16 : memref<64x8xf32, #tpu.memory_space<vmem>>)
      %ge3A = arith.constant 2 : i32
      %ge3A_165 = arith.cmpi sge, %add3A_154, %ge3A : i32
      %convert_element_type3A_166 = arith.extui %ge3A_165 : i1 to i32
      %cond3A_167 = arith.constant 0 : i32
      %cond3A_168 = arith.cmpi ne, %convert_element_type3A_166, %cond3A_167 : i32
      scf.if %cond3A_168 {
        %dma_wait3A_268 = arith.constant 0 : i32
        %dma_wait3A_269 = arith.constant 0 : i32
        %dma_wait3A_270 = tpu.memref_slice %arg20[%dma_wait3A_268, %dma_wait3A_269] : memref<10016x32xf32, #tpu.memory_space<vmem_shared>> -> memref<10016x32xf32, #tpu.memory_space<vmem_shared>>
        tpu.wait_indirect_dma semaphore(%arg27 : memref<!tpu.dma_semaphore, #tpu.memory_space<semaphore_mem>>) src(%arg18 : memref<64x32xf32, #tpu.memory_space<vmem>>) dst(%dma_wait3A_270 : memref<10016x32xf32, #tpu.memory_space<vmem_shared>>)
      } else {
      }
      %get3A_169 = arith.constant 0 : index
      %get3A_170 = tpu.vector_load %arg10[%get3A_169] {strides = array<i32>} : memref<64xi32, #tpu.memory_space<vmem>>, vector<16xi32>,
      %swap3A_171 = arith.constant 0 : index
      %swap3A_172 = tpu.vector_load %arg12[%swap3A_171] {strides = array<i32>} : memref<64xi32, #tpu.memory_space<vmem>>, vector<16xi32>,
      tpu.vector_store %arg12[%swap3A_171], %get3A_170 {strides = array<i32>} : memref<64xi32, #tpu.memory_space<vmem>>, vector<16xi32>,
      %get3A_173 = arith.constant 16 : index
      %get3A_174 = tpu.vector_load %arg10[%get3A_173] {strides = array<i32>} : memref<64xi32, #tpu.memory_space<vmem>>, vector<16xi32>,
      %swap3A_175 = arith.constant 16 : index
      %swap3A_176 = tpu.vector_load %arg12[%swap3A_175] {strides = array<i32>} : memref<64xi32, #tpu.memory_space<vmem>>, vector<16xi32>,
      tpu.vector_store %arg12[%swap3A_175], %get3A_174 {strides = array<i32>} : memref<64xi32, #tpu.memory_space<vmem>>, vector<16xi32>,
      %get3A_177 = arith.constant 32 : index
      %get3A_178 = tpu.vector_load %arg10[%get3A_177] {strides = array<i32>} : memref<64xi32, #tpu.memory_space<vmem>>, vector<16xi32>,
      %swap3A_179 = arith.constant 32 : index
      %swap3A_180 = tpu.vector_load %arg12[%swap3A_179] {strides = array<i32>} : memref<64xi32, #tpu.memory_space<vmem>>, vector<16xi32>,
      tpu.vector_store %arg12[%swap3A_179], %get3A_178 {strides = array<i32>} : memref<64xi32, #tpu.memory_space<vmem>>, vector<16xi32>,
      %get3A_181 = arith.constant 48 : index
      %get3A_182 = tpu.vector_load %arg10[%get3A_181] {strides = array<i32>} : memref<64xi32, #tpu.memory_space<vmem>>, vector<16xi32>,
      %swap3A_183 = arith.constant 48 : index
      %swap3A_184 = tpu.vector_load %arg12[%swap3A_183] {strides = array<i32>} : memref<64xi32, #tpu.memory_space<vmem>>, vector<16xi32>,
      tpu.vector_store %arg12[%swap3A_183], %get3A_182 {strides = array<i32>} : memref<64xi32, #tpu.memory_space<vmem>>, vector<16xi32>,
      %add3A_185 = arith.constant 2 : i32
      %add3A_186 = arith.addi %add3A_154, %add3A_185 : i32
      %lt3A_187 = arith.constant 162 : i32
      %lt3A_188 = arith.cmpi slt, %add3A_186, %lt3A_187 : i32
      %convert_element_type3A_189 = arith.extui %lt3A_188 : i1 to i32
      %cond3A_190 = arith.constant 0 : i32
      %cond3A_191 = arith.cmpi ne, %convert_element_type3A_189, %cond3A_190 : i32
      scf.if %cond3A_191 {
        %add3A_268 = arith.constant 2 : i32
        %add3A_269 = arith.addi %add3A_154, %add3A_268 : i32
        %add3A_270 = arith.addi %mul3A_2, %add3A_269 : i32
        %dma_start3A_271 = arith.constant 0 : i32
        %dma_start3A_272 = tpu.memref_slice %arg2[%add3A_270, %dma_start3A_271] : memref<5184x128xi32, #tpu.memory_space<hbm>> -> memref<1x128xi32, #tpu.memory_space<hbm>>
        %dma_start3A_273 = tpu.memref_squeeze %dma_start3A_272 : memref<1x128xi32, #tpu.memory_space<hbm>> -> memref<128xi32, #tpu.memory_space<hbm>>
        %dma_start3A_274 = arith.constant 0 : i32
        %dma_start3A_275 = tpu.memref_slice %arg2[%add3A_270, %dma_start3A_274] : memref<5184x128xi32, #tpu.memory_space<hbm>> -> memref<1x128xi32, #tpu.memory_space<hbm>>
        %dma_start3A_276 = tpu.memref_squeeze %dma_start3A_275 : memref<1x128xi32, #tpu.memory_space<hbm>> -> memref<128xi32, #tpu.memory_space<hbm>>
        tpu.enqueue_dma source(%dma_start3A_276 : memref<128xi32, #tpu.memory_space<hbm>>) target(%arg6 : memref<128xi32, #tpu.memory_space<vmem>>) target_semaphore(%arg21 : memref<!tpu.dma_semaphore, #tpu.memory_space<semaphore_mem>>)
      } else {
      }
      %eq3A = arith.constant 0 : i32
      %eq3A_192 = vector.broadcast %eq3A : i32 to vector<16xi32>
      %eq3A_193 = arith.cmpi eq, %iota3A, %eq3A_192 : vector<16xi32>
      %jit3A = arith.constant 1.000000e+00 : f32
      %jit3A_194 = arith.constant 0.000000e+00 : f32
      %broadcast_in_dim3A_195 = vector.broadcast %jit3A : f32 to vector<16xf32>
      %broadcast_in_dim3A_196 = vector.broadcast %jit3A_194 : f32 to vector<16xf32>
      %select_n3A = arith.select %eq3A_193, %broadcast_in_dim3A_195, %broadcast_in_dim3A_196 : vector<16xi1>, vector<16xf32>
      %scan3A_197 = arith.constant 0 : i32
      %scan3A_198 = arith.constant 0 : i32
      %scan3A_199 = arith.constant 4 : i32
      %scan3A_200 = arith.addi %scan3A_198, %scan3A_199 : i32
      %scan3A_201 = arith.constant 1 : i32
      scf.for %scan3A_268 = %scan3A_198 to %scan3A_200 step %scan3A_201  : i32 {
        %mul3A_269 = arith.constant 16 : i32
        %mul3A_270 = arith.muli %scan3A_268, %mul3A_269 : i32
        %add3A_271 = vector.broadcast %mul3A_270 : i32 to vector<16xi32>
        %add3A_272 = arith.addi %add3A_271, %iota3A : vector<16xi32>
        %gather3A = tpu.vector_load_idx %arg14[%add3A_272, %broadcast_in_dim3A_95] : memref<64x32xf32, #tpu.memory_space<vmem>>[vector<16xi32>, vector<16xi32>], vector<16xf32>,
        %gather3A_273 = tpu.vector_load_idx %arg16[%add3A_272, %broadcast_in_dim3A_97] : memref<64x8xf32, #tpu.memory_space<vmem>>[vector<16xi32>, vector<16xi32>], vector<16xf32>,
        %add3A_274 = arith.addf %gather3A, %gather3A_273 : vector<16xf32>
        %gt3A = arith.constant 0.000000e+00 : f32
        %gt3A_275 = vector.broadcast %gt3A : f32 to vector<16xf32>
        %gt3A_276 = arith.cmpf ogt, %add3A_274, %gt3A_275 : vector<16xf32>
        %mul3A_277 = arith.constant 2.000000e-01 : f32
        %mul3A_278 = vector.broadcast %mul3A_277 : f32 to vector<16xf32>
        %mul3A_279 = arith.mulf %mul3A_278, %add3A_274 : vector<16xf32>
        %select_n3A_280 = arith.select %gt3A_276, %add3A_274, %mul3A_279 : vector<16xi1>, vector<16xf32>
        %exp3A = math.exp %select_n3A_280 : vector<16xf32>
        %mul3A_281 = arith.constant 16 : i32
        %mul3A_282 = arith.muli %scan3A_268, %mul3A_281 : i32
        %add3A_283 = arith.constant 0 : i32
        %add3A_284 = arith.addi %mul3A_282, %add3A_283 : i32
        %broadcast_in_dim3A_285 = arith.constant 0 : i32
        %broadcast_in_dim3A_286 = vector.broadcast %broadcast_in_dim3A_285 : i32 to vector<16xi32>
        %broadcast_in_dim3A_287 = vector.shape_cast %broadcast_in_dim3A_286 : vector<16xi32> to vector<16x1xi32>
        %gather3A_288 = vector.shape_cast %broadcast_in_dim3A_287 : vector<16x1xi32> to vector<16xi32>
        %gather3A_289 = tpu.dynamic_gather %exp3A[%gather3A_288] in [0] : vector<16xf32>, vector<16xi32> -> vector<16xf32>
        %get3A_290 = arith.index_cast %add3A_284 : i32 to index
        %get3A_291 = arith.constant 0 : index
        %get3A_292 = tpu.vector_load %arg14[%get3A_290, %get3A_291] {strides = array<i32>} : memref<64x32xf32, #tpu.memory_space<vmem>>, vector<16xf32>,
        %mul3A_293 = arith.mulf %gather3A_289, %get3A_292 : vector<16xf32>
        %swap3A_294 = arith.index_cast %add3A_284 : i32 to index
        %swap3A_295 = arith.constant 0 : index
        %swap3A_296 = tpu.vector_load %arg18[%swap3A_294, %swap3A_295] {strides = array<i32>} : memref<64x32xf32, #tpu.memory_space<vmem>>, vector<16xf32>,
        tpu.vector_store %arg18[%swap3A_294, %swap3A_295], %mul3A_293 {strides = array<i32>} : memref<64x32xf32, #tpu.memory_space<vmem>>, vector<16xf32>,
        %mul3A_297 = arith.mulf %gather3A_289, %select_n3A : vector<16xf32>
        %swap3A_298 = arith.index_cast %add3A_284 : i32 to index
        %swap3A_299 = arith.constant 16 : index
        %swap3A_300 = tpu.vector_load %arg18[%swap3A_298, %swap3A_299] {strides = array<i32>} : memref<64x32xf32, #tpu.memory_space<vmem>>, vector<16xf32>,
        tpu.vector_store %arg18[%swap3A_298, %swap3A_299], %mul3A_297 {strides = array<i32>} : memref<64x32xf32, #tpu.memory_space<vmem>>, vector<16xf32>,
        %mul3A_301 = arith.constant 16 : i32
        %mul3A_302 = arith.muli %scan3A_268, %mul3A_301 : i32
        %add3A_303 = arith.constant 1 : i32
        %add3A_304 = arith.addi %mul3A_302, %add3A_303 : i32
        %broadcast_in_dim3A_305 = arith.constant 1 : i32
        %broadcast_in_dim3A_306 = vector.broadcast %broadcast_in_dim3A_305 : i32 to vector<16xi32>
        %broadcast_in_dim3A_307 = vector.shape_cast %broadcast_in_dim3A_306 : vector<16xi32> to vector<16x1xi32>
        %gather3A_308 = vector.shape_cast %broadcast_in_dim3A_307 : vector<16x1xi32> to vector<16xi32>
        %gather3A_309 = tpu.dynamic_gather %exp3A[%gather3A_308] in [0] : vector<16xf32>, vector<16xi32> -> vector<16xf32>
        %get3A_310 = arith.index_cast %add3A_304 : i32 to index
        %get3A_311 = arith.constant 0 : index
        %get3A_312 = tpu.vector_load %arg14[%get3A_310, %get3A_311] {strides = array<i32>} : memref<64x32xf32, #tpu.memory_space<vmem>>, vector<16xf32>,
        %mul3A_313 = arith.mulf %gather3A_309, %get3A_312 : vector<16xf32>
        %swap3A_314 = arith.index_cast %add3A_304 : i32 to index
        %swap3A_315 = arith.constant 0 : index
        %swap3A_316 = tpu.vector_load %arg18[%swap3A_314, %swap3A_315] {strides = array<i32>} : memref<64x32xf32, #tpu.memory_space<vmem>>, vector<16xf32>,
        tpu.vector_store %arg18[%swap3A_314, %swap3A_315], %mul3A_313 {strides = array<i32>} : memref<64x32xf32, #tpu.memory_space<vmem>>, vector<16xf32>,
        %mul3A_317 = arith.mulf %gather3A_309, %select_n3A : vector<16xf32>
        %swap3A_318 = arith.index_cast %add3A_304 : i32 to index
        %swap3A_319 = arith.constant 16 : index
        %swap3A_320 = tpu.vector_load %arg18[%swap3A_318, %swap3A_319] {strides = array<i32>} : memref<64x32xf32, #tpu.memory_space<vmem>>, vector<16xf32>,
        tpu.vector_store %arg18[%swap3A_318, %swap3A_319], %mul3A_317 {strides = array<i32>} : memref<64x32xf32, #tpu.memory_space<vmem>>, vector<16xf32>,
        %mul3A_321 = arith.constant 16 : i32
        %mul3A_322 = arith.muli %scan3A_268, %mul3A_321 : i32
        %add3A_323 = arith.constant 2 : i32
        %add3A_324 = arith.addi %mul3A_322, %add3A_323 : i32
        %broadcast_in_dim3A_325 = arith.constant 2 : i32
        %broadcast_in_dim3A_326 = vector.broadcast %broadcast_in_dim3A_325 : i32 to vector<16xi32>
        %broadcast_in_dim3A_327 = vector.shape_cast %broadcast_in_dim3A_326 : vector<16xi32> to vector<16x1xi32>
        %gather3A_328 = vector.shape_cast %broadcast_in_dim3A_327 : vector<16x1xi32> to vector<16xi32>
        %gather3A_329 = tpu.dynamic_gather %exp3A[%gather3A_328] in [0] : vector<16xf32>, vector<16xi32> -> vector<16xf32>
        %get3A_330 = arith.index_cast %add3A_324 : i32 to index
        %get3A_331 = arith.constant 0 : index
        %get3A_332 = tpu.vector_load %arg14[%get3A_330, %get3A_331] {strides = array<i32>} : memref<64x32xf32, #tpu.memory_space<vmem>>, vector<16xf32>,
        %mul3A_333 = arith.mulf %gather3A_329, %get3A_332 : vector<16xf32>
        %swap3A_334 = arith.index_cast %add3A_324 : i32 to index
        %swap3A_335 = arith.constant 0 : index
        %swap3A_336 = tpu.vector_load %arg18[%swap3A_334, %swap3A_335] {strides = array<i32>} : memref<64x32xf32, #tpu.memory_space<vmem>>, vector<16xf32>,
        tpu.vector_store %arg18[%swap3A_334, %swap3A_335], %mul3A_333 {strides = array<i32>} : memref<64x32xf32, #tpu.memory_space<vmem>>, vector<16xf32>,
        %mul3A_337 = arith.mulf %gather3A_329, %select_n3A : vector<16xf32>
        %swap3A_338 = arith.index_cast %add3A_324 : i32 to index
        %swap3A_339 = arith.constant 16 : index
        %swap3A_340 = tpu.vector_load %arg18[%swap3A_338, %swap3A_339] {strides = array<i32>} : memref<64x32xf32, #tpu.memory_space<vmem>>, vector<16xf32>,
        tpu.vector_store %arg18[%swap3A_338, %swap3A_339], %mul3A_337 {strides = array<i32>} : memref<64x32xf32, #tpu.memory_space<vmem>>, vector<16xf32>,
        %mul3A_341 = arith.constant 16 : i32
        %mul3A_342 = arith.muli %scan3A_268, %mul3A_341 : i32
        %add3A_343 = arith.constant 3 : i32
        %add3A_344 = arith.addi %mul3A_342, %add3A_343 : i32
        %broadcast_in_dim3A_345 = arith.constant 3 : i32
        %broadcast_in_dim3A_346 = vector.broadcast %broadcast_in_dim3A_345 : i32 to vector<16xi32>
        %broadcast_in_dim3A_347 = vector.shape_cast %broadcast_in_dim3A_346 : vector<16xi32> to vector<16x1xi32>
        %gather3A_348 = vector.shape_cast %broadcast_in_dim3A_347 : vector<16x1xi32> to vector<16xi32>
        %gather3A_349 = tpu.dynamic_gather %exp3A[%gather3A_348] in [0] : vector<16xf32>, vector<16xi32> -> vector<16xf32>
        %get3A_350 = arith.index_cast %add3A_344 : i32 to index
        %get3A_351 = arith.constant 0 : index
        %get3A_352 = tpu.vector_load %arg14[%get3A_350, %get3A_351] {strides = array<i32>} : memref<64x32xf32, #tpu.memory_space<vmem>>, vector<16xf32>,
        %mul3A_353 = arith.mulf %gather3A_349, %get3A_352 : vector<16xf32>
        %swap3A_354 = arith.index_cast %add3A_344 : i32 to index
        %swap3A_355 = arith.constant 0 : index
        %swap3A_356 = tpu.vector_load %arg18[%swap3A_354, %swap3A_355] {strides = array<i32>} : memref<64x32xf32, #tpu.memory_space<vmem>>, vector<16xf32>,
        tpu.vector_store %arg18[%swap3A_354, %swap3A_355], %mul3A_353 {strides = array<i32>} : memref<64x32xf32, #tpu.memory_space<vmem>>, vector<16xf32>,
        %mul3A_357 = arith.mulf %gather3A_349, %select_n3A : vector<16xf32>
        %swap3A_358 = arith.index_cast %add3A_344 : i32 to index
        %swap3A_359 = arith.constant 16 : index
        %swap3A_360 = tpu.vector_load %arg18[%swap3A_358, %swap3A_359] {strides = array<i32>} : memref<64x32xf32, #tpu.memory_space<vmem>>, vector<16xf32>,
        tpu.vector_store %arg18[%swap3A_358, %swap3A_359], %mul3A_357 {strides = array<i32>} : memref<64x32xf32, #tpu.memory_space<vmem>>, vector<16xf32>,
        %mul3A_361 = arith.constant 16 : i32
        %mul3A_362 = arith.muli %scan3A_268, %mul3A_361 : i32
        %add3A_363 = arith.constant 4 : i32
        %add3A_364 = arith.addi %mul3A_362, %add3A_363 : i32
        %broadcast_in_dim3A_365 = arith.constant 4 : i32
        %broadcast_in_dim3A_366 = vector.broadcast %broadcast_in_dim3A_365 : i32 to vector<16xi32>
        %broadcast_in_dim3A_367 = vector.shape_cast %broadcast_in_dim3A_366 : vector<16xi32> to vector<16x1xi32>
        %gather3A_368 = vector.shape_cast %broadcast_in_dim3A_367 : vector<16x1xi32> to vector<16xi32>
        %gather3A_369 = tpu.dynamic_gather %exp3A[%gather3A_368] in [0] : vector<16xf32>, vector<16xi32> -> vector<16xf32>
        %get3A_370 = arith.index_cast %add3A_364 : i32 to index
        %get3A_371 = arith.constant 0 : index
        %get3A_372 = tpu.vector_load %arg14[%get3A_370, %get3A_371] {strides = array<i32>} : memref<64x32xf32, #tpu.memory_space<vmem>>, vector<16xf32>,
        %mul3A_373 = arith.mulf %gather3A_369, %get3A_372 : vector<16xf32>
        %swap3A_374 = arith.index_cast %add3A_364 : i32 to index
        %swap3A_375 = arith.constant 0 : index
        %swap3A_376 = tpu.vector_load %arg18[%swap3A_374, %swap3A_375] {strides = array<i32>} : memref<64x32xf32, #tpu.memory_space<vmem>>, vector<16xf32>,
        tpu.vector_store %arg18[%swap3A_374, %swap3A_375], %mul3A_373 {strides = array<i32>} : memref<64x32xf32, #tpu.memory_space<vmem>>, vector<16xf32>,
        %mul3A_377 = arith.mulf %gather3A_369, %select_n3A : vector<16xf32>
        %swap3A_378 = arith.index_cast %add3A_364 : i32 to index
        %swap3A_379 = arith.constant 16 : index
        %swap3A_380 = tpu.vector_load %arg18[%swap3A_378, %swap3A_379] {strides = array<i32>} : memref<64x32xf32, #tpu.memory_space<vmem>>, vector<16xf32>,
        tpu.vector_store %arg18[%swap3A_378, %swap3A_379], %mul3A_377 {strides = array<i32>} : memref<64x32xf32, #tpu.memory_space<vmem>>, vector<16xf32>,
        %mul3A_381 = arith.constant 16 : i32
        %mul3A_382 = arith.muli %scan3A_268, %mul3A_381 : i32
        %add3A_383 = arith.constant 5 : i32
        %add3A_384 = arith.addi %mul3A_382, %add3A_383 : i32
        %broadcast_in_dim3A_385 = arith.constant 5 : i32
        %broadcast_in_dim3A_386 = vector.broadcast %broadcast_in_dim3A_385 : i32 to vector<16xi32>
        %broadcast_in_dim3A_387 = vector.shape_cast %broadcast_in_dim3A_386 : vector<16xi32> to vector<16x1xi32>
        %gather3A_388 = vector.shape_cast %broadcast_in_dim3A_387 : vector<16x1xi32> to vector<16xi32>
        %gather3A_389 = tpu.dynamic_gather %exp3A[%gather3A_388] in [0] : vector<16xf32>, vector<16xi32> -> vector<16xf32>
        %get3A_390 = arith.index_cast %add3A_384 : i32 to index
        %get3A_391 = arith.constant 0 : index
        %get3A_392 = tpu.vector_load %arg14[%get3A_390, %get3A_391] {strides = array<i32>} : memref<64x32xf32, #tpu.memory_space<vmem>>, vector<16xf32>,
        %mul3A_393 = arith.mulf %gather3A_389, %get3A_392 : vector<16xf32>
        %swap3A_394 = arith.index_cast %add3A_384 : i32 to index
        %swap3A_395 = arith.constant 0 : index
        %swap3A_396 = tpu.vector_load %arg18[%swap3A_394, %swap3A_395] {strides = array<i32>} : memref<64x32xf32, #tpu.memory_space<vmem>>, vector<16xf32>,
        tpu.vector_store %arg18[%swap3A_394, %swap3A_395], %mul3A_393 {strides = array<i32>} : memref<64x32xf32, #tpu.memory_space<vmem>>, vector<16xf32>,
        %mul3A_397 = arith.mulf %gather3A_389, %select_n3A : vector<16xf32>
        %swap3A_398 = arith.index_cast %add3A_384 : i32 to index
        %swap3A_399 = arith.constant 16 : index
        %swap3A_400 = tpu.vector_load %arg18[%swap3A_398, %swap3A_399] {strides = array<i32>} : memref<64x32xf32, #tpu.memory_space<vmem>>, vector<16xf32>,
        tpu.vector_store %arg18[%swap3A_398, %swap3A_399], %mul3A_397 {strides = array<i32>} : memref<64x32xf32, #tpu.memory_space<vmem>>, vector<16xf32>,
        %mul3A_401 = arith.constant 16 : i32
        %mul3A_402 = arith.muli %scan3A_268, %mul3A_401 : i32
        %add3A_403 = arith.constant 6 : i32
        %add3A_404 = arith.addi %mul3A_402, %add3A_403 : i32
        %broadcast_in_dim3A_405 = arith.constant 6 : i32
        %broadcast_in_dim3A_406 = vector.broadcast %broadcast_in_dim3A_405 : i32 to vector<16xi32>
        %broadcast_in_dim3A_407 = vector.shape_cast %broadcast_in_dim3A_406 : vector<16xi32> to vector<16x1xi32>
        %gather3A_408 = vector.shape_cast %broadcast_in_dim3A_407 : vector<16x1xi32> to vector<16xi32>
        %gather3A_409 = tpu.dynamic_gather %exp3A[%gather3A_408] in [0] : vector<16xf32>, vector<16xi32> -> vector<16xf32>
        %get3A_410 = arith.index_cast %add3A_404 : i32 to index
        %get3A_411 = arith.constant 0 : index
        %get3A_412 = tpu.vector_load %arg14[%get3A_410, %get3A_411] {strides = array<i32>} : memref<64x32xf32, #tpu.memory_space<vmem>>, vector<16xf32>,
        %mul3A_413 = arith.mulf %gather3A_409, %get3A_412 : vector<16xf32>
        %swap3A_414 = arith.index_cast %add3A_404 : i32 to index
        %swap3A_415 = arith.constant 0 : index
        %swap3A_416 = tpu.vector_load %arg18[%swap3A_414, %swap3A_415] {strides = array<i32>} : memref<64x32xf32, #tpu.memory_space<vmem>>, vector<16xf32>,
        tpu.vector_store %arg18[%swap3A_414, %swap3A_415], %mul3A_413 {strides = array<i32>} : memref<64x32xf32, #tpu.memory_space<vmem>>, vector<16xf32>,
        %mul3A_417 = arith.mulf %gather3A_409, %select_n3A : vector<16xf32>
        %swap3A_418 = arith.index_cast %add3A_404 : i32 to index
        %swap3A_419 = arith.constant 16 : index
        %swap3A_420 = tpu.vector_load %arg18[%swap3A_418, %swap3A_419] {strides = array<i32>} : memref<64x32xf32, #tpu.memory_space<vmem>>, vector<16xf32>,
        tpu.vector_store %arg18[%swap3A_418, %swap3A_419], %mul3A_417 {strides = array<i32>} : memref<64x32xf32, #tpu.memory_space<vmem>>, vector<16xf32>,
        %mul3A_421 = arith.constant 16 : i32
        %mul3A_422 = arith.muli %scan3A_268, %mul3A_421 : i32
        %add3A_423 = arith.constant 7 : i32
        %add3A_424 = arith.addi %mul3A_422, %add3A_423 : i32
        %broadcast_in_dim3A_425 = arith.constant 7 : i32
        %broadcast_in_dim3A_426 = vector.broadcast %broadcast_in_dim3A_425 : i32 to vector<16xi32>
        %broadcast_in_dim3A_427 = vector.shape_cast %broadcast_in_dim3A_426 : vector<16xi32> to vector<16x1xi32>
        %gather3A_428 = vector.shape_cast %broadcast_in_dim3A_427 : vector<16x1xi32> to vector<16xi32>
        %gather3A_429 = tpu.dynamic_gather %exp3A[%gather3A_428] in [0] : vector<16xf32>, vector<16xi32> -> vector<16xf32>
        %get3A_430 = arith.index_cast %add3A_424 : i32 to index
        %get3A_431 = arith.constant 0 : index
        %get3A_432 = tpu.vector_load %arg14[%get3A_430, %get3A_431] {strides = array<i32>} : memref<64x32xf32, #tpu.memory_space<vmem>>, vector<16xf32>,
        %mul3A_433 = arith.mulf %gather3A_429, %get3A_432 : vector<16xf32>
        %swap3A_434 = arith.index_cast %add3A_424 : i32 to index
        %swap3A_435 = arith.constant 0 : index
        %swap3A_436 = tpu.vector_load %arg18[%swap3A_434, %swap3A_435] {strides = array<i32>} : memref<64x32xf32, #tpu.memory_space<vmem>>, vector<16xf32>,
        tpu.vector_store %arg18[%swap3A_434, %swap3A_435], %mul3A_433 {strides = array<i32>} : memref<64x32xf32, #tpu.memory_space<vmem>>, vector<16xf32>,
        %mul3A_437 = arith.mulf %gather3A_429, %select_n3A : vector<16xf32>
        %swap3A_438 = arith.index_cast %add3A_424 : i32 to index
        %swap3A_439 = arith.constant 16 : index
        %swap3A_440 = tpu.vector_load %arg18[%swap3A_438, %swap3A_439] {strides = array<i32>} : memref<64x32xf32, #tpu.memory_space<vmem>>, vector<16xf32>,
        tpu.vector_store %arg18[%swap3A_438, %swap3A_439], %mul3A_437 {strides = array<i32>} : memref<64x32xf32, #tpu.memory_space<vmem>>, vector<16xf32>,
        %mul3A_441 = arith.constant 16 : i32
        %mul3A_442 = arith.muli %scan3A_268, %mul3A_441 : i32
        %add3A_443 = arith.constant 8 : i32
        %add3A_444 = arith.addi %mul3A_442, %add3A_443 : i32
        %broadcast_in_dim3A_445 = arith.constant 8 : i32
        %broadcast_in_dim3A_446 = vector.broadcast %broadcast_in_dim3A_445 : i32 to vector<16xi32>
        %broadcast_in_dim3A_447 = vector.shape_cast %broadcast_in_dim3A_446 : vector<16xi32> to vector<16x1xi32>
        %gather3A_448 = vector.shape_cast %broadcast_in_dim3A_447 : vector<16x1xi32> to vector<16xi32>
        %gather3A_449 = tpu.dynamic_gather %exp3A[%gather3A_448] in [0] : vector<16xf32>, vector<16xi32> -> vector<16xf32>
        %get3A_450 = arith.index_cast %add3A_444 : i32 to index
        %get3A_451 = arith.constant 0 : index
        %get3A_452 = tpu.vector_load %arg14[%get3A_450, %get3A_451] {strides = array<i32>} : memref<64x32xf32, #tpu.memory_space<vmem>>, vector<16xf32>,
        %mul3A_453 = arith.mulf %gather3A_449, %get3A_452 : vector<16xf32>
        %swap3A_454 = arith.index_cast %add3A_444 : i32 to index
        %swap3A_455 = arith.constant 0 : index
        %swap3A_456 = tpu.vector_load %arg18[%swap3A_454, %swap3A_455] {strides = array<i32>} : memref<64x32xf32, #tpu.memory_space<vmem>>, vector<16xf32>,
        tpu.vector_store %arg18[%swap3A_454, %swap3A_455], %mul3A_453 {strides = array<i32>} : memref<64x32xf32, #tpu.memory_space<vmem>>, vector<16xf32>,
        %mul3A_457 = arith.mulf %gather3A_449, %select_n3A : vector<16xf32>
        %swap3A_458 = arith.index_cast %add3A_444 : i32 to index
        %swap3A_459 = arith.constant 16 : index
        %swap3A_460 = tpu.vector_load %arg18[%swap3A_458, %swap3A_459] {strides = array<i32>} : memref<64x32xf32, #tpu.memory_space<vmem>>, vector<16xf32>,
        tpu.vector_store %arg18[%swap3A_458, %swap3A_459], %mul3A_457 {strides = array<i32>} : memref<64x32xf32, #tpu.memory_space<vmem>>, vector<16xf32>,
        %mul3A_461 = arith.constant 16 : i32
        %mul3A_462 = arith.muli %scan3A_268, %mul3A_461 : i32
        %add3A_463 = arith.constant 9 : i32
        %add3A_464 = arith.addi %mul3A_462, %add3A_463 : i32
        %broadcast_in_dim3A_465 = arith.constant 9 : i32
        %broadcast_in_dim3A_466 = vector.broadcast %broadcast_in_dim3A_465 : i32 to vector<16xi32>
        %broadcast_in_dim3A_467 = vector.shape_cast %broadcast_in_dim3A_466 : vector<16xi32> to vector<16x1xi32>
        %gather3A_468 = vector.shape_cast %broadcast_in_dim3A_467 : vector<16x1xi32> to vector<16xi32>
        %gather3A_469 = tpu.dynamic_gather %exp3A[%gather3A_468] in [0] : vector<16xf32>, vector<16xi32> -> vector<16xf32>
        %get3A_470 = arith.index_cast %add3A_464 : i32 to index
        %get3A_471 = arith.constant 0 : index
        %get3A_472 = tpu.vector_load %arg14[%get3A_470, %get3A_471] {strides = array<i32>} : memref<64x32xf32, #tpu.memory_space<vmem>>, vector<16xf32>,
        %mul3A_473 = arith.mulf %gather3A_469, %get3A_472 : vector<16xf32>
        %swap3A_474 = arith.index_cast %add3A_464 : i32 to index
        %swap3A_475 = arith.constant 0 : index
        %swap3A_476 = tpu.vector_load %arg18[%swap3A_474, %swap3A_475] {strides = array<i32>} : memref<64x32xf32, #tpu.memory_space<vmem>>, vector<16xf32>,
        tpu.vector_store %arg18[%swap3A_474, %swap3A_475], %mul3A_473 {strides = array<i32>} : memref<64x32xf32, #tpu.memory_space<vmem>>, vector<16xf32>,
        %mul3A_477 = arith.mulf %gather3A_469, %select_n3A : vector<16xf32>
        %swap3A_478 = arith.index_cast %add3A_464 : i32 to index
        %swap3A_479 = arith.constant 16 : index
        %swap3A_480 = tpu.vector_load %arg18[%swap3A_478, %swap3A_479] {strides = array<i32>} : memref<64x32xf32, #tpu.memory_space<vmem>>, vector<16xf32>,
        tpu.vector_store %arg18[%swap3A_478, %swap3A_479], %mul3A_477 {strides = array<i32>} : memref<64x32xf32, #tpu.memory_space<vmem>>, vector<16xf32>,
        %mul3A_481 = arith.constant 16 : i32
        %mul3A_482 = arith.muli %scan3A_268, %mul3A_481 : i32
        %add3A_483 = arith.constant 10 : i32
        %add3A_484 = arith.addi %mul3A_482, %add3A_483 : i32
        %broadcast_in_dim3A_485 = arith.constant 10 : i32
        %broadcast_in_dim3A_486 = vector.broadcast %broadcast_in_dim3A_485 : i32 to vector<16xi32>
        %broadcast_in_dim3A_487 = vector.shape_cast %broadcast_in_dim3A_486 : vector<16xi32> to vector<16x1xi32>
        %gather3A_488 = vector.shape_cast %broadcast_in_dim3A_487 : vector<16x1xi32> to vector<16xi32>
        %gather3A_489 = tpu.dynamic_gather %exp3A[%gather3A_488] in [0] : vector<16xf32>, vector<16xi32> -> vector<16xf32>
        %get3A_490 = arith.index_cast %add3A_484 : i32 to index
        %get3A_491 = arith.constant 0 : index
        %get3A_492 = tpu.vector_load %arg14[%get3A_490, %get3A_491] {strides = array<i32>} : memref<64x32xf32, #tpu.memory_space<vmem>>, vector<16xf32>,
        %mul3A_493 = arith.mulf %gather3A_489, %get3A_492 : vector<16xf32>
        %swap3A_494 = arith.index_cast %add3A_484 : i32 to index
        %swap3A_495 = arith.constant 0 : index
        %swap3A_496 = tpu.vector_load %arg18[%swap3A_494, %swap3A_495] {strides = array<i32>} : memref<64x32xf32, #tpu.memory_space<vmem>>, vector<16xf32>,
        tpu.vector_store %arg18[%swap3A_494, %swap3A_495], %mul3A_493 {strides = array<i32>} : memref<64x32xf32, #tpu.memory_space<vmem>>, vector<16xf32>,
        %mul3A_497 = arith.mulf %gather3A_489, %select_n3A : vector<16xf32>
        %swap3A_498 = arith.index_cast %add3A_484 : i32 to index
        %swap3A_499 = arith.constant 16 : index
        %swap3A_500 = tpu.vector_load %arg18[%swap3A_498, %swap3A_499] {strides = array<i32>} : memref<64x32xf32, #tpu.memory_space<vmem>>, vector<16xf32>,
        tpu.vector_store %arg18[%swap3A_498, %swap3A_499], %mul3A_497 {strides = array<i32>} : memref<64x32xf32, #tpu.memory_space<vmem>>, vector<16xf32>,
        %mul3A_501 = arith.constant 16 : i32
        %mul3A_502 = arith.muli %scan3A_268, %mul3A_501 : i32
        %add3A_503 = arith.constant 11 : i32
        %add3A_504 = arith.addi %mul3A_502, %add3A_503 : i32
        %broadcast_in_dim3A_505 = arith.constant 11 : i32
        %broadcast_in_dim3A_506 = vector.broadcast %broadcast_in_dim3A_505 : i32 to vector<16xi32>
        %broadcast_in_dim3A_507 = vector.shape_cast %broadcast_in_dim3A_506 : vector<16xi32> to vector<16x1xi32>
        %gather3A_508 = vector.shape_cast %broadcast_in_dim3A_507 : vector<16x1xi32> to vector<16xi32>
        %gather3A_509 = tpu.dynamic_gather %exp3A[%gather3A_508] in [0] : vector<16xf32>, vector<16xi32> -> vector<16xf32>
        %get3A_510 = arith.index_cast %add3A_504 : i32 to index
        %get3A_511 = arith.constant 0 : index
        %get3A_512 = tpu.vector_load %arg14[%get3A_510, %get3A_511] {strides = array<i32>} : memref<64x32xf32, #tpu.memory_space<vmem>>, vector<16xf32>,
        %mul3A_513 = arith.mulf %gather3A_509, %get3A_512 : vector<16xf32>
        %swap3A_514 = arith.index_cast %add3A_504 : i32 to index
        %swap3A_515 = arith.constant 0 : index
        %swap3A_516 = tpu.vector_load %arg18[%swap3A_514, %swap3A_515] {strides = array<i32>} : memref<64x32xf32, #tpu.memory_space<vmem>>, vector<16xf32>,
        tpu.vector_store %arg18[%swap3A_514, %swap3A_515], %mul3A_513 {strides = array<i32>} : memref<64x32xf32, #tpu.memory_space<vmem>>, vector<16xf32>,
        %mul3A_517 = arith.mulf %gather3A_509, %select_n3A : vector<16xf32>
        %swap3A_518 = arith.index_cast %add3A_504 : i32 to index
        %swap3A_519 = arith.constant 16 : index
        %swap3A_520 = tpu.vector_load %arg18[%swap3A_518, %swap3A_519] {strides = array<i32>} : memref<64x32xf32, #tpu.memory_space<vmem>>, vector<16xf32>,
        tpu.vector_store %arg18[%swap3A_518, %swap3A_519], %mul3A_517 {strides = array<i32>} : memref<64x32xf32, #tpu.memory_space<vmem>>, vector<16xf32>,
        %mul3A_521 = arith.constant 16 : i32
        %mul3A_522 = arith.muli %scan3A_268, %mul3A_521 : i32
        %add3A_523 = arith.constant 12 : i32
        %add3A_524 = arith.addi %mul3A_522, %add3A_523 : i32
        %broadcast_in_dim3A_525 = arith.constant 12 : i32
        %broadcast_in_dim3A_526 = vector.broadcast %broadcast_in_dim3A_525 : i32 to vector<16xi32>
        %broadcast_in_dim3A_527 = vector.shape_cast %broadcast_in_dim3A_526 : vector<16xi32> to vector<16x1xi32>
        %gather3A_528 = vector.shape_cast %broadcast_in_dim3A_527 : vector<16x1xi32> to vector<16xi32>
        %gather3A_529 = tpu.dynamic_gather %exp3A[%gather3A_528] in [0] : vector<16xf32>, vector<16xi32> -> vector<16xf32>
        %get3A_530 = arith.index_cast %add3A_524 : i32 to index
        %get3A_531 = arith.constant 0 : index
        %get3A_532 = tpu.vector_load %arg14[%get3A_530, %get3A_531] {strides = array<i32>} : memref<64x32xf32, #tpu.memory_space<vmem>>, vector<16xf32>,
        %mul3A_533 = arith.mulf %gather3A_529, %get3A_532 : vector<16xf32>
        %swap3A_534 = arith.index_cast %add3A_524 : i32 to index
        %swap3A_535 = arith.constant 0 : index
        %swap3A_536 = tpu.vector_load %arg18[%swap3A_534, %swap3A_535] {strides = array<i32>} : memref<64x32xf32, #tpu.memory_space<vmem>>, vector<16xf32>,
        tpu.vector_store %arg18[%swap3A_534, %swap3A_535], %mul3A_533 {strides = array<i32>} : memref<64x32xf32, #tpu.memory_space<vmem>>, vector<16xf32>,
        %mul3A_537 = arith.mulf %gather3A_529, %select_n3A : vector<16xf32>
        %swap3A_538 = arith.index_cast %add3A_524 : i32 to index
        %swap3A_539 = arith.constant 16 : index
        %swap3A_540 = tpu.vector_load %arg18[%swap3A_538, %swap3A_539] {strides = array<i32>} : memref<64x32xf32, #tpu.memory_space<vmem>>, vector<16xf32>,
        tpu.vector_store %arg18[%swap3A_538, %swap3A_539], %mul3A_537 {strides = array<i32>} : memref<64x32xf32, #tpu.memory_space<vmem>>, vector<16xf32>,
        %mul3A_541 = arith.constant 16 : i32
        %mul3A_542 = arith.muli %scan3A_268, %mul3A_541 : i32
        %add3A_543 = arith.constant 13 : i32
        %add3A_544 = arith.addi %mul3A_542, %add3A_543 : i32
        %broadcast_in_dim3A_545 = arith.constant 13 : i32
        %broadcast_in_dim3A_546 = vector.broadcast %broadcast_in_dim3A_545 : i32 to vector<16xi32>
        %broadcast_in_dim3A_547 = vector.shape_cast %broadcast_in_dim3A_546 : vector<16xi32> to vector<16x1xi32>
        %gather3A_548 = vector.shape_cast %broadcast_in_dim3A_547 : vector<16x1xi32> to vector<16xi32>
        %gather3A_549 = tpu.dynamic_gather %exp3A[%gather3A_548] in [0] : vector<16xf32>, vector<16xi32> -> vector<16xf32>
        %get3A_550 = arith.index_cast %add3A_544 : i32 to index
        %get3A_551 = arith.constant 0 : index
        %get3A_552 = tpu.vector_load %arg14[%get3A_550, %get3A_551] {strides = array<i32>} : memref<64x32xf32, #tpu.memory_space<vmem>>, vector<16xf32>,
        %mul3A_553 = arith.mulf %gather3A_549, %get3A_552 : vector<16xf32>
        %swap3A_554 = arith.index_cast %add3A_544 : i32 to index
        %swap3A_555 = arith.constant 0 : index
        %swap3A_556 = tpu.vector_load %arg18[%swap3A_554, %swap3A_555] {strides = array<i32>} : memref<64x32xf32, #tpu.memory_space<vmem>>, vector<16xf32>,
        tpu.vector_store %arg18[%swap3A_554, %swap3A_555], %mul3A_553 {strides = array<i32>} : memref<64x32xf32, #tpu.memory_space<vmem>>, vector<16xf32>,
        %mul3A_557 = arith.mulf %gather3A_549, %select_n3A : vector<16xf32>
        %swap3A_558 = arith.index_cast %add3A_544 : i32 to index
        %swap3A_559 = arith.constant 16 : index
        %swap3A_560 = tpu.vector_load %arg18[%swap3A_558, %swap3A_559] {strides = array<i32>} : memref<64x32xf32, #tpu.memory_space<vmem>>, vector<16xf32>,
        tpu.vector_store %arg18[%swap3A_558, %swap3A_559], %mul3A_557 {strides = array<i32>} : memref<64x32xf32, #tpu.memory_space<vmem>>, vector<16xf32>,
        %mul3A_561 = arith.constant 16 : i32
        %mul3A_562 = arith.muli %scan3A_268, %mul3A_561 : i32
        %add3A_563 = arith.constant 14 : i32
        %add3A_564 = arith.addi %mul3A_562, %add3A_563 : i32
        %broadcast_in_dim3A_565 = arith.constant 14 : i32
        %broadcast_in_dim3A_566 = vector.broadcast %broadcast_in_dim3A_565 : i32 to vector<16xi32>
        %broadcast_in_dim3A_567 = vector.shape_cast %broadcast_in_dim3A_566 : vector<16xi32> to vector<16x1xi32>
        %gather3A_568 = vector.shape_cast %broadcast_in_dim3A_567 : vector<16x1xi32> to vector<16xi32>
        %gather3A_569 = tpu.dynamic_gather %exp3A[%gather3A_568] in [0] : vector<16xf32>, vector<16xi32> -> vector<16xf32>
        %get3A_570 = arith.index_cast %add3A_564 : i32 to index
        %get3A_571 = arith.constant 0 : index
        %get3A_572 = tpu.vector_load %arg14[%get3A_570, %get3A_571] {strides = array<i32>} : memref<64x32xf32, #tpu.memory_space<vmem>>, vector<16xf32>,
        %mul3A_573 = arith.mulf %gather3A_569, %get3A_572 : vector<16xf32>
        %swap3A_574 = arith.index_cast %add3A_564 : i32 to index
        %swap3A_575 = arith.constant 0 : index
        %swap3A_576 = tpu.vector_load %arg18[%swap3A_574, %swap3A_575] {strides = array<i32>} : memref<64x32xf32, #tpu.memory_space<vmem>>, vector<16xf32>,
        tpu.vector_store %arg18[%swap3A_574, %swap3A_575], %mul3A_573 {strides = array<i32>} : memref<64x32xf32, #tpu.memory_space<vmem>>, vector<16xf32>,
        %mul3A_577 = arith.mulf %gather3A_569, %select_n3A : vector<16xf32>
        %swap3A_578 = arith.index_cast %add3A_564 : i32 to index
        %swap3A_579 = arith.constant 16 : index
        %swap3A_580 = tpu.vector_load %arg18[%swap3A_578, %swap3A_579] {strides = array<i32>} : memref<64x32xf32, #tpu.memory_space<vmem>>, vector<16xf32>,
        tpu.vector_store %arg18[%swap3A_578, %swap3A_579], %mul3A_577 {strides = array<i32>} : memref<64x32xf32, #tpu.memory_space<vmem>>, vector<16xf32>,
        %mul3A_581 = arith.constant 16 : i32
        %mul3A_582 = arith.muli %scan3A_268, %mul3A_581 : i32
        %add3A_583 = arith.constant 15 : i32
        %add3A_584 = arith.addi %mul3A_582, %add3A_583 : i32
        %broadcast_in_dim3A_585 = arith.constant 15 : i32
        %broadcast_in_dim3A_586 = vector.broadcast %broadcast_in_dim3A_585 : i32 to vector<16xi32>
        %broadcast_in_dim3A_587 = vector.shape_cast %broadcast_in_dim3A_586 : vector<16xi32> to vector<16x1xi32>
        %gather3A_588 = vector.shape_cast %broadcast_in_dim3A_587 : vector<16x1xi32> to vector<16xi32>
        %gather3A_589 = tpu.dynamic_gather %exp3A[%gather3A_588] in [0] : vector<16xf32>, vector<16xi32> -> vector<16xf32>
        %get3A_590 = arith.index_cast %add3A_584 : i32 to index
        %get3A_591 = arith.constant 0 : index
        %get3A_592 = tpu.vector_load %arg14[%get3A_590, %get3A_591] {strides = array<i32>} : memref<64x32xf32, #tpu.memory_space<vmem>>, vector<16xf32>,
        %mul3A_593 = arith.mulf %gather3A_589, %get3A_592 : vector<16xf32>
        %swap3A_594 = arith.index_cast %add3A_584 : i32 to index
        %swap3A_595 = arith.constant 0 : index
        %swap3A_596 = tpu.vector_load %arg18[%swap3A_594, %swap3A_595] {strides = array<i32>} : memref<64x32xf32, #tpu.memory_space<vmem>>, vector<16xf32>,
        tpu.vector_store %arg18[%swap3A_594, %swap3A_595], %mul3A_593 {strides = array<i32>} : memref<64x32xf32, #tpu.memory_space<vmem>>, vector<16xf32>,
        %mul3A_597 = arith.mulf %gather3A_589, %select_n3A : vector<16xf32>
        %swap3A_598 = arith.index_cast %add3A_584 : i32 to index
        %swap3A_599 = arith.constant 16 : index
        %swap3A_600 = tpu.vector_load %arg18[%swap3A_598, %swap3A_599] {strides = array<i32>} : memref<64x32xf32, #tpu.memory_space<vmem>>, vector<16xf32>,
        tpu.vector_store %arg18[%swap3A_598, %swap3A_599], %mul3A_597 {strides = array<i32>} : memref<64x32xf32, #tpu.memory_space<vmem>>, vector<16xf32>,
      }
      %scan3A_202 = arith.constant 4 : i32
      %dma_start3A_203 = arith.constant 0 : i32
      %dma_start3A_204 = arith.constant 0 : i32
      %dma_start3A_205 = tpu.memref_slice %arg20[%dma_start3A_203, %dma_start3A_204] : memref<10016x32xf32, #tpu.memory_space<vmem_shared>> -> memref<10016x32xf32, #tpu.memory_space<vmem_shared>>
      tpu.enqueue_indirect_dma source(%arg18 : memref<64x32xf32, #tpu.memory_space<vmem>>) target(%dma_start3A_205 : memref<10016x32xf32, #tpu.memory_space<vmem_shared>>) offsets(%arg12 : memref<64xi32, #tpu.memory_space<vmem>>) semaphore(%arg27 : memref<!tpu.dma_semaphore, #tpu.memory_space<semaphore_mem>>) {add = true}
      %mul3A_206 = arith.constant 2 : i32
      %mul3A_207 = arith.muli %mul3A_206, %scan3A_150 : i32
      %add3A_208 = arith.constant 1 : i32
      %add3A_209 = arith.addi %mul3A_207, %add3A_208 : i32
      %add3A_210 = arith.constant 1 : i32
      %add3A_211 = arith.addi %add3A_209, %add3A_210 : i32
      %lt3A_212 = arith.constant 162 : i32
      %lt3A_213 = arith.cmpi slt, %add3A_211, %lt3A_212 : i32
      %convert_element_type3A_214 = arith.extui %lt3A_213 : i1 to i32
      %cond3A_215 = arith.constant 0 : i32
      %cond3A_216 = arith.cmpi ne, %convert_element_type3A_214, %cond3A_215 : i32
      scf.if %cond3A_216 {
        %dma_wait3A_268 = arith.constant 0 : i32
        %dma_wait3A_269 = arith.constant 0 : i32
        %dma_wait3A_270 = tpu.memref_slice %arg2[%dma_wait3A_268, %dma_wait3A_269] : memref<5184x128xi32, #tpu.memory_space<hbm>> -> memref<1x128xi32, #tpu.memory_space<hbm>>
        %dma_wait3A_271 = tpu.memref_squeeze %dma_wait3A_270 : memref<1x128xi32, #tpu.memory_space<hbm>> -> memref<128xi32, #tpu.memory_space<hbm>>
        %dma_wait3A_272 = arith.constant 0 : i32
        %dma_wait3A_273 = tpu.memref_slice %arg2[%dma_wait3A_268, %dma_wait3A_272] : memref<5184x128xi32, #tpu.memory_space<hbm>> -> memref<1x128xi32, #tpu.memory_space<hbm>>
        %dma_wait3A_274 = tpu.memref_squeeze %dma_wait3A_273 : memref<1x128xi32, #tpu.memory_space<hbm>> -> memref<128xi32, #tpu.memory_space<hbm>>
        tpu.wait_dma2 semaphore(%arg21 : memref<!tpu.dma_semaphore, #tpu.memory_space<semaphore_mem>>) src(%dma_wait3A_274 : memref<128xi32, #tpu.memory_space<hbm>>) dst(%arg6 : memref<128xi32, #tpu.memory_space<vmem>>)
        %get3A_275 = arith.constant 0 : index
        %get3A_276 = tpu.vector_load %arg6[%get3A_275] {strides = array<i32>} : memref<128xi32, #tpu.memory_space<vmem>>, vector<16xi32>,
        %swap3A_277 = arith.constant 0 : index
        %swap3A_278 = tpu.vector_load %arg8[%swap3A_277] {strides = array<i32>} : memref<64xi32, #tpu.memory_space<vmem>>, vector<16xi32>,
        tpu.vector_store %arg8[%swap3A_277], %get3A_276 {strides = array<i32>} : memref<64xi32, #tpu.memory_space<vmem>>, vector<16xi32>,
        %get3A_279 = arith.constant 64 : index
        %get3A_280 = tpu.vector_load %arg6[%get3A_279] {strides = array<i32>} : memref<128xi32, #tpu.memory_space<vmem>>, vector<16xi32>,
        %swap3A_281 = arith.constant 0 : index
        %swap3A_282 = tpu.vector_load %arg10[%swap3A_281] {strides = array<i32>} : memref<64xi32, #tpu.memory_space<vmem>>, vector<16xi32>,
        tpu.vector_store %arg10[%swap3A_281], %get3A_280 {strides = array<i32>} : memref<64xi32, #tpu.memory_space<vmem>>, vector<16xi32>,
        %get3A_283 = arith.constant 16 : index
        %get3A_284 = tpu.vector_load %arg6[%get3A_283] {strides = array<i32>} : memref<128xi32, #tpu.memory_space<vmem>>, vector<16xi32>,
        %swap3A_285 = arith.constant 16 : index
        %swap3A_286 = tpu.vector_load %arg8[%swap3A_285] {strides = array<i32>} : memref<64xi32, #tpu.memory_space<vmem>>, vector<16xi32>,
        tpu.vector_store %arg8[%swap3A_285], %get3A_284 {strides = array<i32>} : memref<64xi32, #tpu.memory_space<vmem>>, vector<16xi32>,
        %get3A_287 = arith.constant 80 : index
        %get3A_288 = tpu.vector_load %arg6[%get3A_287] {strides = array<i32>} : memref<128xi32, #tpu.memory_space<vmem>>, vector<16xi32>,
        %swap3A_289 = arith.constant 16 : index
        %swap3A_290 = tpu.vector_load %arg10[%swap3A_289] {strides = array<i32>} : memref<64xi32, #tpu.memory_space<vmem>>, vector<16xi32>,
        tpu.vector_store %arg10[%swap3A_289], %get3A_288 {strides = array<i32>} : memref<64xi32, #tpu.memory_space<vmem>>, vector<16xi32>,
        %get3A_291 = arith.constant 32 : index
        %get3A_292 = tpu.vector_load %arg6[%get3A_291] {strides = array<i32>} : memref<128xi32, #tpu.memory_space<vmem>>, vector<16xi32>,
        %swap3A_293 = arith.constant 32 : index
        %swap3A_294 = tpu.vector_load %arg8[%swap3A_293] {strides = array<i32>} : memref<64xi32, #tpu.memory_space<vmem>>, vector<16xi32>,
        tpu.vector_store %arg8[%swap3A_293], %get3A_292 {strides = array<i32>} : memref<64xi32, #tpu.memory_space<vmem>>, vector<16xi32>,
        %get3A_295 = arith.constant 96 : index
        %get3A_296 = tpu.vector_load %arg6[%get3A_295] {strides = array<i32>} : memref<128xi32, #tpu.memory_space<vmem>>, vector<16xi32>,
        %swap3A_297 = arith.constant 32 : index
        %swap3A_298 = tpu.vector_load %arg10[%swap3A_297] {strides = array<i32>} : memref<64xi32, #tpu.memory_space<vmem>>, vector<16xi32>,
        tpu.vector_store %arg10[%swap3A_297], %get3A_296 {strides = array<i32>} : memref<64xi32, #tpu.memory_space<vmem>>, vector<16xi32>,
        %get3A_299 = arith.constant 48 : index
        %get3A_300 = tpu.vector_load %arg6[%get3A_299] {strides = array<i32>} : memref<128xi32, #tpu.memory_space<vmem>>, vector<16xi32>,
        %swap3A_301 = arith.constant 48 : index
        %swap3A_302 = tpu.vector_load %arg8[%swap3A_301] {strides = array<i32>} : memref<64xi32, #tpu.memory_space<vmem>>, vector<16xi32>,
        tpu.vector_store %arg8[%swap3A_301], %get3A_300 {strides = array<i32>} : memref<64xi32, #tpu.memory_space<vmem>>, vector<16xi32>,
        %get3A_303 = arith.constant 112 : index
        %get3A_304 = tpu.vector_load %arg6[%get3A_303] {strides = array<i32>} : memref<128xi32, #tpu.memory_space<vmem>>, vector<16xi32>,
        %swap3A_305 = arith.constant 48 : index
        %swap3A_306 = tpu.vector_load %arg10[%swap3A_305] {strides = array<i32>} : memref<64xi32, #tpu.memory_space<vmem>>, vector<16xi32>,
        tpu.vector_store %arg10[%swap3A_305], %get3A_304 {strides = array<i32>} : memref<64xi32, #tpu.memory_space<vmem>>, vector<16xi32>,
        %dma_start3A_307 = arith.constant 0 : i32
        %dma_start3A_308 = arith.constant 0 : i32
        %dma_start3A_309 = tpu.memref_slice %arg3[%dma_start3A_307, %dma_start3A_308] : memref<10016x32xf32, #tpu.memory_space<hbm>> -> memref<10016x32xf32, #tpu.memory_space<hbm>>
        tpu.enqueue_indirect_dma source(%dma_start3A_309 : memref<10016x32xf32, #tpu.memory_space<hbm>>) target(%arg14 : memref<64x32xf32, #tpu.memory_space<vmem>>) offsets(%arg8 : memref<64xi32, #tpu.memory_space<vmem>>) semaphore(%arg23 : memref<!tpu.dma_semaphore, #tpu.memory_space<semaphore_mem>>)
        %dma_start3A_310 = arith.constant 0 : i32
        %dma_start3A_311 = arith.constant 0 : i32
        %dma_start3A_312 = tpu.memref_slice %arg4[%dma_start3A_310, %dma_start3A_311] : memref<10016x8xf32, #tpu.memory_space<hbm>> -> memref<10016x8xf32, #tpu.memory_space<hbm>>
        tpu.enqueue_indirect_dma source(%dma_start3A_312 : memref<10016x8xf32, #tpu.memory_space<hbm>>) target(%arg16 : memref<64x8xf32, #tpu.memory_space<vmem>>) offsets(%arg10 : memref<64xi32, #tpu.memory_space<vmem>>) semaphore(%arg25 : memref<!tpu.dma_semaphore, #tpu.memory_space<semaphore_mem>>)
      } else {
      }
      %dma_wait3A_217 = arith.constant 0 : i32
      %dma_wait3A_218 = arith.constant 0 : i32
      %dma_wait3A_219 = tpu.memref_slice %arg3[%dma_wait3A_217, %dma_wait3A_218] : memref<10016x32xf32, #tpu.memory_space<hbm>> -> memref<10016x32xf32, #tpu.memory_space<hbm>>
      tpu.wait_indirect_dma semaphore(%arg24 : memref<!tpu.dma_semaphore, #tpu.memory_space<semaphore_mem>>) src(%dma_wait3A_219 : memref<10016x32xf32, #tpu.memory_space<hbm>>) dst(%arg15 : memref<64x32xf32, #tpu.memory_space<vmem>>)
      %dma_wait3A_220 = arith.constant 0 : i32
      %dma_wait3A_221 = arith.constant 0 : i32
      %dma_wait3A_222 = tpu.memref_slice %arg4[%dma_wait3A_220, %dma_wait3A_221] : memref<10016x8xf32, #tpu.memory_space<hbm>> -> memref<10016x8xf32, #tpu.memory_space<hbm>>
      tpu.wait_indirect_dma semaphore(%arg26 : memref<!tpu.dma_semaphore, #tpu.memory_space<semaphore_mem>>) src(%dma_wait3A_222 : memref<10016x8xf32, #tpu.memory_space<hbm>>) dst(%arg17 : memref<64x8xf32, #tpu.memory_space<vmem>>)
      %ge3A_223 = arith.constant 2 : i32
      %ge3A_224 = arith.cmpi sge, %add3A_209, %ge3A_223 : i32
      %convert_element_type3A_225 = arith.extui %ge3A_224 : i1 to i32
      %cond3A_226 = arith.constant 0 : i32
      %cond3A_227 = arith.cmpi ne, %convert_element_type3A_225, %cond3A_226 : i32
      scf.if %cond3A_227 {
        %dma_wait3A_268 = arith.constant 0 : i32
        %dma_wait3A_269 = arith.constant 0 : i32
        %dma_wait3A_270 = tpu.memref_slice %arg20[%dma_wait3A_268, %dma_wait3A_269] : memref<10016x32xf32, #tpu.memory_space<vmem_shared>> -> memref<10016x32xf32, #tpu.memory_space<vmem_shared>>
        tpu.wait_indirect_dma semaphore(%arg28 : memref<!tpu.dma_semaphore, #tpu.memory_space<semaphore_mem>>) src(%arg19 : memref<64x32xf32, #tpu.memory_space<vmem>>) dst(%dma_wait3A_270 : memref<10016x32xf32, #tpu.memory_space<vmem_shared>>)
      } else {
      }
      %get3A_228 = arith.constant 0 : index
      %get3A_229 = tpu.vector_load %arg11[%get3A_228] {strides = array<i32>} : memref<64xi32, #tpu.memory_space<vmem>>, vector<16xi32>,
      %swap3A_230 = arith.constant 0 : index
      %swap3A_231 = tpu.vector_load %arg13[%swap3A_230] {strides = array<i32>} : memref<64xi32, #tpu.memory_space<vmem>>, vector<16xi32>,
      tpu.vector_store %arg13[%swap3A_230], %get3A_229 {strides = array<i32>} : memref<64xi32, #tpu.memory_space<vmem>>, vector<16xi32>,
      %get3A_232 = arith.constant 16 : index
      %get3A_233 = tpu.vector_load %arg11[%get3A_232] {strides = array<i32>} : memref<64xi32, #tpu.memory_space<vmem>>, vector<16xi32>,
      %swap3A_234 = arith.constant 16 : index
      %swap3A_235 = tpu.vector_load %arg13[%swap3A_234] {strides = array<i32>} : memref<64xi32, #tpu.memory_space<vmem>>, vector<16xi32>,
      tpu.vector_store %arg13[%swap3A_234], %get3A_233 {strides = array<i32>} : memref<64xi32, #tpu.memory_space<vmem>>, vector<16xi32>,
      %get3A_236 = arith.constant 32 : index
      %get3A_237 = tpu.vector_load %arg11[%get3A_236] {strides = array<i32>} : memref<64xi32, #tpu.memory_space<vmem>>, vector<16xi32>,
      %swap3A_238 = arith.constant 32 : index
      %swap3A_239 = tpu.vector_load %arg13[%swap3A_238] {strides = array<i32>} : memref<64xi32, #tpu.memory_space<vmem>>, vector<16xi32>,
      tpu.vector_store %arg13[%swap3A_238], %get3A_237 {strides = array<i32>} : memref<64xi32, #tpu.memory_space<vmem>>, vector<16xi32>,
      %get3A_240 = arith.constant 48 : index
      %get3A_241 = tpu.vector_load %arg11[%get3A_240] {strides = array<i32>} : memref<64xi32, #tpu.memory_space<vmem>>, vector<16xi32>,
      %swap3A_242 = arith.constant 48 : index
      %swap3A_243 = tpu.vector_load %arg13[%swap3A_242] {strides = array<i32>} : memref<64xi32, #tpu.memory_space<vmem>>, vector<16xi32>,
      tpu.vector_store %arg13[%swap3A_242], %get3A_241 {strides = array<i32>} : memref<64xi32, #tpu.memory_space<vmem>>, vector<16xi32>,
      %add3A_244 = arith.constant 2 : i32
      %add3A_245 = arith.addi %add3A_209, %add3A_244 : i32
      %lt3A_246 = arith.constant 162 : i32
      %lt3A_247 = arith.cmpi slt, %add3A_245, %lt3A_246 : i32
      %convert_element_type3A_248 = arith.extui %lt3A_247 : i1 to i32
      %cond3A_249 = arith.constant 0 : i32
      %cond3A_250 = arith.cmpi ne, %convert_element_type3A_248, %cond3A_249 : i32
      scf.if %cond3A_250 {
        %add3A_268 = arith.constant 2 : i32
        %add3A_269 = arith.addi %add3A_209, %add3A_268 : i32
        %add3A_270 = arith.addi %mul3A_2, %add3A_269 : i32
        %dma_start3A_271 = arith.constant 0 : i32
        %dma_start3A_272 = tpu.memref_slice %arg2[%add3A_270, %dma_start3A_271] : memref<5184x128xi32, #tpu.memory_space<hbm>> -> memref<1x128xi32, #tpu.memory_space<hbm>>
        %dma_start3A_273 = tpu.memref_squeeze %dma_start3A_272 : memref<1x128xi32, #tpu.memory_space<hbm>> -> memref<128xi32, #tpu.memory_space<hbm>>
        %dma_start3A_274 = arith.constant 0 : i32
        %dma_start3A_275 = tpu.memref_slice %arg2[%add3A_270, %dma_start3A_274] : memref<5184x128xi32, #tpu.memory_space<hbm>> -> memref<1x128xi32, #tpu.memory_space<hbm>>
        %dma_start3A_276 = tpu.memref_squeeze %dma_start3A_275 : memref<1x128xi32, #tpu.memory_space<hbm>> -> memref<128xi32, #tpu.memory_space<hbm>>
        tpu.enqueue_dma source(%dma_start3A_276 : memref<128xi32, #tpu.memory_space<hbm>>) target(%arg7 : memref<128xi32, #tpu.memory_space<vmem>>) target_semaphore(%arg22 : memref<!tpu.dma_semaphore, #tpu.memory_space<semaphore_mem>>)
      } else {
      }
      %eq3A_251 = arith.constant 0 : i32
      %eq3A_252 = vector.broadcast %eq3A_251 : i32 to vector<16xi32>
      %eq3A_253 = arith.cmpi eq, %iota3A, %eq3A_252 : vector<16xi32>
      %jit3A_254 = arith.constant 1.000000e+00 : f32
      %jit3A_255 = arith.constant 0.000000e+00 : f32
      %broadcast_in_dim3A_256 = vector.broadcast %jit3A_254 : f32 to vector<16xf32>
      %broadcast_in_dim3A_257 = vector.broadcast %jit3A_255 : f32 to vector<16xf32>
      %select_n3A_258 = arith.select %eq3A_253, %broadcast_in_dim3A_256, %broadcast_in_dim3A_257 : vector<16xi1>, vector<16xf32>
      %scan3A_259 = arith.constant 0 : i32
      %scan3A_260 = arith.constant 0 : i32
      %scan3A_261 = arith.constant 4 : i32
      %scan3A_262 = arith.addi %scan3A_260, %scan3A_261 : i32
      %scan3A_263 = arith.constant 1 : i32
      scf.for %scan3A_268 = %scan3A_260 to %scan3A_262 step %scan3A_263  : i32 {
        %mul3A_269 = arith.constant 16 : i32
        %mul3A_270 = arith.muli %scan3A_268, %mul3A_269 : i32
        %add3A_271 = vector.broadcast %mul3A_270 : i32 to vector<16xi32>
        %add3A_272 = arith.addi %add3A_271, %iota3A : vector<16xi32>
        %gather3A = tpu.vector_load_idx %arg15[%add3A_272, %broadcast_in_dim3A_95] : memref<64x32xf32, #tpu.memory_space<vmem>>[vector<16xi32>, vector<16xi32>], vector<16xf32>,
        %gather3A_273 = tpu.vector_load_idx %arg17[%add3A_272, %broadcast_in_dim3A_97] : memref<64x8xf32, #tpu.memory_space<vmem>>[vector<16xi32>, vector<16xi32>], vector<16xf32>,
        %add3A_274 = arith.addf %gather3A, %gather3A_273 : vector<16xf32>
        %gt3A = arith.constant 0.000000e+00 : f32
        %gt3A_275 = vector.broadcast %gt3A : f32 to vector<16xf32>
        %gt3A_276 = arith.cmpf ogt, %add3A_274, %gt3A_275 : vector<16xf32>
        %mul3A_277 = arith.constant 2.000000e-01 : f32
        %mul3A_278 = vector.broadcast %mul3A_277 : f32 to vector<16xf32>
        %mul3A_279 = arith.mulf %mul3A_278, %add3A_274 : vector<16xf32>
        %select_n3A_280 = arith.select %gt3A_276, %add3A_274, %mul3A_279 : vector<16xi1>, vector<16xf32>
        %exp3A = math.exp %select_n3A_280 : vector<16xf32>
        %mul3A_281 = arith.constant 16 : i32
        %mul3A_282 = arith.muli %scan3A_268, %mul3A_281 : i32
        %add3A_283 = arith.constant 0 : i32
        %add3A_284 = arith.addi %mul3A_282, %add3A_283 : i32
        %broadcast_in_dim3A_285 = arith.constant 0 : i32
        %broadcast_in_dim3A_286 = vector.broadcast %broadcast_in_dim3A_285 : i32 to vector<16xi32>
        %broadcast_in_dim3A_287 = vector.shape_cast %broadcast_in_dim3A_286 : vector<16xi32> to vector<16x1xi32>
        %gather3A_288 = vector.shape_cast %broadcast_in_dim3A_287 : vector<16x1xi32> to vector<16xi32>
        %gather3A_289 = tpu.dynamic_gather %exp3A[%gather3A_288] in [0] : vector<16xf32>, vector<16xi32> -> vector<16xf32>
        %get3A_290 = arith.index_cast %add3A_284 : i32 to index
        %get3A_291 = arith.constant 0 : index
        %get3A_292 = tpu.vector_load %arg15[%get3A_290, %get3A_291] {strides = array<i32>} : memref<64x32xf32, #tpu.memory_space<vmem>>, vector<16xf32>,
        %mul3A_293 = arith.mulf %gather3A_289, %get3A_292 : vector<16xf32>
        %swap3A_294 = arith.index_cast %add3A_284 : i32 to index
        %swap3A_295 = arith.constant 0 : index
        %swap3A_296 = tpu.vector_load %arg19[%swap3A_294, %swap3A_295] {strides = array<i32>} : memref<64x32xf32, #tpu.memory_space<vmem>>, vector<16xf32>,
        tpu.vector_store %arg19[%swap3A_294, %swap3A_295], %mul3A_293 {strides = array<i32>} : memref<64x32xf32, #tpu.memory_space<vmem>>, vector<16xf32>,
        %mul3A_297 = arith.mulf %gather3A_289, %select_n3A_258 : vector<16xf32>
        %swap3A_298 = arith.index_cast %add3A_284 : i32 to index
        %swap3A_299 = arith.constant 16 : index
        %swap3A_300 = tpu.vector_load %arg19[%swap3A_298, %swap3A_299] {strides = array<i32>} : memref<64x32xf32, #tpu.memory_space<vmem>>, vector<16xf32>,
        tpu.vector_store %arg19[%swap3A_298, %swap3A_299], %mul3A_297 {strides = array<i32>} : memref<64x32xf32, #tpu.memory_space<vmem>>, vector<16xf32>,
        %mul3A_301 = arith.constant 16 : i32
        %mul3A_302 = arith.muli %scan3A_268, %mul3A_301 : i32
        %add3A_303 = arith.constant 1 : i32
        %add3A_304 = arith.addi %mul3A_302, %add3A_303 : i32
        %broadcast_in_dim3A_305 = arith.constant 1 : i32
        %broadcast_in_dim3A_306 = vector.broadcast %broadcast_in_dim3A_305 : i32 to vector<16xi32>
        %broadcast_in_dim3A_307 = vector.shape_cast %broadcast_in_dim3A_306 : vector<16xi32> to vector<16x1xi32>
        %gather3A_308 = vector.shape_cast %broadcast_in_dim3A_307 : vector<16x1xi32> to vector<16xi32>
        %gather3A_309 = tpu.dynamic_gather %exp3A[%gather3A_308] in [0] : vector<16xf32>, vector<16xi32> -> vector<16xf32>
        %get3A_310 = arith.index_cast %add3A_304 : i32 to index
        %get3A_311 = arith.constant 0 : index
        %get3A_312 = tpu.vector_load %arg15[%get3A_310, %get3A_311] {strides = array<i32>} : memref<64x32xf32, #tpu.memory_space<vmem>>, vector<16xf32>,
        %mul3A_313 = arith.mulf %gather3A_309, %get3A_312 : vector<16xf32>
        %swap3A_314 = arith.index_cast %add3A_304 : i32 to index
        %swap3A_315 = arith.constant 0 : index
        %swap3A_316 = tpu.vector_load %arg19[%swap3A_314, %swap3A_315] {strides = array<i32>} : memref<64x32xf32, #tpu.memory_space<vmem>>, vector<16xf32>,
        tpu.vector_store %arg19[%swap3A_314, %swap3A_315], %mul3A_313 {strides = array<i32>} : memref<64x32xf32, #tpu.memory_space<vmem>>, vector<16xf32>,
        %mul3A_317 = arith.mulf %gather3A_309, %select_n3A_258 : vector<16xf32>
        %swap3A_318 = arith.index_cast %add3A_304 : i32 to index
        %swap3A_319 = arith.constant 16 : index
        %swap3A_320 = tpu.vector_load %arg19[%swap3A_318, %swap3A_319] {strides = array<i32>} : memref<64x32xf32, #tpu.memory_space<vmem>>, vector<16xf32>,
        tpu.vector_store %arg19[%swap3A_318, %swap3A_319], %mul3A_317 {strides = array<i32>} : memref<64x32xf32, #tpu.memory_space<vmem>>, vector<16xf32>,
        %mul3A_321 = arith.constant 16 : i32
        %mul3A_322 = arith.muli %scan3A_268, %mul3A_321 : i32
        %add3A_323 = arith.constant 2 : i32
        %add3A_324 = arith.addi %mul3A_322, %add3A_323 : i32
        %broadcast_in_dim3A_325 = arith.constant 2 : i32
        %broadcast_in_dim3A_326 = vector.broadcast %broadcast_in_dim3A_325 : i32 to vector<16xi32>
        %broadcast_in_dim3A_327 = vector.shape_cast %broadcast_in_dim3A_326 : vector<16xi32> to vector<16x1xi32>
        %gather3A_328 = vector.shape_cast %broadcast_in_dim3A_327 : vector<16x1xi32> to vector<16xi32>
        %gather3A_329 = tpu.dynamic_gather %exp3A[%gather3A_328] in [0] : vector<16xf32>, vector<16xi32> -> vector<16xf32>
        %get3A_330 = arith.index_cast %add3A_324 : i32 to index
        %get3A_331 = arith.constant 0 : index
        %get3A_332 = tpu.vector_load %arg15[%get3A_330, %get3A_331] {strides = array<i32>} : memref<64x32xf32, #tpu.memory_space<vmem>>, vector<16xf32>,
        %mul3A_333 = arith.mulf %gather3A_329, %get3A_332 : vector<16xf32>
        %swap3A_334 = arith.index_cast %add3A_324 : i32 to index
        %swap3A_335 = arith.constant 0 : index
        %swap3A_336 = tpu.vector_load %arg19[%swap3A_334, %swap3A_335] {strides = array<i32>} : memref<64x32xf32, #tpu.memory_space<vmem>>, vector<16xf32>,
        tpu.vector_store %arg19[%swap3A_334, %swap3A_335], %mul3A_333 {strides = array<i32>} : memref<64x32xf32, #tpu.memory_space<vmem>>, vector<16xf32>,
        %mul3A_337 = arith.mulf %gather3A_329, %select_n3A_258 : vector<16xf32>
        %swap3A_338 = arith.index_cast %add3A_324 : i32 to index
        %swap3A_339 = arith.constant 16 : index
        %swap3A_340 = tpu.vector_load %arg19[%swap3A_338, %swap3A_339] {strides = array<i32>} : memref<64x32xf32, #tpu.memory_space<vmem>>, vector<16xf32>,
        tpu.vector_store %arg19[%swap3A_338, %swap3A_339], %mul3A_337 {strides = array<i32>} : memref<64x32xf32, #tpu.memory_space<vmem>>, vector<16xf32>,
        %mul3A_341 = arith.constant 16 : i32
        %mul3A_342 = arith.muli %scan3A_268, %mul3A_341 : i32
        %add3A_343 = arith.constant 3 : i32
        %add3A_344 = arith.addi %mul3A_342, %add3A_343 : i32
        %broadcast_in_dim3A_345 = arith.constant 3 : i32
        %broadcast_in_dim3A_346 = vector.broadcast %broadcast_in_dim3A_345 : i32 to vector<16xi32>
        %broadcast_in_dim3A_347 = vector.shape_cast %broadcast_in_dim3A_346 : vector<16xi32> to vector<16x1xi32>
        %gather3A_348 = vector.shape_cast %broadcast_in_dim3A_347 : vector<16x1xi32> to vector<16xi32>
        %gather3A_349 = tpu.dynamic_gather %exp3A[%gather3A_348] in [0] : vector<16xf32>, vector<16xi32> -> vector<16xf32>
        %get3A_350 = arith.index_cast %add3A_344 : i32 to index
        %get3A_351 = arith.constant 0 : index
        %get3A_352 = tpu.vector_load %arg15[%get3A_350, %get3A_351] {strides = array<i32>} : memref<64x32xf32, #tpu.memory_space<vmem>>, vector<16xf32>,
        %mul3A_353 = arith.mulf %gather3A_349, %get3A_352 : vector<16xf32>
        %swap3A_354 = arith.index_cast %add3A_344 : i32 to index
        %swap3A_355 = arith.constant 0 : index
        %swap3A_356 = tpu.vector_load %arg19[%swap3A_354, %swap3A_355] {strides = array<i32>} : memref<64x32xf32, #tpu.memory_space<vmem>>, vector<16xf32>,
        tpu.vector_store %arg19[%swap3A_354, %swap3A_355], %mul3A_353 {strides = array<i32>} : memref<64x32xf32, #tpu.memory_space<vmem>>, vector<16xf32>,
        %mul3A_357 = arith.mulf %gather3A_349, %select_n3A_258 : vector<16xf32>
        %swap3A_358 = arith.index_cast %add3A_344 : i32 to index
        %swap3A_359 = arith.constant 16 : index
        %swap3A_360 = tpu.vector_load %arg19[%swap3A_358, %swap3A_359] {strides = array<i32>} : memref<64x32xf32, #tpu.memory_space<vmem>>, vector<16xf32>,
        tpu.vector_store %arg19[%swap3A_358, %swap3A_359], %mul3A_357 {strides = array<i32>} : memref<64x32xf32, #tpu.memory_space<vmem>>, vector<16xf32>,
        %mul3A_361 = arith.constant 16 : i32
        %mul3A_362 = arith.muli %scan3A_268, %mul3A_361 : i32
        %add3A_363 = arith.constant 4 : i32
        %add3A_364 = arith.addi %mul3A_362, %add3A_363 : i32
        %broadcast_in_dim3A_365 = arith.constant 4 : i32
        %broadcast_in_dim3A_366 = vector.broadcast %broadcast_in_dim3A_365 : i32 to vector<16xi32>
        %broadcast_in_dim3A_367 = vector.shape_cast %broadcast_in_dim3A_366 : vector<16xi32> to vector<16x1xi32>
        %gather3A_368 = vector.shape_cast %broadcast_in_dim3A_367 : vector<16x1xi32> to vector<16xi32>
        %gather3A_369 = tpu.dynamic_gather %exp3A[%gather3A_368] in [0] : vector<16xf32>, vector<16xi32> -> vector<16xf32>
        %get3A_370 = arith.index_cast %add3A_364 : i32 to index
        %get3A_371 = arith.constant 0 : index
        %get3A_372 = tpu.vector_load %arg15[%get3A_370, %get3A_371] {strides = array<i32>} : memref<64x32xf32, #tpu.memory_space<vmem>>, vector<16xf32>,
        %mul3A_373 = arith.mulf %gather3A_369, %get3A_372 : vector<16xf32>
        %swap3A_374 = arith.index_cast %add3A_364 : i32 to index
        %swap3A_375 = arith.constant 0 : index
        %swap3A_376 = tpu.vector_load %arg19[%swap3A_374, %swap3A_375] {strides = array<i32>} : memref<64x32xf32, #tpu.memory_space<vmem>>, vector<16xf32>,
        tpu.vector_store %arg19[%swap3A_374, %swap3A_375], %mul3A_373 {strides = array<i32>} : memref<64x32xf32, #tpu.memory_space<vmem>>, vector<16xf32>,
        %mul3A_377 = arith.mulf %gather3A_369, %select_n3A_258 : vector<16xf32>
        %swap3A_378 = arith.index_cast %add3A_364 : i32 to index
        %swap3A_379 = arith.constant 16 : index
        %swap3A_380 = tpu.vector_load %arg19[%swap3A_378, %swap3A_379] {strides = array<i32>} : memref<64x32xf32, #tpu.memory_space<vmem>>, vector<16xf32>,
        tpu.vector_store %arg19[%swap3A_378, %swap3A_379], %mul3A_377 {strides = array<i32>} : memref<64x32xf32, #tpu.memory_space<vmem>>, vector<16xf32>,
        %mul3A_381 = arith.constant 16 : i32
        %mul3A_382 = arith.muli %scan3A_268, %mul3A_381 : i32
        %add3A_383 = arith.constant 5 : i32
        %add3A_384 = arith.addi %mul3A_382, %add3A_383 : i32
        %broadcast_in_dim3A_385 = arith.constant 5 : i32
        %broadcast_in_dim3A_386 = vector.broadcast %broadcast_in_dim3A_385 : i32 to vector<16xi32>
        %broadcast_in_dim3A_387 = vector.shape_cast %broadcast_in_dim3A_386 : vector<16xi32> to vector<16x1xi32>
        %gather3A_388 = vector.shape_cast %broadcast_in_dim3A_387 : vector<16x1xi32> to vector<16xi32>
        %gather3A_389 = tpu.dynamic_gather %exp3A[%gather3A_388] in [0] : vector<16xf32>, vector<16xi32> -> vector<16xf32>
        %get3A_390 = arith.index_cast %add3A_384 : i32 to index
        %get3A_391 = arith.constant 0 : index
        %get3A_392 = tpu.vector_load %arg15[%get3A_390, %get3A_391] {strides = array<i32>} : memref<64x32xf32, #tpu.memory_space<vmem>>, vector<16xf32>,
        %mul3A_393 = arith.mulf %gather3A_389, %get3A_392 : vector<16xf32>
        %swap3A_394 = arith.index_cast %add3A_384 : i32 to index
        %swap3A_395 = arith.constant 0 : index
        %swap3A_396 = tpu.vector_load %arg19[%swap3A_394, %swap3A_395] {strides = array<i32>} : memref<64x32xf32, #tpu.memory_space<vmem>>, vector<16xf32>,
        tpu.vector_store %arg19[%swap3A_394, %swap3A_395], %mul3A_393 {strides = array<i32>} : memref<64x32xf32, #tpu.memory_space<vmem>>, vector<16xf32>,
        %mul3A_397 = arith.mulf %gather3A_389, %select_n3A_258 : vector<16xf32>
        %swap3A_398 = arith.index_cast %add3A_384 : i32 to index
        %swap3A_399 = arith.constant 16 : index
        %swap3A_400 = tpu.vector_load %arg19[%swap3A_398, %swap3A_399] {strides = array<i32>} : memref<64x32xf32, #tpu.memory_space<vmem>>, vector<16xf32>,
        tpu.vector_store %arg19[%swap3A_398, %swap3A_399], %mul3A_397 {strides = array<i32>} : memref<64x32xf32, #tpu.memory_space<vmem>>, vector<16xf32>,
        %mul3A_401 = arith.constant 16 : i32
        %mul3A_402 = arith.muli %scan3A_268, %mul3A_401 : i32
        %add3A_403 = arith.constant 6 : i32
        %add3A_404 = arith.addi %mul3A_402, %add3A_403 : i32
        %broadcast_in_dim3A_405 = arith.constant 6 : i32
        %broadcast_in_dim3A_406 = vector.broadcast %broadcast_in_dim3A_405 : i32 to vector<16xi32>
        %broadcast_in_dim3A_407 = vector.shape_cast %broadcast_in_dim3A_406 : vector<16xi32> to vector<16x1xi32>
        %gather3A_408 = vector.shape_cast %broadcast_in_dim3A_407 : vector<16x1xi32> to vector<16xi32>
        %gather3A_409 = tpu.dynamic_gather %exp3A[%gather3A_408] in [0] : vector<16xf32>, vector<16xi32> -> vector<16xf32>
        %get3A_410 = arith.index_cast %add3A_404 : i32 to index
        %get3A_411 = arith.constant 0 : index
        %get3A_412 = tpu.vector_load %arg15[%get3A_410, %get3A_411] {strides = array<i32>} : memref<64x32xf32, #tpu.memory_space<vmem>>, vector<16xf32>,
        %mul3A_413 = arith.mulf %gather3A_409, %get3A_412 : vector<16xf32>
        %swap3A_414 = arith.index_cast %add3A_404 : i32 to index
        %swap3A_415 = arith.constant 0 : index
        %swap3A_416 = tpu.vector_load %arg19[%swap3A_414, %swap3A_415] {strides = array<i32>} : memref<64x32xf32, #tpu.memory_space<vmem>>, vector<16xf32>,
        tpu.vector_store %arg19[%swap3A_414, %swap3A_415], %mul3A_413 {strides = array<i32>} : memref<64x32xf32, #tpu.memory_space<vmem>>, vector<16xf32>,
        %mul3A_417 = arith.mulf %gather3A_409, %select_n3A_258 : vector<16xf32>
        %swap3A_418 = arith.index_cast %add3A_404 : i32 to index
        %swap3A_419 = arith.constant 16 : index
        %swap3A_420 = tpu.vector_load %arg19[%swap3A_418, %swap3A_419] {strides = array<i32>} : memref<64x32xf32, #tpu.memory_space<vmem>>, vector<16xf32>,
        tpu.vector_store %arg19[%swap3A_418, %swap3A_419], %mul3A_417 {strides = array<i32>} : memref<64x32xf32, #tpu.memory_space<vmem>>, vector<16xf32>,
        %mul3A_421 = arith.constant 16 : i32
        %mul3A_422 = arith.muli %scan3A_268, %mul3A_421 : i32
        %add3A_423 = arith.constant 7 : i32
        %add3A_424 = arith.addi %mul3A_422, %add3A_423 : i32
        %broadcast_in_dim3A_425 = arith.constant 7 : i32
        %broadcast_in_dim3A_426 = vector.broadcast %broadcast_in_dim3A_425 : i32 to vector<16xi32>
        %broadcast_in_dim3A_427 = vector.shape_cast %broadcast_in_dim3A_426 : vector<16xi32> to vector<16x1xi32>
        %gather3A_428 = vector.shape_cast %broadcast_in_dim3A_427 : vector<16x1xi32> to vector<16xi32>
        %gather3A_429 = tpu.dynamic_gather %exp3A[%gather3A_428] in [0] : vector<16xf32>, vector<16xi32> -> vector<16xf32>
        %get3A_430 = arith.index_cast %add3A_424 : i32 to index
        %get3A_431 = arith.constant 0 : index
        %get3A_432 = tpu.vector_load %arg15[%get3A_430, %get3A_431] {strides = array<i32>} : memref<64x32xf32, #tpu.memory_space<vmem>>, vector<16xf32>,
        %mul3A_433 = arith.mulf %gather3A_429, %get3A_432 : vector<16xf32>
        %swap3A_434 = arith.index_cast %add3A_424 : i32 to index
        %swap3A_435 = arith.constant 0 : index
        %swap3A_436 = tpu.vector_load %arg19[%swap3A_434, %swap3A_435] {strides = array<i32>} : memref<64x32xf32, #tpu.memory_space<vmem>>, vector<16xf32>,
        tpu.vector_store %arg19[%swap3A_434, %swap3A_435], %mul3A_433 {strides = array<i32>} : memref<64x32xf32, #tpu.memory_space<vmem>>, vector<16xf32>,
        %mul3A_437 = arith.mulf %gather3A_429, %select_n3A_258 : vector<16xf32>
        %swap3A_438 = arith.index_cast %add3A_424 : i32 to index
        %swap3A_439 = arith.constant 16 : index
        %swap3A_440 = tpu.vector_load %arg19[%swap3A_438, %swap3A_439] {strides = array<i32>} : memref<64x32xf32, #tpu.memory_space<vmem>>, vector<16xf32>,
        tpu.vector_store %arg19[%swap3A_438, %swap3A_439], %mul3A_437 {strides = array<i32>} : memref<64x32xf32, #tpu.memory_space<vmem>>, vector<16xf32>,
        %mul3A_441 = arith.constant 16 : i32
        %mul3A_442 = arith.muli %scan3A_268, %mul3A_441 : i32
        %add3A_443 = arith.constant 8 : i32
        %add3A_444 = arith.addi %mul3A_442, %add3A_443 : i32
        %broadcast_in_dim3A_445 = arith.constant 8 : i32
        %broadcast_in_dim3A_446 = vector.broadcast %broadcast_in_dim3A_445 : i32 to vector<16xi32>
        %broadcast_in_dim3A_447 = vector.shape_cast %broadcast_in_dim3A_446 : vector<16xi32> to vector<16x1xi32>
        %gather3A_448 = vector.shape_cast %broadcast_in_dim3A_447 : vector<16x1xi32> to vector<16xi32>
        %gather3A_449 = tpu.dynamic_gather %exp3A[%gather3A_448] in [0] : vector<16xf32>, vector<16xi32> -> vector<16xf32>
        %get3A_450 = arith.index_cast %add3A_444 : i32 to index
        %get3A_451 = arith.constant 0 : index
        %get3A_452 = tpu.vector_load %arg15[%get3A_450, %get3A_451] {strides = array<i32>} : memref<64x32xf32, #tpu.memory_space<vmem>>, vector<16xf32>,
        %mul3A_453 = arith.mulf %gather3A_449, %get3A_452 : vector<16xf32>
        %swap3A_454 = arith.index_cast %add3A_444 : i32 to index
        %swap3A_455 = arith.constant 0 : index
        %swap3A_456 = tpu.vector_load %arg19[%swap3A_454, %swap3A_455] {strides = array<i32>} : memref<64x32xf32, #tpu.memory_space<vmem>>, vector<16xf32>,
        tpu.vector_store %arg19[%swap3A_454, %swap3A_455], %mul3A_453 {strides = array<i32>} : memref<64x32xf32, #tpu.memory_space<vmem>>, vector<16xf32>,
        %mul3A_457 = arith.mulf %gather3A_449, %select_n3A_258 : vector<16xf32>
        %swap3A_458 = arith.index_cast %add3A_444 : i32 to index
        %swap3A_459 = arith.constant 16 : index
        %swap3A_460 = tpu.vector_load %arg19[%swap3A_458, %swap3A_459] {strides = array<i32>} : memref<64x32xf32, #tpu.memory_space<vmem>>, vector<16xf32>,
        tpu.vector_store %arg19[%swap3A_458, %swap3A_459], %mul3A_457 {strides = array<i32>} : memref<64x32xf32, #tpu.memory_space<vmem>>, vector<16xf32>,
        %mul3A_461 = arith.constant 16 : i32
        %mul3A_462 = arith.muli %scan3A_268, %mul3A_461 : i32
        %add3A_463 = arith.constant 9 : i32
        %add3A_464 = arith.addi %mul3A_462, %add3A_463 : i32
        %broadcast_in_dim3A_465 = arith.constant 9 : i32
        %broadcast_in_dim3A_466 = vector.broadcast %broadcast_in_dim3A_465 : i32 to vector<16xi32>
        %broadcast_in_dim3A_467 = vector.shape_cast %broadcast_in_dim3A_466 : vector<16xi32> to vector<16x1xi32>
        %gather3A_468 = vector.shape_cast %broadcast_in_dim3A_467 : vector<16x1xi32> to vector<16xi32>
        %gather3A_469 = tpu.dynamic_gather %exp3A[%gather3A_468] in [0] : vector<16xf32>, vector<16xi32> -> vector<16xf32>
        %get3A_470 = arith.index_cast %add3A_464 : i32 to index
        %get3A_471 = arith.constant 0 : index
        %get3A_472 = tpu.vector_load %arg15[%get3A_470, %get3A_471] {strides = array<i32>} : memref<64x32xf32, #tpu.memory_space<vmem>>, vector<16xf32>,
        %mul3A_473 = arith.mulf %gather3A_469, %get3A_472 : vector<16xf32>
        %swap3A_474 = arith.index_cast %add3A_464 : i32 to index
        %swap3A_475 = arith.constant 0 : index
        %swap3A_476 = tpu.vector_load %arg19[%swap3A_474, %swap3A_475] {strides = array<i32>} : memref<64x32xf32, #tpu.memory_space<vmem>>, vector<16xf32>,
        tpu.vector_store %arg19[%swap3A_474, %swap3A_475], %mul3A_473 {strides = array<i32>} : memref<64x32xf32, #tpu.memory_space<vmem>>, vector<16xf32>,
        %mul3A_477 = arith.mulf %gather3A_469, %select_n3A_258 : vector<16xf32>
        %swap3A_478 = arith.index_cast %add3A_464 : i32 to index
        %swap3A_479 = arith.constant 16 : index
        %swap3A_480 = tpu.vector_load %arg19[%swap3A_478, %swap3A_479] {strides = array<i32>} : memref<64x32xf32, #tpu.memory_space<vmem>>, vector<16xf32>,
        tpu.vector_store %arg19[%swap3A_478, %swap3A_479], %mul3A_477 {strides = array<i32>} : memref<64x32xf32, #tpu.memory_space<vmem>>, vector<16xf32>,
        %mul3A_481 = arith.constant 16 : i32
        %mul3A_482 = arith.muli %scan3A_268, %mul3A_481 : i32
        %add3A_483 = arith.constant 10 : i32
        %add3A_484 = arith.addi %mul3A_482, %add3A_483 : i32
        %broadcast_in_dim3A_485 = arith.constant 10 : i32
        %broadcast_in_dim3A_486 = vector.broadcast %broadcast_in_dim3A_485 : i32 to vector<16xi32>
        %broadcast_in_dim3A_487 = vector.shape_cast %broadcast_in_dim3A_486 : vector<16xi32> to vector<16x1xi32>
        %gather3A_488 = vector.shape_cast %broadcast_in_dim3A_487 : vector<16x1xi32> to vector<16xi32>
        %gather3A_489 = tpu.dynamic_gather %exp3A[%gather3A_488] in [0] : vector<16xf32>, vector<16xi32> -> vector<16xf32>
        %get3A_490 = arith.index_cast %add3A_484 : i32 to index
        %get3A_491 = arith.constant 0 : index
        %get3A_492 = tpu.vector_load %arg15[%get3A_490, %get3A_491] {strides = array<i32>} : memref<64x32xf32, #tpu.memory_space<vmem>>, vector<16xf32>,
        %mul3A_493 = arith.mulf %gather3A_489, %get3A_492 : vector<16xf32>
        %swap3A_494 = arith.index_cast %add3A_484 : i32 to index
        %swap3A_495 = arith.constant 0 : index
        %swap3A_496 = tpu.vector_load %arg19[%swap3A_494, %swap3A_495] {strides = array<i32>} : memref<64x32xf32, #tpu.memory_space<vmem>>, vector<16xf32>,
        tpu.vector_store %arg19[%swap3A_494, %swap3A_495], %mul3A_493 {strides = array<i32>} : memref<64x32xf32, #tpu.memory_space<vmem>>, vector<16xf32>,
        %mul3A_497 = arith.mulf %gather3A_489, %select_n3A_258 : vector<16xf32>
        %swap3A_498 = arith.index_cast %add3A_484 : i32 to index
        %swap3A_499 = arith.constant 16 : index
        %swap3A_500 = tpu.vector_load %arg19[%swap3A_498, %swap3A_499] {strides = array<i32>} : memref<64x32xf32, #tpu.memory_space<vmem>>, vector<16xf32>,
        tpu.vector_store %arg19[%swap3A_498, %swap3A_499], %mul3A_497 {strides = array<i32>} : memref<64x32xf32, #tpu.memory_space<vmem>>, vector<16xf32>,
        %mul3A_501 = arith.constant 16 : i32
        %mul3A_502 = arith.muli %scan3A_268, %mul3A_501 : i32
        %add3A_503 = arith.constant 11 : i32
        %add3A_504 = arith.addi %mul3A_502, %add3A_503 : i32
        %broadcast_in_dim3A_505 = arith.constant 11 : i32
        %broadcast_in_dim3A_506 = vector.broadcast %broadcast_in_dim3A_505 : i32 to vector<16xi32>
        %broadcast_in_dim3A_507 = vector.shape_cast %broadcast_in_dim3A_506 : vector<16xi32> to vector<16x1xi32>
        %gather3A_508 = vector.shape_cast %broadcast_in_dim3A_507 : vector<16x1xi32> to vector<16xi32>
        %gather3A_509 = tpu.dynamic_gather %exp3A[%gather3A_508] in [0] : vector<16xf32>, vector<16xi32> -> vector<16xf32>
        %get3A_510 = arith.index_cast %add3A_504 : i32 to index
        %get3A_511 = arith.constant 0 : index
        %get3A_512 = tpu.vector_load %arg15[%get3A_510, %get3A_511] {strides = array<i32>} : memref<64x32xf32, #tpu.memory_space<vmem>>, vector<16xf32>,
        %mul3A_513 = arith.mulf %gather3A_509, %get3A_512 : vector<16xf32>
        %swap3A_514 = arith.index_cast %add3A_504 : i32 to index
        %swap3A_515 = arith.constant 0 : index
        %swap3A_516 = tpu.vector_load %arg19[%swap3A_514, %swap3A_515] {strides = array<i32>} : memref<64x32xf32, #tpu.memory_space<vmem>>, vector<16xf32>,
        tpu.vector_store %arg19[%swap3A_514, %swap3A_515], %mul3A_513 {strides = array<i32>} : memref<64x32xf32, #tpu.memory_space<vmem>>, vector<16xf32>,
        %mul3A_517 = arith.mulf %gather3A_509, %select_n3A_258 : vector<16xf32>
        %swap3A_518 = arith.index_cast %add3A_504 : i32 to index
        %swap3A_519 = arith.constant 16 : index
        %swap3A_520 = tpu.vector_load %arg19[%swap3A_518, %swap3A_519] {strides = array<i32>} : memref<64x32xf32, #tpu.memory_space<vmem>>, vector<16xf32>,
        tpu.vector_store %arg19[%swap3A_518, %swap3A_519], %mul3A_517 {strides = array<i32>} : memref<64x32xf32, #tpu.memory_space<vmem>>, vector<16xf32>,
        %mul3A_521 = arith.constant 16 : i32
        %mul3A_522 = arith.muli %scan3A_268, %mul3A_521 : i32
        %add3A_523 = arith.constant 12 : i32
        %add3A_524 = arith.addi %mul3A_522, %add3A_523 : i32
        %broadcast_in_dim3A_525 = arith.constant 12 : i32
        %broadcast_in_dim3A_526 = vector.broadcast %broadcast_in_dim3A_525 : i32 to vector<16xi32>
        %broadcast_in_dim3A_527 = vector.shape_cast %broadcast_in_dim3A_526 : vector<16xi32> to vector<16x1xi32>
        %gather3A_528 = vector.shape_cast %broadcast_in_dim3A_527 : vector<16x1xi32> to vector<16xi32>
        %gather3A_529 = tpu.dynamic_gather %exp3A[%gather3A_528] in [0] : vector<16xf32>, vector<16xi32> -> vector<16xf32>
        %get3A_530 = arith.index_cast %add3A_524 : i32 to index
        %get3A_531 = arith.constant 0 : index
        %get3A_532 = tpu.vector_load %arg15[%get3A_530, %get3A_531] {strides = array<i32>} : memref<64x32xf32, #tpu.memory_space<vmem>>, vector<16xf32>,
        %mul3A_533 = arith.mulf %gather3A_529, %get3A_532 : vector<16xf32>
        %swap3A_534 = arith.index_cast %add3A_524 : i32 to index
        %swap3A_535 = arith.constant 0 : index
        %swap3A_536 = tpu.vector_load %arg19[%swap3A_534, %swap3A_535] {strides = array<i32>} : memref<64x32xf32, #tpu.memory_space<vmem>>, vector<16xf32>,
        tpu.vector_store %arg19[%swap3A_534, %swap3A_535], %mul3A_533 {strides = array<i32>} : memref<64x32xf32, #tpu.memory_space<vmem>>, vector<16xf32>,
        %mul3A_537 = arith.mulf %gather3A_529, %select_n3A_258 : vector<16xf32>
        %swap3A_538 = arith.index_cast %add3A_524 : i32 to index
        %swap3A_539 = arith.constant 16 : index
        %swap3A_540 = tpu.vector_load %arg19[%swap3A_538, %swap3A_539] {strides = array<i32>} : memref<64x32xf32, #tpu.memory_space<vmem>>, vector<16xf32>,
        tpu.vector_store %arg19[%swap3A_538, %swap3A_539], %mul3A_537 {strides = array<i32>} : memref<64x32xf32, #tpu.memory_space<vmem>>, vector<16xf32>,
        %mul3A_541 = arith.constant 16 : i32
        %mul3A_542 = arith.muli %scan3A_268, %mul3A_541 : i32
        %add3A_543 = arith.constant 13 : i32
        %add3A_544 = arith.addi %mul3A_542, %add3A_543 : i32
        %broadcast_in_dim3A_545 = arith.constant 13 : i32
        %broadcast_in_dim3A_546 = vector.broadcast %broadcast_in_dim3A_545 : i32 to vector<16xi32>
        %broadcast_in_dim3A_547 = vector.shape_cast %broadcast_in_dim3A_546 : vector<16xi32> to vector<16x1xi32>
        %gather3A_548 = vector.shape_cast %broadcast_in_dim3A_547 : vector<16x1xi32> to vector<16xi32>
        %gather3A_549 = tpu.dynamic_gather %exp3A[%gather3A_548] in [0] : vector<16xf32>, vector<16xi32> -> vector<16xf32>
        %get3A_550 = arith.index_cast %add3A_544 : i32 to index
        %get3A_551 = arith.constant 0 : index
        %get3A_552 = tpu.vector_load %arg15[%get3A_550, %get3A_551] {strides = array<i32>} : memref<64x32xf32, #tpu.memory_space<vmem>>, vector<16xf32>,
        %mul3A_553 = arith.mulf %gather3A_549, %get3A_552 : vector<16xf32>
        %swap3A_554 = arith.index_cast %add3A_544 : i32 to index
        %swap3A_555 = arith.constant 0 : index
        %swap3A_556 = tpu.vector_load %arg19[%swap3A_554, %swap3A_555] {strides = array<i32>} : memref<64x32xf32, #tpu.memory_space<vmem>>, vector<16xf32>,
        tpu.vector_store %arg19[%swap3A_554, %swap3A_555], %mul3A_553 {strides = array<i32>} : memref<64x32xf32, #tpu.memory_space<vmem>>, vector<16xf32>,
        %mul3A_557 = arith.mulf %gather3A_549, %select_n3A_258 : vector<16xf32>
        %swap3A_558 = arith.index_cast %add3A_544 : i32 to index
        %swap3A_559 = arith.constant 16 : index
        %swap3A_560 = tpu.vector_load %arg19[%swap3A_558, %swap3A_559] {strides = array<i32>} : memref<64x32xf32, #tpu.memory_space<vmem>>, vector<16xf32>,
        tpu.vector_store %arg19[%swap3A_558, %swap3A_559], %mul3A_557 {strides = array<i32>} : memref<64x32xf32, #tpu.memory_space<vmem>>, vector<16xf32>,
        %mul3A_561 = arith.constant 16 : i32
        %mul3A_562 = arith.muli %scan3A_268, %mul3A_561 : i32
        %add3A_563 = arith.constant 14 : i32
        %add3A_564 = arith.addi %mul3A_562, %add3A_563 : i32
        %broadcast_in_dim3A_565 = arith.constant 14 : i32
        %broadcast_in_dim3A_566 = vector.broadcast %broadcast_in_dim3A_565 : i32 to vector<16xi32>
        %broadcast_in_dim3A_567 = vector.shape_cast %broadcast_in_dim3A_566 : vector<16xi32> to vector<16x1xi32>
        %gather3A_568 = vector.shape_cast %broadcast_in_dim3A_567 : vector<16x1xi32> to vector<16xi32>
        %gather3A_569 = tpu.dynamic_gather %exp3A[%gather3A_568] in [0] : vector<16xf32>, vector<16xi32> -> vector<16xf32>
        %get3A_570 = arith.index_cast %add3A_564 : i32 to index
        %get3A_571 = arith.constant 0 : index
        %get3A_572 = tpu.vector_load %arg15[%get3A_570, %get3A_571] {strides = array<i32>} : memref<64x32xf32, #tpu.memory_space<vmem>>, vector<16xf32>,
        %mul3A_573 = arith.mulf %gather3A_569, %get3A_572 : vector<16xf32>
        %swap3A_574 = arith.index_cast %add3A_564 : i32 to index
        %swap3A_575 = arith.constant 0 : index
        %swap3A_576 = tpu.vector_load %arg19[%swap3A_574, %swap3A_575] {strides = array<i32>} : memref<64x32xf32, #tpu.memory_space<vmem>>, vector<16xf32>,
        tpu.vector_store %arg19[%swap3A_574, %swap3A_575], %mul3A_573 {strides = array<i32>} : memref<64x32xf32, #tpu.memory_space<vmem>>, vector<16xf32>,
        %mul3A_577 = arith.mulf %gather3A_569, %select_n3A_258 : vector<16xf32>
        %swap3A_578 = arith.index_cast %add3A_564 : i32 to index
        %swap3A_579 = arith.constant 16 : index
        %swap3A_580 = tpu.vector_load %arg19[%swap3A_578, %swap3A_579] {strides = array<i32>} : memref<64x32xf32, #tpu.memory_space<vmem>>, vector<16xf32>,
        tpu.vector_store %arg19[%swap3A_578, %swap3A_579], %mul3A_577 {strides = array<i32>} : memref<64x32xf32, #tpu.memory_space<vmem>>, vector<16xf32>,
        %mul3A_581 = arith.constant 16 : i32
        %mul3A_582 = arith.muli %scan3A_268, %mul3A_581 : i32
        %add3A_583 = arith.constant 15 : i32
        %add3A_584 = arith.addi %mul3A_582, %add3A_583 : i32
        %broadcast_in_dim3A_585 = arith.constant 15 : i32
        %broadcast_in_dim3A_586 = vector.broadcast %broadcast_in_dim3A_585 : i32 to vector<16xi32>
        %broadcast_in_dim3A_587 = vector.shape_cast %broadcast_in_dim3A_586 : vector<16xi32> to vector<16x1xi32>
        %gather3A_588 = vector.shape_cast %broadcast_in_dim3A_587 : vector<16x1xi32> to vector<16xi32>
        %gather3A_589 = tpu.dynamic_gather %exp3A[%gather3A_588] in [0] : vector<16xf32>, vector<16xi32> -> vector<16xf32>
        %get3A_590 = arith.index_cast %add3A_584 : i32 to index
        %get3A_591 = arith.constant 0 : index
        %get3A_592 = tpu.vector_load %arg15[%get3A_590, %get3A_591] {strides = array<i32>} : memref<64x32xf32, #tpu.memory_space<vmem>>, vector<16xf32>,
        %mul3A_593 = arith.mulf %gather3A_589, %get3A_592 : vector<16xf32>
        %swap3A_594 = arith.index_cast %add3A_584 : i32 to index
        %swap3A_595 = arith.constant 0 : index
        %swap3A_596 = tpu.vector_load %arg19[%swap3A_594, %swap3A_595] {strides = array<i32>} : memref<64x32xf32, #tpu.memory_space<vmem>>, vector<16xf32>,
        tpu.vector_store %arg19[%swap3A_594, %swap3A_595], %mul3A_593 {strides = array<i32>} : memref<64x32xf32, #tpu.memory_space<vmem>>, vector<16xf32>,
        %mul3A_597 = arith.mulf %gather3A_589, %select_n3A_258 : vector<16xf32>
        %swap3A_598 = arith.index_cast %add3A_584 : i32 to index
        %swap3A_599 = arith.constant 16 : index
        %swap3A_600 = tpu.vector_load %arg19[%swap3A_598, %swap3A_599] {strides = array<i32>} : memref<64x32xf32, #tpu.memory_space<vmem>>, vector<16xf32>,
        tpu.vector_store %arg19[%swap3A_598, %swap3A_599], %mul3A_597 {strides = array<i32>} : memref<64x32xf32, #tpu.memory_space<vmem>>, vector<16xf32>,
      }
      %scan3A_264 = arith.constant 4 : i32
      %dma_start3A_265 = arith.constant 0 : i32
      %dma_start3A_266 = arith.constant 0 : i32
      %dma_start3A_267 = tpu.memref_slice %arg20[%dma_start3A_265, %dma_start3A_266] : memref<10016x32xf32, #tpu.memory_space<vmem_shared>> -> memref<10016x32xf32, #tpu.memory_space<vmem_shared>>
      tpu.enqueue_indirect_dma source(%arg19 : memref<64x32xf32, #tpu.memory_space<vmem>>) target(%dma_start3A_267 : memref<10016x32xf32, #tpu.memory_space<vmem_shared>>) offsets(%arg13 : memref<64xi32, #tpu.memory_space<vmem>>) semaphore(%arg28 : memref<!tpu.dma_semaphore, #tpu.memory_space<semaphore_mem>>) {add = true}
    }
    %scan3A_103 = arith.constant 81 : i32
    %dma_wait3A = arith.constant 0 : i32
    %dma_wait3A_104 = arith.constant 0 : i32
    %dma_wait3A_105 = tpu.memref_slice %arg20[%dma_wait3A, %dma_wait3A_104] : memref<10016x32xf32, #tpu.memory_space<vmem_shared>> -> memref<10016x32xf32, #tpu.memory_space<vmem_shared>>
    tpu.wait_indirect_dma semaphore(%arg27 : memref<!tpu.dma_semaphore, #tpu.memory_space<semaphore_mem>>) src(%arg18 : memref<64x32xf32, #tpu.memory_space<vmem>>) dst(%dma_wait3A_105 : memref<10016x32xf32, #tpu.memory_space<vmem_shared>>)
    %dma_wait3A_106 = arith.constant 0 : i32
    %dma_wait3A_107 = arith.constant 0 : i32
    %dma_wait3A_108 = tpu.memref_slice %arg20[%dma_wait3A_106, %dma_wait3A_107] : memref<10016x32xf32, #tpu.memory_space<vmem_shared>> -> memref<10016x32xf32, #tpu.memory_space<vmem_shared>>
    tpu.wait_indirect_dma semaphore(%arg28 : memref<!tpu.dma_semaphore, #tpu.memory_space<semaphore_mem>>) src(%arg19 : memref<64x32xf32, #tpu.memory_space<vmem>>) dst(%dma_wait3A_108 : memref<10016x32xf32, #tpu.memory_space<vmem_shared>>)
    %barrier3A_109 = arith.constant 0 : index
    tpu.barrier barrier_id(%barrier3A_109)
    %mul3A_110 = arith.constant 626 : i32
    %mul3A_111 = arith.muli %arg1, %mul3A_110 : i32
    %add3A_112 = arith.constant 0 : i32
    %add3A_113 = arith.addi %mul3A_111, %add3A_112 : i32
    "tpu.region"() ({
      %run_scoped3A = tpu.sem_alloc : memref<!tpu.dma_semaphore, #tpu.memory_space<semaphore_mem>>
      %dma_start3A_150 = arith.constant 0 : i32
      %dma_start3A_151 = tpu.memref_slice %arg5[%arg0, %add3A_113, %dma_start3A_150] : memref<2x10016x32xf32, #tpu.memory_space<hbm>> -> memref<1x64x32xf32, #tpu.memory_space<hbm>>
      %dma_start3A_152 = tpu.memref_squeeze %dma_start3A_151 : memref<1x64x32xf32, #tpu.memory_space<hbm>> -> memref<64x32xf32, #tpu.memory_space<hbm>>
      %dma_start3A_153 = arith.constant 0 : i32
      %dma_start3A_154 = tpu.memref_slice %arg20[%add3A_113, %dma_start3A_153] : memref<10016x32xf32, #tpu.memory_space<vmem_shared>> -> memref<64x32xf32, #tpu.memory_space<vmem_shared>>
      tpu.enqueue_dma source(%dma_start3A_154 : memref<64x32xf32, #tpu.memory_space<vmem_shared>>) target(%dma_start3A_152 : memref<64x32xf32, #tpu.memory_space<hbm>>) target_semaphore(%run_scoped3A : memref<!tpu.dma_semaphore, #tpu.memory_space<semaphore_mem>>)
      %dma_wait3A_155 = arith.constant 0 : i32
      %dma_wait3A_156 = tpu.memref_slice %arg5[%arg0, %add3A_113, %dma_wait3A_155] : memref<2x10016x32xf32, #tpu.memory_space<hbm>> -> memref<1x64x32xf32, #tpu.memory_space<hbm>>
      %dma_wait3A_157 = tpu.memref_squeeze %dma_wait3A_156 : memref<1x64x32xf32, #tpu.memory_space<hbm>> -> memref<64x32xf32, #tpu.memory_space<hbm>>
      %dma_wait3A_158 = arith.constant 0 : i32
      %dma_wait3A_159 = tpu.memref_slice %arg20[%add3A_113, %dma_wait3A_158] : memref<10016x32xf32, #tpu.memory_space<vmem_shared>> -> memref<64x32xf32, #tpu.memory_space<vmem_shared>>
      tpu.wait_dma2 semaphore(%run_scoped3A : memref<!tpu.dma_semaphore, #tpu.memory_space<semaphore_mem>>) src(%dma_wait3A_159 : memref<64x32xf32, #tpu.memory_space<vmem_shared>>) dst(%dma_wait3A_157 : memref<64x32xf32, #tpu.memory_space<hbm>>)
      tpu.yield
    }) : () -> ()
    %mul3A_114 = arith.constant 626 : i32
    %mul3A_115 = arith.muli %arg1, %mul3A_114 : i32
    %add3A_116 = arith.constant 64 : i32
    %add3A_117 = arith.addi %mul3A_115, %add3A_116 : i32
    "tpu.region"() ({
      %run_scoped3A = tpu.sem_alloc : memref<!tpu.dma_semaphore, #tpu.memory_space<semaphore_mem>>
      %dma_start3A_150 = arith.constant 0 : i32
      %dma_start3A_151 = tpu.memref_slice %arg5[%arg0, %add3A_117, %dma_start3A_150] : memref<2x10016x32xf32, #tpu.memory_space<hbm>> -> memref<1x64x32xf32, #tpu.memory_space<hbm>>
      %dma_start3A_152 = tpu.memref_squeeze %dma_start3A_151 : memref<1x64x32xf32, #tpu.memory_space<hbm>> -> memref<64x32xf32, #tpu.memory_space<hbm>>
      %dma_start3A_153 = arith.constant 0 : i32
      %dma_start3A_154 = tpu.memref_slice %arg20[%add3A_117, %dma_start3A_153] : memref<10016x32xf32, #tpu.memory_space<vmem_shared>> -> memref<64x32xf32, #tpu.memory_space<vmem_shared>>
      tpu.enqueue_dma source(%dma_start3A_154 : memref<64x32xf32, #tpu.memory_space<vmem_shared>>) target(%dma_start3A_152 : memref<64x32xf32, #tpu.memory_space<hbm>>) target_semaphore(%run_scoped3A : memref<!tpu.dma_semaphore, #tpu.memory_space<semaphore_mem>>)
      %dma_wait3A_155 = arith.constant 0 : i32
      %dma_wait3A_156 = tpu.memref_slice %arg5[%arg0, %add3A_117, %dma_wait3A_155] : memref<2x10016x32xf32, #tpu.memory_space<hbm>> -> memref<1x64x32xf32, #tpu.memory_space<hbm>>
      %dma_wait3A_157 = tpu.memref_squeeze %dma_wait3A_156 : memref<1x64x32xf32, #tpu.memory_space<hbm>> -> memref<64x32xf32, #tpu.memory_space<hbm>>
      %dma_wait3A_158 = arith.constant 0 : i32
      %dma_wait3A_159 = tpu.memref_slice %arg20[%add3A_117, %dma_wait3A_158] : memref<10016x32xf32, #tpu.memory_space<vmem_shared>> -> memref<64x32xf32, #tpu.memory_space<vmem_shared>>
      tpu.wait_dma2 semaphore(%run_scoped3A : memref<!tpu.dma_semaphore, #tpu.memory_space<semaphore_mem>>) src(%dma_wait3A_159 : memref<64x32xf32, #tpu.memory_space<vmem_shared>>) dst(%dma_wait3A_157 : memref<64x32xf32, #tpu.memory_space<hbm>>)
      tpu.yield
    }) : () -> ()
    %mul3A_118 = arith.constant 626 : i32
    %mul3A_119 = arith.muli %arg1, %mul3A_118 : i32
    %add3A_120 = arith.constant 128 : i32
    %add3A_121 = arith.addi %mul3A_119, %add3A_120 : i32
    "tpu.region"() ({
      %run_scoped3A = tpu.sem_alloc : memref<!tpu.dma_semaphore, #tpu.memory_space<semaphore_mem>>
      %dma_start3A_150 = arith.constant 0 : i32
      %dma_start3A_151 = tpu.memref_slice %arg5[%arg0, %add3A_121, %dma_start3A_150] : memref<2x10016x32xf32, #tpu.memory_space<hbm>> -> memref<1x64x32xf32, #tpu.memory_space<hbm>>
      %dma_start3A_152 = tpu.memref_squeeze %dma_start3A_151 : memref<1x64x32xf32, #tpu.memory_space<hbm>> -> memref<64x32xf32, #tpu.memory_space<hbm>>
      %dma_start3A_153 = arith.constant 0 : i32
      %dma_start3A_154 = tpu.memref_slice %arg20[%add3A_121, %dma_start3A_153] : memref<10016x32xf32, #tpu.memory_space<vmem_shared>> -> memref<64x32xf32, #tpu.memory_space<vmem_shared>>
      tpu.enqueue_dma source(%dma_start3A_154 : memref<64x32xf32, #tpu.memory_space<vmem_shared>>) target(%dma_start3A_152 : memref<64x32xf32, #tpu.memory_space<hbm>>) target_semaphore(%run_scoped3A : memref<!tpu.dma_semaphore, #tpu.memory_space<semaphore_mem>>)
      %dma_wait3A_155 = arith.constant 0 : i32
      %dma_wait3A_156 = tpu.memref_slice %arg5[%arg0, %add3A_121, %dma_wait3A_155] : memref<2x10016x32xf32, #tpu.memory_space<hbm>> -> memref<1x64x32xf32, #tpu.memory_space<hbm>>
      %dma_wait3A_157 = tpu.memref_squeeze %dma_wait3A_156 : memref<1x64x32xf32, #tpu.memory_space<hbm>> -> memref<64x32xf32, #tpu.memory_space<hbm>>
      %dma_wait3A_158 = arith.constant 0 : i32
      %dma_wait3A_159 = tpu.memref_slice %arg20[%add3A_121, %dma_wait3A_158] : memref<10016x32xf32, #tpu.memory_space<vmem_shared>> -> memref<64x32xf32, #tpu.memory_space<vmem_shared>>
      tpu.wait_dma2 semaphore(%run_scoped3A : memref<!tpu.dma_semaphore, #tpu.memory_space<semaphore_mem>>) src(%dma_wait3A_159 : memref<64x32xf32, #tpu.memory_space<vmem_shared>>) dst(%dma_wait3A_157 : memref<64x32xf32, #tpu.memory_space<hbm>>)
      tpu.yield
    }) : () -> ()
    %mul3A_122 = arith.constant 626 : i32
    %mul3A_123 = arith.muli %arg1, %mul3A_122 : i32
    %add3A_124 = arith.constant 192 : i32
    %add3A_125 = arith.addi %mul3A_123, %add3A_124 : i32
    "tpu.region"() ({
      %run_scoped3A = tpu.sem_alloc : memref<!tpu.dma_semaphore, #tpu.memory_space<semaphore_mem>>
      %dma_start3A_150 = arith.constant 0 : i32
      %dma_start3A_151 = tpu.memref_slice %arg5[%arg0, %add3A_125, %dma_start3A_150] : memref<2x10016x32xf32, #tpu.memory_space<hbm>> -> memref<1x64x32xf32, #tpu.memory_space<hbm>>
      %dma_start3A_152 = tpu.memref_squeeze %dma_start3A_151 : memref<1x64x32xf32, #tpu.memory_space<hbm>> -> memref<64x32xf32, #tpu.memory_space<hbm>>
      %dma_start3A_153 = arith.constant 0 : i32
      %dma_start3A_154 = tpu.memref_slice %arg20[%add3A_125, %dma_start3A_153] : memref<10016x32xf32, #tpu.memory_space<vmem_shared>> -> memref<64x32xf32, #tpu.memory_space<vmem_shared>>
      tpu.enqueue_dma source(%dma_start3A_154 : memref<64x32xf32, #tpu.memory_space<vmem_shared>>) target(%dma_start3A_152 : memref<64x32xf32, #tpu.memory_space<hbm>>) target_semaphore(%run_scoped3A : memref<!tpu.dma_semaphore, #tpu.memory_space<semaphore_mem>>)
      %dma_wait3A_155 = arith.constant 0 : i32
      %dma_wait3A_156 = tpu.memref_slice %arg5[%arg0, %add3A_125, %dma_wait3A_155] : memref<2x10016x32xf32, #tpu.memory_space<hbm>> -> memref<1x64x32xf32, #tpu.memory_space<hbm>>
      %dma_wait3A_157 = tpu.memref_squeeze %dma_wait3A_156 : memref<1x64x32xf32, #tpu.memory_space<hbm>> -> memref<64x32xf32, #tpu.memory_space<hbm>>
      %dma_wait3A_158 = arith.constant 0 : i32
      %dma_wait3A_159 = tpu.memref_slice %arg20[%add3A_125, %dma_wait3A_158] : memref<10016x32xf32, #tpu.memory_space<vmem_shared>> -> memref<64x32xf32, #tpu.memory_space<vmem_shared>>
      tpu.wait_dma2 semaphore(%run_scoped3A : memref<!tpu.dma_semaphore, #tpu.memory_space<semaphore_mem>>) src(%dma_wait3A_159 : memref<64x32xf32, #tpu.memory_space<vmem_shared>>) dst(%dma_wait3A_157 : memref<64x32xf32, #tpu.memory_space<hbm>>)
      tpu.yield
    }) : () -> ()
    %mul3A_126 = arith.constant 626 : i32
    %mul3A_127 = arith.muli %arg1, %mul3A_126 : i32
    %add3A_128 = arith.constant 256 : i32
    %add3A_129 = arith.addi %mul3A_127, %add3A_128 : i32
    "tpu.region"() ({
      %run_scoped3A = tpu.sem_alloc : memref<!tpu.dma_semaphore, #tpu.memory_space<semaphore_mem>>
      %dma_start3A_150 = arith.constant 0 : i32
      %dma_start3A_151 = tpu.memref_slice %arg5[%arg0, %add3A_129, %dma_start3A_150] : memref<2x10016x32xf32, #tpu.memory_space<hbm>> -> memref<1x64x32xf32, #tpu.memory_space<hbm>>
      %dma_start3A_152 = tpu.memref_squeeze %dma_start3A_151 : memref<1x64x32xf32, #tpu.memory_space<hbm>> -> memref<64x32xf32, #tpu.memory_space<hbm>>
      %dma_start3A_153 = arith.constant 0 : i32
      %dma_start3A_154 = tpu.memref_slice %arg20[%add3A_129, %dma_start3A_153] : memref<10016x32xf32, #tpu.memory_space<vmem_shared>> -> memref<64x32xf32, #tpu.memory_space<vmem_shared>>
      tpu.enqueue_dma source(%dma_start3A_154 : memref<64x32xf32, #tpu.memory_space<vmem_shared>>) target(%dma_start3A_152 : memref<64x32xf32, #tpu.memory_space<hbm>>) target_semaphore(%run_scoped3A : memref<!tpu.dma_semaphore, #tpu.memory_space<semaphore_mem>>)
      %dma_wait3A_155 = arith.constant 0 : i32
      %dma_wait3A_156 = tpu.memref_slice %arg5[%arg0, %add3A_129, %dma_wait3A_155] : memref<2x10016x32xf32, #tpu.memory_space<hbm>> -> memref<1x64x32xf32, #tpu.memory_space<hbm>>
      %dma_wait3A_157 = tpu.memref_squeeze %dma_wait3A_156 : memref<1x64x32xf32, #tpu.memory_space<hbm>> -> memref<64x32xf32, #tpu.memory_space<hbm>>
      %dma_wait3A_158 = arith.constant 0 : i32
      %dma_wait3A_159 = tpu.memref_slice %arg20[%add3A_129, %dma_wait3A_158] : memref<10016x32xf32, #tpu.memory_space<vmem_shared>> -> memref<64x32xf32, #tpu.memory_space<vmem_shared>>
      tpu.wait_dma2 semaphore(%run_scoped3A : memref<!tpu.dma_semaphore, #tpu.memory_space<semaphore_mem>>) src(%dma_wait3A_159 : memref<64x32xf32, #tpu.memory_space<vmem_shared>>) dst(%dma_wait3A_157 : memref<64x32xf32, #tpu.memory_space<hbm>>)
      tpu.yield
    }) : () -> ()
    %mul3A_130 = arith.constant 626 : i32
    %mul3A_131 = arith.muli %arg1, %mul3A_130 : i32
    %add3A_132 = arith.constant 320 : i32
    %add3A_133 = arith.addi %mul3A_131, %add3A_132 : i32
    "tpu.region"() ({
      %run_scoped3A = tpu.sem_alloc : memref<!tpu.dma_semaphore, #tpu.memory_space<semaphore_mem>>
      %dma_start3A_150 = arith.constant 0 : i32
      %dma_start3A_151 = tpu.memref_slice %arg5[%arg0, %add3A_133, %dma_start3A_150] : memref<2x10016x32xf32, #tpu.memory_space<hbm>> -> memref<1x64x32xf32, #tpu.memory_space<hbm>>
      %dma_start3A_152 = tpu.memref_squeeze %dma_start3A_151 : memref<1x64x32xf32, #tpu.memory_space<hbm>> -> memref<64x32xf32, #tpu.memory_space<hbm>>
      %dma_start3A_153 = arith.constant 0 : i32
      %dma_start3A_154 = tpu.memref_slice %arg20[%add3A_133, %dma_start3A_153] : memref<10016x32xf32, #tpu.memory_space<vmem_shared>> -> memref<64x32xf32, #tpu.memory_space<vmem_shared>>
      tpu.enqueue_dma source(%dma_start3A_154 : memref<64x32xf32, #tpu.memory_space<vmem_shared>>) target(%dma_start3A_152 : memref<64x32xf32, #tpu.memory_space<hbm>>) target_semaphore(%run_scoped3A : memref<!tpu.dma_semaphore, #tpu.memory_space<semaphore_mem>>)
      %dma_wait3A_155 = arith.constant 0 : i32
      %dma_wait3A_156 = tpu.memref_slice %arg5[%arg0, %add3A_133, %dma_wait3A_155] : memref<2x10016x32xf32, #tpu.memory_space<hbm>> -> memref<1x64x32xf32, #tpu.memory_space<hbm>>
      %dma_wait3A_157 = tpu.memref_squeeze %dma_wait3A_156 : memref<1x64x32xf32, #tpu.memory_space<hbm>> -> memref<64x32xf32, #tpu.memory_space<hbm>>
      %dma_wait3A_158 = arith.constant 0 : i32
      %dma_wait3A_159 = tpu.memref_slice %arg20[%add3A_133, %dma_wait3A_158] : memref<10016x32xf32, #tpu.memory_space<vmem_shared>> -> memref<64x32xf32, #tpu.memory_space<vmem_shared>>
      tpu.wait_dma2 semaphore(%run_scoped3A : memref<!tpu.dma_semaphore, #tpu.memory_space<semaphore_mem>>) src(%dma_wait3A_159 : memref<64x32xf32, #tpu.memory_space<vmem_shared>>) dst(%dma_wait3A_157 : memref<64x32xf32, #tpu.memory_space<hbm>>)
      tpu.yield
    }) : () -> ()
    %mul3A_134 = arith.constant 626 : i32
    %mul3A_135 = arith.muli %arg1, %mul3A_134 : i32
    %add3A_136 = arith.constant 384 : i32
    %add3A_137 = arith.addi %mul3A_135, %add3A_136 : i32
    "tpu.region"() ({
      %run_scoped3A = tpu.sem_alloc : memref<!tpu.dma_semaphore, #tpu.memory_space<semaphore_mem>>
      %dma_start3A_150 = arith.constant 0 : i32
      %dma_start3A_151 = tpu.memref_slice %arg5[%arg0, %add3A_137, %dma_start3A_150] : memref<2x10016x32xf32, #tpu.memory_space<hbm>> -> memref<1x64x32xf32, #tpu.memory_space<hbm>>
      %dma_start3A_152 = tpu.memref_squeeze %dma_start3A_151 : memref<1x64x32xf32, #tpu.memory_space<hbm>> -> memref<64x32xf32, #tpu.memory_space<hbm>>
      %dma_start3A_153 = arith.constant 0 : i32
      %dma_start3A_154 = tpu.memref_slice %arg20[%add3A_137, %dma_start3A_153] : memref<10016x32xf32, #tpu.memory_space<vmem_shared>> -> memref<64x32xf32, #tpu.memory_space<vmem_shared>>
      tpu.enqueue_dma source(%dma_start3A_154 : memref<64x32xf32, #tpu.memory_space<vmem_shared>>) target(%dma_start3A_152 : memref<64x32xf32, #tpu.memory_space<hbm>>) target_semaphore(%run_scoped3A : memref<!tpu.dma_semaphore, #tpu.memory_space<semaphore_mem>>)
      %dma_wait3A_155 = arith.constant 0 : i32
      %dma_wait3A_156 = tpu.memref_slice %arg5[%arg0, %add3A_137, %dma_wait3A_155] : memref<2x10016x32xf32, #tpu.memory_space<hbm>> -> memref<1x64x32xf32, #tpu.memory_space<hbm>>
      %dma_wait3A_157 = tpu.memref_squeeze %dma_wait3A_156 : memref<1x64x32xf32, #tpu.memory_space<hbm>> -> memref<64x32xf32, #tpu.memory_space<hbm>>
      %dma_wait3A_158 = arith.constant 0 : i32
      %dma_wait3A_159 = tpu.memref_slice %arg20[%add3A_137, %dma_wait3A_158] : memref<10016x32xf32, #tpu.memory_space<vmem_shared>> -> memref<64x32xf32, #tpu.memory_space<vmem_shared>>
      tpu.wait_dma2 semaphore(%run_scoped3A : memref<!tpu.dma_semaphore, #tpu.memory_space<semaphore_mem>>) src(%dma_wait3A_159 : memref<64x32xf32, #tpu.memory_space<vmem_shared>>) dst(%dma_wait3A_157 : memref<64x32xf32, #tpu.memory_space<hbm>>)
      tpu.yield
    }) : () -> ()
    %mul3A_138 = arith.constant 626 : i32
    %mul3A_139 = arith.muli %arg1, %mul3A_138 : i32
    %add3A_140 = arith.constant 448 : i32
    %add3A_141 = arith.addi %mul3A_139, %add3A_140 : i32
    "tpu.region"() ({
      %run_scoped3A = tpu.sem_alloc : memref<!tpu.dma_semaphore, #tpu.memory_space<semaphore_mem>>
      %dma_start3A_150 = arith.constant 0 : i32
      %dma_start3A_151 = tpu.memref_slice %arg5[%arg0, %add3A_141, %dma_start3A_150] : memref<2x10016x32xf32, #tpu.memory_space<hbm>> -> memref<1x64x32xf32, #tpu.memory_space<hbm>>
      %dma_start3A_152 = tpu.memref_squeeze %dma_start3A_151 : memref<1x64x32xf32, #tpu.memory_space<hbm>> -> memref<64x32xf32, #tpu.memory_space<hbm>>
      %dma_start3A_153 = arith.constant 0 : i32
      %dma_start3A_154 = tpu.memref_slice %arg20[%add3A_141, %dma_start3A_153] : memref<10016x32xf32, #tpu.memory_space<vmem_shared>> -> memref<64x32xf32, #tpu.memory_space<vmem_shared>>
      tpu.enqueue_dma source(%dma_start3A_154 : memref<64x32xf32, #tpu.memory_space<vmem_shared>>) target(%dma_start3A_152 : memref<64x32xf32, #tpu.memory_space<hbm>>) target_semaphore(%run_scoped3A : memref<!tpu.dma_semaphore, #tpu.memory_space<semaphore_mem>>)
      %dma_wait3A_155 = arith.constant 0 : i32
      %dma_wait3A_156 = tpu.memref_slice %arg5[%arg0, %add3A_141, %dma_wait3A_155] : memref<2x10016x32xf32, #tpu.memory_space<hbm>> -> memref<1x64x32xf32, #tpu.memory_space<hbm>>
      %dma_wait3A_157 = tpu.memref_squeeze %dma_wait3A_156 : memref<1x64x32xf32, #tpu.memory_space<hbm>> -> memref<64x32xf32, #tpu.memory_space<hbm>>
      %dma_wait3A_158 = arith.constant 0 : i32
      %dma_wait3A_159 = tpu.memref_slice %arg20[%add3A_141, %dma_wait3A_158] : memref<10016x32xf32, #tpu.memory_space<vmem_shared>> -> memref<64x32xf32, #tpu.memory_space<vmem_shared>>
      tpu.wait_dma2 semaphore(%run_scoped3A : memref<!tpu.dma_semaphore, #tpu.memory_space<semaphore_mem>>) src(%dma_wait3A_159 : memref<64x32xf32, #tpu.memory_space<vmem_shared>>) dst(%dma_wait3A_157 : memref<64x32xf32, #tpu.memory_space<hbm>>)
      tpu.yield
    }) : () -> ()
    %mul3A_142 = arith.constant 626 : i32
    %mul3A_143 = arith.muli %arg1, %mul3A_142 : i32
    %add3A_144 = arith.constant 512 : i32
    %add3A_145 = arith.addi %mul3A_143, %add3A_144 : i32
    "tpu.region"() ({
      %run_scoped3A = tpu.sem_alloc : memref<!tpu.dma_semaphore, #tpu.memory_space<semaphore_mem>>
      %dma_start3A_150 = arith.constant 0 : i32
      %dma_start3A_151 = tpu.memref_slice %arg5[%arg0, %add3A_145, %dma_start3A_150] : memref<2x10016x32xf32, #tpu.memory_space<hbm>> -> memref<1x64x32xf32, #tpu.memory_space<hbm>>
      %dma_start3A_152 = tpu.memref_squeeze %dma_start3A_151 : memref<1x64x32xf32, #tpu.memory_space<hbm>> -> memref<64x32xf32, #tpu.memory_space<hbm>>
      %dma_start3A_153 = arith.constant 0 : i32
      %dma_start3A_154 = tpu.memref_slice %arg20[%add3A_145, %dma_start3A_153] : memref<10016x32xf32, #tpu.memory_space<vmem_shared>> -> memref<64x32xf32, #tpu.memory_space<vmem_shared>>
      tpu.enqueue_dma source(%dma_start3A_154 : memref<64x32xf32, #tpu.memory_space<vmem_shared>>) target(%dma_start3A_152 : memref<64x32xf32, #tpu.memory_space<hbm>>) target_semaphore(%run_scoped3A : memref<!tpu.dma_semaphore, #tpu.memory_space<semaphore_mem>>)
      %dma_wait3A_155 = arith.constant 0 : i32
      %dma_wait3A_156 = tpu.memref_slice %arg5[%arg0, %add3A_145, %dma_wait3A_155] : memref<2x10016x32xf32, #tpu.memory_space<hbm>> -> memref<1x64x32xf32, #tpu.memory_space<hbm>>
      %dma_wait3A_157 = tpu.memref_squeeze %dma_wait3A_156 : memref<1x64x32xf32, #tpu.memory_space<hbm>> -> memref<64x32xf32, #tpu.memory_space<hbm>>
      %dma_wait3A_158 = arith.constant 0 : i32
      %dma_wait3A_159 = tpu.memref_slice %arg20[%add3A_145, %dma_wait3A_158] : memref<10016x32xf32, #tpu.memory_space<vmem_shared>> -> memref<64x32xf32, #tpu.memory_space<vmem_shared>>
      tpu.wait_dma2 semaphore(%run_scoped3A : memref<!tpu.dma_semaphore, #tpu.memory_space<semaphore_mem>>) src(%dma_wait3A_159 : memref<64x32xf32, #tpu.memory_space<vmem_shared>>) dst(%dma_wait3A_157 : memref<64x32xf32, #tpu.memory_space<hbm>>)
      tpu.yield
    }) : () -> ()
    %mul3A_146 = arith.constant 626 : i32
    %mul3A_147 = arith.muli %arg1, %mul3A_146 : i32
    %add3A_148 = arith.constant 576 : i32
    %add3A_149 = arith.addi %mul3A_147, %add3A_148 : i32
    "tpu.region"() ({
      %run_scoped3A = tpu.sem_alloc : memref<!tpu.dma_semaphore, #tpu.memory_space<semaphore_mem>>
      %dma_start3A_150 = arith.constant 0 : i32
      %dma_start3A_151 = tpu.memref_slice %arg5[%arg0, %add3A_149, %dma_start3A_150] : memref<2x10016x32xf32, #tpu.memory_space<hbm>> -> memref<1x50x32xf32, #tpu.memory_space<hbm>>
      %dma_start3A_152 = tpu.memref_squeeze %dma_start3A_151 : memref<1x50x32xf32, #tpu.memory_space<hbm>> -> memref<50x32xf32, #tpu.memory_space<hbm>>
      %dma_start3A_153 = arith.constant 0 : i32
      %dma_start3A_154 = tpu.memref_slice %arg20[%add3A_149, %dma_start3A_153] : memref<10016x32xf32, #tpu.memory_space<vmem_shared>> -> memref<50x32xf32, #tpu.memory_space<vmem_shared>>
      tpu.enqueue_dma source(%dma_start3A_154 : memref<50x32xf32, #tpu.memory_space<vmem_shared>>) target(%dma_start3A_152 : memref<50x32xf32, #tpu.memory_space<hbm>>) target_semaphore(%run_scoped3A : memref<!tpu.dma_semaphore, #tpu.memory_space<semaphore_mem>>)
      %dma_wait3A_155 = arith.constant 0 : i32
      %dma_wait3A_156 = tpu.memref_slice %arg5[%arg0, %add3A_149, %dma_wait3A_155] : memref<2x10016x32xf32, #tpu.memory_space<hbm>> -> memref<1x50x32xf32, #tpu.memory_space<hbm>>
      %dma_wait3A_157 = tpu.memref_squeeze %dma_wait3A_156 : memref<1x50x32xf32, #tpu.memory_space<hbm>> -> memref<50x32xf32, #tpu.memory_space<hbm>>
      %dma_wait3A_158 = arith.constant 0 : i32
      %dma_wait3A_159 = tpu.memref_slice %arg20[%add3A_149, %dma_wait3A_158] : memref<10016x32xf32, #tpu.memory_space<vmem_shared>> -> memref<50x32xf32, #tpu.memory_space<vmem_shared>>
      tpu.wait_dma2 semaphore(%run_scoped3A : memref<!tpu.dma_semaphore, #tpu.memory_space<semaphore_mem>>) src(%dma_wait3A_159 : memref<50x32xf32, #tpu.memory_space<vmem_shared>>) dst(%dma_wait3A_157 : memref<50x32xf32, #tpu.memory_space<hbm>>)
      tpu.yield
    }) : () -> ()
    return
  }
}

module attributes {stable_mosaic.version = 14 : i64} {
  func.func @body(%arg0: i32, %arg1: memref<512x128xf32, #tpu.memory_space<vmem>>, %arg2: memref<128x128xf32, #tpu.memory_space<vmem>>, %arg3: memref<128x8xf32, #tpu.memory_space<vmem>>, %arg4: memref<128x8xf32, #tpu.memory_space<vmem>>, %arg5: memref<512x144xf32, #tpu.memory_space<vmem>>, %arg6: memref<512x16xf32, #tpu.memory_space<vmem>>) attributes {dimension_semantics = [#tpu.dimension_semantics<arbitrary>], iteration_bounds = array<i64: 20>, scalar_prefetch = 0 : i64, scratch_operands = 0 : i64, tpu.core_type = #tpu.core_type<tc>, window_params = [{transform_indices = @transform_0, window_bounds = array<i64: 512, 128>}, {pipeline_mode = #tpu.pipeline_mode<synchronous>, transform_indices = @transform_1, window_bounds = array<i64: 128, 128>}, {pipeline_mode = #tpu.pipeline_mode<synchronous>, transform_indices = @transform_2, window_bounds = array<i64: 128, 8>}, {pipeline_mode = #tpu.pipeline_mode<synchronous>, transform_indices = @transform_3, window_bounds = array<i64: 128, 8>}, {transform_indices = @transform_4, window_bounds = array<i64: 512, 144>}, {transform_indices = @transform_5, window_bounds = array<i64: 512, 16>}]} {
    %get3A = arith.constant 0 : index
    %get3A_0 = arith.constant 0 : index
    %get3A_1 = vector.load %arg1[%get3A, %get3A_0] : memref<512x128xf32, #tpu.memory_space<vmem>>, vector<512x128xf32>
    %get3A_2 = arith.constant 0 : index
    %get3A_3 = arith.constant 0 : index
    %get3A_4 = vector.load %arg2[%get3A_2, %get3A_3] : memref<128x128xf32, #tpu.memory_space<vmem>>, vector<128x128xf32>
    %dot_general3A = arith.constant dense<0.000000e+00> : vector<512x128xf32>
    %dot_general3A_5 = tpu.matmul %get3A_1, %get3A_4, %dot_general3A {dimension_numbers = #tpu.dot_dimension_numbers<[1], [0], [0], [1], [0, 0, 1, 1], [], []>, transpose_lhs_hint = false} : vector<512x128xf32>, vector<128x128xf32>, vector<512x128xf32> -> vector<512x128xf32>
    %get3A_6 = arith.constant 0 : index
    %get3A_7 = arith.constant 0 : index
    %get3A_8 = vector.load %arg3[%get3A_6, %get3A_7] : memref<128x8xf32, #tpu.memory_space<vmem>>, vector<128x8xf32>
    %dot_general3A_9 = arith.constant dense<0.000000e+00> : vector<512x8xf32>
    %dot_general3A_10 = tpu.matmul %dot_general3A_5, %get3A_8, %dot_general3A_9 {dimension_numbers = #tpu.dot_dimension_numbers<[1], [0], [0], [1], [0, 0, 1, 1], [], []>, transpose_lhs_hint = false} : vector<512x128xf32>, vector<128x8xf32>, vector<512x8xf32> -> vector<512x8xf32>
    %get3A_11 = arith.constant 0 : index
    %get3A_12 = arith.constant 0 : index
    %get3A_13 = vector.load %arg4[%get3A_11, %get3A_12] : memref<128x8xf32, #tpu.memory_space<vmem>>, vector<128x8xf32>
    %dot_general3A_14 = arith.constant dense<0.000000e+00> : vector<512x8xf32>
    %dot_general3A_15 = tpu.matmul %dot_general3A_5, %get3A_13, %dot_general3A_14 {dimension_numbers = #tpu.dot_dimension_numbers<[1], [0], [0], [1], [0, 0, 1, 1], [], []>, transpose_lhs_hint = false} : vector<512x128xf32>, vector<128x8xf32>, vector<512x8xf32> -> vector<512x8xf32>
    %concatenate3A = tpu.concatenate %dot_general3A_5, %dot_general3A_10, %dot_general3A_15 in 1 : vector<512x128xf32>, vector<512x8xf32>, vector<512x8xf32> -> vector<512x144xf32>
    %swap3A = arith.constant 0 : index
    %swap3A_16 = arith.constant 0 : index
    %swap3A_17 = vector.load %arg5[%swap3A, %swap3A_16] : memref<512x144xf32, #tpu.memory_space<vmem>>, vector<512x144xf32>
    tpu.vector_store %arg5[%swap3A, %swap3A_16], %concatenate3A {strides = array<i32>} : memref<512x144xf32, #tpu.memory_space<vmem>>, vector<512x144xf32>,
    %broadcast_in_dim3A = arith.constant 0.000000e+00 : f32
    %broadcast_in_dim3A_18 = vector.broadcast %broadcast_in_dim3A : f32 to vector<512x8xf32>
    %concatenate3A_19 = tpu.concatenate %dot_general3A_15, %broadcast_in_dim3A_18 in 1 : vector<512x8xf32>, vector<512x8xf32> -> vector<512x16xf32>
    %swap3A_20 = arith.constant 0 : index
    %swap3A_21 = arith.constant 0 : index
    %swap3A_22 = vector.load %arg6[%swap3A_20, %swap3A_21] : memref<512x16xf32, #tpu.memory_space<vmem>>, vector<512x16xf32>
    tpu.vector_store %arg6[%swap3A_20, %swap3A_21], %concatenate3A_19 {strides = array<i32>} : memref<512x16xf32, #tpu.memory_space<vmem>>, vector<512x16xf32>,
    return
  }
  func.func @transform_0(%arg0: i32) -> (i32, i32) {
    %c0_i32 = arith.constant 0 : i32
    %c0_i32_0 = arith.constant 0 : i32
    return %arg0, %c0_i32 : i32, i32
  }
  func.func @transform_1(%arg0: i32) -> (i32, i32) {
    %c0_i32 = arith.constant 0 : i32
    %c0_i32_0 = arith.constant 0 : i32
    %c0_i32_1 = arith.constant 0 : i32
    return %c0_i32, %c0_i32_0 : i32, i32
  }
  func.func @transform_2(%arg0: i32) -> (i32, i32) {
    %c0_i32 = arith.constant 0 : i32
    %c0_i32_0 = arith.constant 0 : i32
    %c0_i32_1 = arith.constant 0 : i32
    return %c0_i32, %c0_i32_0 : i32, i32
  }
  func.func @transform_3(%arg0: i32) -> (i32, i32) {
    %c0_i32 = arith.constant 0 : i32
    %c0_i32_0 = arith.constant 0 : i32
    %c0_i32_1 = arith.constant 0 : i32
    return %c0_i32, %c0_i32_0 : i32, i32
  }
  func.func @transform_4(%arg0: i32) -> (i32, i32) {
    %c0_i32 = arith.constant 0 : i32
    %c0_i32_0 = arith.constant 0 : i32
    return %arg0, %c0_i32 : i32, i32
  }
  func.func @transform_5(%arg0: i32) -> (i32, i32) {
    %c0_i32 = arith.constant 0 : i32
    %c0_i32_0 = arith.constant 0 : i32
    return %arg0, %c0_i32 : i32, i32
  }
}

module attributes {stable_mosaic.version = 14 : i64} {
  func.func @body(%arg0: i32, %arg1: memref<2x512x144xf32, #tpu.memory_space<vmem>>, %arg2: memref<1x128xf32, #tpu.memory_space<vmem>>, %arg3: memref<128x16xf32, #tpu.memory_space<vmem>>, %arg4: memref<1x16xf32, #tpu.memory_space<vmem>>, %arg5: memref<1x16xf32, #tpu.memory_space<vmem>>, %arg6: memref<8x128xf32, #tpu.memory_space<vmem>>, %arg7: memref<512x32xf32, #tpu.memory_space<vmem>>, %arg8: memref<512x8xf32, #tpu.memory_space<vmem>>) attributes {dimension_semantics = [#tpu.dimension_semantics<arbitrary>], iteration_bounds = array<i64: 20>, scalar_prefetch = 0 : i64, scratch_operands = 0 : i64, tpu.core_type = #tpu.core_type<tc>, window_params = [{transform_indices = @transform_0, window_bounds = array<i64: 2, 512, 144>}, {pipeline_mode = #tpu.pipeline_mode<synchronous>, transform_indices = @transform_1, window_bounds = array<i64: 1, 128>}, {pipeline_mode = #tpu.pipeline_mode<synchronous>, transform_indices = @transform_2, window_bounds = array<i64: 128, 16>}, {pipeline_mode = #tpu.pipeline_mode<synchronous>, transform_indices = @transform_3, window_bounds = array<i64: 1, 16>}, {pipeline_mode = #tpu.pipeline_mode<synchronous>, transform_indices = @transform_4, window_bounds = array<i64: 1, 16>}, {pipeline_mode = #tpu.pipeline_mode<synchronous>, transform_indices = @transform_5, window_bounds = array<i64: 8, 128>}, {transform_indices = @transform_6, window_bounds = array<i64: 512, 32>}, {transform_indices = @transform_7, window_bounds = array<i64: 512, 8>}]} {
    %get3A = arith.constant 0 : index
    %get3A_0 = arith.constant 0 : index
    %get3A_1 = arith.constant 0 : index
    %get3A_2 = vector.load %arg1[%get3A, %get3A_0, %get3A_1] : memref<2x512x144xf32, #tpu.memory_space<vmem>>, vector<1x512x144xf32>
    %get3A_3 = vector.shape_cast %get3A_2 : vector<1x512x144xf32> to vector<512x144xf32>
    %get3A_4 = arith.constant 1 : index
    %get3A_5 = arith.constant 0 : index
    %get3A_6 = arith.constant 0 : index
    %get3A_7 = vector.load %arg1[%get3A_4, %get3A_5, %get3A_6] : memref<2x512x144xf32, #tpu.memory_space<vmem>>, vector<1x512x144xf32>
    %get3A_8 = vector.shape_cast %get3A_7 : vector<1x512x144xf32> to vector<512x144xf32>
    %add3A = arith.addf %get3A_3, %get3A_8 : vector<512x144xf32>
    %slice3A = vector.extract_strided_slice %add3A {offsets = [0, 0], sizes = [512, 128], strides = [1, 1]} : vector<512x144xf32> to vector<512x128xf32>
    %slice3A_9 = vector.extract_strided_slice %add3A {offsets = [0, 128], sizes = [512, 8], strides = [1, 1]} : vector<512x144xf32> to vector<512x8xf32>
    %get3A_10 = arith.constant 0 : index
    %get3A_11 = arith.constant 0 : index
    %get3A_12 = vector.load %arg6[%get3A_10, %get3A_11] : memref<8x128xf32, #tpu.memory_space<vmem>>, vector<8x128xf32>
    %dot_general3A = arith.constant dense<0.000000e+00> : vector<512x128xf32>
    %dot_general3A_13 = tpu.matmul %slice3A_9, %get3A_12, %dot_general3A {dimension_numbers = #tpu.dot_dimension_numbers<[1], [0], [0], [1], [0, 0, 1, 1], [], []>, transpose_lhs_hint = false} : vector<512x8xf32>, vector<8x128xf32>, vector<512x128xf32> -> vector<512x128xf32>
    %div3A = arith.divf %slice3A, %dot_general3A_13 : vector<512x128xf32>
    %get3A_14 = arith.constant 0 : index
    %get3A_15 = arith.constant 0 : index
    %get3A_16 = vector.load %arg2[%get3A_14, %get3A_15] : memref<1x128xf32, #tpu.memory_space<vmem>>, vector<1x128xf32>
    %add3A_17 = vector.broadcast %get3A_16 : vector<1x128xf32> to vector<512x128xf32>
    %add3A_18 = arith.addf %div3A, %add3A_17 : vector<512x128xf32>
    %gt3A = arith.constant 0.000000e+00 : f32
    %gt3A_19 = vector.broadcast %gt3A : f32 to vector<512x128xf32>
    %gt3A_20 = arith.cmpf ogt, %add3A_18, %gt3A_19 : vector<512x128xf32>
    %exp3A = math.exp %add3A_18 : vector<512x128xf32>
    %sub3A = arith.constant 1.000000e+00 : f32
    %sub3A_21 = vector.broadcast %sub3A : f32 to vector<512x128xf32>
    %sub3A_22 = arith.subf %exp3A, %sub3A_21 : vector<512x128xf32>
    %select_n3A = arith.select %gt3A_20, %add3A_18, %sub3A_22 : vector<512x128xi1>, vector<512x128xf32>
    %get3A_23 = arith.constant 0 : index
    %get3A_24 = arith.constant 0 : index
    %get3A_25 = vector.load %arg3[%get3A_23, %get3A_24] : memref<128x16xf32, #tpu.memory_space<vmem>>, vector<128x16xf32>
    %dot_general3A_26 = arith.constant dense<0.000000e+00> : vector<512x16xf32>
    %dot_general3A_27 = tpu.matmul %select_n3A, %get3A_25, %dot_general3A_26 {dimension_numbers = #tpu.dot_dimension_numbers<[1], [0], [0], [1], [0, 0, 1, 1], [], []>, transpose_lhs_hint = false} : vector<512x128xf32>, vector<128x16xf32>, vector<512x16xf32> -> vector<512x16xf32>
    %get3A_28 = arith.constant 0 : index
    %get3A_29 = arith.constant 0 : index
    %get3A_30 = vector.load %arg4[%get3A_28, %get3A_29] : memref<1x16xf32, #tpu.memory_space<vmem>>, vector<1x16xf32>
    %mul3A = vector.broadcast %get3A_30 : vector<1x16xf32> to vector<512x16xf32>
    %mul3A_31 = arith.mulf %dot_general3A_27, %mul3A : vector<512x16xf32>
    %reduce_sum3A = arith.constant dense<0.000000e+00> : vector<512xf32>
    %reduce_sum3A_32 = vector.multi_reduction <add>, %mul3A_31, %reduce_sum3A [1] : vector<512x16xf32> to vector<512xf32>
    %broadcast_in_dim3A = vector.shape_cast %reduce_sum3A_32 : vector<512xf32> to vector<512x1xf32>
    %get3A_33 = arith.constant 0 : index
    %get3A_34 = arith.constant 0 : index
    %get3A_35 = vector.load %arg5[%get3A_33, %get3A_34] : memref<1x16xf32, #tpu.memory_space<vmem>>, vector<1x16xf32>
    %mul3A_36 = vector.broadcast %get3A_35 : vector<1x16xf32> to vector<512x16xf32>
    %mul3A_37 = arith.mulf %dot_general3A_27, %mul3A_36 : vector<512x16xf32>
    %reduce_sum3A_38 = arith.constant dense<0.000000e+00> : vector<512xf32>
    %reduce_sum3A_39 = vector.multi_reduction <add>, %mul3A_37, %reduce_sum3A_38 [1] : vector<512x16xf32> to vector<512xf32>
    %broadcast_in_dim3A_40 = vector.shape_cast %reduce_sum3A_39 : vector<512xf32> to vector<512x1xf32>
    %broadcast_in_dim3A_41 = arith.constant 0.000000e+00 : f32
    %broadcast_in_dim3A_42 = vector.broadcast %broadcast_in_dim3A_41 : f32 to vector<512x14xf32>
    %concatenate3A = tpu.concatenate %dot_general3A_27, %broadcast_in_dim3A, %broadcast_in_dim3A_40, %broadcast_in_dim3A_42 in 1 : vector<512x16xf32>, vector<512x1xf32>, vector<512x1xf32>, vector<512x14xf32> -> vector<512x32xf32>
    %swap3A = arith.constant 0 : index
    %swap3A_43 = arith.constant 0 : index
    %swap3A_44 = vector.load %arg7[%swap3A, %swap3A_43] : memref<512x32xf32, #tpu.memory_space<vmem>>, vector<512x32xf32>
    tpu.vector_store %arg7[%swap3A, %swap3A_43], %concatenate3A {strides = array<i32>} : memref<512x32xf32, #tpu.memory_space<vmem>>, vector<512x32xf32>,
    %broadcast_in_dim3A_45 = arith.constant 0.000000e+00 : f32
    %broadcast_in_dim3A_46 = vector.broadcast %broadcast_in_dim3A_45 : f32 to vector<512x7xf32>
    %concatenate3A_47 = tpu.concatenate %broadcast_in_dim3A_40, %broadcast_in_dim3A_46 in 1 : vector<512x1xf32>, vector<512x7xf32> -> vector<512x8xf32>
    %swap3A_48 = arith.constant 0 : index
    %swap3A_49 = arith.constant 0 : index
    %swap3A_50 = vector.load %arg8[%swap3A_48, %swap3A_49] : memref<512x8xf32, #tpu.memory_space<vmem>>, vector<512x8xf32>
    tpu.vector_store %arg8[%swap3A_48, %swap3A_49], %concatenate3A_47 {strides = array<i32>} : memref<512x8xf32, #tpu.memory_space<vmem>>, vector<512x8xf32>,
    return
  }
  func.func @transform_0(%arg0: i32) -> (i32, i32, i32) {
    %c0_i32 = arith.constant 0 : i32
    %c0_i32_0 = arith.constant 0 : i32
    %c0_i32_1 = arith.constant 0 : i32
    return %c0_i32, %arg0, %c0_i32_0 : i32, i32, i32
  }
  func.func @transform_1(%arg0: i32) -> (i32, i32) {
    %c0_i32 = arith.constant 0 : i32
    %c0_i32_0 = arith.constant 0 : i32
    %c0_i32_1 = arith.constant 0 : i32
    return %c0_i32, %c0_i32_0 : i32, i32
  }
  func.func @transform_2(%arg0: i32) -> (i32, i32) {
    %c0_i32 = arith.constant 0 : i32
    %c0_i32_0 = arith.constant 0 : i32
    %c0_i32_1 = arith.constant 0 : i32
    return %c0_i32, %c0_i32_0 : i32, i32
  }
  func.func @transform_3(%arg0: i32) -> (i32, i32) {
    %c0_i32 = arith.constant 0 : i32
    %c0_i32_0 = arith.constant 0 : i32
    %c0_i32_1 = arith.constant 0 : i32
    return %c0_i32, %c0_i32_0 : i32, i32
  }
  func.func @transform_4(%arg0: i32) -> (i32, i32) {
    %c0_i32 = arith.constant 0 : i32
    %c0_i32_0 = arith.constant 0 : i32
    %c0_i32_1 = arith.constant 0 : i32
    return %c0_i32, %c0_i32_0 : i32, i32
  }
  func.func @transform_5(%arg0: i32) -> (i32, i32) {
    %c0_i32 = arith.constant 0 : i32
    %c0_i32_0 = arith.constant 0 : i32
    %c0_i32_1 = arith.constant 0 : i32
    return %c0_i32, %c0_i32_0 : i32, i32
  }
  func.func @transform_6(%arg0: i32) -> (i32, i32) {
    %c0_i32 = arith.constant 0 : i32
    %c0_i32_0 = arith.constant 0 : i32
    return %arg0, %c0_i32 : i32, i32
  }
  func.func @transform_7(%arg0: i32) -> (i32, i32) {
    %c0_i32 = arith.constant 0 : i32
    %c0_i32_0 = arith.constant 0 : i32
    return %arg0, %c0_i32 : i32, i32
  }
}

module attributes {stable_mosaic.version = 14 : i64} {
  func.func @body(%arg0: i32, %arg1: memref<2x512x32xf32, #tpu.memory_space<vmem>>, %arg2: memref<1x16xf32, #tpu.memory_space<vmem>>, %arg3: memref<512x16xf32, #tpu.memory_space<vmem>>) attributes {dimension_semantics = [#tpu.dimension_semantics<arbitrary>], iteration_bounds = array<i64: 20>, scalar_prefetch = 0 : i64, scratch_operands = 0 : i64, tpu.core_type = #tpu.core_type<tc>, window_params = [{transform_indices = @transform_0, window_bounds = array<i64: 2, 512, 32>}, {pipeline_mode = #tpu.pipeline_mode<synchronous>, transform_indices = @transform_1, window_bounds = array<i64: 1, 16>}, {transform_indices = @transform_2, window_bounds = array<i64: 512, 16>}]} {
    %get3A = arith.constant 0 : index
    %get3A_0 = arith.constant 0 : index
    %get3A_1 = arith.constant 0 : index
    %get3A_2 = vector.load %arg1[%get3A, %get3A_0, %get3A_1] : memref<2x512x32xf32, #tpu.memory_space<vmem>>, vector<1x512x32xf32>
    %get3A_3 = vector.shape_cast %get3A_2 : vector<1x512x32xf32> to vector<512x32xf32>
    %get3A_4 = arith.constant 1 : index
    %get3A_5 = arith.constant 0 : index
    %get3A_6 = arith.constant 0 : index
    %get3A_7 = vector.load %arg1[%get3A_4, %get3A_5, %get3A_6] : memref<2x512x32xf32, #tpu.memory_space<vmem>>, vector<1x512x32xf32>
    %get3A_8 = vector.shape_cast %get3A_7 : vector<1x512x32xf32> to vector<512x32xf32>
    %add3A = arith.addf %get3A_3, %get3A_8 : vector<512x32xf32>
    %slice3A = vector.extract_strided_slice %add3A {offsets = [0, 0], sizes = [512, 16], strides = [1, 1]} : vector<512x32xf32> to vector<512x16xf32>
    %slice3A_9 = vector.extract_strided_slice %add3A {offsets = [0, 16], sizes = [512, 1], strides = [1, 1]} : vector<512x32xf32> to vector<512x1xf32>
    %div3A = vector.broadcast %slice3A_9 : vector<512x1xf32> to vector<512x16xf32>
    %div3A_10 = arith.divf %slice3A, %div3A : vector<512x16xf32>
    %get3A_11 = arith.constant 0 : index
    %get3A_12 = arith.constant 0 : index
    %get3A_13 = vector.load %arg2[%get3A_11, %get3A_12] : memref<1x16xf32, #tpu.memory_space<vmem>>, vector<1x16xf32>
    %add3A_14 = vector.broadcast %get3A_13 : vector<1x16xf32> to vector<512x16xf32>
    %add3A_15 = arith.addf %div3A_10, %add3A_14 : vector<512x16xf32>
    %swap3A = arith.constant 0 : index
    %swap3A_16 = arith.constant 0 : index
    %swap3A_17 = vector.load %arg3[%swap3A, %swap3A_16] : memref<512x16xf32, #tpu.memory_space<vmem>>, vector<512x16xf32>
    tpu.vector_store %arg3[%swap3A, %swap3A_16], %add3A_15 {strides = array<i32>} : memref<512x16xf32, #tpu.memory_space<vmem>>, vector<512x16xf32>,
    return
  }
  func.func @transform_0(%arg0: i32) -> (i32, i32, i32) {
    %c0_i32 = arith.constant 0 : i32
    %c0_i32_0 = arith.constant 0 : i32
    %c0_i32_1 = arith.constant 0 : i32
    return %c0_i32, %arg0, %c0_i32_0 : i32, i32, i32
  }
  func.func @transform_1(%arg0: i32) -> (i32, i32) {
    %c0_i32 = arith.constant 0 : i32
    %c0_i32_0 = arith.constant 0 : i32
    %c0_i32_1 = arith.constant 0 : i32
    return %c0_i32, %c0_i32_0 : i32, i32
  }
  func.func @transform_2(%arg0: i32) -> (i32, i32) {
    %c0_i32 = arith.constant 0 : i32
    %c0_i32_0 = arith.constant 0 : i32
    return %arg0, %c0_i32 : i32, i32
  }
}

</mosaic_0001>

<sc_bundles>
// kernel: kernel.10.cloned.1.call-start
scs
__scs_entry_jumppad:
0x0: {  	(pc) =	sbr.rel $0x88, $3  }
0x1: {  	(tag) =	ssettag $0x0;
	lr =	simm.s32 $0x1  }
0x2: {  	[smem:$0x3F97] =	sst lr;
	_ =	strace $0xD0000000  }
0x3: {  	_ = 	snop  }
0x4: {  	_ = 	snop  }
0x5: {  	_ = 	snop  }
0x6: {  	_ = 	snop  }
0x7: {  	_ = 	snop  }
__scs_overlays_trampoline_lowered:
0x8: {  	[smem:$0x3FA6] =	sst s0  }
0x9: {  	[smem:$0x3FA7] =	sst s1  }
0xa: {  	[smem:$0x3FA8] =	sst s2  }
0xb: {  	[smem:$0x3FA9] =	sst s3  }
0xc: {  	[smem:$0x3FAA] =	sst s4  }
0xd: {  	[smem:$0x3FAB] =	sst s5  }
0xe: {  	[smem:$0x3FAC] =	sst s6  }
0xf: {  	[smem:$0x3FAD] =	sst s7  }
0x10: {  	[smem:$0x3FAE] =	sst s8  }
0x11: {  	[smem:$0x3FAF] =	sst s9;
	s0 =	simm.s32 @!p0 $0x0  }
0x12: {  	s1 =	sld [smem:$0x3F95];
	s0 =	simm.s32 @p0 $0x1  }
0x13: {  	[smem:$0x3FB0] =	sst s0;
	s0 =	simm.s32 @!p1 $0x0  }
0x14: {  	s2 =	sld [smem:$0x3F94];
	s0 =	simm.s32 @p1 $0x1  }
0x15: {  	[smem:$0x3FB1] =	sst s0;
	s0 =	simm.s32 @!p2 $0x0  }
0x16: {  	s3 =	sld [smem:$0x3FDB];
	s0 =	simm.s32 @p2 $0x1  }
0x17: {  	s4 =	simm.s32 $0x1BF5;
	[smem:$0x3FB3] =	sst s0  }
0x18: {  	s0 =	sld [smem:$0x3F96];
	_ =	swait.ge [sflag:s4], $0x0  }
0x19: {  	s7 =	sld [smem:$0x3F97]  }
0x1a: {  	s8 =	sadd.s32 $0xFFFFE003, lr  }
0x1b: {  	s9 =	sadd.s32 $0xFFFFFEF7, lr;
	s5 =	simm.s32 $0xFFFFFFFF;
	p2 =	slt.u32 s8, $0xFFFFF086  }
0x1c: {  	p1 =	slt.u32 s9, $0xF7A;
	s5 =	simm.s32 @!p2 $0x0  }
0x1d: {  	s5 =	simm.s32 @p1 $0x1;
	p0 =	seq.s32 s7, s2  }
0x1e: {  	s7 =	smul.u32 @!p0 $0xF7A, s2;
	p2 =	seq.s32 @!p0 s5, $0x0  }
0x1f: {  	s9 =	smul.u32 $0xF7A, s1;
	s8 =	simm.s32 @!p0 $0x1BF5;
	p2 =	por !p2, p0  }
0x20: {  	[sflag:s8] =	ssyncset.s32 @!p0 $0xFFFFF086;
	s6 =	sadd.s32 @!p0 s3, s7;
	s7 =	simm.s32 @!p0 $0x108  }
0x21: {  	s3 =	sadd.s32 s3, s9;
	s6 =	sadd.s32 @!p0 $0x88, s6;
	s7 =	simm.s32 @p2 $0x1082  }
0x22: {  	[simem:s7], [sflag:s8] =	dma.local @!p0 [hbm:s6], $0xF7A  }
0x23: {  	s9 =	sor.u32 $0xD0000000, s2;
	s6 =	simm.s32 $0x108;
	_ =	swait.ge @!p0 [sflag:s8], $0x0  }
0x24: {  	s3 =	sadd.s32 $0x88, s3;
	s6 =	simm.s32 @!p1 $0x1082;
	[sflag:s4] =	ssyncset.s32 $0xFFFFF086  }
0x25: {  	[simem:s6], [sflag:s4] =	dma.local [hbm:s3], $0xF7A  }
0x26: {  	[smem:$0x3F97] =	sst s1;
	(tag) =	ssettag s2;
	_ =	strace s9  }
0x27: {  	s1 =	sld [smem:$0x3FA7]  }
0x28: {  	s2 =	sld [smem:$0x3FA8]  }
0x29: {  	s4 =	sld [smem:$0x3FAA]  }
0x2a: {  	p0 =	seq.s32 s5, $0x0;
	s5 =	sld [smem:$0x3FAB]  }
0x2b: {  	s6 =	sld [smem:$0x3FAC]  }
0x2c: {  	s7 =	sld [smem:$0x3FAD]  }
0x2d: {  	s3 =	simm.s32 $0x108;
	s8 =	sld [smem:$0x3FAE]  }
0x2e: {  	s3 =	simm.s32 @!p0 $0x1082;
	s9 =	sld [smem:$0x3FAF]  }
0x2f: {  	lr =	sadd.s32 s0, s3;
	s0 =	sld [smem:$0x3FA6]  }
0x30: {  	s3 =	sld [smem:$0x3FA9]  }
0x31: {  	[smem:$0x3FB2] =	sst s10  }
0x32: {  	s10 =	sld [smem:$0x3FB0];
	_ =	sdelay $0x3  }
0x33: {  	p0 =	seq.s32 s10, $0x1;
	s10 =	sld [smem:$0x3FB2];
	_ =	sdelay $0x3  }
0x34: {  	[smem:$0x3FB2] =	sst s10  }
0x35: {  	s10 =	sld [smem:$0x3FB1];
	_ =	sdelay $0x3  }
0x36: {  	p1 =	seq.s32 s10, $0x1;
	s10 =	sld [smem:$0x3FB2];
	_ =	sdelay $0x3  }
0x37: {  	[smem:$0x3FB2] =	sst s10  }
0x38: {  	s10 =	sld [smem:$0x3FB3]  }
0x39: {  	_ = 	snop;
	(pc) =	sbr.ind lr, $3  }
0x3a: {  	_ = 	snop  }
0x3b: {  	_ = 	snop  }
0x3c: {  	p2 =	seq.s32 s10, $0x1;
	s10 =	sld [smem:$0x3FB2]  }
0x3d: {  	_ =	shalt  }
0x3e: {  	_ =	shalt  }
0x3f: {  	_ =	shalt  }
0x40: {  	_ =	shalt  }
0x41: {  	_ =	shalt  }
0x42: {  	_ =	shalt  }
0x43: {  	_ =	shalt  }
0x44: {  	_ =	shalt  }
0x45: {  	_ =	shalt  }
0x46: {  	_ =	shalt  }
0x47: {  	_ =	shalt  }
0x48: {  	_ =	shalt  }
0x49: {  	_ =	shalt  }
0x4a: {  	_ =	shalt  }
0x4b: {  	_ =	shalt  }
0x4c: {  	_ =	shalt  }
0x4d: {  	_ =	shalt  }
0x4e: {  	_ =	shalt  }
0x4f: {  	_ =	shalt  }
0x50: {  	_ =	shalt  }
0x51: {  	_ =	shalt  }
0x52: {  	_ =	shalt  }
0x53: {  	_ =	shalt  }
0x54: {  	_ =	shalt  }
0x55: {  	_ =	shalt  }
0x56: {  	_ =	shalt  }
0x57: {  	_ =	shalt  }
0x58: {  	_ =	shalt  }
0x59: {  	_ =	shalt  }
0x5a: {  	_ =	shalt  }
0x5b: {  	_ =	shalt  }
0x5c: {  	_ =	shalt  }
0x5d: {  	_ =	shalt  }
0x5e: {  	_ =	shalt  }
0x5f: {  	_ =	shalt  }
0x60: {  	_ =	shalt  }
0x61: {  	_ =	shalt  }
0x62: {  	_ =	shalt  }
0x63: {  	_ =	shalt  }
0x64: {  	_ =	shalt  }
0x65: {  	_ =	shalt  }
0x66: {  	_ =	shalt  }
0x67: {  	_ =	shalt  }
0x68: {  	_ =	shalt  }
0x69: {  	_ =	shalt  }
0x6a: {  	_ =	shalt  }
0x6b: {  	_ =	shalt  }
0x6c: {  	_ =	shalt  }
0x6d: {  	_ =	shalt  }
0x6e: {  	_ =	shalt  }
0x6f: {  	_ =	shalt  }
0x70: {  	_ =	shalt  }
0x71: {  	_ =	shalt  }
0x72: {  	_ =	shalt  }
0x73: {  	_ =	shalt  }
0x74: {  	_ =	shalt  }
0x75: {  	_ =	shalt  }
0x76: {  	_ =	shalt  }
0x77: {  	_ =	shalt  }
0x78: {  	_ =	shalt  }
0x79: {  	_ =	shalt  }
0x7a: {  	_ =	shalt  }
0x7b: {  	_ =	shalt  }
0x7c: {  	_ =	shalt  }
0x7d: {  	_ =	shalt  }
0x7e: {  	_ =	shalt  }
0x7f: {  	_ =	shalt  }
0x80: {  	_ =	shalt  }
0x81: {  	_ =	shalt  }
0x82: {  	_ =	shalt  }
0x83: {  	_ =	shalt  }
0x84: {  	_ =	shalt  }
0x85: {  	_ =	shalt  }
0x86: {  	_ =	shalt  }
0x87: {  	_ =	shalt  }
.Lfunc_end0:
.L_simem_size_0:
called_computation.1_lowered:
.L_overlay_start_0:
0x88: {  	s2 =	sld [smem:$0x3FD9]  }
0x89: {  	s3 =	sld [smem:$0x3FFE];
	_ =	sdelay $0x1  }
0x8a: {  	s1 =	srdreg.scid  }
0x8b: {  	s0 =	sand.u32 $0x1, s1  }
0x8c: {  	s17 =	sshll.u32 s0, $0xA;
	s2 =	sadd.s32 s3, s2  }
0x8d: {  	s2 =	sadd.s32 s2, s17  }
0x8e: {  	[smem:$0x3FBE] =	sst s2  }
0x8f: {  	_ = 	snop  }
0x90: {  	s2 =	sld [smem:$0x3FD0];
	(tm) =	ssettm $0x1  }
0x91: {  	s18 =	sld [smem:$0x3FFB];
	_ =	sdelay $0x3  }
0x92: {  	_ =	strace s18  }
0x93: {  	s3 =	sld [smem:$0x3FFC];
	_ =	sdelay $0x3  }
0x94: {  	_ =	strace s3  }
0x95: {  	s3 =	sld [smem:$0x3FFD];
	_ =	sdelay $0x3  }
0x96: {  	_ =	strace s3  }
0x97: {  	_ =	strace $0x8FFFFFFF  }
0x98: {  	s19 =	sld [smem:$0x3FDB];
	_ =	sdelay $0x1  }
0x99: {  	s4 =	simm.s32 $_scs_section_size  }
0x9a: {  	s5 =	simm.s32 $_size__tile_overlayer_lowered;
	s6 =	simm.s32 $_tile_overlayer_lowered  }
0x9b: {  	s22 =	simm.s32 $0x1BFF;
	s21 =	sshll.u32 s6, $0x1;
	s3 =	sadd.s32 s4, s19  }
0x9c: {  	s7 =	simm.s32 $0x0;
	s20 =	sshll.u32 s5, $0x1;
	s5 =	sadd.s32 s21, s3  }
0x9d: {  	[timem:s7], [sflag:s22] =	dma.local [hbm:s5], s20  }
0x9e: {  	_ =	swait.ge [sflag:s22], s20  }
0x9f: {  	s4 =	ssub.s32 $0x0, s20;
	[sflag:s22] =	ssyncset.done $0x0  }
0xa0: {  	[sflag:s22] =	ssyncadd.s32 s4;
	_ =	sdelay $0x1  }
0xa1: {  	s23 =	simm.s32 $0x1B8B  }
0xa2: {  	_ =	swait.ge [sflag:s23], $0x1  }
0xa3: {  	[sflag:s23] =	ssyncset.done $0x0  }
0xa4: {  	s25 =	simm.s32 $0x1B8E;
	s24 =	sld [smem:$0x3FFE];
	[sflag:s23] =	ssyncadd.s32 $0xFFFFFFFF  }
0xa5: {  	s26 =	simm.s32 $execute0_lowered;
	[smem:$0x3FD2] =	sst s25  }
0xa6: {  	s5 =	sshll.u32 s26, $0x1;
	_ =	strace $0x80000049;
	[dreg:$0x1] =	wrdreg $0xFFFFFFFF  }
0xa7: {  	s28 =	simm.s32 $_size_execute0_lowered;
	s3 =	sadd.s32 s3, s5;
	[dreg:$0x0] =	wrdreg $0x0  }
0xa8: {  	s5 =	sshll.u32 s28, $0x1;
	[dreg:$0x2] =	wrdreg s3  }
0xa9: {  	[dreg:$0x3] =	wrdreg s5  }
0xaa: {  	[dreg:$0x4] =	wrdreg $0xC0  }
0xab: {  	_ =	task [dreg:s7], $0x5FFFF  }
0xac: {  	[dreg:$0x1] =	wrdreg $0xFFFFFFFF  }
0xad: {  	[dreg:$0x0] =	wrdreg $0x60  }
0xae: {  	[dreg:$0x2] =	wrdreg s24  }
0xaf: {  	[dreg:$0x3] =	wrdreg s2  }
0xb0: {  	[dreg:$0x4] =	wrdreg $0x26800  }
0xb1: {  	[dreg:$0x5] =	wrdreg $0x9  }
0xb2: {  	_ =	task.clear_ibuf [dreg:s7], $0x6FFFF;
	_ =	strace $0x90000049  }
0xb3: {  	s29 =	simm.s32 $0x9;
	_ =	strace $0x8000004B  }
0xb4: {  	_ =	swait.ge [sflag:s29], $0x1  }
0xb5: {  	[sflag:s29] =	ssyncadd.s32 $0xFFFFFFFF  }
0xb6: {  	_ =	strace $0x9000004B  }
0xb7: {  	_ =	sfence  }
0xb8: {  	s30 =	sld [smem:$0x0];
	_ =	sdelay $0x2  }
0xb9: {  	s31 =	sshll.u32 s1, $0xD;
	s1 =	sshrl.u32 s1, $0x2  }
0xba: {  	s3 =	sand.u32 $0x4000, s31;
	s1 =	sadd.s32 s1, s30  }
0xbb: {  	s0 =	sor.u32 s3, s0;
	s1 =	sshll.u32 s1, $0x11  }
0xbc: {  	s0 =	sor.u32 s1, s0  }
0xbd: {  	s0 =	sadd.s32 $0x8F2B, s0  }
0xbe: {  	[sflag:s0] =	ssyncadd.remote.s32 $0x1  }
0xbf: {  	_ =	sfence.sel $0xFFFF  }
0xc0: {  	[dreg:$0x0] =	wrdreg $0xFFFFFFFF;
	(pc) =	sbr.abs _section_cstart, $3  }
0xc1: {  	[dreg:$0x1] =	wrdreg $0xFFFFFFFF  }
0xc2: {  	_ =	task.clear_ibuf [dreg:s7], $0x2FFFF;
	_ =	strace $0x9FFFFFFF  }
0xc3: {  	(tm) =	ssettm $0x7FFFFFFF  }
tec
execute0_lowered:
.L_overlay_start_1:
0x0: {  	(tag) =	ssettag $0x1  }
0x1: {  	s0 =	srdreg.scid  }
0x2: {  	s1 =	rddreg [dreg:$0x0];
	s3 =	simm.s32 $0x0;
	s6 =	stileid.u32  }
0x3: {  	s31 =	simm.s32 $0x200;
	s2 =	sand.u32 $0x1, s0;
	[smem:$0x7FF] =	sst s3  }
0x4: {  	s4 =	smul.u32 $0x4E40, s6;
	s5 =	sadd.s32 $0xBC00, s1;
	s21 =	sshll.u32 s6, $0x1  }
0x5: {  	s0 =	ssub.s32 $0x2, s2;
	s3 =	sor.u32 s2, s21;
	s2 =	smul.u32 $0x4E400, s2  }
0x6: {  	s20 =	sshrl.u32 s0, $0x1;
	s6 =	sadd.s32 $0x800, s4;
	s7 =	sadd.s32 $0x1000, s4  }
0x7: {  	s8 =	sadd.s32 $0x1800, s4;
	s9 =	sadd.s32 $0x2000, s4;
	s10 =	sadd.s32 $0x2800, s4  }
0x8: {  	s12 =	sadd.s32 $0x3000, s4;
	s14 =	sadd.s32 $0x3800, s4;
	s17 =	sadd.s32 $0x4000, s4  }
0x9: {  	s18 =	sadd.s32 $0x4800, s4;
	s0 =	ssub.s32 s0, s20;
	s11 =	sadd.s32 s4, s2  }
0xa: {  	s13 =	sadd.s32 s2, s6;
	s23 =	sadd.s32 s2, s7;
	s24 =	sadd.s32 s2, s8  }
0xb: {  	s15 =	sadd.s32 s2, s9;
	s16 =	sadd.s32 s2, s10;
	s19 =	sadd.s32 s2, s12  }
0xc: {  	s20 =	sadd.s32 s2, s14;
	s11 =	sshrl.u32 s11, $0x3;
	s13 =	sshrl.u32 s13, $0x3  }
0xd: {  	s25 =	sshrl.u32 s24, $0x3;
	s26 =	sshrl.u32 s15, $0x3;
	s21 =	sshrl.u32 s19, $0x3  }
0xe: {  	s24 =	sadd.s32 s2, s17;
	s2 =	sadd.s32 s2, s18;
	s11 =	sadd.s32 s5, s11  }
0xf: {  	s0 =	smax.u32 s0, $0x1;
	s22 =	sadd.s32 s5, s13;
	[dreg:$0x4] =	wrdreg s11  }
0x10: {  	s15 =	sadd.s32 s5, s26;
	s2 =	sshrl.u32 s2, $0x3;
	[dreg:$0x5] =	wrdreg s22  }
0x11: {  	s11 =	sshrl.u32 s23, $0x3;
	[dreg:$0x8] =	wrdreg s15;
	s2 =	sadd.s32 s5, s2  }
0x12: {  	s22 =	sshrl.u32 s20, $0x3;
	s11 =	sadd.s32 s5, s11;
	[dreg:$0xd] =	wrdreg s2  }
0x13: {  	s26 =	smul.u32 $0xA20, s3;
	s23 =	sadd.s32 s5, s22;
	[dreg:$0x6] =	wrdreg s11  }
0x14: {  	s11 =	sadd.s32 s5, s25;
	[dreg:$0xb] =	wrdreg s23;
	s25 =	sshrl.u32 s24, $0x3  }
0x15: {  	s15 =	sadd.s32 $0x2E000, s1;
	[dreg:$0x7] =	wrdreg s11;
	s13 =	sadd.s32 s5, s25  }
0x16: {  	s2 =	sadd.s32 s15, s26;
	s11 =	sshrl.u32 s16, $0x3;
	[dreg:$0xc] =	wrdreg s13  }
0x17: {  	s16 =	sadd.s32 $0x1E00, s1;
	s11 =	sadd.s32 s5, s11;
	s13 =	rddreg [dreg:$0x2]  }
0x18: {  	s1 =	simm.s32 $0x40;
	[dreg:$0x9] =	wrdreg s11;
	s11 =	sadd.s32 s5, s21  }
0x19: {  	s5 =	smul.u32 $0xA2, s3;
	s22 =	sadd.s32 s4, s13;
	[dreg:$0xa] =	wrdreg s11  }
0x1a: {  	s23 =	sadd.s32 s6, s13;
	s12 =	sadd.s32 s12, s13;
	s11 =	rddreg [dreg:$0x1]  }
0x1b: {  	s14 =	sadd.s32 s14, s13;
	_ =	strace $0x8000004A;
	[dreg:$0x15] =	wrdreg s12  }
0x1c: {  	s24 =	sadd.s32 s7, s13;
	s19 =	sadd.s32 s17, s13;
	[dreg:$0x16] =	wrdreg s14  }
0x1d: {  	s25 =	sadd.s32 s8, s13;
	s20 =	sadd.s32 s18, s13;
	[dreg:$0x17] =	wrdreg s19  }
0x1e: {  	s26 =	sadd.s32 s9, s13;
	s28 =	sadd.s32 s10, s13;
	[dreg:$0x18] =	wrdreg s20  }
0x1f: {  	s21 =	sadd.s32 $0x10, s2;
	s3 =	simm.s32 $0x1280;
	[dreg:$0x19] =	wrdreg s0  }
0x20: {  	s4 =	simm.s32 $0x1680;
	s7 =	simm.s32 $0xA80;
	[dreg:$0xe] =	wrdreg s2  }
0x21: {  	v0 =	vimm.f32 $0.0e+00;
	v1 =	vlaneseq.u32;
	s8 =	simm.s32 $0x1C0;
	s9 =	simm.s32 $0x1480;
	[dreg:$0x1a] =	wrdreg s21  }
0x22: {  	v2 =	vimm.s32 $0x5;
	v3 =	vimm.s32 $0x3;
	vm0 =	vcmask $0x300;
	s10 =	simm.s32 $0x4;
	s17 =	simm.s32 $0x6;
	[dreg:$0xf] =	wrdreg s22  }
0x23: {  	v4 =	vimm.s32 $0x0;
	v6 =	vimm.s32 $0x1;
	v7 =	vimm.s32 $0x2;
	s18 =	simm.s32 $0x240;
	s29 =	sadd.s32 $0x2, s5;
	[dreg:$0x10] =	wrdreg s23  }
0x24: {  	v8 =	vimm.s32 $0x4;
	v9 =	vimm.s32 $0x6;
	v10 =	vimm.s32 $0x7;
	s30 =	sadd.s32 $0x3, s5;
	s0 =	simm.s32 $0x9;
	[dreg:$0x11] =	wrdreg s24  }
0x25: {  	v11 =	vimm.s32 $0x8;
	v12 =	vimm.s32 $0x9;
	v13 =	vimm.s32 $0xA;
	s2 =	simm.s32 $0x280;
	s5 =	simm.s32 $0x2;
	[dreg:$0x12] =	wrdreg s25  }
0x26: {  	v14 =	vimm.s32 $0xB;
	v15 =	vimm.s32 $0xC;
	v16 =	vimm.s32 $0xD;
	s12 =	simm.s32 $0x3;
	s14 =	simm.s32 $0x5;
	[dreg:$0x13] =	wrdreg s26  }
0x27: {  	v17 =	vimm.s32 $0xE;
	v18 =	vimm.s32 $0xF;
	v5 =	vsel vm0, $0x3F800000, v0;
	s19 =	simm.s32 $0x1E80;
	s20 =	simm.s32 $0x0;
	[dreg:$0x14] =	wrdreg s28  }
.LBB2_1:
0x28: {  	[dreg:$0x1b] =	wrdreg s20  }
0x29: {  	s6 =	simm.s32 $0x0;
	s21 =	rddreg [dreg:$0xe]  }
0x2a: {  	[tilespmem:s6], [sflag:$0x9] =	stream.linear.gather [hbm4b:s21+s6], $0x80, $0x38;
	[tilespmem:$0x74C0] =	vst v63  }
0x2b: {  	_ =	swait.ge [sflag:s0], $0x80  }
0x2c: {  	[sflag:s0] =	ssyncset.done $0x0  }
0x2d: {  	[sflag:s0] =	ssyncadd.s32 $0xFFFFFF80  }
0x2e: {  	v19 =	vld [tilespmem:$0x0]  }
0x2f: {  	v20 =	vld [tilespmem:$0x40]  }
0x30: {  	v21 =	vld [tilespmem:$0x10]  }
0x31: {  	v22 =	vld [tilespmem:$0x50]  }
0x32: {  	v23 =	vld [tilespmem:$0x20]  }
0x33: {  	v63 =	vld [tilespmem:$0x70];
	[tilespmem:$0x100] =	vst v19  }
0x34: {  	v19 =	vld [tilespmem:$0x60];
	[tilespmem:$0x180] =	vst v20  }
0x35: {  	v20 =	vld [tilespmem:$0x30];
	[tilespmem:$0x110] =	vst v21  }
0x36: {  	[tilespmem:$0x190] =	vst v22  }
0x37: {  	[tilespmem:$0x120] =	vst v23  }
0x38: {  	[tilespmem:$0x1B0] =	vst v63  }
0x39: {  	[tilespmem:$0x1A0] =	vst v19  }
0x3a: {  	s21 =	simm.s32 $0x100;
	[tilespmem:$0x130] =	vst v20  }
0x3b: {  	[tilespmem:s2], [sflag:$0x3] =	stream.indirect.gather [hbm4b:s16+s1], $0x20, s21, s1, $0xb8;
	[tilespmem:$0x74C0] =	vst v63  }
0x3c: {  	s21 =	simm.s32 $0x180  }
0x3d: {  	[tilespmem:s3], [sflag:$0x5] =	stream.indirect.gather [hbm4b:s11+s1], $0x8, s21, s1, $0xb8;
	[tilespmem:$0x74C0] =	vst v63  }
0x3e: {  	s20 =	rddreg [dreg:$0x1a];
	s21 =	simm.s32 $0x80  }
0x3f: {  	[tilespmem:s21], [sflag:$0x2] =	stream.linear.gather [hbm4b:s20+s6], $0x80, $0x38;
	[tilespmem:$0x74C0] =	vst v63  }
0x40: {  	s20 =	simm.s32 $0x80;
	s6 =	simm.s32 $0x0  }
.LBB2_2:
0x41: {  	p0 =	sne.s32 s20, $0x1F80;
	[tilespmem:s6+$0x1680] =	vst v0;
	s21 =	smov.u32 s20;
	s20 =	sadd.s32 $0x80, s20  }
.Ltmp0:
0x42: {  	[tilespmem:s6+$0x1690] =	vst v0;
	(pc) =	sbr.rel @p0 .LBB2_2-.Ltmp0, $2  }
0x43: {  	_ =	sdelay $0x2  }
0x44: {  	s6 =	sshra.s32 s21, $0x2  }
0x45: {  	[tilespmem:s6+$0x1680] =	vst v0  }
0x46: {  	[tilespmem:s6+$0x1690] =	vst v0  }
0x47: {  	[spmem:s22] =	stream.linear.scatter [tilespmem:s4], [sflag:$0x9], $0x800, $0x38;
	[tilespmem:$0x74C0] =	vst v63  }
0x48: {  	_ =	swait.ge [sflag:s0], $0x800  }
0x49: {  	[sflag:s0] =	ssyncset.done $0x0  }
0x4a: {  	[sflag:s0] =	ssyncadd.s32 $0xFFFFF800  }
0x4b: {  	[spmem:s23] =	stream.linear.scatter [tilespmem:s4], [sflag:$0x9], $0x800, $0x38;
	[tilespmem:$0x74C0] =	vst v63  }
0x4c: {  	_ =	swait.ge [sflag:s0], $0x800  }
0x4d: {  	[sflag:s0] =	ssyncset.done $0x0  }
0x4e: {  	[sflag:s0] =	ssyncadd.s32 $0xFFFFF800  }
0x4f: {  	[spmem:s24] =	stream.linear.scatter [tilespmem:s4], [sflag:$0x9], $0x800, $0x38;
	[tilespmem:$0x74C0] =	vst v63  }
0x50: {  	_ =	swait.ge [sflag:s0], $0x800  }
0x51: {  	[sflag:s0] =	ssyncset.done $0x0  }
0x52: {  	[sflag:s0] =	ssyncadd.s32 $0xFFFFF800  }
0x53: {  	[spmem:s25] =	stream.linear.scatter [tilespmem:s4], [sflag:$0x9], $0x800, $0x38;
	[tilespmem:$0x74C0] =	vst v63  }
0x54: {  	_ =	swait.ge [sflag:s0], $0x800  }
0x55: {  	[sflag:s0] =	ssyncset.done $0x0  }
0x56: {  	[sflag:s0] =	ssyncadd.s32 $0xFFFFF800  }
0x57: {  	[spmem:s26] =	stream.linear.scatter [tilespmem:s4], [sflag:$0x9], $0x800, $0x38;
	[tilespmem:$0x74C0] =	vst v63  }
0x58: {  	_ =	swait.ge [sflag:s0], $0x800  }
0x59: {  	[sflag:s0] =	ssyncset.done $0x0  }
0x5a: {  	[sflag:s0] =	ssyncadd.s32 $0xFFFFF800  }
0x5b: {  	[spmem:s28] =	stream.linear.scatter [tilespmem:s4], [sflag:$0x9], $0x800, $0x38;
	[tilespmem:$0x74C0] =	vst v63  }
0x5c: {  	_ =	swait.ge [sflag:s0], $0x800  }
0x5d: {  	[sflag:s0] =	ssyncset.done $0x0  }
0x5e: {  	s24 =	rddreg [dreg:$0x15];
	[sflag:s0] =	ssyncadd.s32 $0xFFFFF800  }
0x5f: {  	[spmem:s24] =	stream.linear.scatter [tilespmem:s4], [sflag:$0x9], $0x800, $0x38;
	[tilespmem:$0x74C0] =	vst v63  }
0x60: {  	_ =	swait.ge [sflag:s0], $0x800  }
0x61: {  	[sflag:s0] =	ssyncset.done $0x0  }
0x62: {  	s25 =	rddreg [dreg:$0x16];
	[sflag:s0] =	ssyncadd.s32 $0xFFFFF800  }
0x63: {  	[spmem:s25] =	stream.linear.scatter [tilespmem:s4], [sflag:$0x9], $0x800, $0x38;
	[tilespmem:$0x74C0] =	vst v63  }
0x64: {  	_ =	swait.ge [sflag:s0], $0x800  }
0x65: {  	[sflag:s0] =	ssyncset.done $0x0  }
0x66: {  	s26 =	rddreg [dreg:$0x17];
	[sflag:s0] =	ssyncadd.s32 $0xFFFFF800  }
0x67: {  	[spmem:s26] =	stream.linear.scatter [tilespmem:s4], [sflag:$0x9], $0x800, $0x38;
	[tilespmem:$0x74C0] =	vst v63  }
0x68: {  	_ =	swait.ge [sflag:s0], $0x800  }
0x69: {  	[sflag:s0] =	ssyncset.done $0x0  }
0x6a: {  	s28 =	rddreg [dreg:$0x18];
	[sflag:s0] =	ssyncadd.s32 $0xFFFFF800  }
0x6b: {  	[spmem:s28] =	stream.linear.scatter [tilespmem:s4], [sflag:$0x9], $0x640, $0x38;
	[tilespmem:$0x74C0] =	vst v63  }
0x6c: {  	_ =	swait.ge [sflag:s0], $0x640  }
0x6d: {  	[sflag:s0] =	ssyncset.done $0x0  }
0x6e: {  	[sflag:s0] =	ssyncadd.s32 $0xFFFFF9C0  }
0x6f: {  	s21 =	simm.s32 $0x0;
	s22 =	simm.s32 $0x0;
	[bflag:$0x0] =	sbarrier.arrive $0xFFFF  }
.LBB2_4:
0x70: {  	_ =	swait.ge [sflag:s5], $0x80  }
0x71: {  	[sflag:s5] =	ssyncset.done $0x0  }
0x72: {  	[sflag:s5] =	ssyncadd.s32 $0xFFFFFF80  }
0x73: {  	v19 =	vld [tilespmem:$0x80]  }
0x74: {  	v20 =	vld [tilespmem:$0xC0]  }
0x75: {  	v21 =	vld [tilespmem:$0x90]  }
0x76: {  	v22 =	vld [tilespmem:$0xD0]  }
0x77: {  	v23 =	vld [tilespmem:$0xA0]  }
0x78: {  	[tilespmem:$0x140] =	vst v19;
	v19 =	vld [tilespmem:$0xE0]  }
0x79: {  	[tilespmem:$0x1C0] =	vst v20;
	v20 =	vld [tilespmem:$0xB0]  }
0x7a: {  	[tilespmem:$0x150] =	vst v21;
	v21 =	vld [tilespmem:$0xF0]  }
0x7b: {  	[tilespmem:$0x1D0] =	vst v22  }
0x7c: {  	[tilespmem:$0x160] =	vst v23  }
0x7d: {  	[tilespmem:$0x1E0] =	vst v19  }
0x7e: {  	[tilespmem:$0x170] =	vst v20  }
0x7f: {  	s6 =	simm.s32 $0x140;
	[tilespmem:$0x1F0] =	vst v21  }
0x80: {  	[tilespmem:s7], [sflag:$0x4] =	stream.indirect.gather [hbm4b:s16+s1], $0x20, s6, s1, $0xb8;
	[tilespmem:$0x74C0] =	vst v63  }
0x81: {  	_ = 	snop  }
0x82: {  	[tilespmem:s9], [sflag:$0x6] =	stream.indirect.gather [hbm4b:s11+s1], $0x8, s8, s1, $0xb8;
	[tilespmem:$0x74C0] =	vst v63  }
0x83: {  	_ =	swait.ge [sflag:s12], $0x800  }
0x84: {  	[sflag:s12] =	ssyncset.done $0x0  }
0x85: {  	[sflag:s12] =	ssyncadd.s32 $0xFFFFF800  }
0x86: {  	_ =	swait.ge [sflag:s14], $0x200  }
0x87: {  	p1 =	seq.s32 s22, $0x0;
	[sflag:s14] =	ssyncset.done $0x0  }
0x88: {  	s6 =	simm.s32 @!p1 $0x7;
	[sflag:s14] =	ssyncadd.s32 $0xFFFFFE00  }
0x89: {  	_ =	swait.ge @!p1 [sflag:s6], $0x800  }
0x8a: {  	[sflag:s6] =	ssyncset.done @!p1 $0x0  }
0x8b: {  	[sflag:s6] =	ssyncadd.s32 @!p1 $0xFFFFF800  }
0x8c: {  	v19 =	vld [tilespmem:$0x180]  }
0x8d: {  	v20 =	vld [tilespmem:$0x190]  }
0x8e: {  	v21 =	vld [tilespmem:$0x1A0]  }
0x8f: {  	v22 =	vld [tilespmem:$0x1B0]  }
0x90: {  	s23 =	sshll.u32 s22, $0x1;
	p0 =	seq.s32 s22, $0x50;
	v23 =	vor.u32 s21, v1  }
0x91: {  	s6 =	sadd.s32 @!p0 s23, s29;
	[tilespmem:$0x200] =	vst v19;
	v19 =	vshll.u32 v23, $0x5;
	v23 =	vshll.u32 v23, $0x3  }
0x92: {  	s6 =	sshll.u32 @!p0 s6, $0x4;
	[tilespmem:$0x210] =	vst v20;
	v19 =	vor.u32 $0x10, v19  }
0x93: {  	s6 =	sand.u32 @!p0 $0x1FFFFFE0, s6;
	[tilespmem:$0x220] =	vst v21  }
0x94: {  	s20 =	simm.s32 @!p0 $0x0;
	s6 =	sadd.s32 @!p0 s15, s6;
	[tilespmem:$0x230] =	vst v22  }
0x95: {  	[tilespmem:s20], [sflag:$0x1] =	stream.linear.gather @!p0 [hbm4b:s6+s20], $0x80, $0x38;
	[tilespmem:$0x74C0] =	vst v63  }
0x96: {  	v20 =	vld.idx.msk [tilespmem:v23+s3+$0x0], $0xffff  }
0x97: {  	v19 =	vld.idx.msk [tilespmem:v19+s2+$0x0], $0xffff;
	_ =	sdelay $0x4  }
0x98: {  	v19 =	vadd.f32 v20, v19;
	_ =	sdelay $0x1  }
0x99: {  	v20 =	vmul.f32 $2.000000030e-01, v19  }
0x9a: {  	vm0 =	vgt.f32 v19, $0.0e+00  }
0x9b: {  	v19 =	vsel vm0, v19, v20  }
0x9c: {  	v19 =	vmul.f32 $1.442695020e+00, v19;
	_ =	sdelay $0x1  }
0x9d: {  	(erf) = vpow2.f32 v19;
	_ =	sdelay $0x5  }
0x9e: {  	s24 =	simm.s32 $0x380  }
0x9f: {  	v19 =	vld [tilespmem:s24+$0xFFFFFF00];
	_ =	sdelay $0x1  }
0xa0: {  	v20 =	vpop (erf)  }
0xa1: {  	v21 =	vperm.xlane v20, v4;
	_ =	sdelay $0x1  }
0xa2: {  	v19 =	vmul.f32 v19, v21  }
0xa3: {  	s25 =	simm.s32 $0x1780;
	v21 =	vmul.f32 v5, v21  }
0xa4: {  	[tilespmem:s25+$0xFFFFFF00] =	vst v19  }
0xa5: {  	[tilespmem:s25+$0xFFFFFF10] =	vst v21  }
0xa6: {  	v19 =	vld [tilespmem:s24+$0xFFFFFF20];
	_ =	sdelay $0x1  }
0xa7: {  	v21 =	vperm.xlane v20, v6;
	_ =	sdelay $0x1  }
0xa8: {  	v22 =	vmul.f32 v5, v21  }
0xa9: {  	v19 =	vmul.f32 v19, v21  }
0xaa: {  	[tilespmem:s25+$0xFFFFFF30] =	vst v22  }
0xab: {  	[tilespmem:s25+$0xFFFFFF20] =	vst v19  }
0xac: {  	v19 =	vld [tilespmem:s24+$0xFFFFFF40];
	_ =	sdelay $0x1  }
0xad: {  	v21 =	vperm.xlane v20, v7;
	_ =	sdelay $0x1  }
0xae: {  	v22 =	vmul.f32 v5, v21  }
0xaf: {  	v19 =	vmul.f32 v19, v21  }
0xb0: {  	[tilespmem:s25+$0xFFFFFF50] =	vst v22  }
0xb1: {  	[tilespmem:s25+$0xFFFFFF40] =	vst v19  }
0xb2: {  	v19 =	vld [tilespmem:s24+$0xFFFFFF60];
	_ =	sdelay $0x1  }
0xb3: {  	v21 =	vperm.xlane v20, v3;
	_ =	sdelay $0x1  }
0xb4: {  	v22 =	vmul.f32 v5, v21  }
0xb5: {  	v19 =	vmul.f32 v19, v21  }
0xb6: {  	[tilespmem:s25+$0xFFFFFF70] =	vst v22  }
0xb7: {  	[tilespmem:s25+$0xFFFFFF60] =	vst v19  }
0xb8: {  	v19 =	vld [tilespmem:s24+$0xFFFFFF80];
	_ =	sdelay $0x1  }
0xb9: {  	v21 =	vperm.xlane v20, v8;
	_ =	sdelay $0x1  }
0xba: {  	v22 =	vmul.f32 v5, v21  }
0xbb: {  	v19 =	vmul.f32 v19, v21  }
0xbc: {  	[tilespmem:s25+$0xFFFFFF90] =	vst v22  }
0xbd: {  	[tilespmem:s25+$0xFFFFFF80] =	vst v19  }
0xbe: {  	v19 =	vld [tilespmem:s24+$0xFFFFFFA0];
	_ =	sdelay $0x1  }
0xbf: {  	v21 =	vperm.xlane v20, v2;
	_ =	sdelay $0x1  }
0xc0: {  	v22 =	vmul.f32 v5, v21  }
0xc1: {  	v19 =	vmul.f32 v19, v21  }
0xc2: {  	[tilespmem:s25+$0xFFFFFFB0] =	vst v22  }
0xc3: {  	[tilespmem:s25+$0xFFFFFFA0] =	vst v19  }
0xc4: {  	v19 =	vld [tilespmem:s24+$0xFFFFFFC0];
	_ =	sdelay $0x1  }
0xc5: {  	v21 =	vperm.xlane v20, v9;
	_ =	sdelay $0x1  }
0xc6: {  	v22 =	vmul.f32 v5, v21  }
0xc7: {  	v19 =	vmul.f32 v19, v21  }
0xc8: {  	[tilespmem:s25+$0xFFFFFFD0] =	vst v22  }
0xc9: {  	[tilespmem:s25+$0xFFFFFFC0] =	vst v19  }
0xca: {  	v19 =	vld [tilespmem:s24+$0xFFFFFFE0];
	_ =	sdelay $0x1  }
0xcb: {  	v21 =	vperm.xlane v20, v10;
	_ =	sdelay $0x1  }
0xcc: {  	v22 =	vmul.f32 v5, v21  }
0xcd: {  	v19 =	vmul.f32 v19, v21  }
0xce: {  	[tilespmem:s25+$0xFFFFFFF0] =	vst v22  }
0xcf: {  	[tilespmem:s25+$0xFFFFFFE0] =	vst v19  }
0xd0: {  	v19 =	vld [tilespmem:s24+$0x0];
	_ =	sdelay $0x1  }
0xd1: {  	v21 =	vperm.xlane v20, v11;
	_ =	sdelay $0x1  }
0xd2: {  	v22 =	vmul.f32 v5, v21  }
0xd3: {  	v19 =	vmul.f32 v19, v21  }
0xd4: {  	[tilespmem:s25+$0x10] =	vst v22  }
0xd5: {  	[tilespmem:s25+$0x0] =	vst v19  }
0xd6: {  	v19 =	vld [tilespmem:s24+$0x20];
	_ =	sdelay $0x1  }
0xd7: {  	v21 =	vperm.xlane v20, v12;
	_ =	sdelay $0x1  }
0xd8: {  	v22 =	vmul.f32 v5, v21  }
0xd9: {  	v19 =	vmul.f32 v19, v21  }
0xda: {  	[tilespmem:s25+$0x30] =	vst v22  }
0xdb: {  	[tilespmem:s25+$0x20] =	vst v19  }
0xdc: {  	v19 =	vld [tilespmem:s24+$0x40];
	_ =	sdelay $0x1  }
0xdd: {  	v21 =	vperm.xlane v20, v13;
	_ =	sdelay $0x1  }
0xde: {  	v22 =	vmul.f32 v5, v21  }
0xdf: {  	v19 =	vmul.f32 v19, v21  }
0xe0: {  	[tilespmem:s25+$0x50] =	vst v22  }
0xe1: {  	[tilespmem:s25+$0x40] =	vst v19  }
0xe2: {  	v19 =	vld [tilespmem:s24+$0x60];
	_ =	sdelay $0x1  }
0xe3: {  	v21 =	vperm.xlane v20, v14;
	_ =	sdelay $0x1  }
0xe4: {  	v22 =	vmul.f32 v5, v21  }
0xe5: {  	v19 =	vmul.f32 v19, v21  }
0xe6: {  	[tilespmem:s25+$0x70] =	vst v22  }
0xe7: {  	[tilespmem:s25+$0x60] =	vst v19  }
0xe8: {  	v19 =	vld [tilespmem:s24+$0x80];
	_ =	sdelay $0x1  }
0xe9: {  	v21 =	vperm.xlane v20, v15;
	_ =	sdelay $0x1  }
0xea: {  	v22 =	vmul.f32 v5, v21  }
0xeb: {  	v19 =	vmul.f32 v19, v21  }
0xec: {  	[tilespmem:s25+$0x90] =	vst v22  }
0xed: {  	[tilespmem:s25+$0x80] =	vst v19  }
0xee: {  	v19 =	vld [tilespmem:s24+$0xA0];
	_ =	sdelay $0x1  }
0xef: {  	v21 =	vperm.xlane v20, v16;
	_ =	sdelay $0x1  }
0xf0: {  	v22 =	vmul.f32 v5, v21  }
0xf1: {  	v19 =	vmul.f32 v19, v21  }
0xf2: {  	[tilespmem:s25+$0xB0] =	vst v22  }
0xf3: {  	[tilespmem:s25+$0xA0] =	vst v19  }
0xf4: {  	v19 =	vld [tilespmem:s24+$0xC0];
	_ =	sdelay $0x1  }
0xf5: {  	v21 =	vperm.xlane v20, v17;
	_ =	sdelay $0x1  }
0xf6: {  	v22 =	vmul.f32 v5, v21  }
0xf7: {  	v19 =	vmul.f32 v19, v21  }
0xf8: {  	[tilespmem:s25+$0xD0] =	vst v22  }
0xf9: {  	[tilespmem:s25+$0xC0] =	vst v19  }
0xfa: {  	v22 =	vperm.xlane v20, v18;
	v21 =	vld [tilespmem:s24+$0xE0];
	_ =	sdelay $0x1  }
0xfb: {  	s26 =	simm.s32 $0x10;
	v19 =	vmul.f32 v5, v22  }
0xfc: {  	v20 =	vor.u32 s26, v1  }
0xfd: {  	v23 =	vshll.u32 v20, $0x5;
	[tilespmem:s25+$0xF0] =	vst v19;
	v19 =	vshll.u32 v20, $0x3  }
0xfe: {  	s28 =	simm.s32 $0x20;
	s26 =	simm.s32 $0x1780;
	v20 =	vor.u32 $0x10, v23;
	v21 =	vmul.f32 v21, v22  }
.LBB2_5:
0xff: {  	s24 =	sadd.s32 $0x200, s24  }
0x100: {  	s25 =	sadd.s32 $0x200, s25;
	s20 =	smov.u32 s28;
	s6 =	sadd.s32 $0x10, s28  }
0x101: {  	p2 =	sne.s32 s28, $0x30;
	[tilespmem:s26+$0xE0] =	vst v21;
	s26 =	smov.u32 s25  }
0x102: {  	v19 =	vld.idx.msk [tilespmem:v19+s3+$0x0], $0xffff  }
0x103: {  	v20 =	vld.idx.msk [tilespmem:v20+s2+$0x0], $0xffff;
	_ =	sdelay $0x5  }
0x104: {  	v19 =	vadd.f32 v19, v20;
	_ =	sdelay $0x1  }
0x105: {  	v20 =	vmul.f32 $2.000000030e-01, v19  }
0x106: {  	vm0 =	vgt.f32 v19, $0.0e+00  }
0x107: {  	v19 =	vsel vm0, v19, v20  }
0x108: {  	v19 =	vmul.f32 $1.442695020e+00, v19;
	_ =	sdelay $0x1  }
0x109: {  	(erf) = vpow2.f32 v19;
	_ =	sdelay $0x6  }
0x10a: {  	v20 =	vld [tilespmem:s24+$0xFFFFFF00];
	_ =	sdelay $0x1  }
0x10b: {  	v19 =	vpop (erf)  }
0x10c: {  	v21 =	vperm.xlane v19, v4;
	_ =	sdelay $0x1  }
0x10d: {  	v20 =	vmul.f32 v20, v21;
	v21 =	vmul.f32 v5, v21;
	_ =	sdelay $0x1  }
0x10e: {  	[tilespmem:s25+$0xFFFFFF00] =	vst v20  }
0x10f: {  	[tilespmem:s25+$0xFFFFFF10] =	vst v21  }
0x110: {  	v20 =	vld [tilespmem:s24+$0xFFFFFF20];
	_ =	sdelay $0x1  }
0x111: {  	v21 =	vperm.xlane v19, v6;
	_ =	sdelay $0x1  }
0x112: {  	v22 =	vmul.f32 v5, v21  }
0x113: {  	v20 =	vmul.f32 v20, v21  }
0x114: {  	[tilespmem:s25+$0xFFFFFF30] =	vst v22  }
0x115: {  	[tilespmem:s25+$0xFFFFFF20] =	vst v20  }
0x116: {  	v20 =	vld [tilespmem:s24+$0xFFFFFF40];
	_ =	sdelay $0x1  }
0x117: {  	v21 =	vperm.xlane v19, v7;
	_ =	sdelay $0x1  }
0x118: {  	v22 =	vmul.f32 v5, v21  }
0x119: {  	v20 =	vmul.f32 v20, v21  }
0x11a: {  	[tilespmem:s25+$0xFFFFFF50] =	vst v22  }
0x11b: {  	[tilespmem:s25+$0xFFFFFF40] =	vst v20  }
0x11c: {  	v20 =	vld [tilespmem:s24+$0xFFFFFF60];
	_ =	sdelay $0x1  }
0x11d: {  	v21 =	vperm.xlane v19, v3;
	_ =	sdelay $0x1  }
0x11e: {  	v22 =	vmul.f32 v5, v21  }
0x11f: {  	v20 =	vmul.f32 v20, v21  }
0x120: {  	[tilespmem:s25+$0xFFFFFF70] =	vst v22  }
0x121: {  	[tilespmem:s25+$0xFFFFFF60] =	vst v20  }
0x122: {  	v20 =	vld [tilespmem:s24+$0xFFFFFF80];
	_ =	sdelay $0x1  }
0x123: {  	v21 =	vperm.xlane v19, v8;
	_ =	sdelay $0x1  }
0x124: {  	v22 =	vmul.f32 v5, v21  }
0x125: {  	v20 =	vmul.f32 v20, v21  }
0x126: {  	[tilespmem:s25+$0xFFFFFF90] =	vst v22  }
0x127: {  	[tilespmem:s25+$0xFFFFFF80] =	vst v20  }
0x128: {  	v20 =	vld [tilespmem:s24+$0xFFFFFFA0];
	_ =	sdelay $0x1  }
0x129: {  	v21 =	vperm.xlane v19, v2;
	_ =	sdelay $0x1  }
0x12a: {  	v22 =	vmul.f32 v5, v21  }
0x12b: {  	v20 =	vmul.f32 v20, v21  }
0x12c: {  	[tilespmem:s25+$0xFFFFFFB0] =	vst v22  }
0x12d: {  	[tilespmem:s25+$0xFFFFFFA0] =	vst v20  }
0x12e: {  	v20 =	vld [tilespmem:s24+$0xFFFFFFC0];
	_ =	sdelay $0x1  }
0x12f: {  	v21 =	vperm.xlane v19, v9;
	_ =	sdelay $0x1  }
0x130: {  	v22 =	vmul.f32 v5, v21  }
0x131: {  	v20 =	vmul.f32 v20, v21;
	v21 =	vperm.xlane v19, v10  }
0x132: {  	[tilespmem:s25+$0xFFFFFFD0] =	vst v22  }
0x133: {  	[tilespmem:s25+$0xFFFFFFC0] =	vst v20;
	v20 =	vmul.f32 v5, v21  }
0x134: {  	v22 =	vld [tilespmem:s24+$0xFFFFFFE0]  }
0x135: {  	[tilespmem:s25+$0xFFFFFFF0] =	vst v20;
	_ =	sdelay $0x3  }
0x136: {  	v20 =	vmul.f32 v22, v21;
	v21 =	vperm.xlane v19, v11;
	_ =	sdelay $0x1  }
0x137: {  	[tilespmem:s25+$0xFFFFFFE0] =	vst v20;
	v20 =	vmul.f32 v5, v21  }
0x138: {  	v22 =	vld [tilespmem:s24+$0x0]  }
0x139: {  	[tilespmem:s25+$0x10] =	vst v20;
	_ =	sdelay $0x3  }
0x13a: {  	v20 =	vmul.f32 v22, v21;
	v21 =	vperm.xlane v19, v12;
	_ =	sdelay $0x1  }
0x13b: {  	[tilespmem:s25+$0x0] =	vst v20;
	v20 =	vmul.f32 v5, v21  }
0x13c: {  	v22 =	vld [tilespmem:s24+$0x20]  }
0x13d: {  	[tilespmem:s25+$0x30] =	vst v20;
	_ =	sdelay $0x3  }
0x13e: {  	v20 =	vmul.f32 v22, v21;
	v21 =	vperm.xlane v19, v13;
	_ =	sdelay $0x1  }
0x13f: {  	[tilespmem:s25+$0x20] =	vst v20;
	v20 =	vmul.f32 v5, v21  }
0x140: {  	v22 =	vld [tilespmem:s24+$0x40]  }
0x141: {  	[tilespmem:s25+$0x50] =	vst v20;
	_ =	sdelay $0x3  }
0x142: {  	v20 =	vmul.f32 v22, v21;
	v21 =	vperm.xlane v19, v14;
	_ =	sdelay $0x1  }
0x143: {  	[tilespmem:s25+$0x40] =	vst v20;
	v20 =	vmul.f32 v5, v21  }
0x144: {  	v22 =	vld [tilespmem:s24+$0x60]  }
0x145: {  	[tilespmem:s25+$0x70] =	vst v20;
	_ =	sdelay $0x3  }
0x146: {  	v20 =	vmul.f32 v22, v21;
	v21 =	vperm.xlane v19, v15;
	_ =	sdelay $0x1  }
0x147: {  	[tilespmem:s25+$0x60] =	vst v20;
	v20 =	vmul.f32 v5, v21  }
0x148: {  	v22 =	vld [tilespmem:s24+$0x80]  }
0x149: {  	[tilespmem:s25+$0x90] =	vst v20;
	_ =	sdelay $0x3  }
0x14a: {  	v20 =	vmul.f32 v22, v21;
	v21 =	vperm.xlane v19, v16;
	_ =	sdelay $0x1  }
0x14b: {  	[tilespmem:s25+$0x80] =	vst v20;
	v20 =	vmul.f32 v5, v21  }
0x14c: {  	v22 =	vld [tilespmem:s24+$0xA0]  }
0x14d: {  	[tilespmem:s25+$0xB0] =	vst v20;
	_ =	sdelay $0x3  }
0x14e: {  	v20 =	vmul.f32 v22, v21;
	v21 =	vperm.xlane v19, v17;
	_ =	sdelay $0x1  }
0x14f: {  	[tilespmem:s25+$0xA0] =	vst v20;
	v20 =	vmul.f32 v5, v21  }
0x150: {  	v22 =	vld [tilespmem:s24+$0xC0]  }
0x151: {  	[tilespmem:s25+$0xD0] =	vst v20;
	_ =	sdelay $0x3  }
0x152: {  	v20 =	vmul.f32 v22, v21;
	v21 =	vperm.xlane v19, v18;
	_ =	sdelay $0x1  }
0x153: {  	[tilespmem:s25+$0xC0] =	vst v20;
	v19 =	vmul.f32 v5, v21  }
0x154: {  	v22 =	vld [tilespmem:s24+$0xE0]  }
.Ltmp1:
0x155: {  	[tilespmem:s25+$0xF0] =	vst v19;
	(pc) =	sbr.rel @p2 .LBB2_5-.Ltmp1, $4  }
0x156: {  	v19 =	vor.u32 s20, v1  }
0x157: {  	v20 =	vshll.u32 v19, $0x5;
	v19 =	vshll.u32 v19, $0x3  }
0x158: {  	v20 =	vor.u32 $0x10, v20  }
0x159: {  	s28 =	smov.u32 s6;
	v21 =	vmul.f32 v22, v21  }
0x15a: {  	_ =	sdelay $0x2  }
0x15b: {  	[tilespmem:s26+$0xE0] =	vst v21  }
0x15c: {  	v19 =	vld.idx.msk [tilespmem:v19+s3+$0x0], $0xffff  }
0x15d: {  	v20 =	vld.idx.msk [tilespmem:v20+s2+$0x0], $0xffff;
	_ =	sdelay $0x4  }
0x15e: {  	v19 =	vadd.f32 v19, v20;
	_ =	sdelay $0x1  }
0x15f: {  	v20 =	vmul.f32 $2.000000030e-01, v19  }
0x160: {  	vm0 =	vgt.f32 v19, $0.0e+00  }
0x161: {  	v19 =	vsel vm0, v19, v20  }
0x162: {  	v19 =	vmul.f32 $1.442695020e+00, v19;
	_ =	sdelay $0x1  }
0x163: {  	(erf) = vpow2.f32 v19;
	_ =	sdelay $0x5  }
0x164: {  	s20 =	sadd.s32 $0x200, s24  }
0x165: {  	v19 =	vld [tilespmem:s20+$0xFFFFFF00];
	_ =	sdelay $0x1  }
0x166: {  	v20 =	vpop (erf)  }
0x167: {  	v21 =	vperm.xlane v20, v4;
	_ =	sdelay $0x1  }
0x168: {  	v19 =	vmul.f32 v19, v21  }
0x169: {  	s25 =	sadd.s32 $0x200, s25;
	v21 =	vmul.f32 v5, v21  }
0x16a: {  	[tilespmem:s25+$0xFFFFFF00] =	vst v19  }
0x16b: {  	[tilespmem:s25+$0xFFFFFF10] =	vst v21  }
0x16c: {  	v19 =	vld [tilespmem:s20+$0xFFFFFF20];
	_ =	sdelay $0x1  }
0x16d: {  	v21 =	vperm.xlane v20, v6;
	_ =	sdelay $0x1  }
0x16e: {  	v22 =	vmul.f32 v5, v21  }
0x16f: {  	v19 =	vmul.f32 v19, v21  }
0x170: {  	[tilespmem:s25+$0xFFFFFF30] =	vst v22  }
0x171: {  	[tilespmem:s25+$0xFFFFFF20] =	vst v19  }
0x172: {  	v19 =	vld [tilespmem:s20+$0xFFFFFF40];
	_ =	sdelay $0x1  }
0x173: {  	v21 =	vperm.xlane v20, v7;
	_ =	sdelay $0x1  }
0x174: {  	v22 =	vmul.f32 v5, v21  }
0x175: {  	v19 =	vmul.f32 v19, v21  }
0x176: {  	[tilespmem:s25+$0xFFFFFF50] =	vst v22  }
0x177: {  	[tilespmem:s25+$0xFFFFFF40] =	vst v19  }
0x178: {  	v19 =	vld [tilespmem:s20+$0xFFFFFF60];
	_ =	sdelay $0x1  }
0x179: {  	v21 =	vperm.xlane v20, v3;
	_ =	sdelay $0x1  }
0x17a: {  	v22 =	vmul.f32 v5, v21  }
0x17b: {  	v19 =	vmul.f32 v19, v21  }
0x17c: {  	[tilespmem:s25+$0xFFFFFF70] =	vst v22  }
0x17d: {  	[tilespmem:s25+$0xFFFFFF60] =	vst v19  }
0x17e: {  	v19 =	vld [tilespmem:s20+$0xFFFFFF80];
	_ =	sdelay $0x1  }
0x17f: {  	v21 =	vperm.xlane v20, v8;
	_ =	sdelay $0x1  }
0x180: {  	v22 =	vmul.f32 v5, v21  }
0x181: {  	v19 =	vmul.f32 v19, v21  }
0x182: {  	[tilespmem:s25+$0xFFFFFF90] =	vst v22  }
0x183: {  	[tilespmem:s25+$0xFFFFFF80] =	vst v19  }
0x184: {  	v19 =	vld [tilespmem:s20+$0xFFFFFFA0];
	_ =	sdelay $0x1  }
0x185: {  	v21 =	vperm.xlane v20, v2;
	_ =	sdelay $0x1  }
0x186: {  	v22 =	vmul.f32 v5, v21  }
0x187: {  	v19 =	vmul.f32 v19, v21  }
0x188: {  	[tilespmem:s25+$0xFFFFFFB0] =	vst v22  }
0x189: {  	[tilespmem:s25+$0xFFFFFFA0] =	vst v19  }
0x18a: {  	v19 =	vld [tilespmem:s20+$0xFFFFFFC0];
	_ =	sdelay $0x1  }
0x18b: {  	v21 =	vperm.xlane v20, v9;
	_ =	sdelay $0x1  }
0x18c: {  	v22 =	vmul.f32 v5, v21  }
0x18d: {  	v19 =	vmul.f32 v19, v21  }
0x18e: {  	[tilespmem:s25+$0xFFFFFFD0] =	vst v22  }
0x18f: {  	[tilespmem:s25+$0xFFFFFFC0] =	vst v19  }
0x190: {  	v19 =	vld [tilespmem:s20+$0xFFFFFFE0];
	_ =	sdelay $0x1  }
0x191: {  	v21 =	vperm.xlane v20, v10;
	_ =	sdelay $0x1  }
0x192: {  	v22 =	vmul.f32 v5, v21  }
0x193: {  	v19 =	vmul.f32 v19, v21  }
0x194: {  	[tilespmem:s25+$0xFFFFFFF0] =	vst v22  }
0x195: {  	[tilespmem:s25+$0xFFFFFFE0] =	vst v19  }
0x196: {  	v19 =	vld [tilespmem:s20+$0x0];
	_ =	sdelay $0x1  }
0x197: {  	v21 =	vperm.xlane v20, v11;
	_ =	sdelay $0x1  }
0x198: {  	v22 =	vmul.f32 v5, v21  }
0x199: {  	v19 =	vmul.f32 v19, v21  }
0x19a: {  	[tilespmem:s25+$0x10] =	vst v22  }
0x19b: {  	[tilespmem:s25+$0x0] =	vst v19  }
0x19c: {  	v19 =	vld [tilespmem:s20+$0x20];
	_ =	sdelay $0x1  }
0x19d: {  	v21 =	vperm.xlane v20, v12;
	_ =	sdelay $0x1  }
0x19e: {  	v22 =	vmul.f32 v5, v21  }
0x19f: {  	v19 =	vmul.f32 v19, v21  }
0x1a0: {  	[tilespmem:s25+$0x30] =	vst v22  }
0x1a1: {  	[tilespmem:s25+$0x20] =	vst v19  }
0x1a2: {  	v19 =	vld [tilespmem:s20+$0x40];
	_ =	sdelay $0x1  }
0x1a3: {  	v21 =	vperm.xlane v20, v13;
	_ =	sdelay $0x1  }
0x1a4: {  	v22 =	vmul.f32 v5, v21  }
0x1a5: {  	v19 =	vmul.f32 v19, v21  }
0x1a6: {  	[tilespmem:s25+$0x50] =	vst v22  }
0x1a7: {  	[tilespmem:s25+$0x40] =	vst v19  }
0x1a8: {  	v19 =	vld [tilespmem:s20+$0x60];
	_ =	sdelay $0x1  }
0x1a9: {  	v21 =	vperm.xlane v20, v14;
	_ =	sdelay $0x1  }
0x1aa: {  	v22 =	vmul.f32 v5, v21  }
0x1ab: {  	v19 =	vmul.f32 v19, v21  }
0x1ac: {  	[tilespmem:s25+$0x70] =	vst v22  }
0x1ad: {  	[tilespmem:s25+$0x60] =	vst v19  }
0x1ae: {  	v19 =	vld [tilespmem:s20+$0x80];
	_ =	sdelay $0x1  }
0x1af: {  	v21 =	vperm.xlane v20, v15;
	_ =	sdelay $0x1  }
0x1b0: {  	v22 =	vmul.f32 v5, v21  }
0x1b1: {  	v19 =	vmul.f32 v19, v21  }
0x1b2: {  	[tilespmem:s25+$0x90] =	vst v22  }
0x1b3: {  	[tilespmem:s25+$0x80] =	vst v19  }
0x1b4: {  	v19 =	vld [tilespmem:s20+$0xA0];
	_ =	sdelay $0x1  }
0x1b5: {  	v21 =	vperm.xlane v20, v16;
	_ =	sdelay $0x1  }
0x1b6: {  	v22 =	vmul.f32 v5, v21  }
0x1b7: {  	v19 =	vmul.f32 v19, v21  }
0x1b8: {  	[tilespmem:s25+$0xB0] =	vst v22  }
0x1b9: {  	[tilespmem:s25+$0xA0] =	vst v19  }
0x1ba: {  	v19 =	vld [tilespmem:s20+$0xC0];
	_ =	sdelay $0x1  }
0x1bb: {  	v21 =	vperm.xlane v20, v17;
	_ =	sdelay $0x1  }
0x1bc: {  	v22 =	vmul.f32 v5, v21  }
0x1bd: {  	v19 =	vmul.f32 v19, v21  }
0x1be: {  	[tilespmem:s25+$0xD0] =	vst v22  }
0x1bf: {  	[tilespmem:s25+$0xC0] =	vst v19  }
0x1c0: {  	v19 =	vld [tilespmem:s20+$0xE0];
	_ =	sdelay $0x1  }
0x1c1: {  	v20 =	vperm.xlane v20, v18;
	_ =	sdelay $0x1  }
0x1c2: {  	v21 =	vmul.f32 v5, v20  }
0x1c3: {  	v19 =	vmul.f32 v19, v20  }
0x1c4: {  	[tilespmem:s25+$0xF0] =	vst v21  }
0x1c5: {  	s6 =	simm.s32 @!p0 $0x1;
	[tilespmem:s25+$0xE0] =	vst v19  }
0x1c6: {  	[spmem:s13] =	stream.indirect.scatter.add.f32 [tilespmem:s4], [sflag:$0x7], $0x20, s31, s1, $0xb8;
	[tilespmem:$0x74C0] =	vst v63  }
0x1c7: {  	_ =	swait.ge @!p0 [sflag:s6], $0x80  }
0x1c8: {  	[sflag:s6] =	ssyncset.done @!p0 $0x0  }
0x1c9: {  	[sflag:s6] =	ssyncadd.s32 @!p0 $0xFFFFFF80  }
0x1ca: {  	v19 =	vld @!p0 [tilespmem:$0x0]  }
0x1cb: {  	v20 =	vld @!p0 [tilespmem:$0x40]  }
0x1cc: {  	v21 =	vld @!p0 [tilespmem:$0x10]  }
0x1cd: {  	v22 =	vld @!p0 [tilespmem:$0x50]  }
0x1ce: {  	v23 =	vld @!p0 [tilespmem:$0x20]  }
0x1cf: {  	[tilespmem:$0x100] =	vst @!p0 v19;
	v19 =	vld @!p0 [tilespmem:$0x60]  }
0x1d0: {  	[tilespmem:$0x180] =	vst @!p0 v20;
	v20 =	vld @!p0 [tilespmem:$0x30]  }
0x1d1: {  	[tilespmem:$0x110] =	vst @!p0 v21;
	v21 =	vld @!p0 [tilespmem:$0x70]  }
0x1d2: {  	[tilespmem:$0x190] =	vst @!p0 v22  }
0x1d3: {  	[tilespmem:$0x120] =	vst @!p0 v23  }
0x1d4: {  	[tilespmem:$0x1A0] =	vst @!p0 v19  }
0x1d5: {  	[tilespmem:$0x130] =	vst @!p0 v20  }
0x1d6: {  	s24 =	simm.s32 @!p0 $0x280;
	s20 =	simm.s32 @!p0 $0x100;
	s6 =	simm.s32 @!p0 $0x40;
	[tilespmem:$0x1B0] =	vst @!p0 v21  }
0x1d7: {  	[tilespmem:s24], [sflag:$0x3] =	stream.indirect.gather @!p0 [hbm4b:s16+s6], $0x20, s20, s6, $0xb8;
	[tilespmem:$0x74C0] =	vst v63  }
0x1d8: {  	s20 =	simm.s32 @!p0 $0x180;
	s24 =	simm.s32 @!p0 $0x1280  }
0x1d9: {  	[tilespmem:s24], [sflag:$0x5] =	stream.indirect.gather @!p0 [hbm4b:s11+s6], $0x8, s20, s6, $0xb8;
	[tilespmem:$0x74C0] =	vst v63  }
0x1da: {  	_ =	swait.ge [sflag:s10], $0x800  }
0x1db: {  	[sflag:s10] =	ssyncset.done $0x0  }
0x1dc: {  	[sflag:s10] =	ssyncadd.s32 $0xFFFFF800  }
0x1dd: {  	_ =	swait.ge [sflag:s17], $0x200  }
0x1de: {  	[sflag:s17] =	ssyncset.done $0x0  }
0x1df: {  	s6 =	simm.s32 @!p1 $0x8;
	[sflag:s17] =	ssyncadd.s32 $0xFFFFFE00  }
0x1e0: {  	_ =	swait.ge @!p1 [sflag:s6], $0x800  }
0x1e1: {  	[sflag:s6] =	ssyncset.done @!p1 $0x0  }
0x1e2: {  	[sflag:s6] =	ssyncadd.s32 @!p1 $0xFFFFF800  }
0x1e3: {  	v19 =	vld [tilespmem:$0x1C0]  }
0x1e4: {  	v20 =	vld [tilespmem:$0x1D0]  }
0x1e5: {  	v21 =	vld [tilespmem:$0x1E0]  }
0x1e6: {  	s26 =	simm.s32 $0x0;
	v22 =	vld [tilespmem:$0x1F0]  }
0x1e7: {  	v23 =	vor.u32 s26, v1  }
0x1e8: {  	s6 =	sadd.s32 @!p0 s23, s30;
	[tilespmem:$0x240] =	vst v19;
	v19 =	vshll.u32 v23, $0x5;
	v23 =	vshll.u32 v23, $0x3  }
0x1e9: {  	s6 =	sshll.u32 @!p0 s6, $0x4;
	[tilespmem:$0x250] =	vst v20;
	v19 =	vor.u32 $0x10, v19  }
0x1ea: {  	s6 =	sand.u32 @!p0 $0x1FFFFFF0, s6;
	[tilespmem:$0x260] =	vst v21  }
0x1eb: {  	s20 =	simm.s32 @!p0 $0x0;
	s23 =	simm.s32 @!p0 $0x80;
	s6 =	sadd.s32 @!p0 s15, s6;
	[tilespmem:$0x270] =	vst v22  }
0x1ec: {  	[tilespmem:s23], [sflag:$0x2] =	stream.linear.gather @!p0 [hbm4b:s6+s20], $0x80, $0x38;
	[tilespmem:$0x74C0] =	vst v63  }
0x1ed: {  	v20 =	vld.idx.msk [tilespmem:v23+s9+$0x0], $0xffff  }
0x1ee: {  	v19 =	vld.idx.msk [tilespmem:v19+s7+$0x0], $0xffff;
	_ =	sdelay $0x4  }
0x1ef: {  	v19 =	vadd.f32 v20, v19;
	_ =	sdelay $0x1  }
0x1f0: {  	v20 =	vmul.f32 $2.000000030e-01, v19  }
0x1f1: {  	vm15 =	vgt.f32 v19, $0.0e+00  }
0x1f2: {  	v19 =	vsel vm15, v19, v20  }
0x1f3: {  	v19 =	vmul.f32 $1.442695020e+00, v19;
	_ =	sdelay $0x1  }
0x1f4: {  	(erf) = vpow2.f32 v19;
	_ =	sdelay $0x5  }
0x1f5: {  	s23 =	simm.s32 $0xB80  }
0x1f6: {  	v19 =	vld [tilespmem:s23+$0xFFFFFF00];
	_ =	sdelay $0x1  }
0x1f7: {  	v20 =	vpop (erf)  }
0x1f8: {  	v21 =	vperm.xlane v20, v4;
	_ =	sdelay $0x1  }
0x1f9: {  	v19 =	vmul.f32 v19, v21  }
0x1fa: {  	s24 =	simm.s32 $0x1F80;
	v21 =	vmul.f32 v5, v21  }
0x1fb: {  	[tilespmem:s24+$0xFFFFFF00] =	vst v19  }
0x1fc: {  	[tilespmem:s24+$0xFFFFFF10] =	vst v21  }
0x1fd: {  	v19 =	vld [tilespmem:s23+$0xFFFFFF20];
	_ =	sdelay $0x1  }
0x1fe: {  	v21 =	vperm.xlane v20, v6;
	_ =	sdelay $0x1  }
0x1ff: {  	v22 =	vmul.f32 v5, v21  }
0x200: {  	v19 =	vmul.f32 v19, v21  }
0x201: {  	[tilespmem:s24+$0xFFFFFF30] =	vst v22  }
0x202: {  	[tilespmem:s24+$0xFFFFFF20] =	vst v19  }
0x203: {  	v19 =	vld [tilespmem:s23+$0xFFFFFF40];
	_ =	sdelay $0x1  }
0x204: {  	v21 =	vperm.xlane v20, v7;
	_ =	sdelay $0x1  }
0x205: {  	v22 =	vmul.f32 v5, v21  }
0x206: {  	v19 =	vmul.f32 v19, v21  }
0x207: {  	[tilespmem:s24+$0xFFFFFF50] =	vst v22  }
0x208: {  	[tilespmem:s24+$0xFFFFFF40] =	vst v19  }
0x209: {  	v19 =	vld [tilespmem:s23+$0xFFFFFF60];
	_ =	sdelay $0x1  }
0x20a: {  	v21 =	vperm.xlane v20, v3;
	_ =	sdelay $0x1  }
0x20b: {  	v22 =	vmul.f32 v5, v21  }
0x20c: {  	v19 =	vmul.f32 v19, v21  }
0x20d: {  	[tilespmem:s24+$0xFFFFFF70] =	vst v22  }
0x20e: {  	[tilespmem:s24+$0xFFFFFF60] =	vst v19  }
0x20f: {  	v19 =	vld [tilespmem:s23+$0xFFFFFF80];
	_ =	sdelay $0x1  }
0x210: {  	v21 =	vperm.xlane v20, v8;
	_ =	sdelay $0x1  }
0x211: {  	v22 =	vmul.f32 v5, v21  }
0x212: {  	v19 =	vmul.f32 v19, v21  }
0x213: {  	[tilespmem:s24+$0xFFFFFF90] =	vst v22  }
0x214: {  	[tilespmem:s24+$0xFFFFFF80] =	vst v19  }
0x215: {  	v19 =	vld [tilespmem:s23+$0xFFFFFFA0];
	_ =	sdelay $0x1  }
0x216: {  	v21 =	vperm.xlane v20, v2;
	_ =	sdelay $0x1  }
0x217: {  	v22 =	vmul.f32 v5, v21  }
0x218: {  	v19 =	vmul.f32 v19, v21  }
0x219: {  	[tilespmem:s24+$0xFFFFFFB0] =	vst v22  }
0x21a: {  	[tilespmem:s24+$0xFFFFFFA0] =	vst v19  }
0x21b: {  	v19 =	vld [tilespmem:s23+$0xFFFFFFC0];
	_ =	sdelay $0x1  }
0x21c: {  	v21 =	vperm.xlane v20, v9;
	_ =	sdelay $0x1  }
0x21d: {  	v22 =	vmul.f32 v5, v21  }
0x21e: {  	v19 =	vmul.f32 v19, v21  }
0x21f: {  	[tilespmem:s24+$0xFFFFFFD0] =	vst v22  }
0x220: {  	[tilespmem:s24+$0xFFFFFFC0] =	vst v19  }
0x221: {  	v19 =	vld [tilespmem:s23+$0xFFFFFFE0];
	_ =	sdelay $0x1  }
0x222: {  	v21 =	vperm.xlane v20, v10;
	_ =	sdelay $0x1  }
0x223: {  	v22 =	vmul.f32 v5, v21  }
0x224: {  	v19 =	vmul.f32 v19, v21  }
0x225: {  	[tilespmem:s24+$0xFFFFFFF0] =	vst v22  }
0x226: {  	[tilespmem:s24+$0xFFFFFFE0] =	vst v19  }
0x227: {  	v19 =	vld [tilespmem:s23+$0x0];
	_ =	sdelay $0x1  }
0x228: {  	v21 =	vperm.xlane v20, v11;
	_ =	sdelay $0x1  }
0x229: {  	v22 =	vmul.f32 v5, v21  }
0x22a: {  	v19 =	vmul.f32 v19, v21  }
0x22b: {  	[tilespmem:s24+$0x10] =	vst v22  }
0x22c: {  	[tilespmem:s24+$0x0] =	vst v19  }
0x22d: {  	v19 =	vld [tilespmem:s23+$0x20];
	_ =	sdelay $0x1  }
0x22e: {  	v21 =	vperm.xlane v20, v12;
	_ =	sdelay $0x1  }
0x22f: {  	v22 =	vmul.f32 v5, v21  }
0x230: {  	v19 =	vmul.f32 v19, v21  }
0x231: {  	[tilespmem:s24+$0x30] =	vst v22  }
0x232: {  	[tilespmem:s24+$0x20] =	vst v19  }
0x233: {  	v19 =	vld [tilespmem:s23+$0x40];
	_ =	sdelay $0x1  }
0x234: {  	v21 =	vperm.xlane v20, v13;
	_ =	sdelay $0x1  }
0x235: {  	v22 =	vmul.f32 v5, v21  }
0x236: {  	v19 =	vmul.f32 v19, v21  }
0x237: {  	[tilespmem:s24+$0x50] =	vst v22  }
0x238: {  	[tilespmem:s24+$0x40] =	vst v19  }
0x239: {  	v19 =	vld [tilespmem:s23+$0x60];
	_ =	sdelay $0x1  }
0x23a: {  	v21 =	vperm.xlane v20, v14;
	_ =	sdelay $0x1  }
0x23b: {  	v22 =	vmul.f32 v5, v21  }
0x23c: {  	v19 =	vmul.f32 v19, v21  }
0x23d: {  	[tilespmem:s24+$0x70] =	vst v22  }
0x23e: {  	[tilespmem:s24+$0x60] =	vst v19  }
0x23f: {  	v19 =	vld [tilespmem:s23+$0x80];
	_ =	sdelay $0x1  }
0x240: {  	v21 =	vperm.xlane v20, v15;
	_ =	sdelay $0x1  }
0x241: {  	v22 =	vmul.f32 v5, v21  }
0x242: {  	v19 =	vmul.f32 v19, v21  }
0x243: {  	[tilespmem:s24+$0x90] =	vst v22  }
0x244: {  	[tilespmem:s24+$0x80] =	vst v19  }
0x245: {  	v19 =	vld [tilespmem:s23+$0xA0];
	_ =	sdelay $0x1  }
0x246: {  	v21 =	vperm.xlane v20, v16;
	_ =	sdelay $0x1  }
0x247: {  	v22 =	vmul.f32 v5, v21  }
0x248: {  	v19 =	vmul.f32 v19, v21  }
0x249: {  	[tilespmem:s24+$0xB0] =	vst v22  }
0x24a: {  	[tilespmem:s24+$0xA0] =	vst v19  }
0x24b: {  	v19 =	vld [tilespmem:s23+$0xC0];
	_ =	sdelay $0x1  }
0x24c: {  	v21 =	vperm.xlane v20, v17;
	_ =	sdelay $0x1  }
0x24d: {  	v22 =	vmul.f32 v5, v21  }
0x24e: {  	v19 =	vmul.f32 v19, v21  }
0x24f: {  	[tilespmem:s24+$0xD0] =	vst v22  }
0x250: {  	[tilespmem:s24+$0xC0] =	vst v19  }
0x251: {  	v22 =	vperm.xlane v20, v18;
	v21 =	vld [tilespmem:s23+$0xE0];
	_ =	sdelay $0x1  }
0x252: {  	s28 =	simm.s32 $0x10;
	v19 =	vmul.f32 v5, v22  }
0x253: {  	v20 =	vor.u32 s28, v1  }
0x254: {  	v23 =	vshll.u32 v20, $0x5;
	[tilespmem:s24+$0xF0] =	vst v19;
	v19 =	vshll.u32 v20, $0x3  }
0x255: {  	s25 =	simm.s32 $0x1F80;
	s6 =	simm.s32 $0x20;
	v20 =	vor.u32 $0x10, v23;
	v21 =	vmul.f32 v21, v22  }
.LBB2_7:
0x256: {  	s23 =	sadd.s32 $0x200, s23  }
0x257: {  	s24 =	sadd.s32 $0x200, s24;
	s20 =	smov.u32 s6;
	s26 =	sadd.s32 $0x10, s6  }
0x258: {  	p0 =	sne.s32 s6, $0x30;
	[tilespmem:s25+$0xE0] =	vst v21;
	s25 =	smov.u32 s24  }
0x259: {  	v19 =	vld.idx.msk [tilespmem:v19+s9+$0x0], $0xffff  }
0x25a: {  	v20 =	vld.idx.msk [tilespmem:v20+s7+$0x0], $0xffff;
	_ =	sdelay $0x5  }
0x25b: {  	v19 =	vadd.f32 v19, v20;
	_ =	sdelay $0x1  }
0x25c: {  	v20 =	vmul.f32 $2.000000030e-01, v19  }
0x25d: {  	vm0 =	vgt.f32 v19, $0.0e+00  }
0x25e: {  	v19 =	vsel vm0, v19, v20  }
0x25f: {  	v19 =	vmul.f32 $1.442695020e+00, v19;
	_ =	sdelay $0x1  }
0x260: {  	(erf) = vpow2.f32 v19;
	_ =	sdelay $0x6  }
0x261: {  	v20 =	vld [tilespmem:s23+$0xFFFFFF00];
	_ =	sdelay $0x1  }
0x262: {  	v19 =	vpop (erf)  }
0x263: {  	v21 =	vperm.xlane v19, v4;
	_ =	sdelay $0x1  }
0x264: {  	v20 =	vmul.f32 v20, v21;
	v21 =	vmul.f32 v5, v21;
	_ =	sdelay $0x1  }
0x265: {  	[tilespmem:s24+$0xFFFFFF00] =	vst v20  }
0x266: {  	[tilespmem:s24+$0xFFFFFF10] =	vst v21  }
0x267: {  	v20 =	vld [tilespmem:s23+$0xFFFFFF20];
	_ =	sdelay $0x1  }
0x268: {  	v21 =	vperm.xlane v19, v6;
	_ =	sdelay $0x1  }
0x269: {  	v22 =	vmul.f32 v5, v21  }
0x26a: {  	v20 =	vmul.f32 v20, v21  }
0x26b: {  	[tilespmem:s24+$0xFFFFFF30] =	vst v22  }
0x26c: {  	[tilespmem:s24+$0xFFFFFF20] =	vst v20  }
0x26d: {  	v20 =	vld [tilespmem:s23+$0xFFFFFF40];
	_ =	sdelay $0x1  }
0x26e: {  	v21 =	vperm.xlane v19, v7;
	_ =	sdelay $0x1  }
0x26f: {  	v22 =	vmul.f32 v5, v21  }
0x270: {  	v20 =	vmul.f32 v20, v21  }
0x271: {  	[tilespmem:s24+$0xFFFFFF50] =	vst v22  }
0x272: {  	[tilespmem:s24+$0xFFFFFF40] =	vst v20  }
0x273: {  	v20 =	vld [tilespmem:s23+$0xFFFFFF60];
	_ =	sdelay $0x1  }
0x274: {  	v21 =	vperm.xlane v19, v3;
	_ =	sdelay $0x1  }
0x275: {  	v22 =	vmul.f32 v5, v21  }
0x276: {  	v20 =	vmul.f32 v20, v21  }
0x277: {  	[tilespmem:s24+$0xFFFFFF70] =	vst v22  }
0x278: {  	[tilespmem:s24+$0xFFFFFF60] =	vst v20  }
0x279: {  	v20 =	vld [tilespmem:s23+$0xFFFFFF80];
	_ =	sdelay $0x1  }
0x27a: {  	v21 =	vperm.xlane v19, v8;
	_ =	sdelay $0x1  }
0x27b: {  	v22 =	vmul.f32 v5, v21  }
0x27c: {  	v20 =	vmul.f32 v20, v21  }
0x27d: {  	[tilespmem:s24+$0xFFFFFF90] =	vst v22  }
0x27e: {  	[tilespmem:s24+$0xFFFFFF80] =	vst v20  }
0x27f: {  	v20 =	vld [tilespmem:s23+$0xFFFFFFA0];
	_ =	sdelay $0x1  }
0x280: {  	v21 =	vperm.xlane v19, v2;
	_ =	sdelay $0x1  }
0x281: {  	v22 =	vmul.f32 v5, v21  }
0x282: {  	v20 =	vmul.f32 v20, v21  }
0x283: {  	[tilespmem:s24+$0xFFFFFFB0] =	vst v22  }
0x284: {  	[tilespmem:s24+$0xFFFFFFA0] =	vst v20  }
0x285: {  	v20 =	vld [tilespmem:s23+$0xFFFFFFC0];
	_ =	sdelay $0x1  }
0x286: {  	v21 =	vperm.xlane v19, v9;
	_ =	sdelay $0x1  }
0x287: {  	v22 =	vmul.f32 v5, v21  }
0x288: {  	v20 =	vmul.f32 v20, v21;
	v21 =	vperm.xlane v19, v10  }
0x289: {  	[tilespmem:s24+$0xFFFFFFD0] =	vst v22  }
0x28a: {  	[tilespmem:s24+$0xFFFFFFC0] =	vst v20;
	v20 =	vmul.f32 v5, v21  }
0x28b: {  	v22 =	vld [tilespmem:s23+$0xFFFFFFE0]  }
0x28c: {  	[tilespmem:s24+$0xFFFFFFF0] =	vst v20;
	_ =	sdelay $0x3  }
0x28d: {  	v20 =	vmul.f32 v22, v21;
	v21 =	vperm.xlane v19, v11;
	_ =	sdelay $0x1  }
0x28e: {  	[tilespmem:s24+$0xFFFFFFE0] =	vst v20;
	v20 =	vmul.f32 v5, v21  }
0x28f: {  	v22 =	vld [tilespmem:s23+$0x0]  }
0x290: {  	[tilespmem:s24+$0x10] =	vst v20;
	_ =	sdelay $0x3  }
0x291: {  	v20 =	vmul.f32 v22, v21;
	v21 =	vperm.xlane v19, v12;
	_ =	sdelay $0x1  }
0x292: {  	[tilespmem:s24+$0x0] =	vst v20;
	v20 =	vmul.f32 v5, v21  }
0x293: {  	v22 =	vld [tilespmem:s23+$0x20]  }
0x294: {  	[tilespmem:s24+$0x30] =	vst v20;
	_ =	sdelay $0x3  }
0x295: {  	v20 =	vmul.f32 v22, v21;
	v21 =	vperm.xlane v19, v13;
	_ =	sdelay $0x1  }
0x296: {  	[tilespmem:s24+$0x20] =	vst v20;
	v20 =	vmul.f32 v5, v21  }
0x297: {  	v22 =	vld [tilespmem:s23+$0x40]  }
0x298: {  	[tilespmem:s24+$0x50] =	vst v20;
	_ =	sdelay $0x3  }
0x299: {  	v20 =	vmul.f32 v22, v21;
	v21 =	vperm.xlane v19, v14;
	_ =	sdelay $0x1  }
0x29a: {  	[tilespmem:s24+$0x40] =	vst v20;
	v20 =	vmul.f32 v5, v21  }
0x29b: {  	v22 =	vld [tilespmem:s23+$0x60]  }
0x29c: {  	[tilespmem:s24+$0x70] =	vst v20;
	_ =	sdelay $0x3  }
0x29d: {  	v20 =	vmul.f32 v22, v21;
	v21 =	vperm.xlane v19, v15;
	_ =	sdelay $0x1  }
0x29e: {  	[tilespmem:s24+$0x60] =	vst v20;
	v20 =	vmul.f32 v5, v21  }
0x29f: {  	v22 =	vld [tilespmem:s23+$0x80]  }
0x2a0: {  	[tilespmem:s24+$0x90] =	vst v20;
	_ =	sdelay $0x3  }
0x2a1: {  	v20 =	vmul.f32 v22, v21;
	v21 =	vperm.xlane v19, v16;
	_ =	sdelay $0x1  }
0x2a2: {  	[tilespmem:s24+$0x80] =	vst v20;
	v20 =	vmul.f32 v5, v21  }
0x2a3: {  	v22 =	vld [tilespmem:s23+$0xA0]  }
0x2a4: {  	[tilespmem:s24+$0xB0] =	vst v20;
	_ =	sdelay $0x3  }
0x2a5: {  	v20 =	vmul.f32 v22, v21;
	v21 =	vperm.xlane v19, v17;
	_ =	sdelay $0x1  }
0x2a6: {  	[tilespmem:s24+$0xA0] =	vst v20;
	v20 =	vmul.f32 v5, v21  }
0x2a7: {  	v22 =	vld [tilespmem:s23+$0xC0]  }
0x2a8: {  	[tilespmem:s24+$0xD0] =	vst v20;
	_ =	sdelay $0x3  }
0x2a9: {  	v20 =	vmul.f32 v22, v21;
	v21 =	vperm.xlane v19, v18;
	_ =	sdelay $0x1  }
0x2aa: {  	[tilespmem:s24+$0xC0] =	vst v20;
	v19 =	vmul.f32 v5, v21  }
0x2ab: {  	v22 =	vld [tilespmem:s23+$0xE0]  }
.Ltmp2:
0x2ac: {  	[tilespmem:s24+$0xF0] =	vst v19;
	(pc) =	sbr.rel @p0 .LBB2_7-.Ltmp2, $4  }
0x2ad: {  	v19 =	vor.u32 s20, v1  }
0x2ae: {  	v20 =	vshll.u32 v19, $0x5;
	v19 =	vshll.u32 v19, $0x3  }
0x2af: {  	v20 =	vor.u32 $0x10, v20  }
0x2b0: {  	s6 =	smov.u32 s26;
	v21 =	vmul.f32 v22, v21  }
0x2b1: {  	_ =	sdelay $0x2  }
0x2b2: {  	[tilespmem:s25+$0xE0] =	vst v21  }
0x2b3: {  	v19 =	vld.idx.msk [tilespmem:v19+s9+$0x0], $0xffff  }
0x2b4: {  	v20 =	vld.idx.msk [tilespmem:v20+s7+$0x0], $0xffff;
	_ =	sdelay $0x4  }
0x2b5: {  	v19 =	vadd.f32 v19, v20;
	_ =	sdelay $0x1  }
0x2b6: {  	v20 =	vmul.f32 $2.000000030e-01, v19  }
0x2b7: {  	vm0 =	vgt.f32 v19, $0.0e+00  }
0x2b8: {  	v19 =	vsel vm0, v19, v20  }
0x2b9: {  	v19 =	vmul.f32 $1.442695020e+00, v19;
	_ =	sdelay $0x1  }
0x2ba: {  	(erf) = vpow2.f32 v19;
	_ =	sdelay $0x5  }
0x2bb: {  	s20 =	sadd.s32 $0x200, s23  }
0x2bc: {  	v19 =	vld [tilespmem:s20+$0xFFFFFF00];
	_ =	sdelay $0x1  }
0x2bd: {  	v20 =	vpop (erf)  }
0x2be: {  	v35 =	vperm.xlane v20, v4;
	_ =	sdelay $0x1  }
0x2bf: {  	v19 =	vmul.f32 v19, v35  }
0x2c0: {  	s28 =	sadd.s32 $0x200, s24;
	v21 =	vmul.f32 v5, v35  }
0x2c1: {  	[tilespmem:s28+$0xFFFFFF00] =	vst v19  }
0x2c2: {  	[tilespmem:s28+$0xFFFFFF10] =	vst v21  }
0x2c3: {  	v19 =	vld [tilespmem:s20+$0xFFFFFF20];
	_ =	sdelay $0x1  }
0x2c4: {  	v36 =	vperm.xlane v20, v6;
	_ =	sdelay $0x1  }
0x2c5: {  	v22 =	vmul.f32 v5, v36  }
0x2c6: {  	v19 =	vmul.f32 v19, v36  }
0x2c7: {  	[tilespmem:s28+$0xFFFFFF30] =	vst v22  }
0x2c8: {  	[tilespmem:s28+$0xFFFFFF20] =	vst v19  }
0x2c9: {  	v19 =	vld [tilespmem:s20+$0xFFFFFF40];
	_ =	sdelay $0x1  }
0x2ca: {  	v37 =	vperm.xlane v20, v7;
	_ =	sdelay $0x1  }
0x2cb: {  	v38 =	vmul.f32 v5, v37  }
0x2cc: {  	v19 =	vmul.f32 v19, v37  }
0x2cd: {  	[tilespmem:s28+$0xFFFFFF50] =	vst v38  }
0x2ce: {  	[tilespmem:s28+$0xFFFFFF40] =	vst v19  }
0x2cf: {  	v19 =	vld [tilespmem:s20+$0xFFFFFF60];
	_ =	sdelay $0x1  }
0x2d0: {  	v39 =	vperm.xlane v20, v3;
	_ =	sdelay $0x1  }
0x2d1: {  	v40 =	vmul.f32 v5, v39  }
0x2d2: {  	v19 =	vmul.f32 v19, v39  }
0x2d3: {  	[tilespmem:s28+$0xFFFFFF70] =	vst v40  }
0x2d4: {  	[tilespmem:s28+$0xFFFFFF60] =	vst v19  }
0x2d5: {  	v19 =	vld [tilespmem:s20+$0xFFFFFF80];
	_ =	sdelay $0x1  }
0x2d6: {  	v41 =	vperm.xlane v20, v8;
	_ =	sdelay $0x1  }
0x2d7: {  	v42 =	vmul.f32 v5, v41  }
0x2d8: {  	v19 =	vmul.f32 v19, v41  }
0x2d9: {  	[tilespmem:s28+$0xFFFFFF90] =	vst v42  }
0x2da: {  	[tilespmem:s28+$0xFFFFFF80] =	vst v19  }
0x2db: {  	v19 =	vld [tilespmem:s20+$0xFFFFFFA0];
	_ =	sdelay $0x1  }
0x2dc: {  	v43 =	vperm.xlane v20, v2;
	_ =	sdelay $0x1  }
0x2dd: {  	v44 =	vmul.f32 v5, v43  }
0x2de: {  	v19 =	vmul.f32 v19, v43  }
0x2df: {  	[tilespmem:s28+$0xFFFFFFB0] =	vst v44  }
0x2e0: {  	[tilespmem:s28+$0xFFFFFFA0] =	vst v19  }
0x2e1: {  	v19 =	vld [tilespmem:s20+$0xFFFFFFC0];
	_ =	sdelay $0x1  }
0x2e2: {  	v45 =	vperm.xlane v20, v9;
	_ =	sdelay $0x1  }
0x2e3: {  	v46 =	vmul.f32 v5, v45  }
0x2e4: {  	v19 =	vmul.f32 v19, v45  }
0x2e5: {  	[tilespmem:s28+$0xFFFFFFD0] =	vst v46  }
0x2e6: {  	[tilespmem:s28+$0xFFFFFFC0] =	vst v19  }
0x2e7: {  	v19 =	vld [tilespmem:s20+$0xFFFFFFE0];
	_ =	sdelay $0x1  }
0x2e8: {  	v47 =	vperm.xlane v20, v10;
	_ =	sdelay $0x1  }
0x2e9: {  	v48 =	vmul.f32 v5, v47  }
0x2ea: {  	v19 =	vmul.f32 v19, v47  }
0x2eb: {  	[tilespmem:s28+$0xFFFFFFF0] =	vst v48  }
0x2ec: {  	[tilespmem:s28+$0xFFFFFFE0] =	vst v19  }
0x2ed: {  	v19 =	vld [tilespmem:s20+$0x0];
	_ =	sdelay $0x1  }
0x2ee: {  	v49 =	vperm.xlane v20, v11;
	_ =	sdelay $0x1  }
0x2ef: {  	v50 =	vmul.f32 v5, v49  }
0x2f0: {  	v19 =	vmul.f32 v19, v49  }
0x2f1: {  	[tilespmem:s28+$0x10] =	vst v50  }
0x2f2: {  	[tilespmem:s28+$0x0] =	vst v19  }
0x2f3: {  	v19 =	vld [tilespmem:s20+$0x20];
	_ =	sdelay $0x1  }
0x2f4: {  	v51 =	vperm.xlane v20, v12;
	_ =	sdelay $0x1  }
0x2f5: {  	v52 =	vmul.f32 v5, v51  }
0x2f6: {  	v19 =	vmul.f32 v19, v51  }
0x2f7: {  	[tilespmem:s28+$0x30] =	vst v52  }
0x2f8: {  	[tilespmem:s28+$0x20] =	vst v19  }
0x2f9: {  	v19 =	vld [tilespmem:s20+$0x40];
	_ =	sdelay $0x1  }
0x2fa: {  	v53 =	vperm.xlane v20, v13;
	_ =	sdelay $0x1  }
0x2fb: {  	v54 =	vmul.f32 v5, v53  }
0x2fc: {  	v19 =	vmul.f32 v19, v53  }
0x2fd: {  	[tilespmem:s28+$0x50] =	vst v54  }
0x2fe: {  	[tilespmem:s28+$0x40] =	vst v19  }
0x2ff: {  	v19 =	vld [tilespmem:s20+$0x60];
	_ =	sdelay $0x1  }
0x300: {  	v55 =	vperm.xlane v20, v14;
	_ =	sdelay $0x1  }
0x301: {  	v56 =	vmul.f32 v5, v55  }
0x302: {  	v19 =	vmul.f32 v19, v55  }
0x303: {  	[tilespmem:s28+$0x70] =	vst v56  }
0x304: {  	[tilespmem:s28+$0x60] =	vst v19  }
0x305: {  	v19 =	vld [tilespmem:s20+$0x80];
	_ =	sdelay $0x1  }
0x306: {  	v57 =	vperm.xlane v20, v15;
	_ =	sdelay $0x1  }
0x307: {  	v58 =	vmul.f32 v5, v57  }
0x308: {  	v19 =	vmul.f32 v19, v57  }
0x309: {  	[tilespmem:s28+$0x90] =	vst v58  }
0x30a: {  	[tilespmem:s28+$0x80] =	vst v19  }
0x30b: {  	v19 =	vld [tilespmem:s20+$0xA0];
	_ =	sdelay $0x1  }
0x30c: {  	v59 =	vperm.xlane v20, v16;
	_ =	sdelay $0x1  }
0x30d: {  	v60 =	vmul.f32 v5, v59  }
0x30e: {  	v19 =	vmul.f32 v19, v59  }
0x30f: {  	[tilespmem:s28+$0xB0] =	vst v60  }
0x310: {  	[tilespmem:s28+$0xA0] =	vst v19  }
0x311: {  	v19 =	vld [tilespmem:s20+$0xC0];
	_ =	sdelay $0x1  }
0x312: {  	v61 =	vperm.xlane v20, v17;
	_ =	sdelay $0x1  }
0x313: {  	v62 =	vmul.f32 v5, v61  }
0x314: {  	v19 =	vmul.f32 v19, v61  }
0x315: {  	[tilespmem:s28+$0xD0] =	vst v62  }
0x316: {  	[tilespmem:s28+$0xC0] =	vst v19  }
0x317: {  	v19 =	vld [tilespmem:s20+$0xE0];
	_ =	sdelay $0x1  }
0x318: {  	s22 =	sadd.s32 $0x1, s22;
	v20 =	vperm.xlane v20, v18  }
0x319: {  	p0 =	sne.s32 s22, $0x51  }
.Ltmp3:
0x31a: {  	v63 =	vmul.f32 v5, v20;
	(pc) =	sbr.rel @p0 .LBB2_4-.Ltmp3, $4  }
0x31b: {  	v19 =	vmul.f32 v19, v20  }
0x31c: {  	[tilespmem:s28+$0xF0] =	vst v63  }
0x31d: {  	[tilespmem:s28+$0xE0] =	vst v19  }
0x31e: {  	[spmem:s13] =	stream.indirect.scatter.add.f32 [tilespmem:s19], [sflag:$0x8], $0x20, s18, s1, $0xb8;
	[tilespmem:$0x74C0] =	vst v63  }
0x31f: {  	s6 =	simm.s32 $0x7  }
0x320: {  	_ =	swait.ge [sflag:s6], $0x800  }
0x321: {  	[sflag:s6] =	ssyncset.done $0x0  }
0x322: {  	s26 =	simm.s32 $0x8;
	[sflag:s6] =	ssyncadd.s32 $0xFFFFF800  }
0x323: {  	_ =	swait.ge [sflag:s26], $0x800  }
0x324: {  	[sflag:s26] =	ssyncset.done $0x0  }
0x325: {  	[sflag:s26] =	ssyncadd.s32 $0xFFFFF800  }
0x326: {  	s20 =	stileid.u32;
	[bflag:$0x0] =	sbarrier.arrive $0xFFFF  }
0x327: {  	s6 =	sshll.u32 s20, $0x6;
	s22 =	rddreg [dreg:$0xf]  }
0x328: {  	s6 =	sor.u32 $0x1C09, s6;
	s21 =	rddreg [dreg:$0x4];
	s20 =	sshrl.u32 s22, $0x3  }
0x329: {  	[hbm:s21], [sflag:s6] =	dma.local [spmem:s20], $0x100  }
0x32a: {  	_ =	swait.ge [sflag:s0], $0x100  }
0x32b: {  	[sflag:s0] =	ssyncset.done $0x0;
	s23 =	rddreg [dreg:$0x10]  }
0x32c: {  	s24 =	rddreg [dreg:$0x5];
	[sflag:s0] =	ssyncadd.s32 $0xFFFFFF00;
	s21 =	sshrl.u32 s23, $0x3  }
0x32d: {  	[hbm:s24], [sflag:s6] =	dma.local [spmem:s21], $0x100  }
0x32e: {  	_ =	swait.ge [sflag:s0], $0x100  }
0x32f: {  	[sflag:s0] =	ssyncset.done $0x0;
	s24 =	rddreg [dreg:$0x11]  }
0x330: {  	s26 =	rddreg [dreg:$0x6];
	[sflag:s0] =	ssyncadd.s32 $0xFFFFFF00;
	s25 =	sshrl.u32 s24, $0x3  }
0x331: {  	[hbm:s26], [sflag:s6] =	dma.local [spmem:s25], $0x100  }
0x332: {  	_ =	swait.ge [sflag:s0], $0x100  }
0x333: {  	[sflag:s0] =	ssyncset.done $0x0;
	s25 =	rddreg [dreg:$0x12]  }
0x334: {  	s26 =	rddreg [dreg:$0x7];
	[sflag:s0] =	ssyncadd.s32 $0xFFFFFF00;
	s21 =	sshrl.u32 s25, $0x3  }
0x335: {  	[hbm:s26], [sflag:s6] =	dma.local [spmem:s21], $0x100  }
0x336: {  	_ =	swait.ge [sflag:s0], $0x100  }
0x337: {  	[sflag:s0] =	ssyncset.done $0x0;
	s26 =	rddreg [dreg:$0x13]  }
0x338: {  	s21 =	rddreg [dreg:$0x8];
	[sflag:s0] =	ssyncadd.s32 $0xFFFFFF00;
	s20 =	sshrl.u32 s26, $0x3  }
0x339: {  	[hbm:s21], [sflag:s6] =	dma.local [spmem:s20], $0x100  }
0x33a: {  	_ =	swait.ge [sflag:s0], $0x100  }
0x33b: {  	[sflag:s0] =	ssyncset.done $0x0;
	s28 =	rddreg [dreg:$0x14]  }
0x33c: {  	s21 =	rddreg [dreg:$0x9];
	[sflag:s0] =	ssyncadd.s32 $0xFFFFFF00;
	s20 =	sshrl.u32 s28, $0x3  }
0x33d: {  	[hbm:s21], [sflag:s6] =	dma.local [spmem:s20], $0x100  }
0x33e: {  	_ =	swait.ge [sflag:s0], $0x100  }
0x33f: {  	[sflag:s0] =	ssyncset.done $0x0;
	s21 =	rddreg [dreg:$0x15]  }
0x340: {  	[sflag:s0] =	ssyncadd.s32 $0xFFFFFF00;
	s20 =	sshrl.u32 s21, $0x3;
	s21 =	rddreg [dreg:$0xa]  }
0x341: {  	[hbm:s21], [sflag:s6] =	dma.local [spmem:s20], $0x100  }
0x342: {  	_ =	swait.ge [sflag:s0], $0x100  }
0x343: {  	[sflag:s0] =	ssyncset.done $0x0;
	s21 =	rddreg [dreg:$0x16]  }
0x344: {  	[sflag:s0] =	ssyncadd.s32 $0xFFFFFF00;
	s20 =	sshrl.u32 s21, $0x3;
	s21 =	rddreg [dreg:$0xb]  }
0x345: {  	[hbm:s21], [sflag:s6] =	dma.local [spmem:s20], $0x100  }
0x346: {  	_ =	swait.ge [sflag:s0], $0x100  }
0x347: {  	[sflag:s0] =	ssyncset.done $0x0;
	s21 =	rddreg [dreg:$0x17]  }
0x348: {  	[sflag:s0] =	ssyncadd.s32 $0xFFFFFF00;
	s20 =	sshrl.u32 s21, $0x3;
	s21 =	rddreg [dreg:$0xc]  }
0x349: {  	[hbm:s21], [sflag:s6] =	dma.local [spmem:s20], $0x100  }
0x34a: {  	_ =	swait.ge [sflag:s0], $0x100  }
0x34b: {  	[sflag:s0] =	ssyncset.done $0x0;
	s21 =	rddreg [dreg:$0x18]  }
0x34c: {  	[sflag:s0] =	ssyncadd.s32 $0xFFFFFF00;
	s20 =	sshrl.u32 s21, $0x3;
	s21 =	rddreg [dreg:$0xd]  }
0x34d: {  	[hbm:s21], [sflag:s6] =	dma.local [spmem:s20], $0xC8  }
0x34e: {  	_ =	swait.ge [sflag:s0], $0xC8  }
0x34f: {  	s6 =	rddreg [dreg:$0x1b]  }
0x350: {  	s21 =	rddreg [dreg:$0x19];
	s20 =	sadd.s32 $0x1, s6  }
0x351: {  	p0 =	sne.s32 s20, s21  }
.Ltmp4:
0x352: {  	_ = 	snop;
	(pc) =	sbr.rel @p0 .LBB2_1-.Ltmp4, $3  }
0x353: {  	_ =	sdelay $0x1  }
0x354: {  	[sflag:s0] =	ssyncset.done $0x0  }
0x355: {  	[sflag:s0] =	ssyncadd.s32 $0xFFFFFF38  }
0x356: {  	_ =	sfence.sel $0x180000  }
0x357: {  	[bflag:$0x0] =	sbarrier.arrive $0xFFFF  }
0x358: {  	_ =	strace $0x9000004A  }
0x359: {  	s0 =	stileid.u32;
	[bflag:$0x2] =	sbarrier.arrive $0xFFFF  }
0x35a: {  	p0 =	sne.s32 s0, $0x0;
	s0 =	rddreg [dreg:$0x3]  }
0x35b: {  	s0 =	sadd.s32 @!p0 $0x100000, s0  }
0x35c: {  	[sflag:s0] =	ssyncadd.tile.s32 @!p0 $0x1;
	_ =	shalt  }
.Lfunc_end2:
_tile_overlayer_lowered:
.L_overlay_start_2:
0x35d: {  	(tag) =	ssettag $0x2  }
0x35e: {  	s0 =	rddreg [dreg:$0x0];
	s2 =	stileid.u32  }
0x35f: {  	s1 =	rddreg [dreg:$0x1];
	p0 =	sne.s32 s2, $0x0  }
0x360: {  	s3 =	rddreg [dreg:$0x2];
	[bflag:$0x3] =	sbarrier.arrive $0xFFFF;
	s2 =	simm.s32 @!p0 $0x1C09  }
0x361: {  	[timem:s3], [sflag:s2] =	dma.local @!p0 [hbm:s0], s1  }
0x362: {  	s0 =	simm.s32 @!p0 $0x9  }
0x363: {  	_ =	swait.ge @!p0 [sflag:s0], s1  }
0x364: {  	s1 =	ssub.s32 @!p0 $0x0, s1;
	[sflag:s0] =	ssyncset.done @!p0 $0x0  }
0x365: {  	[sflag:s0] =	ssyncadd.s32 @!p0 s1  }
0x366: {  	[bflag:$0x3] =	sbarrier.arrive $0xFFFF  }
0x367: {  	_ =	shalt  }

// kernel: kernel.7.cloned.1.call-start
scs
__scs_entry_jumppad:
0x0: {  	(pc) =	sbr.rel $0x88, $3  }
0x1: {  	(tag) =	ssettag $0x0;
	lr =	simm.s32 $0x1  }
0x2: {  	[smem:$0x3F97] =	sst lr;
	_ =	strace $0xD0000000  }
0x3: {  	_ = 	snop  }
0x4: {  	_ = 	snop  }
0x5: {  	_ = 	snop  }
0x6: {  	_ = 	snop  }
0x7: {  	_ = 	snop  }
__scs_overlays_trampoline_lowered:
0x8: {  	[smem:$0x3FA6] =	sst s0  }
0x9: {  	[smem:$0x3FA7] =	sst s1  }
0xa: {  	[smem:$0x3FA8] =	sst s2  }
0xb: {  	[smem:$0x3FA9] =	sst s3  }
0xc: {  	[smem:$0x3FAA] =	sst s4  }
0xd: {  	[smem:$0x3FAB] =	sst s5  }
0xe: {  	[smem:$0x3FAC] =	sst s6  }
0xf: {  	[smem:$0x3FAD] =	sst s7  }
0x10: {  	[smem:$0x3FAE] =	sst s8  }
0x11: {  	[smem:$0x3FAF] =	sst s9;
	s0 =	simm.s32 @!p0 $0x0  }
0x12: {  	s1 =	sld [smem:$0x3F95];
	s0 =	simm.s32 @p0 $0x1  }
0x13: {  	[smem:$0x3FB0] =	sst s0;
	s0 =	simm.s32 @!p1 $0x0  }
0x14: {  	s2 =	sld [smem:$0x3F94];
	s0 =	simm.s32 @p1 $0x1  }
0x15: {  	[smem:$0x3FB1] =	sst s0;
	s0 =	simm.s32 @!p2 $0x0  }
0x16: {  	s3 =	sld [smem:$0x3FDB];
	s0 =	simm.s32 @p2 $0x1  }
0x17: {  	s4 =	simm.s32 $0x1BF5;
	[smem:$0x3FB3] =	sst s0  }
0x18: {  	s0 =	sld [smem:$0x3F96];
	_ =	swait.ge [sflag:s4], $0x0  }
0x19: {  	s7 =	sld [smem:$0x3F97]  }
0x1a: {  	s8 =	sadd.s32 $0xFFFFE003, lr  }
0x1b: {  	s9 =	sadd.s32 $0xFFFFFEF7, lr;
	s5 =	simm.s32 $0xFFFFFFFF;
	p2 =	slt.u32 s8, $0xFFFFF086  }
0x1c: {  	p1 =	slt.u32 s9, $0xF7A;
	s5 =	simm.s32 @!p2 $0x0  }
0x1d: {  	s5 =	simm.s32 @p1 $0x1;
	p0 =	seq.s32 s7, s2  }
0x1e: {  	s7 =	smul.u32 @!p0 $0xF7A, s2;
	p2 =	seq.s32 @!p0 s5, $0x0  }
0x1f: {  	s9 =	smul.u32 $0xF7A, s1;
	s8 =	simm.s32 @!p0 $0x1BF5;
	p2 =	por !p2, p0  }
0x20: {  	[sflag:s8] =	ssyncset.s32 @!p0 $0xFFFFF086;
	s6 =	sadd.s32 @!p0 s3, s7;
	s7 =	simm.s32 @!p0 $0x108  }
0x21: {  	s3 =	sadd.s32 s3, s9;
	s6 =	sadd.s32 @!p0 $0x88, s6;
	s7 =	simm.s32 @p2 $0x1082  }
0x22: {  	[simem:s7], [sflag:s8] =	dma.local @!p0 [hbm:s6], $0xF7A  }
0x23: {  	s9 =	sor.u32 $0xD0000000, s2;
	s6 =	simm.s32 $0x108;
	_ =	swait.ge @!p0 [sflag:s8], $0x0  }
0x24: {  	s3 =	sadd.s32 $0x88, s3;
	s6 =	simm.s32 @!p1 $0x1082;
	[sflag:s4] =	ssyncset.s32 $0xFFFFF086  }
0x25: {  	[simem:s6], [sflag:s4] =	dma.local [hbm:s3], $0xF7A  }
0x26: {  	[smem:$0x3F97] =	sst s1;
	(tag) =	ssettag s2;
	_ =	strace s9  }
0x27: {  	s1 =	sld [smem:$0x3FA7]  }
0x28: {  	s2 =	sld [smem:$0x3FA8]  }
0x29: {  	s4 =	sld [smem:$0x3FAA]  }
0x2a: {  	p0 =	seq.s32 s5, $0x0;
	s5 =	sld [smem:$0x3FAB]  }
0x2b: {  	s6 =	sld [smem:$0x3FAC]  }
0x2c: {  	s7 =	sld [smem:$0x3FAD]  }
0x2d: {  	s3 =	simm.s32 $0x108;
	s8 =	sld [smem:$0x3FAE]  }
0x2e: {  	s3 =	simm.s32 @!p0 $0x1082;
	s9 =	sld [smem:$0x3FAF]  }
0x2f: {  	lr =	sadd.s32 s0, s3;
	s0 =	sld [smem:$0x3FA6]  }
0x30: {  	s3 =	sld [smem:$0x3FA9]  }
0x31: {  	[smem:$0x3FB2] =	sst s10  }
0x32: {  	s10 =	sld [smem:$0x3FB0];
	_ =	sdelay $0x3  }
0x33: {  	p0 =	seq.s32 s10, $0x1;
	s10 =	sld [smem:$0x3FB2];
	_ =	sdelay $0x3  }
0x34: {  	[smem:$0x3FB2] =	sst s10  }
0x35: {  	s10 =	sld [smem:$0x3FB1];
	_ =	sdelay $0x3  }
0x36: {  	p1 =	seq.s32 s10, $0x1;
	s10 =	sld [smem:$0x3FB2];
	_ =	sdelay $0x3  }
0x37: {  	[smem:$0x3FB2] =	sst s10  }
0x38: {  	s10 =	sld [smem:$0x3FB3]  }
0x39: {  	_ = 	snop;
	(pc) =	sbr.ind lr, $3  }
0x3a: {  	_ = 	snop  }
0x3b: {  	_ = 	snop  }
0x3c: {  	p2 =	seq.s32 s10, $0x1;
	s10 =	sld [smem:$0x3FB2]  }
0x3d: {  	_ =	shalt  }
0x3e: {  	_ =	shalt  }
0x3f: {  	_ =	shalt  }
0x40: {  	_ =	shalt  }
0x41: {  	_ =	shalt  }
0x42: {  	_ =	shalt  }
0x43: {  	_ =	shalt  }
0x44: {  	_ =	shalt  }
0x45: {  	_ =	shalt  }
0x46: {  	_ =	shalt  }
0x47: {  	_ =	shalt  }
0x48: {  	_ =	shalt  }
0x49: {  	_ =	shalt  }
0x4a: {  	_ =	shalt  }
0x4b: {  	_ =	shalt  }
0x4c: {  	_ =	shalt  }
0x4d: {  	_ =	shalt  }
0x4e: {  	_ =	shalt  }
0x4f: {  	_ =	shalt  }
0x50: {  	_ =	shalt  }
0x51: {  	_ =	shalt  }
0x52: {  	_ =	shalt  }
0x53: {  	_ =	shalt  }
0x54: {  	_ =	shalt  }
0x55: {  	_ =	shalt  }
0x56: {  	_ =	shalt  }
0x57: {  	_ =	shalt  }
0x58: {  	_ =	shalt  }
0x59: {  	_ =	shalt  }
0x5a: {  	_ =	shalt  }
0x5b: {  	_ =	shalt  }
0x5c: {  	_ =	shalt  }
0x5d: {  	_ =	shalt  }
0x5e: {  	_ =	shalt  }
0x5f: {  	_ =	shalt  }
0x60: {  	_ =	shalt  }
0x61: {  	_ =	shalt  }
0x62: {  	_ =	shalt  }
0x63: {  	_ =	shalt  }
0x64: {  	_ =	shalt  }
0x65: {  	_ =	shalt  }
0x66: {  	_ =	shalt  }
0x67: {  	_ =	shalt  }
0x68: {  	_ =	shalt  }
0x69: {  	_ =	shalt  }
0x6a: {  	_ =	shalt  }
0x6b: {  	_ =	shalt  }
0x6c: {  	_ =	shalt  }
0x6d: {  	_ =	shalt  }
0x6e: {  	_ =	shalt  }
0x6f: {  	_ =	shalt  }
0x70: {  	_ =	shalt  }
0x71: {  	_ =	shalt  }
0x72: {  	_ =	shalt  }
0x73: {  	_ =	shalt  }
0x74: {  	_ =	shalt  }
0x75: {  	_ =	shalt  }
0x76: {  	_ =	shalt  }
0x77: {  	_ =	shalt  }
0x78: {  	_ =	shalt  }
0x79: {  	_ =	shalt  }
0x7a: {  	_ =	shalt  }
0x7b: {  	_ =	shalt  }
0x7c: {  	_ =	shalt  }
0x7d: {  	_ =	shalt  }
0x7e: {  	_ =	shalt  }
0x7f: {  	_ =	shalt  }
0x80: {  	_ =	shalt  }
0x81: {  	_ =	shalt  }
0x82: {  	_ =	shalt  }
0x83: {  	_ =	shalt  }
0x84: {  	_ =	shalt  }
0x85: {  	_ =	shalt  }
0x86: {  	_ =	shalt  }
0x87: {  	_ =	shalt  }
.Lfunc_end0:
.L_simem_size_0:
called_computation_lowered:
.L_overlay_start_0:
0x88: {  	s2 =	sld [smem:$0x3FD9]  }
0x89: {  	s3 =	sld [smem:$0x3FFE];
	_ =	sdelay $0x1  }
0x8a: {  	s1 =	srdreg.scid  }
0x8b: {  	s0 =	sand.u32 $0x1, s1  }
0x8c: {  	s17 =	sshll.u32 s0, $0xA;
	s2 =	sadd.s32 s3, s2  }
0x8d: {  	s2 =	sadd.s32 s2, s17  }
0x8e: {  	[smem:$0x3FBE] =	sst s2  }
0x8f: {  	_ = 	snop  }
0x90: {  	s2 =	sld [smem:$0x3FD0];
	(tm) =	ssettm $0x1  }
0x91: {  	s18 =	sld [smem:$0x3FFB];
	_ =	sdelay $0x3  }
0x92: {  	_ =	strace s18  }
0x93: {  	s3 =	sld [smem:$0x3FFC];
	_ =	sdelay $0x3  }
0x94: {  	_ =	strace s3  }
0x95: {  	s3 =	sld [smem:$0x3FFD];
	_ =	sdelay $0x3  }
0x96: {  	_ =	strace s3  }
0x97: {  	_ =	strace $0x8FFFFFFF  }
0x98: {  	s19 =	sld [smem:$0x3FDB];
	_ =	sdelay $0x1  }
0x99: {  	s4 =	simm.s32 $_scs_section_size  }
0x9a: {  	s5 =	simm.s32 $_size__tile_overlayer_lowered;
	s6 =	simm.s32 $_tile_overlayer_lowered  }
0x9b: {  	s22 =	simm.s32 $0x1BFF;
	s21 =	sshll.u32 s6, $0x1;
	s3 =	sadd.s32 s4, s19  }
0x9c: {  	s7 =	simm.s32 $0x0;
	s20 =	sshll.u32 s5, $0x1;
	s5 =	sadd.s32 s21, s3  }
0x9d: {  	[timem:s7], [sflag:s22] =	dma.local [hbm:s5], s20  }
0x9e: {  	_ =	swait.ge [sflag:s22], s20  }
0x9f: {  	s4 =	ssub.s32 $0x0, s20;
	[sflag:s22] =	ssyncset.done $0x0  }
0xa0: {  	[sflag:s22] =	ssyncadd.s32 s4;
	_ =	sdelay $0x1  }
0xa1: {  	s23 =	simm.s32 $0x1B8B  }
0xa2: {  	_ =	swait.ge [sflag:s23], $0x1  }
0xa3: {  	[sflag:s23] =	ssyncset.done $0x0  }
0xa4: {  	s25 =	simm.s32 $0x1B8E;
	s24 =	sld [smem:$0x3FFE];
	[sflag:s23] =	ssyncadd.s32 $0xFFFFFFFF  }
0xa5: {  	s26 =	simm.s32 $execute0_lowered;
	[smem:$0x3FD2] =	sst s25  }
0xa6: {  	s5 =	sshll.u32 s26, $0x1;
	_ =	strace $0x80000046;
	[dreg:$0x1] =	wrdreg $0xFFFFFFFF  }
0xa7: {  	s28 =	simm.s32 $_size_execute0_lowered;
	s3 =	sadd.s32 s3, s5;
	[dreg:$0x0] =	wrdreg $0x0  }
0xa8: {  	s5 =	sshll.u32 s28, $0x1;
	[dreg:$0x2] =	wrdreg s3  }
0xa9: {  	[dreg:$0x3] =	wrdreg s5  }
0xaa: {  	[dreg:$0x4] =	wrdreg $0xC0  }
0xab: {  	_ =	task [dreg:s7], $0x5FFFF  }
0xac: {  	[dreg:$0x1] =	wrdreg $0xFFFFFFFF  }
0xad: {  	[dreg:$0x0] =	wrdreg $0x60  }
0xae: {  	[dreg:$0x2] =	wrdreg s24  }
0xaf: {  	[dreg:$0x3] =	wrdreg s2  }
0xb0: {  	[dreg:$0x4] =	wrdreg $0x9A800  }
0xb1: {  	[dreg:$0x5] =	wrdreg $0x9  }
0xb2: {  	_ =	task.clear_ibuf [dreg:s7], $0x6FFFF;
	_ =	strace $0x90000046  }
0xb3: {  	s29 =	simm.s32 $0x9;
	_ =	strace $0x80000048  }
0xb4: {  	_ =	swait.ge [sflag:s29], $0x1  }
0xb5: {  	[sflag:s29] =	ssyncadd.s32 $0xFFFFFFFF  }
0xb6: {  	_ =	strace $0x90000048  }
0xb7: {  	_ =	sfence  }
0xb8: {  	s30 =	sld [smem:$0x0];
	_ =	sdelay $0x2  }
0xb9: {  	s31 =	sshll.u32 s1, $0xD;
	s1 =	sshrl.u32 s1, $0x2  }
0xba: {  	s3 =	sand.u32 $0x4000, s31;
	s1 =	sadd.s32 s1, s30  }
0xbb: {  	s0 =	sor.u32 s3, s0;
	s1 =	sshll.u32 s1, $0x11  }
0xbc: {  	s0 =	sor.u32 s1, s0  }
0xbd: {  	s0 =	sadd.s32 $0x8F2B, s0  }
0xbe: {  	[sflag:s0] =	ssyncadd.remote.s32 $0x1  }
0xbf: {  	_ =	sfence.sel $0xFFFF  }
0xc0: {  	[dreg:$0x0] =	wrdreg $0xFFFFFFFF;
	(pc) =	sbr.abs _section_cstart, $3  }
0xc1: {  	[dreg:$0x1] =	wrdreg $0xFFFFFFFF  }
0xc2: {  	_ =	task.clear_ibuf [dreg:s7], $0x2FFFF;
	_ =	strace $0x9FFFFFFF  }
0xc3: {  	(tm) =	ssettm $0x7FFFFFFF  }
tec
execute0_lowered:
.L_overlay_start_1:
0x0: {  	(tag) =	ssettag $0x1  }
0x1: {  	s0 =	srdreg.scid  }
0x2: {  	s1 =	rddreg [dreg:$0x0];
	s3 =	simm.s32 $0x0;
	s6 =	stileid.u32  }
0x3: {  	s31 =	simm.s32 $0x6;
	s2 =	sand.u32 $0x1, s0;
	[smem:$0x7FF] =	sst s3  }
0x4: {  	s4 =	smul.u32 $0x16020, s6;
	s5 =	sadd.s32 $0x42400, s1;
	s24 =	sshll.u32 s6, $0x1  }
0x5: {  	s0 =	ssub.s32 $0x2, s2;
	s3 =	sor.u32 s2, s24;
	s2 =	smul.u32 $0x160200, s2  }
0x6: {  	s23 =	sshrl.u32 s0, $0x1;
	s6 =	sadd.s32 $0x2400, s4;
	s7 =	sadd.s32 $0x4800, s4  }
0x7: {  	s8 =	sadd.s32 $0x6C00, s4;
	s9 =	sadd.s32 $0x9000, s4;
	s10 =	sadd.s32 $0xB400, s4  }
0x8: {  	s12 =	sadd.s32 $0xD800, s4;
	s14 =	sadd.s32 $0xFC00, s4;
	s17 =	sadd.s32 $0x12000, s4  }
0x9: {  	s18 =	sadd.s32 $0x14400, s4;
	s0 =	ssub.s32 s0, s23;
	s11 =	sadd.s32 s4, s2  }
0xa: {  	s13 =	sadd.s32 s2, s6;
	s26 =	sadd.s32 s2, s7;
	s28 =	sadd.s32 s2, s8  }
0xb: {  	s15 =	sadd.s32 s2, s9;
	s19 =	sadd.s32 s2, s10;
	s20 =	sadd.s32 s2, s12  }
0xc: {  	s21 =	sadd.s32 s2, s14;
	s11 =	sshrl.u32 s11, $0x3;
	s13 =	sshrl.u32 s13, $0x3  }
0xd: {  	s15 =	sshrl.u32 s15, $0x3;
	s22 =	sshrl.u32 s20, $0x3;
	s23 =	sshrl.u32 s21, $0x3  }
0xe: {  	s0 =	smax.u32 s0, $0x1;
	s11 =	sadd.s32 s5, s11;
	s25 =	sadd.s32 s5, s13  }
0xf: {  	s13 =	sshrl.u32 s28, $0x3;
	s16 =	sadd.s32 s5, s15;
	[dreg:$0x4] =	wrdreg s11  }
0x10: {  	s24 =	sadd.s32 s5, s23;
	s28 =	smul.u32 $0xA20, s3;
	[dreg:$0x5] =	wrdreg s25  }
0x11: {  	s15 =	sadd.s32 $0x2E000, s1;
	s11 =	sshrl.u32 s26, $0x3;
	[dreg:$0x8] =	wrdreg s16  }
0x12: {  	[dreg:$0xb] =	wrdreg s24;
	s25 =	sadd.s32 s2, s17;
	s11 =	sadd.s32 s5, s11  }
0x13: {  	s26 =	sshrl.u32 s25, $0x3;
	[dreg:$0x6] =	wrdreg s11;
	s11 =	sadd.s32 s5, s13  }
0x14: {  	s2 =	sadd.s32 s2, s18;
	s13 =	sadd.s32 s5, s26;
	[dreg:$0x7] =	wrdreg s11  }
0x15: {  	s16 =	sadd.s32 $0x1E00, s1;
	s2 =	sshrl.u32 s2, $0x3;
	[dreg:$0xc] =	wrdreg s13  }
0x16: {  	s1 =	simm.s32 $0x40;
	s2 =	sadd.s32 s5, s2;
	s13 =	rddreg [dreg:$0x2]  }
0x17: {  	s11 =	sshrl.u32 s19, $0x3;
	[dreg:$0xd] =	wrdreg s2;
	s2 =	sadd.s32 s15, s28  }
0x18: {  	s11 =	sadd.s32 s5, s11;
	s23 =	sadd.s32 s6, s13;
	s24 =	sadd.s32 s7, s13  }
0x19: {  	s25 =	sadd.s32 s8, s13;
	[dreg:$0x9] =	wrdreg s11;
	s11 =	sadd.s32 s5, s22  }
0x1a: {  	s9 =	sadd.s32 s9, s13;
	s10 =	sadd.s32 s10, s13;
	[dreg:$0xa] =	wrdreg s11  }
0x1b: {  	s19 =	sadd.s32 s12, s13;
	s20 =	sadd.s32 s14, s13;
	s11 =	rddreg [dreg:$0x1]  }
0x1c: {  	s21 =	sadd.s32 s17, s13;
	_ =	strace $0x80000047;
	[dreg:$0x11] =	wrdreg s9  }
0x1d: {  	s26 =	sadd.s32 s18, s13;
	s28 =	sadd.s32 $0x10, s2;
	[dreg:$0x12] =	wrdreg s10  }
0x1e: {  	s6 =	simm.s32 $0x1C0;
	s7 =	simm.s32 $0x4E80;
	[dreg:$0x13] =	wrdreg s19  }
0x1f: {  	s8 =	simm.s32 $0x3;
	s12 =	simm.s32 $0x200;
	[dreg:$0x14] =	wrdreg s20  }
0x20: {  	s14 =	simm.s32 $0x4;
	s17 =	simm.s32 $0x7680;
	[dreg:$0x15] =	wrdreg s21  }
0x21: {  	s18 =	simm.s32 $0x0;
	s5 =	smul.u32 $0xA2, s3;
	[dreg:$0x16] =	wrdreg s26  }
0x22: {  	s22 =	sadd.s32 s4, s13;
	s3 =	simm.s32 $0x2;
	[dreg:$0x17] =	wrdreg s0  }
0x23: {  	s4 =	simm.s32 $0x140;
	s29 =	sadd.s32 $0x2, s5;
	[dreg:$0xe] =	wrdreg s2  }
0x24: {  	v0 =	vimm.f32 $0.0e+00;
	v1 =	vimm.s32 $0x0;
	v2 =	vimm.s32 $0x1;
	s30 =	sadd.s32 $0x3, s5;
	[dreg:$0x18] =	wrdreg s28;
	s0 =	simm.s32 $0x9  }
0x25: {  	v3 =	vimm.s32 $0x2;
	v4 =	vimm.s32 $0x3;
	v5 =	vimm.s32 $0x4;
	s2 =	simm.s32 $0x5280;
	s5 =	simm.s32 $0x2680;
	[dreg:$0xf] =	wrdreg s24  }
0x26: {  	v6 =	vimm.s32 $0x5;
	v7 =	vimm.s32 $0x6;
	v8 =	vimm.s32 $0x7;
	s9 =	simm.s32 $0x5;
	s10 =	simm.s32 $0x240;
	[dreg:$0x10] =	wrdreg s25  }
.LBB2_1:
0x27: {  	s19 =	simm.s32 $0x0;
	s20 =	rddreg [dreg:$0xe]  }
0x28: {  	[tilespmem:s19], [sflag:$0x9] =	stream.linear.gather [hbm4b:s20+s19], $0x80, $0x38;
	[tilespmem:$0x1FAA0] =	vst v63  }
0x29: {  	_ =	swait.ge [sflag:s0], $0x80  }
0x2a: {  	[sflag:s0] =	ssyncset.done $0x0  }
0x2b: {  	[sflag:s0] =	ssyncadd.s32 $0xFFFFFF80  }
0x2c: {  	v9 =	vld [tilespmem:$0x0]  }
0x2d: {  	v10 =	vld [tilespmem:$0x40]  }
0x2e: {  	v11 =	vld [tilespmem:$0x10]  }
0x2f: {  	v12 =	vld [tilespmem:$0x50]  }
0x30: {  	v13 =	vld [tilespmem:$0x20]  }
0x31: {  	[tilespmem:$0x100] =	vst v9;
	v9 =	vld [tilespmem:$0x60]  }
0x32: {  	[tilespmem:$0x180] =	vst v10;
	v10 =	vld [tilespmem:$0x30]  }
0x33: {  	[tilespmem:$0x110] =	vst v11;
	v11 =	vld [tilespmem:$0x70]  }
0x34: {  	[tilespmem:$0x190] =	vst v12  }
0x35: {  	[tilespmem:$0x120] =	vst v13  }
0x36: {  	[tilespmem:$0x1A0] =	vst v9  }
0x37: {  	[tilespmem:$0x130] =	vst v10  }
0x38: {  	s28 =	simm.s32 $0x100;
	s21 =	simm.s32 $0x280;
	[tilespmem:$0x1B0] =	vst v11  }
0x39: {  	[tilespmem:s21], [sflag:$0x3] =	stream.indirect.gather [hbm4b:s16+s1], $0x90, s28, s1, $0xb8;
	[tilespmem:$0x1FAA0] =	vst v63  }
0x3a: {  	s26 =	simm.s32 $0x180;
	s28 =	simm.s32 $0x4A80  }
0x3b: {  	[tilespmem:s28], [sflag:$0x5] =	stream.indirect.gather [hbm4b:s11+s1], $0x10, s26, s1, $0xb8;
	[tilespmem:$0x1FAA0] =	vst v63  }
0x3c: {  	s26 =	rddreg [dreg:$0x18];
	s28 =	simm.s32 $0x80  }
0x3d: {  	[tilespmem:s28], [sflag:$0x2] =	stream.linear.gather [hbm4b:s26+s19], $0x80, $0x38;
	[tilespmem:$0x1FAA0] =	vst v63  }
0x3e: {  	s20 =	simm.s32 $0x240;
	s19 =	simm.s32 $0x0  }
.LBB2_2:
0x3f: {  	p0 =	sne.s32 s20, $0x8DC0;
	[tilespmem:s19+$0x5300] =	vst v0  }
0x40: {  	[tilespmem:s19+$0x5280] =	vst v0  }
0x41: {  	[tilespmem:s19+$0x5290] =	vst v0  }
0x42: {  	[tilespmem:s19+$0x52A0] =	vst v0  }
.Ltmp0:
0x43: {  	[tilespmem:s19+$0x52B0] =	vst v0;
	(pc) =	sbr.rel @p0 .LBB2_2-.Ltmp0, $4  }
0x44: {  	[tilespmem:s19+$0x52C0] =	vst v0  }
0x45: {  	[tilespmem:s19+$0x52D0] =	vst v0  }
0x46: {  	[tilespmem:s19+$0x52E0] =	vst v0  }
0x47: {  	[tilespmem:s19+$0x52F0] =	vst v0;
	s19 =	sshra.s32 s20, $0x2;
	s20 =	sadd.s32 $0x240, s20  }
0x48: {  	[tilespmem:s19+$0x5300] =	vst v0  }
0x49: {  	[tilespmem:s19+$0x5280] =	vst v0  }
0x4a: {  	[tilespmem:s19+$0x5290] =	vst v0  }
0x4b: {  	[tilespmem:s19+$0x52A0] =	vst v0  }
0x4c: {  	[tilespmem:s19+$0x52B0] =	vst v0  }
0x4d: {  	[tilespmem:s19+$0x52C0] =	vst v0  }
0x4e: {  	[tilespmem:s19+$0x52D0] =	vst v0  }
0x4f: {  	[tilespmem:s19+$0x52E0] =	vst v0  }
0x50: {  	[tilespmem:s19+$0x52F0] =	vst v0  }
0x51: {  	[spmem:s22] =	stream.linear.scatter [tilespmem:s2], [sflag:$0x9], $0x2400, $0x38;
	[tilespmem:$0x1FAA0] =	vst v63  }
0x52: {  	_ =	swait.ge [sflag:s0], $0x2400  }
0x53: {  	[sflag:s0] =	ssyncset.done $0x0  }
0x54: {  	[sflag:s0] =	ssyncadd.s32 $0xFFFFDC00  }
0x55: {  	[spmem:s23] =	stream.linear.scatter [tilespmem:s2], [sflag:$0x9], $0x2400, $0x38;
	[tilespmem:$0x1FAA0] =	vst v63  }
0x56: {  	_ =	swait.ge [sflag:s0], $0x2400  }
0x57: {  	[sflag:s0] =	ssyncset.done $0x0  }
0x58: {  	[sflag:s0] =	ssyncadd.s32 $0xFFFFDC00  }
0x59: {  	[spmem:s24] =	stream.linear.scatter [tilespmem:s2], [sflag:$0x9], $0x2400, $0x38;
	[tilespmem:$0x1FAA0] =	vst v63  }
0x5a: {  	_ =	swait.ge [sflag:s0], $0x2400  }
0x5b: {  	[sflag:s0] =	ssyncset.done $0x0  }
0x5c: {  	[sflag:s0] =	ssyncadd.s32 $0xFFFFDC00  }
0x5d: {  	[spmem:s25] =	stream.linear.scatter [tilespmem:s2], [sflag:$0x9], $0x2400, $0x38;
	[tilespmem:$0x1FAA0] =	vst v63  }
0x5e: {  	_ =	swait.ge [sflag:s0], $0x2400  }
0x5f: {  	[sflag:s0] =	ssyncset.done $0x0  }
0x60: {  	s20 =	rddreg [dreg:$0x11];
	[sflag:s0] =	ssyncadd.s32 $0xFFFFDC00  }
0x61: {  	[spmem:s20] =	stream.linear.scatter [tilespmem:s2], [sflag:$0x9], $0x2400, $0x38;
	[tilespmem:$0x1FAA0] =	vst v63  }
0x62: {  	_ =	swait.ge [sflag:s0], $0x2400  }
0x63: {  	[sflag:s0] =	ssyncset.done $0x0  }
0x64: {  	s21 =	rddreg [dreg:$0x12];
	[sflag:s0] =	ssyncadd.s32 $0xFFFFDC00  }
0x65: {  	[spmem:s21] =	stream.linear.scatter [tilespmem:s2], [sflag:$0x9], $0x2400, $0x38;
	[tilespmem:$0x1FAA0] =	vst v63  }
0x66: {  	_ =	swait.ge [sflag:s0], $0x2400  }
0x67: {  	[sflag:s0] =	ssyncset.done $0x0  }
0x68: {  	s26 =	smov.u32 s22;
	s22 =	rddreg [dreg:$0x13];
	[sflag:s0] =	ssyncadd.s32 $0xFFFFDC00  }
0x69: {  	[spmem:s22] =	stream.linear.scatter [tilespmem:s2], [sflag:$0x9], $0x2400, $0x38;
	[tilespmem:$0x1FAA0] =	vst v63  }
0x6a: {  	_ =	swait.ge [sflag:s0], $0x2400  }
0x6b: {  	[sflag:s0] =	ssyncset.done $0x0  }
0x6c: {  	s28 =	smov.u32 s23;
	s23 =	rddreg [dreg:$0x14];
	[sflag:s0] =	ssyncadd.s32 $0xFFFFDC00  }
0x6d: {  	[spmem:s23] =	stream.linear.scatter [tilespmem:s2], [sflag:$0x9], $0x2400, $0x38;
	[tilespmem:$0x1FAA0] =	vst v63  }
0x6e: {  	_ =	swait.ge [sflag:s0], $0x2400  }
0x6f: {  	[sflag:s0] =	ssyncset.done $0x0  }
0x70: {  	s24 =	rddreg [dreg:$0x15];
	[sflag:s0] =	ssyncadd.s32 $0xFFFFDC00  }
0x71: {  	[spmem:s24] =	stream.linear.scatter [tilespmem:s2], [sflag:$0x9], $0x2400, $0x38;
	[tilespmem:$0x1FAA0] =	vst v63  }
0x72: {  	_ =	swait.ge [sflag:s0], $0x2400  }
0x73: {  	[sflag:s0] =	ssyncset.done $0x0  }
0x74: {  	s25 =	rddreg [dreg:$0x16];
	[sflag:s0] =	ssyncadd.s32 $0xFFFFDC00  }
0x75: {  	[spmem:s25] =	stream.linear.scatter [tilespmem:s2], [sflag:$0x9], $0x1C20, $0x38;
	[tilespmem:$0x1FAA0] =	vst v63  }
0x76: {  	_ =	swait.ge [sflag:s0], $0x1C20  }
0x77: {  	[sflag:s0] =	ssyncset.done $0x0  }
0x78: {  	[sflag:s0] =	ssyncadd.s32 $0xFFFFE3E0  }
0x79: {  	s19 =	simm.s32 $0x0;
	[bflag:$0x0] =	sbarrier.arrive $0xFFFF  }
.LBB2_4:
0x7a: {  	_ =	swait.ge [sflag:s3], $0x80  }
0x7b: {  	[sflag:s3] =	ssyncset.done $0x0  }
0x7c: {  	[sflag:s3] =	ssyncadd.s32 $0xFFFFFF80  }
0x7d: {  	v9 =	vld [tilespmem:$0x80]  }
0x7e: {  	v10 =	vld [tilespmem:$0xC0]  }
0x7f: {  	v11 =	vld [tilespmem:$0x90]  }
0x80: {  	v12 =	vld [tilespmem:$0xD0]  }
0x81: {  	v13 =	vld [tilespmem:$0xA0]  }
0x82: {  	[tilespmem:$0x140] =	vst v9;
	v9 =	vld [tilespmem:$0xE0]  }
0x83: {  	[tilespmem:$0x1C0] =	vst v10;
	v10 =	vld [tilespmem:$0xB0]  }
0x84: {  	[tilespmem:$0x150] =	vst v11;
	v11 =	vld [tilespmem:$0xF0]  }
0x85: {  	[tilespmem:$0x1D0] =	vst v12  }
0x86: {  	[tilespmem:$0x160] =	vst v13  }
0x87: {  	[tilespmem:$0x1E0] =	vst v9  }
0x88: {  	[tilespmem:$0x170] =	vst v10  }
0x89: {  	[tilespmem:$0x1F0] =	vst v11  }
0x8a: {  	[tilespmem:s5], [sflag:$0x4] =	stream.indirect.gather [hbm4b:s16+s1], $0x90, s4, s1, $0xb8;
	[tilespmem:$0x1FAA0] =	vst v63  }
0x8b: {  	_ = 	snop  }
0x8c: {  	[tilespmem:s7], [sflag:$0x6] =	stream.indirect.gather [hbm4b:s11+s1], $0x10, s6, s1, $0xb8;
	[tilespmem:$0x1FAA0] =	vst v63  }
0x8d: {  	_ =	swait.ge [sflag:s8], $0x2400  }
0x8e: {  	[sflag:s8] =	ssyncset.done $0x0  }
0x8f: {  	[sflag:s8] =	ssyncadd.s32 $0xFFFFDC00  }
0x90: {  	_ =	swait.ge [sflag:s9], $0x400  }
0x91: {  	p1 =	seq.s32 s19, $0x0;
	[sflag:s9] =	ssyncset.done $0x0  }
0x92: {  	s20 =	simm.s32 @!p1 $0x7;
	[sflag:s9] =	ssyncadd.s32 $0xFFFFFC00  }
0x93: {  	_ =	swait.ge @!p1 [sflag:s20], $0x2400  }
0x94: {  	[sflag:s20] =	ssyncset.done @!p1 $0x0  }
0x95: {  	[sflag:s20] =	ssyncadd.s32 @!p1 $0xFFFFDC00  }
0x96: {  	v9 =	vld [tilespmem:$0x180]  }
0x97: {  	v10 =	vld [tilespmem:$0x190]  }
0x98: {  	v11 =	vld [tilespmem:$0x1A0]  }
0x99: {  	v12 =	vld [tilespmem:$0x1B0]  }
0x9a: {  	p0 =	seq.s32 s19, $0x50;
	s20 =	sshll.u32 s19, $0x1  }
0x9b: {  	s21 =	sadd.s32 @!p0 s20, s29;
	[tilespmem:$0x200] =	vst v9  }
0x9c: {  	s21 =	sshll.u32 @!p0 s21, $0x4;
	[tilespmem:$0x210] =	vst v10  }
0x9d: {  	s21 =	sand.u32 @!p0 $0x1FFFFFE0, s21;
	[tilespmem:$0x220] =	vst v11  }
0x9e: {  	s22 =	simm.s32 @!p0 $0x0;
	s21 =	sadd.s32 @!p0 s15, s21;
	[tilespmem:$0x230] =	vst v12  }
0x9f: {  	[tilespmem:s22], [sflag:$0x1] =	stream.linear.gather @!p0 [hbm4b:s21+s22], $0x80, $0x38;
	[tilespmem:$0x1FAA0] =	vst v63  }
0xa0: {  	s21 =	simm.s32 $0x0  }
0xa1: {  	s23 =	simm.s32 $0x4A90;
	v9 =	vld [tilespmem:s21+$0x300]  }
0xa2: {  	v10 =	vld [tilespmem:s23+$0xFFFFFFF0];
	_ =	sdelay $0x4  }
0xa3: {  	v10 =	vadd.f32 v10, v9;
	_ =	sdelay $0x1  }
0xa4: {  	v11 =	vmul.f32 $2.000000030e-01, v10  }
0xa5: {  	vm0 =	vgt.f32 v10, $0.0e+00  }
0xa6: {  	v11 =	vsel vm0, v10, v11  }
0xa7: {  	v11 =	vmul.f32 $1.442695020e+00, v11;
	_ =	sdelay $0x1  }
0xa8: {  	(erf) = vpow2.f32 v11;
	_ =	sdelay $0x3  }
0xa9: {  	v12 =	vld [tilespmem:s21+$0x2C0]  }
0xaa: {  	v9 =	vld [tilespmem:s21+$0x2B0]  }
0xab: {  	v10 =	vld [tilespmem:s21+$0x2F0]  }
0xac: {  	s24 =	simm.s32 $0x480;
	s22 =	simm.s32 $0x4A90;
	v11 =	vld [tilespmem:s21+$0x2D0]  }
.LBB2_5:
0xad: {  	p2 =	sne.s32 s24, $0x8B80  }
0xae: {  	s23 =	sadd.s32 $0x20, s23;
	v13 =	vpop (erf);
	s25 =	smov.u32 s24;
	s24 =	sadd.s32 $0x480, s24  }
0xaf: {  	[tilespmem:s21+$0x5300] =	vst v13;
	v14 =	vperm.xlane v13, v1;
	v15 =	vld [tilespmem:s21+$0x280];
	v16 =	vperm.xlane v13, v5  }
0xb0: {  	v17 =	vperm.xlane v13, v6;
	v19 =	vperm.xlane v13, v8;
	v18 =	vld [tilespmem:s21+$0x2E0]  }
0xb1: {  	v21 =	vperm.xlane v13, v4;
	v20 =	vld [tilespmem:s21+$0x290];
	v12 =	vmul.f32 v12, v16  }
0xb2: {  	v16 =	vld [tilespmem:s21+$0x2A0];
	v11 =	vmul.f32 v11, v17;
	v17 =	vperm.xlane v13, v7  }
0xb3: {  	v9 =	vmul.f32 v9, v21;
	v10 =	vmul.f32 v10, v19;
	[tilespmem:s21+$0x52C0] =	vst v12  }
0xb4: {  	v12 =	vmul.f32 v15, v14;
	v14 =	vperm.xlane v13, v2;
	[tilespmem:s21+$0x52D0] =	vst v11  }
0xb5: {  	v11 =	vperm.xlane v13, v3;
	[tilespmem:s21+$0x52B0] =	vst v9;
	v9 =	vmul.f32 v18, v17  }
0xb6: {  	v13 =	vmul.f32 v20, v14;
	[tilespmem:s21+$0x52F0] =	vst v10  }
0xb7: {  	v10 =	vmul.f32 v16, v11;
	[tilespmem:s21+$0x52E0] =	vst v9  }
0xb8: {  	[tilespmem:s21+$0x5290] =	vst v13  }
0xb9: {  	[tilespmem:s21+$0x52A0] =	vst v10  }
0xba: {  	[tilespmem:s21+$0x5280] =	vst v12;
	v11 =	vld [tilespmem:s21+$0x390]  }
0xbb: {  	v12 =	vld [tilespmem:s22+$0x0];
	s22 =	smov.u32 s23  }
0xbc: {  	s25 =	sshra.s32 s25, $0x2  }
0xbd: {  	v13 =	vld [tilespmem:s25+$0x300]  }
0xbe: {  	v9 =	vld [tilespmem:s25+$0x2B0]  }
0xbf: {  	v10 =	vld [tilespmem:s25+$0x2F0]  }
0xc0: {  	v11 =	vadd.f32 v12, v11;
	_ =	sdelay $0x1  }
0xc1: {  	v12 =	vmul.f32 $2.000000030e-01, v11  }
0xc2: {  	vm0 =	vgt.f32 v11, $0.0e+00  }
0xc3: {  	v11 =	vsel vm0, v11, v12  }
0xc4: {  	v11 =	vmul.f32 $1.442695020e+00, v11;
	_ =	sdelay $0x1  }
0xc5: {  	(erf) = vpow2.f32 v11;
	_ =	sdelay $0x4  }
0xc6: {  	v11 =	vld [tilespmem:s21+$0x380]  }
0xc7: {  	v12 =	vld [tilespmem:s21+$0x330]  }
0xc8: {  	v14 =	vld [tilespmem:s21+$0x370]  }
0xc9: {  	v15 =	vld [tilespmem:s21+$0x320]  }
0xca: {  	v16 =	vld [tilespmem:s21+$0x360];
	v17 =	vpop (erf)  }
0xcb: {  	[tilespmem:s21+$0x5390] =	vst v17;
	v18 =	vperm.xlane v17, v1;
	v19 =	vld [tilespmem:s21+$0x310];
	v20 =	vperm.xlane v17, v7  }
0xcc: {  	v21 =	vperm.xlane v17, v2;
	v22 =	vperm.xlane v17, v3;
	v23 =	vld [tilespmem:s21+$0x350]  }
0xcd: {  	v24 =	vperm.xlane v17, v4;
	v25 =	vld [tilespmem:s21+$0x340];
	v14 =	vmul.f32 v14, v20  }
0xce: {  	v12 =	vmul.f32 v12, v22;
	v15 =	vmul.f32 v15, v21  }
0xcf: {  	v20 =	vperm.xlane v17, v5;
	v21 =	vperm.xlane v17, v6;
	[tilespmem:s21+$0x5370] =	vst v14  }
0xd0: {  	v14 =	vmul.f32 v19, v18;
	[tilespmem:s21+$0x5320] =	vst v15;
	v15 =	vperm.xlane v17, v8  }
0xd1: {  	v16 =	vmul.f32 v16, v21;
	[tilespmem:s21+$0x5330] =	vst v12;
	v12 =	vmul.f32 v23, v20  }
0xd2: {  	[tilespmem:s21+$0x5310] =	vst v14;
	v14 =	vmul.f32 v25, v24;
	v11 =	vmul.f32 v11, v15  }
0xd3: {  	[tilespmem:s21+$0x5350] =	vst v12  }
0xd4: {  	[tilespmem:s21+$0x5360] =	vst v16  }
0xd5: {  	[tilespmem:s21+$0x5380] =	vst v11  }
0xd6: {  	[tilespmem:s21+$0x5340] =	vst v14;
	s21 =	smov.u32 s25  }
0xd7: {  	v11 =	vld [tilespmem:s23+$0xFFFFFFF0];
	_ =	sdelay $0x4  }
0xd8: {  	v11 =	vadd.f32 v11, v13;
	_ =	sdelay $0x1  }
0xd9: {  	v12 =	vmul.f32 $2.000000030e-01, v11  }
0xda: {  	vm0 =	vgt.f32 v11, $0.0e+00  }
0xdb: {  	v11 =	vsel vm0, v11, v12  }
0xdc: {  	v11 =	vmul.f32 $1.442695020e+00, v11;
	_ =	sdelay $0x1  }
0xdd: {  	(erf) = vpow2.f32 v11;
	_ =	sdelay $0x3  }
.Ltmp1:
0xde: {  	(pc) =	sbr.rel @p2 .LBB2_5-.Ltmp1, $3  }
0xdf: {  	_ =	sdelay $0x1  }
0xe0: {  	v12 =	vld [tilespmem:s21+$0x2C0]  }
0xe1: {  	v11 =	vld [tilespmem:s21+$0x2D0]  }
0xe2: {  	v13 =	vpop (erf)  }
0xe3: {  	v15 =	vperm.xlane v13, v5  }
0xe4: {  	v17 =	vld [tilespmem:s21+$0x2E0];
	v19 =	vperm.xlane v13, v4  }
0xe5: {  	v18 =	vld [tilespmem:s21+$0x290];
	v16 =	vperm.xlane v13, v6;
	v12 =	vmul.f32 v12, v15  }
0xe6: {  	v20 =	vld [tilespmem:s21+$0x2A0];
	[tilespmem:s21+$0x5300] =	vst v13;
	v15 =	vperm.xlane v13, v8;
	v9 =	vmul.f32 v9, v19  }
0xe7: {  	v14 =	vld [tilespmem:s21+$0x280];
	v56 =	vperm.xlane v13, v7;
	v11 =	vmul.f32 v11, v16;
	[tilespmem:s21+$0x52C0] =	vst v12  }
0xe8: {  	v10 =	vmul.f32 v10, v15;
	v12 =	vperm.xlane v13, v2;
	[tilespmem:s21+$0x52B0] =	vst v9  }
0xe9: {  	v9 =	vmul.f32 v17, v56;
	[tilespmem:s21+$0x52D0] =	vst v11;
	v11 =	vperm.xlane v13, v3  }
0xea: {  	v13 =	vperm.xlane v13, v1;
	v12 =	vmul.f32 v18, v12;
	[tilespmem:s21+$0x52F0] =	vst v10  }
0xeb: {  	[tilespmem:s21+$0x52E0] =	vst v9;
	v10 =	vmul.f32 v20, v11  }
0xec: {  	v9 =	vmul.f32 v14, v13;
	[tilespmem:s21+$0x5290] =	vst v12  }
0xed: {  	[tilespmem:s21+$0x52A0] =	vst v10  }
0xee: {  	[tilespmem:s21+$0x5280] =	vst v9;
	v9 =	vld [tilespmem:s21+$0x390]  }
0xef: {  	v10 =	vld [tilespmem:s22+$0x0];
	_ =	sdelay $0x4  }
0xf0: {  	v9 =	vadd.f32 v10, v9;
	_ =	sdelay $0x1  }
0xf1: {  	v10 =	vmul.f32 $2.000000030e-01, v9  }
0xf2: {  	vm0 =	vgt.f32 v9, $0.0e+00  }
0xf3: {  	v9 =	vsel vm0, v9, v10  }
0xf4: {  	v9 =	vmul.f32 $1.442695020e+00, v9;
	_ =	sdelay $0x1  }
0xf5: {  	(erf) = vpow2.f32 v9;
	_ =	sdelay $0x6  }
0xf6: {  	v11 =	vld [tilespmem:s21+$0x370]  }
0xf7: {  	v12 =	vld [tilespmem:s21+$0x320]  }
0xf8: {  	v10 =	vld [tilespmem:s21+$0x330];
	v14 =	vpop (erf)  }
0xf9: {  	v15 =	vld [tilespmem:s21+$0x310];
	v57 =	vperm.xlane v14, v7  }
0xfa: {  	v59 =	vld [tilespmem:s21+$0x350];
	v58 =	vperm.xlane v14, v2  }
0xfb: {  	v13 =	vld [tilespmem:s21+$0x360];
	v60 =	vperm.xlane v14, v3;
	v11 =	vmul.f32 v11, v57  }
0xfc: {  	v9 =	vld [tilespmem:s21+$0x380];
	[tilespmem:s21+$0x5390] =	vst v14;
	v61 =	vperm.xlane v14, v1;
	v12 =	vmul.f32 v12, v58  }
0xfd: {  	v62 =	vld [tilespmem:s21+$0x340];
	v63 =	vperm.xlane v14, v5;
	v10 =	vmul.f32 v10, v60;
	[tilespmem:s21+$0x5370] =	vst v11  }
0xfe: {  	v15 =	vmul.f32 v15, v61;
	v11 =	vperm.xlane v14, v6;
	[tilespmem:s21+$0x5320] =	vst v12  }
0xff: {  	v12 =	vperm.xlane v14, v8;
	[tilespmem:s21+$0x5330] =	vst v10;
	v10 =	vmul.f32 v59, v63  }
0x100: {  	v14 =	vperm.xlane v14, v4;
	[tilespmem:s21+$0x5310] =	vst v15;
	v11 =	vmul.f32 v13, v11  }
0x101: {  	v9 =	vmul.f32 v9, v12;
	[tilespmem:s21+$0x5350] =	vst v10  }
0x102: {  	v10 =	vmul.f32 v62, v14;
	[tilespmem:s21+$0x5360] =	vst v11  }
0x103: {  	[tilespmem:s21+$0x5380] =	vst v9  }
0x104: {  	[tilespmem:s21+$0x5340] =	vst v10;
	s21 =	simm.s32 @!p0 $0x1  }
0x105: {  	[spmem:s13] =	stream.indirect.scatter.add.f32 [tilespmem:s2], [sflag:$0x7], $0x90, s12, s1, $0xb8;
	[tilespmem:$0x1FAA0] =	vst v63  }
0x106: {  	_ =	swait.ge @!p0 [sflag:s21], $0x80  }
0x107: {  	[sflag:s21] =	ssyncset.done @!p0 $0x0  }
0x108: {  	[sflag:s21] =	ssyncadd.s32 @!p0 $0xFFFFFF80  }
0x109: {  	v9 =	vld @!p0 [tilespmem:$0x0]  }
0x10a: {  	v10 =	vld @!p0 [tilespmem:$0x40]  }
0x10b: {  	v11 =	vld @!p0 [tilespmem:$0x10]  }
0x10c: {  	v12 =	vld @!p0 [tilespmem:$0x50]  }
0x10d: {  	v13 =	vld @!p0 [tilespmem:$0x20]  }
0x10e: {  	[tilespmem:$0x100] =	vst @!p0 v9;
	v9 =	vld @!p0 [tilespmem:$0x60]  }
0x10f: {  	[tilespmem:$0x180] =	vst @!p0 v10;
	v10 =	vld @!p0 [tilespmem:$0x30]  }
0x110: {  	[tilespmem:$0x110] =	vst @!p0 v11;
	v11 =	vld @!p0 [tilespmem:$0x70]  }
0x111: {  	[tilespmem:$0x190] =	vst @!p0 v12  }
0x112: {  	[tilespmem:$0x120] =	vst @!p0 v13  }
0x113: {  	[tilespmem:$0x1A0] =	vst @!p0 v9  }
0x114: {  	[tilespmem:$0x130] =	vst @!p0 v10  }
0x115: {  	s23 =	simm.s32 @!p0 $0x280;
	s22 =	simm.s32 @!p0 $0x100;
	s21 =	simm.s32 @!p0 $0x40;
	[tilespmem:$0x1B0] =	vst @!p0 v11  }
0x116: {  	[tilespmem:s23], [sflag:$0x3] =	stream.indirect.gather @!p0 [hbm4b:s16+s21], $0x90, s22, s21, $0xb8;
	[tilespmem:$0x1FAA0] =	vst v63  }
0x117: {  	s22 =	simm.s32 @!p0 $0x180;
	s23 =	simm.s32 @!p0 $0x4A80  }
0x118: {  	[tilespmem:s23], [sflag:$0x5] =	stream.indirect.gather @!p0 [hbm4b:s11+s21], $0x10, s22, s21, $0xb8;
	[tilespmem:$0x1FAA0] =	vst v63  }
0x119: {  	_ =	swait.ge [sflag:s14], $0x2400  }
0x11a: {  	[sflag:s14] =	ssyncset.done $0x0  }
0x11b: {  	[sflag:s14] =	ssyncadd.s32 $0xFFFFDC00  }
0x11c: {  	_ =	swait.ge [sflag:s31], $0x400  }
0x11d: {  	[sflag:s31] =	ssyncset.done $0x0  }
0x11e: {  	s21 =	simm.s32 @!p1 $0x8;
	[sflag:s31] =	ssyncadd.s32 $0xFFFFFC00  }
0x11f: {  	_ =	swait.ge @!p1 [sflag:s21], $0x2400  }
0x120: {  	[sflag:s21] =	ssyncset.done @!p1 $0x0  }
0x121: {  	[sflag:s21] =	ssyncadd.s32 @!p1 $0xFFFFDC00  }
0x122: {  	v9 =	vld [tilespmem:$0x1C0]  }
0x123: {  	v10 =	vld [tilespmem:$0x1D0]  }
0x124: {  	v11 =	vld [tilespmem:$0x1E0]  }
0x125: {  	v12 =	vld [tilespmem:$0x1F0];
	_ =	sdelay $0x1  }
0x126: {  	s20 =	sadd.s32 @!p0 s20, s30;
	[tilespmem:$0x240] =	vst v9  }
0x127: {  	s20 =	sshll.u32 @!p0 s20, $0x4;
	[tilespmem:$0x250] =	vst v10  }
0x128: {  	s20 =	sand.u32 @!p0 $0x1FFFFFF0, s20;
	[tilespmem:$0x260] =	vst v11  }
0x129: {  	s20 =	sadd.s32 @!p0 s15, s20;
	s22 =	simm.s32 @!p0 $0x80;
	s21 =	simm.s32 @!p0 $0x0;
	[tilespmem:$0x270] =	vst v12  }
0x12a: {  	[tilespmem:s22], [sflag:$0x2] =	stream.linear.gather @!p0 [hbm4b:s20+s21], $0x80, $0x38;
	[tilespmem:$0x1FAA0] =	vst v63  }
0x12b: {  	s20 =	simm.s32 $0x0  }
0x12c: {  	s22 =	simm.s32 $0x4E90;
	v9 =	vld [tilespmem:s20+$0x2700]  }
0x12d: {  	v10 =	vld [tilespmem:s22+$0xFFFFFFF0];
	_ =	sdelay $0x4  }
0x12e: {  	v10 =	vadd.f32 v10, v9;
	_ =	sdelay $0x1  }
0x12f: {  	v11 =	vmul.f32 $2.000000030e-01, v10  }
0x130: {  	vm15 =	vgt.f32 v10, $0.0e+00  }
0x131: {  	v11 =	vsel vm15, v10, v11  }
0x132: {  	v11 =	vmul.f32 $1.442695020e+00, v11;
	_ =	sdelay $0x1  }
0x133: {  	(erf) = vpow2.f32 v11;
	_ =	sdelay $0x3  }
0x134: {  	v12 =	vld [tilespmem:s20+$0x26C0]  }
0x135: {  	v9 =	vld [tilespmem:s20+$0x26B0]  }
0x136: {  	v10 =	vld [tilespmem:s20+$0x26F0]  }
0x137: {  	s23 =	simm.s32 $0x480;
	s21 =	simm.s32 $0x4E90;
	v11 =	vld [tilespmem:s20+$0x26D0]  }
.LBB2_7:
0x138: {  	p0 =	sne.s32 s23, $0x8B80  }
0x139: {  	s22 =	sadd.s32 $0x20, s22;
	v13 =	vpop (erf);
	s24 =	smov.u32 s23;
	s23 =	sadd.s32 $0x480, s23  }
0x13a: {  	[tilespmem:s20+$0x7700] =	vst v13;
	v14 =	vperm.xlane v13, v1;
	v15 =	vld [tilespmem:s20+$0x2680];
	v16 =	vperm.xlane v13, v5  }
0x13b: {  	v17 =	vperm.xlane v13, v6;
	v19 =	vperm.xlane v13, v8;
	v18 =	vld [tilespmem:s20+$0x26E0]  }
0x13c: {  	v21 =	vperm.xlane v13, v4;
	v20 =	vld [tilespmem:s20+$0x2690];
	v12 =	vmul.f32 v12, v16  }
0x13d: {  	v16 =	vld [tilespmem:s20+$0x26A0];
	v11 =	vmul.f32 v11, v17;
	v17 =	vperm.xlane v13, v7  }
0x13e: {  	v9 =	vmul.f32 v9, v21;
	v10 =	vmul.f32 v10, v19;
	[tilespmem:s20+$0x76C0] =	vst v12  }
0x13f: {  	v12 =	vmul.f32 v15, v14;
	v14 =	vperm.xlane v13, v2;
	[tilespmem:s20+$0x76D0] =	vst v11  }
0x140: {  	v11 =	vperm.xlane v13, v3;
	[tilespmem:s20+$0x76B0] =	vst v9;
	v9 =	vmul.f32 v18, v17  }
0x141: {  	v13 =	vmul.f32 v20, v14;
	[tilespmem:s20+$0x76F0] =	vst v10  }
0x142: {  	v10 =	vmul.f32 v16, v11;
	[tilespmem:s20+$0x76E0] =	vst v9  }
0x143: {  	[tilespmem:s20+$0x7690] =	vst v13  }
0x144: {  	[tilespmem:s20+$0x76A0] =	vst v10  }
0x145: {  	[tilespmem:s20+$0x7680] =	vst v12;
	v11 =	vld [tilespmem:s20+$0x2790]  }
0x146: {  	v12 =	vld [tilespmem:s21+$0x0];
	s21 =	smov.u32 s22  }
0x147: {  	s24 =	sshra.s32 s24, $0x2  }
0x148: {  	v13 =	vld [tilespmem:s24+$0x2700]  }
0x149: {  	v9 =	vld [tilespmem:s24+$0x26B0]  }
0x14a: {  	v10 =	vld [tilespmem:s24+$0x26F0]  }
0x14b: {  	v11 =	vadd.f32 v12, v11;
	_ =	sdelay $0x1  }
0x14c: {  	v12 =	vmul.f32 $2.000000030e-01, v11  }
0x14d: {  	vm0 =	vgt.f32 v11, $0.0e+00  }
0x14e: {  	v11 =	vsel vm0, v11, v12  }
0x14f: {  	v11 =	vmul.f32 $1.442695020e+00, v11;
	_ =	sdelay $0x1  }
0x150: {  	(erf) = vpow2.f32 v11;
	_ =	sdelay $0x4  }
0x151: {  	v11 =	vld [tilespmem:s20+$0x2780]  }
0x152: {  	v12 =	vld [tilespmem:s20+$0x2730]  }
0x153: {  	v14 =	vld [tilespmem:s20+$0x2770]  }
0x154: {  	v15 =	vld [tilespmem:s20+$0x2720]  }
0x155: {  	v16 =	vld [tilespmem:s20+$0x2760];
	v17 =	vpop (erf)  }
0x156: {  	[tilespmem:s20+$0x7790] =	vst v17;
	v18 =	vperm.xlane v17, v1;
	v19 =	vld [tilespmem:s20+$0x2710];
	v20 =	vperm.xlane v17, v7  }
0x157: {  	v21 =	vperm.xlane v17, v2;
	v22 =	vperm.xlane v17, v3;
	v23 =	vld [tilespmem:s20+$0x2750]  }
0x158: {  	v24 =	vperm.xlane v17, v4;
	v25 =	vld [tilespmem:s20+$0x2740];
	v14 =	vmul.f32 v14, v20  }
0x159: {  	v12 =	vmul.f32 v12, v22;
	v15 =	vmul.f32 v15, v21  }
0x15a: {  	v20 =	vperm.xlane v17, v5;
	v21 =	vperm.xlane v17, v6;
	[tilespmem:s20+$0x7770] =	vst v14  }
0x15b: {  	v14 =	vmul.f32 v19, v18;
	[tilespmem:s20+$0x7720] =	vst v15;
	v15 =	vperm.xlane v17, v8  }
0x15c: {  	v16 =	vmul.f32 v16, v21;
	[tilespmem:s20+$0x7730] =	vst v12;
	v12 =	vmul.f32 v23, v20  }
0x15d: {  	[tilespmem:s20+$0x7710] =	vst v14;
	v14 =	vmul.f32 v25, v24;
	v11 =	vmul.f32 v11, v15  }
0x15e: {  	[tilespmem:s20+$0x7750] =	vst v12  }
0x15f: {  	[tilespmem:s20+$0x7760] =	vst v16  }
0x160: {  	[tilespmem:s20+$0x7780] =	vst v11  }
0x161: {  	[tilespmem:s20+$0x7740] =	vst v14;
	s20 =	smov.u32 s24  }
0x162: {  	v11 =	vld [tilespmem:s22+$0xFFFFFFF0];
	_ =	sdelay $0x4  }
0x163: {  	v11 =	vadd.f32 v11, v13;
	_ =	sdelay $0x1  }
0x164: {  	v12 =	vmul.f32 $2.000000030e-01, v11  }
0x165: {  	vm0 =	vgt.f32 v11, $0.0e+00  }
0x166: {  	v11 =	vsel vm0, v11, v12  }
0x167: {  	v11 =	vmul.f32 $1.442695020e+00, v11;
	_ =	sdelay $0x1  }
0x168: {  	(erf) = vpow2.f32 v11;
	_ =	sdelay $0x3  }
.Ltmp2:
0x169: {  	(pc) =	sbr.rel @p0 .LBB2_7-.Ltmp2, $3  }
0x16a: {  	_ =	sdelay $0x1  }
0x16b: {  	v12 =	vld [tilespmem:s20+$0x26C0]  }
0x16c: {  	v11 =	vld [tilespmem:s20+$0x26D0]  }
0x16d: {  	v13 =	vpop (erf)  }
0x16e: {  	v15 =	vperm.xlane v13, v5  }
0x16f: {  	v17 =	vld [tilespmem:s20+$0x26E0];
	v19 =	vperm.xlane v13, v4  }
0x170: {  	v18 =	vld [tilespmem:s20+$0x2690];
	v16 =	vperm.xlane v13, v6;
	v12 =	vmul.f32 v12, v15  }
0x171: {  	v20 =	vld [tilespmem:s20+$0x26A0];
	[tilespmem:s20+$0x7700] =	vst v13;
	v49 =	vperm.xlane v13, v8;
	v9 =	vmul.f32 v9, v19  }
0x172: {  	v14 =	vld [tilespmem:s20+$0x2680];
	v50 =	vperm.xlane v13, v7;
	v11 =	vmul.f32 v11, v16;
	[tilespmem:s20+$0x76C0] =	vst v12  }
0x173: {  	v51 =	vperm.xlane v13, v2;
	v10 =	vmul.f32 v10, v49;
	[tilespmem:s20+$0x76B0] =	vst v9  }
0x174: {  	v9 =	vmul.f32 v17, v50;
	[tilespmem:s20+$0x76D0] =	vst v11;
	v11 =	vperm.xlane v13, v3  }
0x175: {  	v12 =	vmul.f32 v18, v51;
	[tilespmem:s20+$0x76F0] =	vst v10;
	v13 =	vperm.xlane v13, v1  }
0x176: {  	[tilespmem:s20+$0x76E0] =	vst v9;
	v10 =	vmul.f32 v20, v11  }
0x177: {  	[tilespmem:s20+$0x7690] =	vst v12;
	v9 =	vmul.f32 v14, v13  }
0x178: {  	[tilespmem:s20+$0x76A0] =	vst v10  }
0x179: {  	[tilespmem:s20+$0x7680] =	vst v9;
	v9 =	vld [tilespmem:s20+$0x2790]  }
0x17a: {  	v10 =	vld [tilespmem:s21+$0x0];
	_ =	sdelay $0x4  }
0x17b: {  	v9 =	vadd.f32 v10, v9;
	_ =	sdelay $0x1  }
0x17c: {  	v10 =	vmul.f32 $2.000000030e-01, v9  }
0x17d: {  	vm0 =	vgt.f32 v9, $0.0e+00  }
0x17e: {  	v9 =	vsel vm0, v9, v10  }
0x17f: {  	v9 =	vmul.f32 $1.442695020e+00, v9;
	_ =	sdelay $0x1  }
0x180: {  	(erf) = vpow2.f32 v9;
	_ =	sdelay $0x6  }
0x181: {  	v11 =	vld [tilespmem:s20+$0x2770]  }
0x182: {  	v52 =	vld [tilespmem:s20+$0x2720]  }
0x183: {  	v10 =	vld [tilespmem:s20+$0x2730];
	v54 =	vpop (erf)  }
0x184: {  	v55 =	vld [tilespmem:s20+$0x2710];
	v56 =	vperm.xlane v54, v7  }
0x185: {  	v9 =	vld [tilespmem:s20+$0x2780];
	v57 =	vperm.xlane v54, v2  }
0x186: {  	v58 =	vld [tilespmem:s20+$0x2750];
	v59 =	vperm.xlane v54, v3;
	v11 =	vmul.f32 v11, v56  }
0x187: {  	v53 =	vld [tilespmem:s20+$0x2760];
	[tilespmem:s20+$0x7790] =	vst v54;
	v60 =	vperm.xlane v54, v1;
	v12 =	vmul.f32 v52, v57  }
0x188: {  	v61 =	vld [tilespmem:s20+$0x2740];
	v63 =	vperm.xlane v54, v8;
	v10 =	vmul.f32 v10, v59;
	[tilespmem:s20+$0x7770] =	vst v11  }
0x189: {  	v62 =	vperm.xlane v54, v5;
	v15 =	vmul.f32 v55, v60;
	[tilespmem:s20+$0x7720] =	vst v12  }
0x18a: {  	s19 =	sadd.s32 $0x1, s19;
	v9 =	vmul.f32 v9, v63;
	v11 =	vperm.xlane v54, v6;
	[tilespmem:s20+$0x7730] =	vst v10  }
0x18b: {  	p0 =	sne.s32 s19, $0x51;
	v14 =	vperm.xlane v54, v4;
	v10 =	vmul.f32 v58, v62;
	[tilespmem:s20+$0x7710] =	vst v15  }
.Ltmp3:
0x18c: {  	[tilespmem:s20+$0x7780] =	vst v9;
	v11 =	vmul.f32 v53, v11;
	(pc) =	sbr.rel @p0 .LBB2_4-.Ltmp3, $4  }
0x18d: {  	[tilespmem:s20+$0x7750] =	vst v10;
	v10 =	vmul.f32 v61, v14  }
0x18e: {  	[tilespmem:s20+$0x7760] =	vst v11  }
0x18f: {  	[tilespmem:s20+$0x7740] =	vst v10  }
0x190: {  	[spmem:s13] =	stream.indirect.scatter.add.f32 [tilespmem:s17], [sflag:$0x8], $0x90, s10, s1, $0xb8;
	[tilespmem:$0x1FAA0] =	vst v63  }
0x191: {  	s19 =	simm.s32 $0x7  }
0x192: {  	_ =	swait.ge [sflag:s19], $0x2400  }
0x193: {  	[sflag:s19] =	ssyncset.done $0x0  }
0x194: {  	s24 =	simm.s32 $0x8;
	[sflag:s19] =	ssyncadd.s32 $0xFFFFDC00  }
0x195: {  	_ =	swait.ge [sflag:s24], $0x2400  }
0x196: {  	[sflag:s24] =	ssyncset.done $0x0  }
0x197: {  	s25 =	stileid.u32;
	[sflag:s24] =	ssyncadd.s32 $0xFFFFDC00  }
0x198: {  	s19 =	sshll.u32 s25, $0x6;
	[bflag:$0x0] =	sbarrier.arrive $0xFFFF  }
0x199: {  	s20 =	sshrl.u32 s26, $0x3;
	s19 =	sor.u32 $0x1C09, s19;
	s21 =	rddreg [dreg:$0x4]  }
0x19a: {  	[hbm:s21], [sflag:s19] =	dma.local [spmem:s20], $0x480  }
0x19b: {  	_ =	swait.ge [sflag:s0], $0x480  }
0x19c: {  	s22 =	smov.u32 s26;
	s23 =	smov.u32 s28;
	[sflag:s0] =	ssyncset.done $0x0  }
0x19d: {  	s26 =	sshrl.u32 s28, $0x3;
	s28 =	rddreg [dreg:$0x5];
	[sflag:s0] =	ssyncadd.s32 $0xFFFFFB80  }
0x19e: {  	[hbm:s28], [sflag:s19] =	dma.local [spmem:s26], $0x480  }
0x19f: {  	_ =	swait.ge [sflag:s0], $0x480  }
0x1a0: {  	[sflag:s0] =	ssyncset.done $0x0;
	s24 =	rddreg [dreg:$0xf]  }
0x1a1: {  	s25 =	rddreg [dreg:$0x6];
	[sflag:s0] =	ssyncadd.s32 $0xFFFFFB80;
	s21 =	sshrl.u32 s24, $0x3  }
0x1a2: {  	[hbm:s25], [sflag:s19] =	dma.local [spmem:s21], $0x480  }
0x1a3: {  	_ =	swait.ge [sflag:s0], $0x480  }
0x1a4: {  	[sflag:s0] =	ssyncset.done $0x0;
	s25 =	rddreg [dreg:$0x10]  }
0x1a5: {  	s28 =	rddreg [dreg:$0x7];
	[sflag:s0] =	ssyncadd.s32 $0xFFFFFB80;
	s26 =	sshrl.u32 s25, $0x3  }
0x1a6: {  	[hbm:s28], [sflag:s19] =	dma.local [spmem:s26], $0x480  }
0x1a7: {  	_ =	swait.ge [sflag:s0], $0x480  }
0x1a8: {  	[sflag:s0] =	ssyncset.done $0x0;
	s26 =	rddreg [dreg:$0x11]  }
0x1a9: {  	s28 =	rddreg [dreg:$0x8];
	[sflag:s0] =	ssyncadd.s32 $0xFFFFFB80;
	s20 =	sshrl.u32 s26, $0x3  }
0x1aa: {  	[hbm:s28], [sflag:s19] =	dma.local [spmem:s20], $0x480  }
0x1ab: {  	_ =	swait.ge [sflag:s0], $0x480  }
0x1ac: {  	[sflag:s0] =	ssyncset.done $0x0;
	s26 =	rddreg [dreg:$0x12]  }
0x1ad: {  	s28 =	rddreg [dreg:$0x9];
	[sflag:s0] =	ssyncadd.s32 $0xFFFFFB80;
	s20 =	sshrl.u32 s26, $0x3  }
0x1ae: {  	[hbm:s28], [sflag:s19] =	dma.local [spmem:s20], $0x480  }
0x1af: {  	_ =	swait.ge [sflag:s0], $0x480  }
0x1b0: {  	[sflag:s0] =	ssyncset.done $0x0;
	s26 =	rddreg [dreg:$0x13]  }
0x1b1: {  	s28 =	rddreg [dreg:$0xa];
	[sflag:s0] =	ssyncadd.s32 $0xFFFFFB80;
	s20 =	sshrl.u32 s26, $0x3  }
0x1b2: {  	[hbm:s28], [sflag:s19] =	dma.local [spmem:s20], $0x480  }
0x1b3: {  	_ =	swait.ge [sflag:s0], $0x480  }
0x1b4: {  	[sflag:s0] =	ssyncset.done $0x0;
	s26 =	rddreg [dreg:$0x14]  }
0x1b5: {  	s28 =	rddreg [dreg:$0xb];
	[sflag:s0] =	ssyncadd.s32 $0xFFFFFB80;
	s20 =	sshrl.u32 s26, $0x3  }
0x1b6: {  	[hbm:s28], [sflag:s19] =	dma.local [spmem:s20], $0x480  }
0x1b7: {  	_ =	swait.ge [sflag:s0], $0x480  }
0x1b8: {  	[sflag:s0] =	ssyncset.done $0x0;
	s26 =	rddreg [dreg:$0x15]  }
0x1b9: {  	s28 =	rddreg [dreg:$0xc];
	[sflag:s0] =	ssyncadd.s32 $0xFFFFFB80;
	s20 =	sshrl.u32 s26, $0x3  }
0x1ba: {  	[hbm:s28], [sflag:s19] =	dma.local [spmem:s20], $0x480  }
0x1bb: {  	_ =	swait.ge [sflag:s0], $0x480  }
0x1bc: {  	[sflag:s0] =	ssyncset.done $0x0;
	s21 =	rddreg [dreg:$0x16]  }
0x1bd: {  	s26 =	rddreg [dreg:$0xd];
	[sflag:s0] =	ssyncadd.s32 $0xFFFFFB80;
	s20 =	sshrl.u32 s21, $0x3  }
0x1be: {  	[hbm:s26], [sflag:s19] =	dma.local [spmem:s20], $0x384  }
0x1bf: {  	_ =	swait.ge [sflag:s0], $0x384  }
0x1c0: {  	s18 =	sadd.s32 $0x1, s18;
	s28 =	rddreg [dreg:$0x17]  }
0x1c1: {  	p0 =	sne.s32 s18, s28  }
.Ltmp4:
0x1c2: {  	_ = 	snop;
	(pc) =	sbr.rel @p0 .LBB2_1-.Ltmp4, $3  }
0x1c3: {  	_ =	sdelay $0x1  }
0x1c4: {  	[sflag:s0] =	ssyncset.done $0x0  }
0x1c5: {  	[sflag:s0] =	ssyncadd.s32 $0xFFFFFC7C  }
0x1c6: {  	_ =	sfence.sel $0x180000  }
0x1c7: {  	[bflag:$0x0] =	sbarrier.arrive $0xFFFF  }
0x1c8: {  	_ =	strace $0x90000047  }
0x1c9: {  	s0 =	stileid.u32;
	[bflag:$0x2] =	sbarrier.arrive $0xFFFF  }
0x1ca: {  	p0 =	sne.s32 s0, $0x0;
	s0 =	rddreg [dreg:$0x3]  }
0x1cb: {  	s0 =	sadd.s32 @!p0 $0x100000, s0  }
0x1cc: {  	[sflag:s0] =	ssyncadd.tile.s32 @!p0 $0x1;
	_ =	shalt  }
.Lfunc_end2:
_tile_overlayer_lowered:
.L_overlay_start_2:
0x1cd: {  	(tag) =	ssettag $0x2  }
0x1ce: {  	s0 =	rddreg [dreg:$0x0];
	s2 =	stileid.u32  }
0x1cf: {  	s1 =	rddreg [dreg:$0x1];
	p0 =	sne.s32 s2, $0x0  }
0x1d0: {  	s3 =	rddreg [dreg:$0x2];
	[bflag:$0x3] =	sbarrier.arrive $0xFFFF;
	s2 =	simm.s32 @!p0 $0x1C09  }
0x1d1: {  	[timem:s3], [sflag:s2] =	dma.local @!p0 [hbm:s0], s1  }
0x1d2: {  	s0 =	simm.s32 @!p0 $0x9  }
0x1d3: {  	_ =	swait.ge @!p0 [sflag:s0], s1  }
0x1d4: {  	s1 =	ssub.s32 @!p0 $0x0, s1;
	[sflag:s0] =	ssyncset.done @!p0 $0x0  }
0x1d5: {  	[sflag:s0] =	ssyncadd.s32 @!p0 s1  }
0x1d6: {  	[bflag:$0x3] =	sbarrier.arrive $0xFFFF  }
0x1d7: {  	_ =	shalt  }

</sc_bundles>
